<compile_context>
chip_gen: v7x
topology: tpu7x:2x2x1
jax: 0.10.2.dev20260603
libtpu: 0.0.44.dev20260713+nightly
codegen_flags: <defaults>
</compile_context>

<pallas_src>
import functools

import jax
import jax.numpy as jnp
from jax import lax
from jax.experimental import pallas as pl
from jax.experimental.pallas import tpu as pltpu
from jax.experimental.pallas import tpu_sc as plsc

N_VERTS = 6890
N_FACES = 13776
N_UV = 7576

Q = 8192
QB = 512
VB = 1024
VPAD = 7168

NC = 2
NS = 16
NW = NC * NS
QW = Q // NW
NCH = QW // 16

_FQ = 0
_FFC = 3
_FFN = 21
_FABC = 24
_FUV = 33
_FO = 39
_FSD = 42
_FTOT = 43

_IVI = 0
_IVF = 1
_IFI = 7
_IMF = 8
_IUVF = 11
_IFI2 = 14
_ITOT = 15



def _nn_body(qx_ref, qy_ref, qz_ref, vm_ref, out_ref, mn_ref, mi_ref):
    vb = pl.program_id(1)
    vx = vm_ref[0:1, :]
    vy = vm_ref[1:2, :]
    vz = vm_ref[2:3, :]
    qx = qx_ref[...]
    qy = qy_ref[...]
    qz = qz_ref[...]
    bfr = lambda t: t.astype(jnp.bfloat16).astype(jnp.float32)
    q2x, q2y, q2z = bfr(2.0 * qx), bfr(2.0 * qy), bfr(2.0 * qz)
    vbx, vby, vbz = bfr(vx), bfr(vy), bfr(vz)
    dot = q2x * vbx + q2y * vby + q2z * vbz
    qq = qx * qx + qy * qy + qz * qz
    vv = vx * vx + vy * vy + vz * vz
    d2 = (qq + vv) - dot
    m = jnp.min(d2, axis=1, keepdims=True)
    cols = lax.broadcasted_iota(jnp.int32, (QB, VB), 1) + vb * VB
    idx = jnp.min(jnp.where(d2 == m, cols, jnp.int32(2 ** 30)),
                  axis=1, keepdims=True)

    @pl.when(vb == 0)
    def _():
        mn_ref[...] = m
        mi_ref[...] = idx

    @pl.when(vb > 0)
    def _():
        upd = m < mn_ref[...]
        mn_ref[...] = jnp.where(upd, m, mn_ref[...])
        mi_ref[...] = jnp.where(upd, idx, mi_ref[...])

    @pl.when(vb == pl.num_programs(1) - 1)
    def _():
        out_ref[...] = mi_ref[...]


def _nearest_vertex(qx, qy, qz, vmatT):
    grid = (Q // QB, VPAD // VB)
    return pl.pallas_call(
        _nn_body,
        grid=grid,
        in_specs=[
            pl.BlockSpec((QB, 1), lambda qb, vb: (qb, 0)),
            pl.BlockSpec((QB, 1), lambda qb, vb: (qb, 0)),
            pl.BlockSpec((QB, 1), lambda qb, vb: (qb, 0)),
            pl.BlockSpec((8, VB), lambda qb, vb: (0, vb)),
        ],
        out_specs=pl.BlockSpec((QB, 1), lambda qb, vb: (qb, 0)),
        out_shape=jax.ShapeDtypeStruct((Q, 1), jnp.int32),
        scratch_shapes=[
            pltpu.VMEM((QB, 1), jnp.float32),
            pltpu.VMEM((QB, 1), jnp.int32),
        ],
        compiler_params=pltpu.CompilerParams(
            dimension_semantics=("parallel", "arbitrary"),
        ),
    )(qx, qy, qz, vmatT)



def _sqrt16(x):
    xb = lax.bitcast_convert_type(x, jnp.int32)
    r = lax.bitcast_convert_type(jnp.int32(0x5F3759DF) - (xb >> 1),
                                 jnp.float32)
    for _ in range(3):
        r = r * (1.5 - 0.5 * x * r * r)
    return jnp.where(x <= 0.0, 0.0, x * r)


def _safe16(d):
    return jnp.where(d == 0.0, 1.0, d)


def _gather_128(table_hbm, ibuf, islot, fbuf_or_ibuf, dslot, sem):
    hs = []
    for c in range(QW // 128):
        idx = ibuf.at[pl.ds(islot * QW + c * 128, 128)]
        dst = fbuf_or_ibuf.at[pl.ds(dslot * QW + c * 128, 128)]
        hs.append(pltpu.async_copy(table_hbm.at[idx], dst, sem))
    return hs


def _sc_body(qx_hbm, qy_hbm, qz_hbm, vi_hbm,
             vf0, vf1, vf2, vf3, vf4, vf5,
             fcx, fcy, fcz, fnx, fny, fnz,
             mf0, mf1, mf2, uvf0, uvf1, uvf2,
             vx_t, vy_t, vz_t, uvu_t, uvv_t,
             out_u_hbm, out_v_hbm, out_d_hbm, out_sd_hbm, fi_stage_hbm,
             fbuf, ibuf, sem):
    wid = lax.axis_index("c") * NS + lax.axis_index("s")
    base = wid * QW

    pltpu.sync_copy(vi_hbm.at[pl.ds(base, QW)], ibuf.at[pl.ds(_IVI * QW, QW)])
    pltpu.sync_copy(qx_hbm.at[pl.ds(base, QW)], fbuf.at[pl.ds(_FQ * QW, QW)])
    pltpu.sync_copy(qy_hbm.at[pl.ds(base, QW)],
                    fbuf.at[pl.ds((_FQ + 1) * QW, QW)])
    pltpu.sync_copy(qz_hbm.at[pl.ds(base, QW)],
                    fbuf.at[pl.ds((_FQ + 2) * QW, QW)])

    hs = []
    for k, tab in enumerate((vf0, vf1, vf2, vf3, vf4, vf5)):
        hs += _gather_128(tab, ibuf, _IVI, ibuf, _IVF + k, sem)
    for h in hs:
        h.wait()

    hs = []
    for k in range(6):
        for c, tab in enumerate((fcx, fcy, fcz)):
            hs += _gather_128(tab, ibuf, _IVF + k, fbuf, _FFC + k * 3 + c,
                              sem)
    for h in hs:
        h.wait()

    def pick_face(j, _):
        o = j * 16
        qx = fbuf[pl.ds(_FQ * QW + o, 16)]
        qy = fbuf[pl.ds((_FQ + 1) * QW + o, 16)]
        qz = fbuf[pl.ds((_FQ + 2) * QW + o, 16)]
        bestd = None
        bestk = None
        for k in range(6):
            s = _FFC + k * 3
            dx = qx - fbuf[pl.ds(s * QW + o, 16)]
            dy = qy - fbuf[pl.ds((s + 1) * QW + o, 16)]
            dz = qz - fbuf[pl.ds((s + 2) * QW + o, 16)]
            dk = dx * dx + dy * dy + dz * dz
            if k == 0:
                bestd, bestk = dk, jnp.zeros((16,), jnp.int32)
            else:
                m = dk < bestd
                bestd = jnp.where(m, dk, bestd)
                bestk = jnp.where(m, k, bestk)
        face = ibuf[pl.ds((_IVF + 0) * QW + o, 16)]
        for k in range(1, 6):
            face = jnp.where(bestk == k, ibuf[pl.ds((_IVF + k) * QW + o, 16)],
                             face)
        ibuf[pl.ds(_IFI * QW + o, 16)] = face
        return _
    lax.fori_loop(0, NCH, pick_face, None)

    pltpu.sync_copy(ibuf.at[pl.ds(_IFI * QW, QW)],
                    fi_stage_hbm.at[pl.ds(base, QW)])
    pltpu.sync_copy(fi_stage_hbm.at[pl.ds(base, QW)],
                    ibuf.at[pl.ds(_IFI2 * QW, QW)])

    hs = []
    for s, tab in enumerate((mf0, mf1, mf2)):
        hs += _gather_128(tab, ibuf, _IFI2, ibuf, _IMF + s, sem)
    for s, tab in enumerate((uvf0, uvf1, uvf2)):
        hs += _gather_128(tab, ibuf, _IFI2, ibuf, _IUVF + s, sem)
    for c, tab in enumerate((fnx, fny, fnz)):
        hs += _gather_128(tab, ibuf, _IFI2, fbuf, _FFN + c, sem)
    for h in hs:
        h.wait()

    hs = []
    for s in range(3):
        for c, tab in enumerate((vx_t, vy_t, vz_t)):
            hs += _gather_128(tab, ibuf, _IMF + s, fbuf, _FABC + s * 3 + c,
                              sem)
        for c, tab in enumerate((uvu_t, uvv_t)):
            hs += _gather_128(tab, ibuf, _IUVF + s, fbuf, _FUV + s * 2 + c,
                              sem)
    for h in hs:
        h.wait()

    def main_math(j, _):
        o = j * 16
        f = lambda slot: fbuf[pl.ds(slot * QW + o, 16)]
        qx, qy, qz = f(_FQ), f(_FQ + 1), f(_FQ + 2)
        ax, ay, az = f(_FABC), f(_FABC + 1), f(_FABC + 2)
        bx, by, bz = f(_FABC + 3), f(_FABC + 4), f(_FABC + 5)
        cx, cy, cz = f(_FABC + 6), f(_FABC + 7), f(_FABC + 8)

        abx, aby, abz = bx - ax, by - ay, bz - az
        acx, acy, acz = cx - ax, cy - ay, cz - az
        apx, apy, apz = qx - ax, qy - ay, qz - az
        d1 = abx * apx + aby * apy + abz * apz
        d2 = acx * apx + acy * apy + acz * apz
        bpx, bpy, bpz = qx - bx, qy - by, qz - bz
        d3 = abx * bpx + aby * bpy + abz * bpz
        d4 = acx * bpx + acy * bpy + acz * bpz
        cpx, cpy, cpz = qx - cx, qy - cy, qz - cz
        d5 = abx * cpx + aby * cpy + abz * cpz
        d6 = acx * cpx + acy * cpy + acz * cpz
        vc = d1 * d4 - d3 * d2
        vb_ = d5 * d2 - d1 * d6
        va = d3 * d6 - d5 * d4
        c1 = (d1 <= 0.0) & (d2 <= 0.0)
        c2 = (d3 >= 0.0) & (d4 <= d3)
        c3 = (d6 >= 0.0) & (d5 < d6)
        c4 = (vc <= 0.0) & (d1 >= 0.0) & (d3 <= 0.0)
        c5 = (vb_ <= 0.0) & (d2 >= 0.0) & (d6 <= 0.0)
        c6 = (va <= 0.0) & (d4 >= d3) & (d6 <= d5)
        cany = c1 | c2 | c3 | c4 | c5 | c6
        v1 = d1 / _safe16(d1 - d3)
        w1 = d2 / _safe16(d2 - d6)
        w2 = (d4 - d3) / _safe16((d4 - d3) + (d5 - d6))
        inv = 1.0 / _safe16(va + vb_ + vc)
        v = vb_ * inv
        w = vc * inv

        px = jnp.zeros((16,), jnp.float32)
        py = jnp.zeros((16,), jnp.float32)
        pz = jnp.zeros((16,), jnp.float32)
        px = jnp.where(c1, ax, px); py = jnp.where(c1, ay, py); pz = jnp.where(c1, az, pz)
        px = jnp.where(c2, bx, px); py = jnp.where(c2, by, py); pz = jnp.where(c2, bz, pz)
        px = jnp.where(c3, cx, px); py = jnp.where(c3, cy, py); pz = jnp.where(c3, cz, pz)
        px = jnp.where(c4, ax + v1 * abx, px); py = jnp.where(c4, ay + v1 * aby, py); pz = jnp.where(c4, az + v1 * abz, pz)
        px = jnp.where(c5, ax + w1 * acx, px); py = jnp.where(c5, ay + w1 * acy, py); pz = jnp.where(c5, az + w1 * acz, pz)
        bcx, bcy, bcz = cx - bx, cy - by, cz - bz
        px = jnp.where(c6, bx + w2 * bcx, px); py = jnp.where(c6, by + w2 * bcy, py); pz = jnp.where(c6, bz + w2 * bcz, pz)
        px = jnp.where(cany, px, ax + abx * v + w * acx)
        py = jnp.where(cany, py, ay + aby * v + w * acy)
        pz = jnp.where(cany, pz, az + abz * v + w * acz)

        z16 = jnp.zeros((16,), jnp.float32)
        b0, b1, b2 = z16, z16, z16
        b0 = jnp.where(c1, 1.0, b0)
        b1 = jnp.where(c2, 1.0, b1)
        b2 = jnp.where(c3, 1.0, b2)
        b0 = jnp.where(c4, 1.0 - v1, b0); b1 = jnp.where(c4, v1, b1)
        b0 = jnp.where(c5, 1.0 - w1, b0); b2 = jnp.where(c5, w1, b2)
        b1 = jnp.where(c6, 1.0 - w2, b1); b2 = jnp.where(c6, w2, b2)
        b0 = jnp.where(cany, b0, 1.0 - v - w)
        b1 = jnp.where(cany, b1, v)
        b2 = jnp.where(cany, b2, w)

        ex, ey, ez = px - qx, py - qy, pz - qz
        distance = _sqrt16(ex * ex + ey * ey + ez * ez)

        nx_, ny_, nz_ = f(_FFN), f(_FFN + 1), f(_FFN + 2)
        dot = nx_ * (qx - px) + ny_ * (qy - py) + nz_ * (qz - pz)
        sd = jnp.sign(dot) * distance

        u0, v0 = f(_FUV), f(_FUV + 1)
        u1_, v1_ = f(_FUV + 2), f(_FUV + 3)
        u2_, v2_ = f(_FUV + 4), f(_FUV + 5)
        ru = b0 * u0 + b1 * u1_ + b2 * u2_
        rv = b0 * v0 + b1 * v1_ + b2 * v2_

        dist = 1.0 / (1.0 + jnp.exp(-10.0 * sd))

        one = jnp.float32(1.0)
        zero = jnp.float32(0.0)
        fbuf[pl.ds(_FO * QW + o, 16)] = jnp.clip(ru, zero, one)
        fbuf[pl.ds((_FO + 1) * QW + o, 16)] = jnp.clip(rv, zero, one)
        fbuf[pl.ds((_FO + 2) * QW + o, 16)] = jnp.clip(dist, zero, one)
        fbuf[pl.ds(_FSD * QW + o, 16)] = sd
        return _
    lax.fori_loop(0, NCH, main_math, None)

    for c, dst in enumerate((out_u_hbm, out_v_hbm, out_d_hbm)):
        pltpu.sync_copy(fbuf.at[pl.ds((_FO + c) * QW, QW)],
                        dst.at[pl.ds(base, QW)])
    pltpu.sync_copy(fbuf.at[pl.ds(_FSD * QW, QW)],
                    out_sd_hbm.at[pl.ds(base, QW)])


def _sc_stage(args):
    mesh = plsc.VectorSubcoreMesh(core_axis_name="c", subcore_axis_name="s",
                                  num_cores=NC, num_subcores=NS)
    run = functools.partial(
        pl.kernel,
        out_type=(jax.ShapeDtypeStruct((Q,), jnp.float32),
                  jax.ShapeDtypeStruct((Q,), jnp.float32),
                  jax.ShapeDtypeStruct((Q,), jnp.float32),
                  jax.ShapeDtypeStruct((Q,), jnp.float32),
                  jax.ShapeDtypeStruct((Q,), jnp.int32)),
        mesh=mesh,
        scratch_types=[
            pltpu.VMEM((_FTOT * QW,), jnp.float32),
            pltpu.VMEM((_ITOT * QW,), jnp.int32),
            pltpu.SemaphoreType.DMA,
        ],
    )(_sc_body)
    return run(*args)


def kernel(pts, verts, face_normals, face_centers, uv, vf, uv_f, mesh_f):
    q2 = pts.reshape(-1, 3)
    v = verts[0]

    qxc = q2[:, 0:1]
    qyc = q2[:, 1:2]
    qzc = q2[:, 2:3]
    vpad = jnp.pad(v, ((0, VPAD - N_VERTS), (0, 0)), constant_values=1e6)
    vmatT = jnp.pad(vpad.T, ((0, 5), (0, 0)))

    vi = _nearest_vertex(qxc, qyc, qzc, vmatT)[:, 0]

    fc = face_centers[0]
    fn = face_normals[0]
    args = (
        qxc[:, 0], qyc[:, 0], qzc[:, 0], vi,
        vf[:, 0], vf[:, 1], vf[:, 2], vf[:, 3], vf[:, 4], vf[:, 5],
        fc[:, 0], fc[:, 1], fc[:, 2], fn[:, 0], fn[:, 1], fn[:, 2],
        mesh_f[:, 0], mesh_f[:, 1], mesh_f[:, 2],
        uv_f[:, 0], uv_f[:, 1], uv_f[:, 2],
        v[:, 0], v[:, 1], v[:, 2], uv[:, 0], uv[:, 1],
    )
    out_u, out_v, out_d, out_sd, _ = _sc_stage(args)
    return jnp.stack([out_u, out_v, out_d], axis=-1), out_sd

# --- scband reference (transcript-rebuilt; emitter-appended) ---
"""Pipeline reference for scband-ne-rfrenderer-36017595744318 (READ-ONLY COPY).

The authoritative reference and input builder live on the scoring server;
editing this copy changes nothing except your own understanding.
"""

import jax, jax.numpy as jnp
import numpy as np

N_VERTS = 6890
N_FACES = 13776
N_UV = 7576


def _safe(d):
    return jnp.where(d == 0, jnp.ones_like(d), d)


def get_barycentric(p, verts, mi):
    a = verts[mi[:, 0]].astype(jnp.float32)
    b = verts[mi[:, 1]].astype(jnp.float32)
    c = verts[mi[:, 2]].astype(jnp.float32)
    ab = b - a
    ac = c - a
    ap = p - a
    d1 = jnp.sum(ab * ap, -1)
    d2 = jnp.sum(ac * ap, -1)
    bp = p - b
    d3 = jnp.sum(ab * bp, -1)
    d4 = jnp.sum(ac * bp, -1)
    cp = p - c
    d5 = jnp.sum(ab * cp, -1)
    d6 = jnp.sum(ac * cp, -1)
    vc = d1 * d4 - d3 * d2
    vb = d5 * d2 - d1 * d6
    va = d3 * d6 - d5 * d4
    c1 = (d1 <= 0) & (d2 <= 0)
    c2 = (d3 >= 0) & (d4 <= d3)
    c3 = (d6 >= 0) & (d5 < d6)
    c4 = (vc <= 0) & (d1 >= 0) & (d3 <= 0)
    c5 = (vb <= 0) & (d2 >= 0) & (d6 <= 0)
    c6 = (va <= 0) & (d4 >= d3) & (d6 <= d5)
    c7 = ~(c1 | c2 | c3 | c4 | c5 | c6)
    v1 = d1 / _safe(d1 - d3)
    w1 = d2 / _safe(d2 - d6)
    w2 = (d4 - d3) / _safe((d4 - d3) + (d5 - d6))
    inv = 1.0 / _safe(va + vb + vc)
    v = vb * inv
    w = vc * inv
    proj = jnp.zeros_like(p)
    proj = jnp.where(c1[:, None], a, proj)
    proj = jnp.where(c2[:, None], b, proj)
    proj = jnp.where(c3[:, None], c, proj)
    proj = jnp.where(c4[:, None], a + v1[:, None] * ab, proj)
    proj = jnp.where(c5[:, None], a + w1[:, None] * ac, proj)
    bc = c - b
    proj = jnp.where(c6[:, None], b + w2[:, None] * bc, proj)
    proj = jnp.where(c7[:, None], a + ab * v[:, None] + w[:, None] * ac, proj)
    z = jnp.zeros_like(d1)
    b0, b1, b2 = z, z, z
    b0 = jnp.where(c1, 1.0, b0)
    b1 = jnp.where(c2, 1.0, b1)
    b2 = jnp.where(c3, 1.0, b2)
    b0 = jnp.where(c4, 1.0 - v1, b0)
    b1 = jnp.where(c4, v1, b1)
    b0 = jnp.where(c5, 1.0 - w1, b0)
    b2 = jnp.where(c5, w1, b2)
    b1 = jnp.where(c6, 1.0 - w2, b1)
    b2 = jnp.where(c6, w2, b2)
    b0 = jnp.where(c7, 1.0 - v - w, b0)
    b1 = jnp.where(c7, v, b1)
    b2 = jnp.where(c7, w, b2)
    bary = jnp.stack([b0, b1, b2], axis=-1)
    distance = jnp.linalg.norm(proj - p, axis=-1)
    return proj, bary, distance


def setup_inputs(seed: int = 0) -> dict:
    key = jax.random.key(seed)
    ks = [jax.random.fold_in(key, i) for i in range(8)]
    pts = jax.random.normal(ks[0], (64, 128, 3), dtype=jnp.float32)
    verts = jax.random.normal(ks[1], (1, N_VERTS, 3), dtype=jnp.float32)
    face_normals = jax.random.normal(ks[2], (1, N_FACES, 3), dtype=jnp.float32)
    face_centers = jax.random.normal(ks[3], (1, N_FACES, 3), dtype=jnp.float32)
    uv = jax.random.uniform(ks[4], (N_UV, 2), dtype=jnp.float32)
    vf = jax.random.randint(ks[5], (N_VERTS, 6), 0, N_FACES, dtype=jnp.int64 if jax.config.jax_enable_x64 else jnp.int32).astype(jnp.int32)
    uv_f = jax.random.randint(ks[6], (N_FACES, 3), 0, N_UV).astype(jnp.int32)
    mesh_f = jax.random.randint(ks[7], (N_FACES, 3), 0, N_VERTS).astype(jnp.int32)
    return {"pts": pts, "verts": verts, "face_normals": face_normals, "face_centers": face_centers, "uv": uv, "vf": vf, "uv_f": uv_f, "mesh_f": mesh_f}


def reference(pts, verts, face_normals, face_centers, uv, vf, uv_f, mesh_f):
    N, T, C = pts.shape
    query = pts.reshape(-1, C)
    ref = verts[0]
    fn = face_normals[0]
    fc = face_centers[0]
    # brute-force 1-NN (KNN k=1): squared distance matrix via matmul
    d2 = (jnp.sum(query * query, -1, keepdims=True) + jnp.sum(ref * ref, -1)[None, :] - 2.0 * query @ ref.T)
    vert_idx = jnp.argmin(d2, axis=-1)
    face_idx6 = vf[vert_idx]  # [Q,6]
    face_dist = jnp.linalg.norm(query[:, None, :] - fc[face_idx6], axis=-1)
    min_idx = jnp.argmin(face_dist, axis=-1)
    face_idx = jnp.take_along_axis(face_idx6, min_idx[:, None], axis=-1)[:, 0]
    mesh = verts[0]
    uv_indx = uv_f[face_idx]
    mesh_indx = mesh_f[face_idx]
    proj, bary, distance = get_barycentric(query, mesh, mesh_indx)
    signed_distance = jnp.sign(jnp.sum(fn[face_idx] * (query - proj), -1)) * distance
    rel_uv = uv[uv_indx]  # [Q,3,2]
    rel_uv = jnp.sum(bary[..., None] * rel_uv, axis=1)
    dist = jax.nn.sigmoid(signed_distance * 10.0)
    inputs = jnp.concatenate([rel_uv.astype(jnp.float32), dist[:, None]], axis=-1)
    inputs = jnp.clip(inputs, 0.0, 1.0)
    return inputs, signed_distance


if False:  # reference __main__ guard neutralized (emitter)
    out = reference(**setup_inputs())
    print(out[0].shape, out[1].shape)

if __name__ == "__main__":
    import jax
    _d = setup_inputs()
    print(jax.jit(kernel)(*tuple(_d.values())))

</pallas_src>

<mosaic_0001>
#map = affine_map<(d0, d1) -> (0)>
module attributes {stable_mosaic.version = 14 : i64} {
  func.func @_sc_body(%arg0: i32, %arg1: i32, %arg2: memref<8192xf32, #tpu.memory_space<hbm>>, %arg3: memref<8192xf32, #tpu.memory_space<hbm>>, %arg4: memref<8192xf32, #tpu.memory_space<hbm>>, %arg5: memref<8192xi32, #tpu.memory_space<hbm>>, %arg6: memref<6890xi32, #tpu.memory_space<hbm>>, %arg7: memref<6890xi32, #tpu.memory_space<hbm>>, %arg8: memref<6890xi32, #tpu.memory_space<hbm>>, %arg9: memref<6890xi32, #tpu.memory_space<hbm>>, %arg10: memref<6890xi32, #tpu.memory_space<hbm>>, %arg11: memref<6890xi32, #tpu.memory_space<hbm>>, %arg12: memref<13776xf32, #tpu.memory_space<hbm>>, %arg13: memref<13776xf32, #tpu.memory_space<hbm>>, %arg14: memref<13776xf32, #tpu.memory_space<hbm>>, %arg15: memref<13776xf32, #tpu.memory_space<hbm>>, %arg16: memref<13776xf32, #tpu.memory_space<hbm>>, %arg17: memref<13776xf32, #tpu.memory_space<hbm>>, %arg18: memref<13776xi32, #tpu.memory_space<hbm>>, %arg19: memref<13776xi32, #tpu.memory_space<hbm>>, %arg20: memref<13776xi32, #tpu.memory_space<hbm>>, %arg21: memref<13776xi32, #tpu.memory_space<hbm>>, %arg22: memref<13776xi32, #tpu.memory_space<hbm>>, %arg23: memref<13776xi32, #tpu.memory_space<hbm>>, %arg24: memref<6890xf32, #tpu.memory_space<hbm>>, %arg25: memref<6890xf32, #tpu.memory_space<hbm>>, %arg26: memref<6890xf32, #tpu.memory_space<hbm>>, %arg27: memref<7576xf32, #tpu.memory_space<hbm>>, %arg28: memref<7576xf32, #tpu.memory_space<hbm>>, %arg29: memref<8192xf32, #tpu.memory_space<hbm>>, %arg30: memref<8192xf32, #tpu.memory_space<hbm>>, %arg31: memref<8192xf32, #tpu.memory_space<hbm>>, %arg32: memref<8192xf32, #tpu.memory_space<hbm>>, %arg33: memref<8192xi32, #tpu.memory_space<hbm>>, %arg34: memref<11008xf32, #tpu.memory_space<vmem>>, %arg35: memref<3840xi32, #tpu.memory_space<vmem>>, %arg36: memref<!tpu.dma_semaphore, #tpu.memory_space<semaphore_mem>>) attributes {dimension_semantics = [#tpu.dimension_semantics<core_parallel>, #tpu.dimension_semantics<subcore_parallel>], iteration_bounds = array<i64: 2, 16>, scalar_prefetch = 0 : i64, scratch_operands = 3 : i64, tpu.core_type = #tpu.core_type<sc_vector_subcore>, window_params = [{transform_indices = #map}, {transform_indices = #map}, {transform_indices = #map}, {transform_indices = #map}, {transform_indices = #map}, {transform_indices = #map}, {transform_indices = #map}, {transform_indices = #map}, {transform_indices = #map}, {transform_indices = #map}, {transform_indices = #map}, {transform_indices = #map}, {transform_indices = #map}, {transform_indices = #map}, {transform_indices = #map}, {transform_indices = #map}, {transform_indices = #map}, {transform_indices = #map}, {transform_indices = #map}, {transform_indices = #map}, {transform_indices = #map}, {transform_indices = #map}, {transform_indices = #map}, {transform_indices = #map}, {transform_indices = #map}, {transform_indices = #map}, {transform_indices = #map}, {transform_indices = #map}, {transform_indices = #map}, {transform_indices = #map}, {transform_indices = #map}, {transform_indices = #map}]} {
    %mul3A = arith.constant 16 : i32
    %mul3A_0 = arith.muli %arg0, %mul3A : i32
    %add3A = arith.addi %mul3A_0, %arg1 : i32
    %mul3A_1 = arith.constant 256 : i32
    %mul3A_2 = arith.muli %add3A, %mul3A_1 : i32
    "tpu.region"() ({
      %run_scoped3A = tpu.sem_alloc : memref<!tpu.dma_semaphore, #tpu.memory_space<semaphore_mem>>
      %dma_start3A_1162 = arith.constant 0 : i32
      %dma_start3A_1163 = tpu.memref_slice %arg35[%dma_start3A_1162] : memref<3840xi32, #tpu.memory_space<vmem>> -> memref<256xi32, #tpu.memory_space<vmem>>
      %dma_start3A_1164 = tpu.memref_slice %arg5[%mul3A_2] : memref<8192xi32, #tpu.memory_space<hbm>> -> memref<256xi32, #tpu.memory_space<hbm>>
      %dma_start3A_1165 = arith.constant 0 : i32
      %dma_start3A_1166 = tpu.memref_slice %arg35[%dma_start3A_1165] : memref<3840xi32, #tpu.memory_space<vmem>> -> memref<256xi32, #tpu.memory_space<vmem>>
      %dma_start3A_1167 = tpu.memref_slice %arg5[%mul3A_2] : memref<8192xi32, #tpu.memory_space<hbm>> -> memref<256xi32, #tpu.memory_space<hbm>>
      tpu.enqueue_dma source(%dma_start3A_1167 : memref<256xi32, #tpu.memory_space<hbm>>) target(%dma_start3A_1166 : memref<256xi32, #tpu.memory_space<vmem>>) target_semaphore(%run_scoped3A : memref<!tpu.dma_semaphore, #tpu.memory_space<semaphore_mem>>)
      %dma_wait3A_1168 = arith.constant 0 : i32
      %dma_wait3A_1169 = tpu.memref_slice %arg35[%dma_wait3A_1168] : memref<3840xi32, #tpu.memory_space<vmem>> -> memref<256xi32, #tpu.memory_space<vmem>>
      %dma_wait3A_1170 = tpu.memref_slice %arg5[%mul3A_2] : memref<8192xi32, #tpu.memory_space<hbm>> -> memref<256xi32, #tpu.memory_space<hbm>>
      %dma_wait3A_1171 = arith.constant 0 : i32
      %dma_wait3A_1172 = tpu.memref_slice %arg35[%dma_wait3A_1171] : memref<3840xi32, #tpu.memory_space<vmem>> -> memref<256xi32, #tpu.memory_space<vmem>>
      %dma_wait3A_1173 = tpu.memref_slice %arg5[%mul3A_2] : memref<8192xi32, #tpu.memory_space<hbm>> -> memref<256xi32, #tpu.memory_space<hbm>>
      tpu.wait_dma2 semaphore(%run_scoped3A : memref<!tpu.dma_semaphore, #tpu.memory_space<semaphore_mem>>) src(%dma_wait3A_1173 : memref<256xi32, #tpu.memory_space<hbm>>) dst(%dma_wait3A_1172 : memref<256xi32, #tpu.memory_space<vmem>>)
      tpu.yield
    }) : () -> ()
    "tpu.region"() ({
      %run_scoped3A = tpu.sem_alloc : memref<!tpu.dma_semaphore, #tpu.memory_space<semaphore_mem>>
      %dma_start3A_1162 = arith.constant 0 : i32
      %dma_start3A_1163 = tpu.memref_slice %arg34[%dma_start3A_1162] : memref<11008xf32, #tpu.memory_space<vmem>> -> memref<256xf32, #tpu.memory_space<vmem>>
      %dma_start3A_1164 = tpu.memref_slice %arg2[%mul3A_2] : memref<8192xf32, #tpu.memory_space<hbm>> -> memref<256xf32, #tpu.memory_space<hbm>>
      %dma_start3A_1165 = arith.constant 0 : i32
      %dma_start3A_1166 = tpu.memref_slice %arg34[%dma_start3A_1165] : memref<11008xf32, #tpu.memory_space<vmem>> -> memref<256xf32, #tpu.memory_space<vmem>>
      %dma_start3A_1167 = tpu.memref_slice %arg2[%mul3A_2] : memref<8192xf32, #tpu.memory_space<hbm>> -> memref<256xf32, #tpu.memory_space<hbm>>
      tpu.enqueue_dma source(%dma_start3A_1167 : memref<256xf32, #tpu.memory_space<hbm>>) target(%dma_start3A_1166 : memref<256xf32, #tpu.memory_space<vmem>>) target_semaphore(%run_scoped3A : memref<!tpu.dma_semaphore, #tpu.memory_space<semaphore_mem>>)
      %dma_wait3A_1168 = arith.constant 0 : i32
      %dma_wait3A_1169 = tpu.memref_slice %arg34[%dma_wait3A_1168] : memref<11008xf32, #tpu.memory_space<vmem>> -> memref<256xf32, #tpu.memory_space<vmem>>
      %dma_wait3A_1170 = tpu.memref_slice %arg2[%mul3A_2] : memref<8192xf32, #tpu.memory_space<hbm>> -> memref<256xf32, #tpu.memory_space<hbm>>
      %dma_wait3A_1171 = arith.constant 0 : i32
      %dma_wait3A_1172 = tpu.memref_slice %arg34[%dma_wait3A_1171] : memref<11008xf32, #tpu.memory_space<vmem>> -> memref<256xf32, #tpu.memory_space<vmem>>
      %dma_wait3A_1173 = tpu.memref_slice %arg2[%mul3A_2] : memref<8192xf32, #tpu.memory_space<hbm>> -> memref<256xf32, #tpu.memory_space<hbm>>
      tpu.wait_dma2 semaphore(%run_scoped3A : memref<!tpu.dma_semaphore, #tpu.memory_space<semaphore_mem>>) src(%dma_wait3A_1173 : memref<256xf32, #tpu.memory_space<hbm>>) dst(%dma_wait3A_1172 : memref<256xf32, #tpu.memory_space<vmem>>)
      tpu.yield
    }) : () -> ()
    "tpu.region"() ({
      %run_scoped3A = tpu.sem_alloc : memref<!tpu.dma_semaphore, #tpu.memory_space<semaphore_mem>>
      %dma_start3A_1162 = arith.constant 256 : i32
      %dma_start3A_1163 = tpu.memref_slice %arg34[%dma_start3A_1162] : memref<11008xf32, #tpu.memory_space<vmem>> -> memref<256xf32, #tpu.memory_space<vmem>>
      %dma_start3A_1164 = tpu.memref_slice %arg3[%mul3A_2] : memref<8192xf32, #tpu.memory_space<hbm>> -> memref<256xf32, #tpu.memory_space<hbm>>
      %dma_start3A_1165 = arith.constant 256 : i32
      %dma_start3A_1166 = tpu.memref_slice %arg34[%dma_start3A_1165] : memref<11008xf32, #tpu.memory_space<vmem>> -> memref<256xf32, #tpu.memory_space<vmem>>
      %dma_start3A_1167 = tpu.memref_slice %arg3[%mul3A_2] : memref<8192xf32, #tpu.memory_space<hbm>> -> memref<256xf32, #tpu.memory_space<hbm>>
      tpu.enqueue_dma source(%dma_start3A_1167 : memref<256xf32, #tpu.memory_space<hbm>>) target(%dma_start3A_1166 : memref<256xf32, #tpu.memory_space<vmem>>) target_semaphore(%run_scoped3A : memref<!tpu.dma_semaphore, #tpu.memory_space<semaphore_mem>>)
      %dma_wait3A_1168 = arith.constant 256 : i32
      %dma_wait3A_1169 = tpu.memref_slice %arg34[%dma_wait3A_1168] : memref<11008xf32, #tpu.memory_space<vmem>> -> memref<256xf32, #tpu.memory_space<vmem>>
      %dma_wait3A_1170 = tpu.memref_slice %arg3[%mul3A_2] : memref<8192xf32, #tpu.memory_space<hbm>> -> memref<256xf32, #tpu.memory_space<hbm>>
      %dma_wait3A_1171 = arith.constant 256 : i32
      %dma_wait3A_1172 = tpu.memref_slice %arg34[%dma_wait3A_1171] : memref<11008xf32, #tpu.memory_space<vmem>> -> memref<256xf32, #tpu.memory_space<vmem>>
      %dma_wait3A_1173 = tpu.memref_slice %arg3[%mul3A_2] : memref<8192xf32, #tpu.memory_space<hbm>> -> memref<256xf32, #tpu.memory_space<hbm>>
      tpu.wait_dma2 semaphore(%run_scoped3A : memref<!tpu.dma_semaphore, #tpu.memory_space<semaphore_mem>>) src(%dma_wait3A_1173 : memref<256xf32, #tpu.memory_space<hbm>>) dst(%dma_wait3A_1172 : memref<256xf32, #tpu.memory_space<vmem>>)
      tpu.yield
    }) : () -> ()
    "tpu.region"() ({
      %run_scoped3A = tpu.sem_alloc : memref<!tpu.dma_semaphore, #tpu.memory_space<semaphore_mem>>
      %dma_start3A_1162 = arith.constant 512 : i32
      %dma_start3A_1163 = tpu.memref_slice %arg34[%dma_start3A_1162] : memref<11008xf32, #tpu.memory_space<vmem>> -> memref<256xf32, #tpu.memory_space<vmem>>
      %dma_start3A_1164 = tpu.memref_slice %arg4[%mul3A_2] : memref<8192xf32, #tpu.memory_space<hbm>> -> memref<256xf32, #tpu.memory_space<hbm>>
      %dma_start3A_1165 = arith.constant 512 : i32
      %dma_start3A_1166 = tpu.memref_slice %arg34[%dma_start3A_1165] : memref<11008xf32, #tpu.memory_space<vmem>> -> memref<256xf32, #tpu.memory_space<vmem>>
      %dma_start3A_1167 = tpu.memref_slice %arg4[%mul3A_2] : memref<8192xf32, #tpu.memory_space<hbm>> -> memref<256xf32, #tpu.memory_space<hbm>>
      tpu.enqueue_dma source(%dma_start3A_1167 : memref<256xf32, #tpu.memory_space<hbm>>) target(%dma_start3A_1166 : memref<256xf32, #tpu.memory_space<vmem>>) target_semaphore(%run_scoped3A : memref<!tpu.dma_semaphore, #tpu.memory_space<semaphore_mem>>)
      %dma_wait3A_1168 = arith.constant 512 : i32
      %dma_wait3A_1169 = tpu.memref_slice %arg34[%dma_wait3A_1168] : memref<11008xf32, #tpu.memory_space<vmem>> -> memref<256xf32, #tpu.memory_space<vmem>>
      %dma_wait3A_1170 = tpu.memref_slice %arg4[%mul3A_2] : memref<8192xf32, #tpu.memory_space<hbm>> -> memref<256xf32, #tpu.memory_space<hbm>>
      %dma_wait3A_1171 = arith.constant 512 : i32
      %dma_wait3A_1172 = tpu.memref_slice %arg34[%dma_wait3A_1171] : memref<11008xf32, #tpu.memory_space<vmem>> -> memref<256xf32, #tpu.memory_space<vmem>>
      %dma_wait3A_1173 = tpu.memref_slice %arg4[%mul3A_2] : memref<8192xf32, #tpu.memory_space<hbm>> -> memref<256xf32, #tpu.memory_space<hbm>>
      tpu.wait_dma2 semaphore(%run_scoped3A : memref<!tpu.dma_semaphore, #tpu.memory_space<semaphore_mem>>) src(%dma_wait3A_1173 : memref<256xf32, #tpu.memory_space<hbm>>) dst(%dma_wait3A_1172 : memref<256xf32, #tpu.memory_space<vmem>>)
      tpu.yield
    }) : () -> ()
    %dma_start3A = arith.constant 256 : i32
    %dma_start3A_3 = tpu.memref_slice %arg35[%dma_start3A] : memref<3840xi32, #tpu.memory_space<vmem>> -> memref<128xi32, #tpu.memory_space<vmem>>
    %dma_start3A_4 = arith.constant 0 : i32
    %dma_start3A_5 = tpu.memref_slice %arg35[%dma_start3A_4] : memref<3840xi32, #tpu.memory_space<vmem>> -> memref<128xi32, #tpu.memory_space<vmem>>
    %dma_start3A_6 = arith.constant 0 : i32
    %dma_start3A_7 = tpu.memref_slice %arg6[%dma_start3A_6] : memref<6890xi32, #tpu.memory_space<hbm>> -> memref<6890xi32, #tpu.memory_space<hbm>>
    tpu.enqueue_indirect_dma source(%dma_start3A_7 : memref<6890xi32, #tpu.memory_space<hbm>>) target(%dma_start3A_3 : memref<128xi32, #tpu.memory_space<vmem>>) offsets(%dma_start3A_5 : memref<128xi32, #tpu.memory_space<vmem>>) semaphore(%arg36 : memref<!tpu.dma_semaphore, #tpu.memory_space<semaphore_mem>>)
    %dma_start3A_8 = arith.constant 384 : i32
    %dma_start3A_9 = tpu.memref_slice %arg35[%dma_start3A_8] : memref<3840xi32, #tpu.memory_space<vmem>> -> memref<128xi32, #tpu.memory_space<vmem>>
    %dma_start3A_10 = arith.constant 128 : i32
    %dma_start3A_11 = tpu.memref_slice %arg35[%dma_start3A_10] : memref<3840xi32, #tpu.memory_space<vmem>> -> memref<128xi32, #tpu.memory_space<vmem>>
    %dma_start3A_12 = arith.constant 0 : i32
    %dma_start3A_13 = tpu.memref_slice %arg6[%dma_start3A_12] : memref<6890xi32, #tpu.memory_space<hbm>> -> memref<6890xi32, #tpu.memory_space<hbm>>
    tpu.enqueue_indirect_dma source(%dma_start3A_13 : memref<6890xi32, #tpu.memory_space<hbm>>) target(%dma_start3A_9 : memref<128xi32, #tpu.memory_space<vmem>>) offsets(%dma_start3A_11 : memref<128xi32, #tpu.memory_space<vmem>>) semaphore(%arg36 : memref<!tpu.dma_semaphore, #tpu.memory_space<semaphore_mem>>)
    %dma_start3A_14 = arith.constant 512 : i32
    %dma_start3A_15 = tpu.memref_slice %arg35[%dma_start3A_14] : memref<3840xi32, #tpu.memory_space<vmem>> -> memref<128xi32, #tpu.memory_space<vmem>>
    %dma_start3A_16 = arith.constant 0 : i32
    %dma_start3A_17 = tpu.memref_slice %arg35[%dma_start3A_16] : memref<3840xi32, #tpu.memory_space<vmem>> -> memref<128xi32, #tpu.memory_space<vmem>>
    %dma_start3A_18 = arith.constant 0 : i32
    %dma_start3A_19 = tpu.memref_slice %arg7[%dma_start3A_18] : memref<6890xi32, #tpu.memory_space<hbm>> -> memref<6890xi32, #tpu.memory_space<hbm>>
    tpu.enqueue_indirect_dma source(%dma_start3A_19 : memref<6890xi32, #tpu.memory_space<hbm>>) target(%dma_start3A_15 : memref<128xi32, #tpu.memory_space<vmem>>) offsets(%dma_start3A_17 : memref<128xi32, #tpu.memory_space<vmem>>) semaphore(%arg36 : memref<!tpu.dma_semaphore, #tpu.memory_space<semaphore_mem>>)
    %dma_start3A_20 = arith.constant 640 : i32
    %dma_start3A_21 = tpu.memref_slice %arg35[%dma_start3A_20] : memref<3840xi32, #tpu.memory_space<vmem>> -> memref<128xi32, #tpu.memory_space<vmem>>
    %dma_start3A_22 = arith.constant 128 : i32
    %dma_start3A_23 = tpu.memref_slice %arg35[%dma_start3A_22] : memref<3840xi32, #tpu.memory_space<vmem>> -> memref<128xi32, #tpu.memory_space<vmem>>
    %dma_start3A_24 = arith.constant 0 : i32
    %dma_start3A_25 = tpu.memref_slice %arg7[%dma_start3A_24] : memref<6890xi32, #tpu.memory_space<hbm>> -> memref<6890xi32, #tpu.memory_space<hbm>>
    tpu.enqueue_indirect_dma source(%dma_start3A_25 : memref<6890xi32, #tpu.memory_space<hbm>>) target(%dma_start3A_21 : memref<128xi32, #tpu.memory_space<vmem>>) offsets(%dma_start3A_23 : memref<128xi32, #tpu.memory_space<vmem>>) semaphore(%arg36 : memref<!tpu.dma_semaphore, #tpu.memory_space<semaphore_mem>>)
    %dma_start3A_26 = arith.constant 768 : i32
    %dma_start3A_27 = tpu.memref_slice %arg35[%dma_start3A_26] : memref<3840xi32, #tpu.memory_space<vmem>> -> memref<128xi32, #tpu.memory_space<vmem>>
    %dma_start3A_28 = arith.constant 0 : i32
    %dma_start3A_29 = tpu.memref_slice %arg35[%dma_start3A_28] : memref<3840xi32, #tpu.memory_space<vmem>> -> memref<128xi32, #tpu.memory_space<vmem>>
    %dma_start3A_30 = arith.constant 0 : i32
    %dma_start3A_31 = tpu.memref_slice %arg8[%dma_start3A_30] : memref<6890xi32, #tpu.memory_space<hbm>> -> memref<6890xi32, #tpu.memory_space<hbm>>
    tpu.enqueue_indirect_dma source(%dma_start3A_31 : memref<6890xi32, #tpu.memory_space<hbm>>) target(%dma_start3A_27 : memref<128xi32, #tpu.memory_space<vmem>>) offsets(%dma_start3A_29 : memref<128xi32, #tpu.memory_space<vmem>>) semaphore(%arg36 : memref<!tpu.dma_semaphore, #tpu.memory_space<semaphore_mem>>)
    %dma_start3A_32 = arith.constant 896 : i32
    %dma_start3A_33 = tpu.memref_slice %arg35[%dma_start3A_32] : memref<3840xi32, #tpu.memory_space<vmem>> -> memref<128xi32, #tpu.memory_space<vmem>>
    %dma_start3A_34 = arith.constant 128 : i32
    %dma_start3A_35 = tpu.memref_slice %arg35[%dma_start3A_34] : memref<3840xi32, #tpu.memory_space<vmem>> -> memref<128xi32, #tpu.memory_space<vmem>>
    %dma_start3A_36 = arith.constant 0 : i32
    %dma_start3A_37 = tpu.memref_slice %arg8[%dma_start3A_36] : memref<6890xi32, #tpu.memory_space<hbm>> -> memref<6890xi32, #tpu.memory_space<hbm>>
    tpu.enqueue_indirect_dma source(%dma_start3A_37 : memref<6890xi32, #tpu.memory_space<hbm>>) target(%dma_start3A_33 : memref<128xi32, #tpu.memory_space<vmem>>) offsets(%dma_start3A_35 : memref<128xi32, #tpu.memory_space<vmem>>) semaphore(%arg36 : memref<!tpu.dma_semaphore, #tpu.memory_space<semaphore_mem>>)
    %dma_start3A_38 = arith.constant 1024 : i32
    %dma_start3A_39 = tpu.memref_slice %arg35[%dma_start3A_38] : memref<3840xi32, #tpu.memory_space<vmem>> -> memref<128xi32, #tpu.memory_space<vmem>>
    %dma_start3A_40 = arith.constant 0 : i32
    %dma_start3A_41 = tpu.memref_slice %arg35[%dma_start3A_40] : memref<3840xi32, #tpu.memory_space<vmem>> -> memref<128xi32, #tpu.memory_space<vmem>>
    %dma_start3A_42 = arith.constant 0 : i32
    %dma_start3A_43 = tpu.memref_slice %arg9[%dma_start3A_42] : memref<6890xi32, #tpu.memory_space<hbm>> -> memref<6890xi32, #tpu.memory_space<hbm>>
    tpu.enqueue_indirect_dma source(%dma_start3A_43 : memref<6890xi32, #tpu.memory_space<hbm>>) target(%dma_start3A_39 : memref<128xi32, #tpu.memory_space<vmem>>) offsets(%dma_start3A_41 : memref<128xi32, #tpu.memory_space<vmem>>) semaphore(%arg36 : memref<!tpu.dma_semaphore, #tpu.memory_space<semaphore_mem>>)
    %dma_start3A_44 = arith.constant 1152 : i32
    %dma_start3A_45 = tpu.memref_slice %arg35[%dma_start3A_44] : memref<3840xi32, #tpu.memory_space<vmem>> -> memref<128xi32, #tpu.memory_space<vmem>>
    %dma_start3A_46 = arith.constant 128 : i32
    %dma_start3A_47 = tpu.memref_slice %arg35[%dma_start3A_46] : memref<3840xi32, #tpu.memory_space<vmem>> -> memref<128xi32, #tpu.memory_space<vmem>>
    %dma_start3A_48 = arith.constant 0 : i32
    %dma_start3A_49 = tpu.memref_slice %arg9[%dma_start3A_48] : memref<6890xi32, #tpu.memory_space<hbm>> -> memref<6890xi32, #tpu.memory_space<hbm>>
    tpu.enqueue_indirect_dma source(%dma_start3A_49 : memref<6890xi32, #tpu.memory_space<hbm>>) target(%dma_start3A_45 : memref<128xi32, #tpu.memory_space<vmem>>) offsets(%dma_start3A_47 : memref<128xi32, #tpu.memory_space<vmem>>) semaphore(%arg36 : memref<!tpu.dma_semaphore, #tpu.memory_space<semaphore_mem>>)
    %dma_start3A_50 = arith.constant 1280 : i32
    %dma_start3A_51 = tpu.memref_slice %arg35[%dma_start3A_50] : memref<3840xi32, #tpu.memory_space<vmem>> -> memref<128xi32, #tpu.memory_space<vmem>>
    %dma_start3A_52 = arith.constant 0 : i32
    %dma_start3A_53 = tpu.memref_slice %arg35[%dma_start3A_52] : memref<3840xi32, #tpu.memory_space<vmem>> -> memref<128xi32, #tpu.memory_space<vmem>>
    %dma_start3A_54 = arith.constant 0 : i32
    %dma_start3A_55 = tpu.memref_slice %arg10[%dma_start3A_54] : memref<6890xi32, #tpu.memory_space<hbm>> -> memref<6890xi32, #tpu.memory_space<hbm>>
    tpu.enqueue_indirect_dma source(%dma_start3A_55 : memref<6890xi32, #tpu.memory_space<hbm>>) target(%dma_start3A_51 : memref<128xi32, #tpu.memory_space<vmem>>) offsets(%dma_start3A_53 : memref<128xi32, #tpu.memory_space<vmem>>) semaphore(%arg36 : memref<!tpu.dma_semaphore, #tpu.memory_space<semaphore_mem>>)
    %dma_start3A_56 = arith.constant 1408 : i32
    %dma_start3A_57 = tpu.memref_slice %arg35[%dma_start3A_56] : memref<3840xi32, #tpu.memory_space<vmem>> -> memref<128xi32, #tpu.memory_space<vmem>>
    %dma_start3A_58 = arith.constant 128 : i32
    %dma_start3A_59 = tpu.memref_slice %arg35[%dma_start3A_58] : memref<3840xi32, #tpu.memory_space<vmem>> -> memref<128xi32, #tpu.memory_space<vmem>>
    %dma_start3A_60 = arith.constant 0 : i32
    %dma_start3A_61 = tpu.memref_slice %arg10[%dma_start3A_60] : memref<6890xi32, #tpu.memory_space<hbm>> -> memref<6890xi32, #tpu.memory_space<hbm>>
    tpu.enqueue_indirect_dma source(%dma_start3A_61 : memref<6890xi32, #tpu.memory_space<hbm>>) target(%dma_start3A_57 : memref<128xi32, #tpu.memory_space<vmem>>) offsets(%dma_start3A_59 : memref<128xi32, #tpu.memory_space<vmem>>) semaphore(%arg36 : memref<!tpu.dma_semaphore, #tpu.memory_space<semaphore_mem>>)
    %dma_start3A_62 = arith.constant 1536 : i32
    %dma_start3A_63 = tpu.memref_slice %arg35[%dma_start3A_62] : memref<3840xi32, #tpu.memory_space<vmem>> -> memref<128xi32, #tpu.memory_space<vmem>>
    %dma_start3A_64 = arith.constant 0 : i32
    %dma_start3A_65 = tpu.memref_slice %arg35[%dma_start3A_64] : memref<3840xi32, #tpu.memory_space<vmem>> -> memref<128xi32, #tpu.memory_space<vmem>>
    %dma_start3A_66 = arith.constant 0 : i32
    %dma_start3A_67 = tpu.memref_slice %arg11[%dma_start3A_66] : memref<6890xi32, #tpu.memory_space<hbm>> -> memref<6890xi32, #tpu.memory_space<hbm>>
    tpu.enqueue_indirect_dma source(%dma_start3A_67 : memref<6890xi32, #tpu.memory_space<hbm>>) target(%dma_start3A_63 : memref<128xi32, #tpu.memory_space<vmem>>) offsets(%dma_start3A_65 : memref<128xi32, #tpu.memory_space<vmem>>) semaphore(%arg36 : memref<!tpu.dma_semaphore, #tpu.memory_space<semaphore_mem>>)
    %dma_start3A_68 = arith.constant 1664 : i32
    %dma_start3A_69 = tpu.memref_slice %arg35[%dma_start3A_68] : memref<3840xi32, #tpu.memory_space<vmem>> -> memref<128xi32, #tpu.memory_space<vmem>>
    %dma_start3A_70 = arith.constant 128 : i32
    %dma_start3A_71 = tpu.memref_slice %arg35[%dma_start3A_70] : memref<3840xi32, #tpu.memory_space<vmem>> -> memref<128xi32, #tpu.memory_space<vmem>>
    %dma_start3A_72 = arith.constant 0 : i32
    %dma_start3A_73 = tpu.memref_slice %arg11[%dma_start3A_72] : memref<6890xi32, #tpu.memory_space<hbm>> -> memref<6890xi32, #tpu.memory_space<hbm>>
    tpu.enqueue_indirect_dma source(%dma_start3A_73 : memref<6890xi32, #tpu.memory_space<hbm>>) target(%dma_start3A_69 : memref<128xi32, #tpu.memory_space<vmem>>) offsets(%dma_start3A_71 : memref<128xi32, #tpu.memory_space<vmem>>) semaphore(%arg36 : memref<!tpu.dma_semaphore, #tpu.memory_space<semaphore_mem>>)
    %dma_wait3A = arith.constant 256 : i32
    %dma_wait3A_74 = tpu.memref_slice %arg35[%dma_wait3A] : memref<3840xi32, #tpu.memory_space<vmem>> -> memref<128xi32, #tpu.memory_space<vmem>>
    %dma_wait3A_75 = arith.constant 0 : i32
    %dma_wait3A_76 = tpu.memref_slice %arg35[%dma_wait3A_75] : memref<3840xi32, #tpu.memory_space<vmem>> -> memref<128xi32, #tpu.memory_space<vmem>>
    %dma_wait3A_77 = arith.constant 0 : i32
    %dma_wait3A_78 = tpu.memref_slice %arg6[%dma_wait3A_77] : memref<6890xi32, #tpu.memory_space<hbm>> -> memref<6890xi32, #tpu.memory_space<hbm>>
    tpu.wait_indirect_dma semaphore(%arg36 : memref<!tpu.dma_semaphore, #tpu.memory_space<semaphore_mem>>) src(%dma_wait3A_78 : memref<6890xi32, #tpu.memory_space<hbm>>) dst(%dma_wait3A_74 : memref<128xi32, #tpu.memory_space<vmem>>)
    %dma_wait3A_79 = arith.constant 384 : i32
    %dma_wait3A_80 = tpu.memref_slice %arg35[%dma_wait3A_79] : memref<3840xi32, #tpu.memory_space<vmem>> -> memref<128xi32, #tpu.memory_space<vmem>>
    %dma_wait3A_81 = arith.constant 128 : i32
    %dma_wait3A_82 = tpu.memref_slice %arg35[%dma_wait3A_81] : memref<3840xi32, #tpu.memory_space<vmem>> -> memref<128xi32, #tpu.memory_space<vmem>>
    %dma_wait3A_83 = arith.constant 0 : i32
    %dma_wait3A_84 = tpu.memref_slice %arg6[%dma_wait3A_83] : memref<6890xi32, #tpu.memory_space<hbm>> -> memref<6890xi32, #tpu.memory_space<hbm>>
    tpu.wait_indirect_dma semaphore(%arg36 : memref<!tpu.dma_semaphore, #tpu.memory_space<semaphore_mem>>) src(%dma_wait3A_84 : memref<6890xi32, #tpu.memory_space<hbm>>) dst(%dma_wait3A_80 : memref<128xi32, #tpu.memory_space<vmem>>)
    %dma_wait3A_85 = arith.constant 512 : i32
    %dma_wait3A_86 = tpu.memref_slice %arg35[%dma_wait3A_85] : memref<3840xi32, #tpu.memory_space<vmem>> -> memref<128xi32, #tpu.memory_space<vmem>>
    %dma_wait3A_87 = arith.constant 0 : i32
    %dma_wait3A_88 = tpu.memref_slice %arg35[%dma_wait3A_87] : memref<3840xi32, #tpu.memory_space<vmem>> -> memref<128xi32, #tpu.memory_space<vmem>>
    %dma_wait3A_89 = arith.constant 0 : i32
    %dma_wait3A_90 = tpu.memref_slice %arg7[%dma_wait3A_89] : memref<6890xi32, #tpu.memory_space<hbm>> -> memref<6890xi32, #tpu.memory_space<hbm>>
    tpu.wait_indirect_dma semaphore(%arg36 : memref<!tpu.dma_semaphore, #tpu.memory_space<semaphore_mem>>) src(%dma_wait3A_90 : memref<6890xi32, #tpu.memory_space<hbm>>) dst(%dma_wait3A_86 : memref<128xi32, #tpu.memory_space<vmem>>)
    %dma_wait3A_91 = arith.constant 640 : i32
    %dma_wait3A_92 = tpu.memref_slice %arg35[%dma_wait3A_91] : memref<3840xi32, #tpu.memory_space<vmem>> -> memref<128xi32, #tpu.memory_space<vmem>>
    %dma_wait3A_93 = arith.constant 128 : i32
    %dma_wait3A_94 = tpu.memref_slice %arg35[%dma_wait3A_93] : memref<3840xi32, #tpu.memory_space<vmem>> -> memref<128xi32, #tpu.memory_space<vmem>>
    %dma_wait3A_95 = arith.constant 0 : i32
    %dma_wait3A_96 = tpu.memref_slice %arg7[%dma_wait3A_95] : memref<6890xi32, #tpu.memory_space<hbm>> -> memref<6890xi32, #tpu.memory_space<hbm>>
    tpu.wait_indirect_dma semaphore(%arg36 : memref<!tpu.dma_semaphore, #tpu.memory_space<semaphore_mem>>) src(%dma_wait3A_96 : memref<6890xi32, #tpu.memory_space<hbm>>) dst(%dma_wait3A_92 : memref<128xi32, #tpu.memory_space<vmem>>)
    %dma_wait3A_97 = arith.constant 768 : i32
    %dma_wait3A_98 = tpu.memref_slice %arg35[%dma_wait3A_97] : memref<3840xi32, #tpu.memory_space<vmem>> -> memref<128xi32, #tpu.memory_space<vmem>>
    %dma_wait3A_99 = arith.constant 0 : i32
    %dma_wait3A_100 = tpu.memref_slice %arg35[%dma_wait3A_99] : memref<3840xi32, #tpu.memory_space<vmem>> -> memref<128xi32, #tpu.memory_space<vmem>>
    %dma_wait3A_101 = arith.constant 0 : i32
    %dma_wait3A_102 = tpu.memref_slice %arg8[%dma_wait3A_101] : memref<6890xi32, #tpu.memory_space<hbm>> -> memref<6890xi32, #tpu.memory_space<hbm>>
    tpu.wait_indirect_dma semaphore(%arg36 : memref<!tpu.dma_semaphore, #tpu.memory_space<semaphore_mem>>) src(%dma_wait3A_102 : memref<6890xi32, #tpu.memory_space<hbm>>) dst(%dma_wait3A_98 : memref<128xi32, #tpu.memory_space<vmem>>)
    %dma_wait3A_103 = arith.constant 896 : i32
    %dma_wait3A_104 = tpu.memref_slice %arg35[%dma_wait3A_103] : memref<3840xi32, #tpu.memory_space<vmem>> -> memref<128xi32, #tpu.memory_space<vmem>>
    %dma_wait3A_105 = arith.constant 128 : i32
    %dma_wait3A_106 = tpu.memref_slice %arg35[%dma_wait3A_105] : memref<3840xi32, #tpu.memory_space<vmem>> -> memref<128xi32, #tpu.memory_space<vmem>>
    %dma_wait3A_107 = arith.constant 0 : i32
    %dma_wait3A_108 = tpu.memref_slice %arg8[%dma_wait3A_107] : memref<6890xi32, #tpu.memory_space<hbm>> -> memref<6890xi32, #tpu.memory_space<hbm>>
    tpu.wait_indirect_dma semaphore(%arg36 : memref<!tpu.dma_semaphore, #tpu.memory_space<semaphore_mem>>) src(%dma_wait3A_108 : memref<6890xi32, #tpu.memory_space<hbm>>) dst(%dma_wait3A_104 : memref<128xi32, #tpu.memory_space<vmem>>)
    %dma_wait3A_109 = arith.constant 1024 : i32
    %dma_wait3A_110 = tpu.memref_slice %arg35[%dma_wait3A_109] : memref<3840xi32, #tpu.memory_space<vmem>> -> memref<128xi32, #tpu.memory_space<vmem>>
    %dma_wait3A_111 = arith.constant 0 : i32
    %dma_wait3A_112 = tpu.memref_slice %arg35[%dma_wait3A_111] : memref<3840xi32, #tpu.memory_space<vmem>> -> memref<128xi32, #tpu.memory_space<vmem>>
    %dma_wait3A_113 = arith.constant 0 : i32
    %dma_wait3A_114 = tpu.memref_slice %arg9[%dma_wait3A_113] : memref<6890xi32, #tpu.memory_space<hbm>> -> memref<6890xi32, #tpu.memory_space<hbm>>
    tpu.wait_indirect_dma semaphore(%arg36 : memref<!tpu.dma_semaphore, #tpu.memory_space<semaphore_mem>>) src(%dma_wait3A_114 : memref<6890xi32, #tpu.memory_space<hbm>>) dst(%dma_wait3A_110 : memref<128xi32, #tpu.memory_space<vmem>>)
    %dma_wait3A_115 = arith.constant 1152 : i32
    %dma_wait3A_116 = tpu.memref_slice %arg35[%dma_wait3A_115] : memref<3840xi32, #tpu.memory_space<vmem>> -> memref<128xi32, #tpu.memory_space<vmem>>
    %dma_wait3A_117 = arith.constant 128 : i32
    %dma_wait3A_118 = tpu.memref_slice %arg35[%dma_wait3A_117] : memref<3840xi32, #tpu.memory_space<vmem>> -> memref<128xi32, #tpu.memory_space<vmem>>
    %dma_wait3A_119 = arith.constant 0 : i32
    %dma_wait3A_120 = tpu.memref_slice %arg9[%dma_wait3A_119] : memref<6890xi32, #tpu.memory_space<hbm>> -> memref<6890xi32, #tpu.memory_space<hbm>>
    tpu.wait_indirect_dma semaphore(%arg36 : memref<!tpu.dma_semaphore, #tpu.memory_space<semaphore_mem>>) src(%dma_wait3A_120 : memref<6890xi32, #tpu.memory_space<hbm>>) dst(%dma_wait3A_116 : memref<128xi32, #tpu.memory_space<vmem>>)
    %dma_wait3A_121 = arith.constant 1280 : i32
    %dma_wait3A_122 = tpu.memref_slice %arg35[%dma_wait3A_121] : memref<3840xi32, #tpu.memory_space<vmem>> -> memref<128xi32, #tpu.memory_space<vmem>>
    %dma_wait3A_123 = arith.constant 0 : i32
    %dma_wait3A_124 = tpu.memref_slice %arg35[%dma_wait3A_123] : memref<3840xi32, #tpu.memory_space<vmem>> -> memref<128xi32, #tpu.memory_space<vmem>>
    %dma_wait3A_125 = arith.constant 0 : i32
    %dma_wait3A_126 = tpu.memref_slice %arg10[%dma_wait3A_125] : memref<6890xi32, #tpu.memory_space<hbm>> -> memref<6890xi32, #tpu.memory_space<hbm>>
    tpu.wait_indirect_dma semaphore(%arg36 : memref<!tpu.dma_semaphore, #tpu.memory_space<semaphore_mem>>) src(%dma_wait3A_126 : memref<6890xi32, #tpu.memory_space<hbm>>) dst(%dma_wait3A_122 : memref<128xi32, #tpu.memory_space<vmem>>)
    %dma_wait3A_127 = arith.constant 1408 : i32
    %dma_wait3A_128 = tpu.memref_slice %arg35[%dma_wait3A_127] : memref<3840xi32, #tpu.memory_space<vmem>> -> memref<128xi32, #tpu.memory_space<vmem>>
    %dma_wait3A_129 = arith.constant 128 : i32
    %dma_wait3A_130 = tpu.memref_slice %arg35[%dma_wait3A_129] : memref<3840xi32, #tpu.memory_space<vmem>> -> memref<128xi32, #tpu.memory_space<vmem>>
    %dma_wait3A_131 = arith.constant 0 : i32
    %dma_wait3A_132 = tpu.memref_slice %arg10[%dma_wait3A_131] : memref<6890xi32, #tpu.memory_space<hbm>> -> memref<6890xi32, #tpu.memory_space<hbm>>
    tpu.wait_indirect_dma semaphore(%arg36 : memref<!tpu.dma_semaphore, #tpu.memory_space<semaphore_mem>>) src(%dma_wait3A_132 : memref<6890xi32, #tpu.memory_space<hbm>>) dst(%dma_wait3A_128 : memref<128xi32, #tpu.memory_space<vmem>>)
    %dma_wait3A_133 = arith.constant 1536 : i32
    %dma_wait3A_134 = tpu.memref_slice %arg35[%dma_wait3A_133] : memref<3840xi32, #tpu.memory_space<vmem>> -> memref<128xi32, #tpu.memory_space<vmem>>
    %dma_wait3A_135 = arith.constant 0 : i32
    %dma_wait3A_136 = tpu.memref_slice %arg35[%dma_wait3A_135] : memref<3840xi32, #tpu.memory_space<vmem>> -> memref<128xi32, #tpu.memory_space<vmem>>
    %dma_wait3A_137 = arith.constant 0 : i32
    %dma_wait3A_138 = tpu.memref_slice %arg11[%dma_wait3A_137] : memref<6890xi32, #tpu.memory_space<hbm>> -> memref<6890xi32, #tpu.memory_space<hbm>>
    tpu.wait_indirect_dma semaphore(%arg36 : memref<!tpu.dma_semaphore, #tpu.memory_space<semaphore_mem>>) src(%dma_wait3A_138 : memref<6890xi32, #tpu.memory_space<hbm>>) dst(%dma_wait3A_134 : memref<128xi32, #tpu.memory_space<vmem>>)
    %dma_wait3A_139 = arith.constant 1664 : i32
    %dma_wait3A_140 = tpu.memref_slice %arg35[%dma_wait3A_139] : memref<3840xi32, #tpu.memory_space<vmem>> -> memref<128xi32, #tpu.memory_space<vmem>>
    %dma_wait3A_141 = arith.constant 128 : i32
    %dma_wait3A_142 = tpu.memref_slice %arg35[%dma_wait3A_141] : memref<3840xi32, #tpu.memory_space<vmem>> -> memref<128xi32, #tpu.memory_space<vmem>>
    %dma_wait3A_143 = arith.constant 0 : i32
    %dma_wait3A_144 = tpu.memref_slice %arg11[%dma_wait3A_143] : memref<6890xi32, #tpu.memory_space<hbm>> -> memref<6890xi32, #tpu.memory_space<hbm>>
    tpu.wait_indirect_dma semaphore(%arg36 : memref<!tpu.dma_semaphore, #tpu.memory_space<semaphore_mem>>) src(%dma_wait3A_144 : memref<6890xi32, #tpu.memory_space<hbm>>) dst(%dma_wait3A_140 : memref<128xi32, #tpu.memory_space<vmem>>)
    %dma_start3A_145 = arith.constant 768 : i32
    %dma_start3A_146 = tpu.memref_slice %arg34[%dma_start3A_145] : memref<11008xf32, #tpu.memory_space<vmem>> -> memref<128xf32, #tpu.memory_space<vmem>>
    %dma_start3A_147 = arith.constant 256 : i32
    %dma_start3A_148 = tpu.memref_slice %arg35[%dma_start3A_147] : memref<3840xi32, #tpu.memory_space<vmem>> -> memref<128xi32, #tpu.memory_space<vmem>>
    %dma_start3A_149 = arith.constant 0 : i32
    %dma_start3A_150 = tpu.memref_slice %arg12[%dma_start3A_149] : memref<13776xf32, #tpu.memory_space<hbm>> -> memref<13776xf32, #tpu.memory_space<hbm>>
    tpu.enqueue_indirect_dma source(%dma_start3A_150 : memref<13776xf32, #tpu.memory_space<hbm>>) target(%dma_start3A_146 : memref<128xf32, #tpu.memory_space<vmem>>) offsets(%dma_start3A_148 : memref<128xi32, #tpu.memory_space<vmem>>) semaphore(%arg36 : memref<!tpu.dma_semaphore, #tpu.memory_space<semaphore_mem>>)
    %dma_start3A_151 = arith.constant 896 : i32
    %dma_start3A_152 = tpu.memref_slice %arg34[%dma_start3A_151] : memref<11008xf32, #tpu.memory_space<vmem>> -> memref<128xf32, #tpu.memory_space<vmem>>
    %dma_start3A_153 = arith.constant 384 : i32
    %dma_start3A_154 = tpu.memref_slice %arg35[%dma_start3A_153] : memref<3840xi32, #tpu.memory_space<vmem>> -> memref<128xi32, #tpu.memory_space<vmem>>
    %dma_start3A_155 = arith.constant 0 : i32
    %dma_start3A_156 = tpu.memref_slice %arg12[%dma_start3A_155] : memref<13776xf32, #tpu.memory_space<hbm>> -> memref<13776xf32, #tpu.memory_space<hbm>>
    tpu.enqueue_indirect_dma source(%dma_start3A_156 : memref<13776xf32, #tpu.memory_space<hbm>>) target(%dma_start3A_152 : memref<128xf32, #tpu.memory_space<vmem>>) offsets(%dma_start3A_154 : memref<128xi32, #tpu.memory_space<vmem>>) semaphore(%arg36 : memref<!tpu.dma_semaphore, #tpu.memory_space<semaphore_mem>>)
    %dma_start3A_157 = arith.constant 1024 : i32
    %dma_start3A_158 = tpu.memref_slice %arg34[%dma_start3A_157] : memref<11008xf32, #tpu.memory_space<vmem>> -> memref<128xf32, #tpu.memory_space<vmem>>
    %dma_start3A_159 = arith.constant 256 : i32
    %dma_start3A_160 = tpu.memref_slice %arg35[%dma_start3A_159] : memref<3840xi32, #tpu.memory_space<vmem>> -> memref<128xi32, #tpu.memory_space<vmem>>
    %dma_start3A_161 = arith.constant 0 : i32
    %dma_start3A_162 = tpu.memref_slice %arg13[%dma_start3A_161] : memref<13776xf32, #tpu.memory_space<hbm>> -> memref<13776xf32, #tpu.memory_space<hbm>>
    tpu.enqueue_indirect_dma source(%dma_start3A_162 : memref<13776xf32, #tpu.memory_space<hbm>>) target(%dma_start3A_158 : memref<128xf32, #tpu.memory_space<vmem>>) offsets(%dma_start3A_160 : memref<128xi32, #tpu.memory_space<vmem>>) semaphore(%arg36 : memref<!tpu.dma_semaphore, #tpu.memory_space<semaphore_mem>>)
    %dma_start3A_163 = arith.constant 1152 : i32
    %dma_start3A_164 = tpu.memref_slice %arg34[%dma_start3A_163] : memref<11008xf32, #tpu.memory_space<vmem>> -> memref<128xf32, #tpu.memory_space<vmem>>
    %dma_start3A_165 = arith.constant 384 : i32
    %dma_start3A_166 = tpu.memref_slice %arg35[%dma_start3A_165] : memref<3840xi32, #tpu.memory_space<vmem>> -> memref<128xi32, #tpu.memory_space<vmem>>
    %dma_start3A_167 = arith.constant 0 : i32
    %dma_start3A_168 = tpu.memref_slice %arg13[%dma_start3A_167] : memref<13776xf32, #tpu.memory_space<hbm>> -> memref<13776xf32, #tpu.memory_space<hbm>>
    tpu.enqueue_indirect_dma source(%dma_start3A_168 : memref<13776xf32, #tpu.memory_space<hbm>>) target(%dma_start3A_164 : memref<128xf32, #tpu.memory_space<vmem>>) offsets(%dma_start3A_166 : memref<128xi32, #tpu.memory_space<vmem>>) semaphore(%arg36 : memref<!tpu.dma_semaphore, #tpu.memory_space<semaphore_mem>>)
    %dma_start3A_169 = arith.constant 1280 : i32
    %dma_start3A_170 = tpu.memref_slice %arg34[%dma_start3A_169] : memref<11008xf32, #tpu.memory_space<vmem>> -> memref<128xf32, #tpu.memory_space<vmem>>
    %dma_start3A_171 = arith.constant 256 : i32
    %dma_start3A_172 = tpu.memref_slice %arg35[%dma_start3A_171] : memref<3840xi32, #tpu.memory_space<vmem>> -> memref<128xi32, #tpu.memory_space<vmem>>
    %dma_start3A_173 = arith.constant 0 : i32
    %dma_start3A_174 = tpu.memref_slice %arg14[%dma_start3A_173] : memref<13776xf32, #tpu.memory_space<hbm>> -> memref<13776xf32, #tpu.memory_space<hbm>>
    tpu.enqueue_indirect_dma source(%dma_start3A_174 : memref<13776xf32, #tpu.memory_space<hbm>>) target(%dma_start3A_170 : memref<128xf32, #tpu.memory_space<vmem>>) offsets(%dma_start3A_172 : memref<128xi32, #tpu.memory_space<vmem>>) semaphore(%arg36 : memref<!tpu.dma_semaphore, #tpu.memory_space<semaphore_mem>>)
    %dma_start3A_175 = arith.constant 1408 : i32
    %dma_start3A_176 = tpu.memref_slice %arg34[%dma_start3A_175] : memref<11008xf32, #tpu.memory_space<vmem>> -> memref<128xf32, #tpu.memory_space<vmem>>
    %dma_start3A_177 = arith.constant 384 : i32
    %dma_start3A_178 = tpu.memref_slice %arg35[%dma_start3A_177] : memref<3840xi32, #tpu.memory_space<vmem>> -> memref<128xi32, #tpu.memory_space<vmem>>
    %dma_start3A_179 = arith.constant 0 : i32
    %dma_start3A_180 = tpu.memref_slice %arg14[%dma_start3A_179] : memref<13776xf32, #tpu.memory_space<hbm>> -> memref<13776xf32, #tpu.memory_space<hbm>>
    tpu.enqueue_indirect_dma source(%dma_start3A_180 : memref<13776xf32, #tpu.memory_space<hbm>>) target(%dma_start3A_176 : memref<128xf32, #tpu.memory_space<vmem>>) offsets(%dma_start3A_178 : memref<128xi32, #tpu.memory_space<vmem>>) semaphore(%arg36 : memref<!tpu.dma_semaphore, #tpu.memory_space<semaphore_mem>>)
    %dma_start3A_181 = arith.constant 1536 : i32
    %dma_start3A_182 = tpu.memref_slice %arg34[%dma_start3A_181] : memref<11008xf32, #tpu.memory_space<vmem>> -> memref<128xf32, #tpu.memory_space<vmem>>
    %dma_start3A_183 = arith.constant 512 : i32
    %dma_start3A_184 = tpu.memref_slice %arg35[%dma_start3A_183] : memref<3840xi32, #tpu.memory_space<vmem>> -> memref<128xi32, #tpu.memory_space<vmem>>
    %dma_start3A_185 = arith.constant 0 : i32
    %dma_start3A_186 = tpu.memref_slice %arg12[%dma_start3A_185] : memref<13776xf32, #tpu.memory_space<hbm>> -> memref<13776xf32, #tpu.memory_space<hbm>>
    tpu.enqueue_indirect_dma source(%dma_start3A_186 : memref<13776xf32, #tpu.memory_space<hbm>>) target(%dma_start3A_182 : memref<128xf32, #tpu.memory_space<vmem>>) offsets(%dma_start3A_184 : memref<128xi32, #tpu.memory_space<vmem>>) semaphore(%arg36 : memref<!tpu.dma_semaphore, #tpu.memory_space<semaphore_mem>>)
    %dma_start3A_187 = arith.constant 1664 : i32
    %dma_start3A_188 = tpu.memref_slice %arg34[%dma_start3A_187] : memref<11008xf32, #tpu.memory_space<vmem>> -> memref<128xf32, #tpu.memory_space<vmem>>
    %dma_start3A_189 = arith.constant 640 : i32
    %dma_start3A_190 = tpu.memref_slice %arg35[%dma_start3A_189] : memref<3840xi32, #tpu.memory_space<vmem>> -> memref<128xi32, #tpu.memory_space<vmem>>
    %dma_start3A_191 = arith.constant 0 : i32
    %dma_start3A_192 = tpu.memref_slice %arg12[%dma_start3A_191] : memref<13776xf32, #tpu.memory_space<hbm>> -> memref<13776xf32, #tpu.memory_space<hbm>>
    tpu.enqueue_indirect_dma source(%dma_start3A_192 : memref<13776xf32, #tpu.memory_space<hbm>>) target(%dma_start3A_188 : memref<128xf32, #tpu.memory_space<vmem>>) offsets(%dma_start3A_190 : memref<128xi32, #tpu.memory_space<vmem>>) semaphore(%arg36 : memref<!tpu.dma_semaphore, #tpu.memory_space<semaphore_mem>>)
    %dma_start3A_193 = arith.constant 1792 : i32
    %dma_start3A_194 = tpu.memref_slice %arg34[%dma_start3A_193] : memref<11008xf32, #tpu.memory_space<vmem>> -> memref<128xf32, #tpu.memory_space<vmem>>
    %dma_start3A_195 = arith.constant 512 : i32
    %dma_start3A_196 = tpu.memref_slice %arg35[%dma_start3A_195] : memref<3840xi32, #tpu.memory_space<vmem>> -> memref<128xi32, #tpu.memory_space<vmem>>
    %dma_start3A_197 = arith.constant 0 : i32
    %dma_start3A_198 = tpu.memref_slice %arg13[%dma_start3A_197] : memref<13776xf32, #tpu.memory_space<hbm>> -> memref<13776xf32, #tpu.memory_space<hbm>>
    tpu.enqueue_indirect_dma source(%dma_start3A_198 : memref<13776xf32, #tpu.memory_space<hbm>>) target(%dma_start3A_194 : memref<128xf32, #tpu.memory_space<vmem>>) offsets(%dma_start3A_196 : memref<128xi32, #tpu.memory_space<vmem>>) semaphore(%arg36 : memref<!tpu.dma_semaphore, #tpu.memory_space<semaphore_mem>>)
    %dma_start3A_199 = arith.constant 1920 : i32
    %dma_start3A_200 = tpu.memref_slice %arg34[%dma_start3A_199] : memref<11008xf32, #tpu.memory_space<vmem>> -> memref<128xf32, #tpu.memory_space<vmem>>
    %dma_start3A_201 = arith.constant 640 : i32
    %dma_start3A_202 = tpu.memref_slice %arg35[%dma_start3A_201] : memref<3840xi32, #tpu.memory_space<vmem>> -> memref<128xi32, #tpu.memory_space<vmem>>
    %dma_start3A_203 = arith.constant 0 : i32
    %dma_start3A_204 = tpu.memref_slice %arg13[%dma_start3A_203] : memref<13776xf32, #tpu.memory_space<hbm>> -> memref<13776xf32, #tpu.memory_space<hbm>>
    tpu.enqueue_indirect_dma source(%dma_start3A_204 : memref<13776xf32, #tpu.memory_space<hbm>>) target(%dma_start3A_200 : memref<128xf32, #tpu.memory_space<vmem>>) offsets(%dma_start3A_202 : memref<128xi32, #tpu.memory_space<vmem>>) semaphore(%arg36 : memref<!tpu.dma_semaphore, #tpu.memory_space<semaphore_mem>>)
    %dma_start3A_205 = arith.constant 2048 : i32
    %dma_start3A_206 = tpu.memref_slice %arg34[%dma_start3A_205] : memref<11008xf32, #tpu.memory_space<vmem>> -> memref<128xf32, #tpu.memory_space<vmem>>
    %dma_start3A_207 = arith.constant 512 : i32
    %dma_start3A_208 = tpu.memref_slice %arg35[%dma_start3A_207] : memref<3840xi32, #tpu.memory_space<vmem>> -> memref<128xi32, #tpu.memory_space<vmem>>
    %dma_start3A_209 = arith.constant 0 : i32
    %dma_start3A_210 = tpu.memref_slice %arg14[%dma_start3A_209] : memref<13776xf32, #tpu.memory_space<hbm>> -> memref<13776xf32, #tpu.memory_space<hbm>>
    tpu.enqueue_indirect_dma source(%dma_start3A_210 : memref<13776xf32, #tpu.memory_space<hbm>>) target(%dma_start3A_206 : memref<128xf32, #tpu.memory_space<vmem>>) offsets(%dma_start3A_208 : memref<128xi32, #tpu.memory_space<vmem>>) semaphore(%arg36 : memref<!tpu.dma_semaphore, #tpu.memory_space<semaphore_mem>>)
    %dma_start3A_211 = arith.constant 2176 : i32
    %dma_start3A_212 = tpu.memref_slice %arg34[%dma_start3A_211] : memref<11008xf32, #tpu.memory_space<vmem>> -> memref<128xf32, #tpu.memory_space<vmem>>
    %dma_start3A_213 = arith.constant 640 : i32
    %dma_start3A_214 = tpu.memref_slice %arg35[%dma_start3A_213] : memref<3840xi32, #tpu.memory_space<vmem>> -> memref<128xi32, #tpu.memory_space<vmem>>
    %dma_start3A_215 = arith.constant 0 : i32
    %dma_start3A_216 = tpu.memref_slice %arg14[%dma_start3A_215] : memref<13776xf32, #tpu.memory_space<hbm>> -> memref<13776xf32, #tpu.memory_space<hbm>>
    tpu.enqueue_indirect_dma source(%dma_start3A_216 : memref<13776xf32, #tpu.memory_space<hbm>>) target(%dma_start3A_212 : memref<128xf32, #tpu.memory_space<vmem>>) offsets(%dma_start3A_214 : memref<128xi32, #tpu.memory_space<vmem>>) semaphore(%arg36 : memref<!tpu.dma_semaphore, #tpu.memory_space<semaphore_mem>>)
    %dma_start3A_217 = arith.constant 2304 : i32
    %dma_start3A_218 = tpu.memref_slice %arg34[%dma_start3A_217] : memref<11008xf32, #tpu.memory_space<vmem>> -> memref<128xf32, #tpu.memory_space<vmem>>
    %dma_start3A_219 = arith.constant 768 : i32
    %dma_start3A_220 = tpu.memref_slice %arg35[%dma_start3A_219] : memref<3840xi32, #tpu.memory_space<vmem>> -> memref<128xi32, #tpu.memory_space<vmem>>
    %dma_start3A_221 = arith.constant 0 : i32
    %dma_start3A_222 = tpu.memref_slice %arg12[%dma_start3A_221] : memref<13776xf32, #tpu.memory_space<hbm>> -> memref<13776xf32, #tpu.memory_space<hbm>>
    tpu.enqueue_indirect_dma source(%dma_start3A_222 : memref<13776xf32, #tpu.memory_space<hbm>>) target(%dma_start3A_218 : memref<128xf32, #tpu.memory_space<vmem>>) offsets(%dma_start3A_220 : memref<128xi32, #tpu.memory_space<vmem>>) semaphore(%arg36 : memref<!tpu.dma_semaphore, #tpu.memory_space<semaphore_mem>>)
    %dma_start3A_223 = arith.constant 2432 : i32
    %dma_start3A_224 = tpu.memref_slice %arg34[%dma_start3A_223] : memref<11008xf32, #tpu.memory_space<vmem>> -> memref<128xf32, #tpu.memory_space<vmem>>
    %dma_start3A_225 = arith.constant 896 : i32
    %dma_start3A_226 = tpu.memref_slice %arg35[%dma_start3A_225] : memref<3840xi32, #tpu.memory_space<vmem>> -> memref<128xi32, #tpu.memory_space<vmem>>
    %dma_start3A_227 = arith.constant 0 : i32
    %dma_start3A_228 = tpu.memref_slice %arg12[%dma_start3A_227] : memref<13776xf32, #tpu.memory_space<hbm>> -> memref<13776xf32, #tpu.memory_space<hbm>>
    tpu.enqueue_indirect_dma source(%dma_start3A_228 : memref<13776xf32, #tpu.memory_space<hbm>>) target(%dma_start3A_224 : memref<128xf32, #tpu.memory_space<vmem>>) offsets(%dma_start3A_226 : memref<128xi32, #tpu.memory_space<vmem>>) semaphore(%arg36 : memref<!tpu.dma_semaphore, #tpu.memory_space<semaphore_mem>>)
    %dma_start3A_229 = arith.constant 2560 : i32
    %dma_start3A_230 = tpu.memref_slice %arg34[%dma_start3A_229] : memref<11008xf32, #tpu.memory_space<vmem>> -> memref<128xf32, #tpu.memory_space<vmem>>
    %dma_start3A_231 = arith.constant 768 : i32
    %dma_start3A_232 = tpu.memref_slice %arg35[%dma_start3A_231] : memref<3840xi32, #tpu.memory_space<vmem>> -> memref<128xi32, #tpu.memory_space<vmem>>
    %dma_start3A_233 = arith.constant 0 : i32
    %dma_start3A_234 = tpu.memref_slice %arg13[%dma_start3A_233] : memref<13776xf32, #tpu.memory_space<hbm>> -> memref<13776xf32, #tpu.memory_space<hbm>>
    tpu.enqueue_indirect_dma source(%dma_start3A_234 : memref<13776xf32, #tpu.memory_space<hbm>>) target(%dma_start3A_230 : memref<128xf32, #tpu.memory_space<vmem>>) offsets(%dma_start3A_232 : memref<128xi32, #tpu.memory_space<vmem>>) semaphore(%arg36 : memref<!tpu.dma_semaphore, #tpu.memory_space<semaphore_mem>>)
    %dma_start3A_235 = arith.constant 2688 : i32
    %dma_start3A_236 = tpu.memref_slice %arg34[%dma_start3A_235] : memref<11008xf32, #tpu.memory_space<vmem>> -> memref<128xf32, #tpu.memory_space<vmem>>
    %dma_start3A_237 = arith.constant 896 : i32
    %dma_start3A_238 = tpu.memref_slice %arg35[%dma_start3A_237] : memref<3840xi32, #tpu.memory_space<vmem>> -> memref<128xi32, #tpu.memory_space<vmem>>
    %dma_start3A_239 = arith.constant 0 : i32
    %dma_start3A_240 = tpu.memref_slice %arg13[%dma_start3A_239] : memref<13776xf32, #tpu.memory_space<hbm>> -> memref<13776xf32, #tpu.memory_space<hbm>>
    tpu.enqueue_indirect_dma source(%dma_start3A_240 : memref<13776xf32, #tpu.memory_space<hbm>>) target(%dma_start3A_236 : memref<128xf32, #tpu.memory_space<vmem>>) offsets(%dma_start3A_238 : memref<128xi32, #tpu.memory_space<vmem>>) semaphore(%arg36 : memref<!tpu.dma_semaphore, #tpu.memory_space<semaphore_mem>>)
    %dma_start3A_241 = arith.constant 2816 : i32
    %dma_start3A_242 = tpu.memref_slice %arg34[%dma_start3A_241] : memref<11008xf32, #tpu.memory_space<vmem>> -> memref<128xf32, #tpu.memory_space<vmem>>
    %dma_start3A_243 = arith.constant 768 : i32
    %dma_start3A_244 = tpu.memref_slice %arg35[%dma_start3A_243] : memref<3840xi32, #tpu.memory_space<vmem>> -> memref<128xi32, #tpu.memory_space<vmem>>
    %dma_start3A_245 = arith.constant 0 : i32
    %dma_start3A_246 = tpu.memref_slice %arg14[%dma_start3A_245] : memref<13776xf32, #tpu.memory_space<hbm>> -> memref<13776xf32, #tpu.memory_space<hbm>>
    tpu.enqueue_indirect_dma source(%dma_start3A_246 : memref<13776xf32, #tpu.memory_space<hbm>>) target(%dma_start3A_242 : memref<128xf32, #tpu.memory_space<vmem>>) offsets(%dma_start3A_244 : memref<128xi32, #tpu.memory_space<vmem>>) semaphore(%arg36 : memref<!tpu.dma_semaphore, #tpu.memory_space<semaphore_mem>>)
    %dma_start3A_247 = arith.constant 2944 : i32
    %dma_start3A_248 = tpu.memref_slice %arg34[%dma_start3A_247] : memref<11008xf32, #tpu.memory_space<vmem>> -> memref<128xf32, #tpu.memory_space<vmem>>
    %dma_start3A_249 = arith.constant 896 : i32
    %dma_start3A_250 = tpu.memref_slice %arg35[%dma_start3A_249] : memref<3840xi32, #tpu.memory_space<vmem>> -> memref<128xi32, #tpu.memory_space<vmem>>
    %dma_start3A_251 = arith.constant 0 : i32
    %dma_start3A_252 = tpu.memref_slice %arg14[%dma_start3A_251] : memref<13776xf32, #tpu.memory_space<hbm>> -> memref<13776xf32, #tpu.memory_space<hbm>>
    tpu.enqueue_indirect_dma source(%dma_start3A_252 : memref<13776xf32, #tpu.memory_space<hbm>>) target(%dma_start3A_248 : memref<128xf32, #tpu.memory_space<vmem>>) offsets(%dma_start3A_250 : memref<128xi32, #tpu.memory_space<vmem>>) semaphore(%arg36 : memref<!tpu.dma_semaphore, #tpu.memory_space<semaphore_mem>>)
    %dma_start3A_253 = arith.constant 3072 : i32
    %dma_start3A_254 = tpu.memref_slice %arg34[%dma_start3A_253] : memref<11008xf32, #tpu.memory_space<vmem>> -> memref<128xf32, #tpu.memory_space<vmem>>
    %dma_start3A_255 = arith.constant 1024 : i32
    %dma_start3A_256 = tpu.memref_slice %arg35[%dma_start3A_255] : memref<3840xi32, #tpu.memory_space<vmem>> -> memref<128xi32, #tpu.memory_space<vmem>>
    %dma_start3A_257 = arith.constant 0 : i32
    %dma_start3A_258 = tpu.memref_slice %arg12[%dma_start3A_257] : memref<13776xf32, #tpu.memory_space<hbm>> -> memref<13776xf32, #tpu.memory_space<hbm>>
    tpu.enqueue_indirect_dma source(%dma_start3A_258 : memref<13776xf32, #tpu.memory_space<hbm>>) target(%dma_start3A_254 : memref<128xf32, #tpu.memory_space<vmem>>) offsets(%dma_start3A_256 : memref<128xi32, #tpu.memory_space<vmem>>) semaphore(%arg36 : memref<!tpu.dma_semaphore, #tpu.memory_space<semaphore_mem>>)
    %dma_start3A_259 = arith.constant 3200 : i32
    %dma_start3A_260 = tpu.memref_slice %arg34[%dma_start3A_259] : memref<11008xf32, #tpu.memory_space<vmem>> -> memref<128xf32, #tpu.memory_space<vmem>>
    %dma_start3A_261 = arith.constant 1152 : i32
    %dma_start3A_262 = tpu.memref_slice %arg35[%dma_start3A_261] : memref<3840xi32, #tpu.memory_space<vmem>> -> memref<128xi32, #tpu.memory_space<vmem>>
    %dma_start3A_263 = arith.constant 0 : i32
    %dma_start3A_264 = tpu.memref_slice %arg12[%dma_start3A_263] : memref<13776xf32, #tpu.memory_space<hbm>> -> memref<13776xf32, #tpu.memory_space<hbm>>
    tpu.enqueue_indirect_dma source(%dma_start3A_264 : memref<13776xf32, #tpu.memory_space<hbm>>) target(%dma_start3A_260 : memref<128xf32, #tpu.memory_space<vmem>>) offsets(%dma_start3A_262 : memref<128xi32, #tpu.memory_space<vmem>>) semaphore(%arg36 : memref<!tpu.dma_semaphore, #tpu.memory_space<semaphore_mem>>)
    %dma_start3A_265 = arith.constant 3328 : i32
    %dma_start3A_266 = tpu.memref_slice %arg34[%dma_start3A_265] : memref<11008xf32, #tpu.memory_space<vmem>> -> memref<128xf32, #tpu.memory_space<vmem>>
    %dma_start3A_267 = arith.constant 1024 : i32
    %dma_start3A_268 = tpu.memref_slice %arg35[%dma_start3A_267] : memref<3840xi32, #tpu.memory_space<vmem>> -> memref<128xi32, #tpu.memory_space<vmem>>
    %dma_start3A_269 = arith.constant 0 : i32
    %dma_start3A_270 = tpu.memref_slice %arg13[%dma_start3A_269] : memref<13776xf32, #tpu.memory_space<hbm>> -> memref<13776xf32, #tpu.memory_space<hbm>>
    tpu.enqueue_indirect_dma source(%dma_start3A_270 : memref<13776xf32, #tpu.memory_space<hbm>>) target(%dma_start3A_266 : memref<128xf32, #tpu.memory_space<vmem>>) offsets(%dma_start3A_268 : memref<128xi32, #tpu.memory_space<vmem>>) semaphore(%arg36 : memref<!tpu.dma_semaphore, #tpu.memory_space<semaphore_mem>>)
    %dma_start3A_271 = arith.constant 3456 : i32
    %dma_start3A_272 = tpu.memref_slice %arg34[%dma_start3A_271] : memref<11008xf32, #tpu.memory_space<vmem>> -> memref<128xf32, #tpu.memory_space<vmem>>
    %dma_start3A_273 = arith.constant 1152 : i32
    %dma_start3A_274 = tpu.memref_slice %arg35[%dma_start3A_273] : memref<3840xi32, #tpu.memory_space<vmem>> -> memref<128xi32, #tpu.memory_space<vmem>>
    %dma_start3A_275 = arith.constant 0 : i32
    %dma_start3A_276 = tpu.memref_slice %arg13[%dma_start3A_275] : memref<13776xf32, #tpu.memory_space<hbm>> -> memref<13776xf32, #tpu.memory_space<hbm>>
    tpu.enqueue_indirect_dma source(%dma_start3A_276 : memref<13776xf32, #tpu.memory_space<hbm>>) target(%dma_start3A_272 : memref<128xf32, #tpu.memory_space<vmem>>) offsets(%dma_start3A_274 : memref<128xi32, #tpu.memory_space<vmem>>) semaphore(%arg36 : memref<!tpu.dma_semaphore, #tpu.memory_space<semaphore_mem>>)
    %dma_start3A_277 = arith.constant 3584 : i32
    %dma_start3A_278 = tpu.memref_slice %arg34[%dma_start3A_277] : memref<11008xf32, #tpu.memory_space<vmem>> -> memref<128xf32, #tpu.memory_space<vmem>>
    %dma_start3A_279 = arith.constant 1024 : i32
    %dma_start3A_280 = tpu.memref_slice %arg35[%dma_start3A_279] : memref<3840xi32, #tpu.memory_space<vmem>> -> memref<128xi32, #tpu.memory_space<vmem>>
    %dma_start3A_281 = arith.constant 0 : i32
    %dma_start3A_282 = tpu.memref_slice %arg14[%dma_start3A_281] : memref<13776xf32, #tpu.memory_space<hbm>> -> memref<13776xf32, #tpu.memory_space<hbm>>
    tpu.enqueue_indirect_dma source(%dma_start3A_282 : memref<13776xf32, #tpu.memory_space<hbm>>) target(%dma_start3A_278 : memref<128xf32, #tpu.memory_space<vmem>>) offsets(%dma_start3A_280 : memref<128xi32, #tpu.memory_space<vmem>>) semaphore(%arg36 : memref<!tpu.dma_semaphore, #tpu.memory_space<semaphore_mem>>)
    %dma_start3A_283 = arith.constant 3712 : i32
    %dma_start3A_284 = tpu.memref_slice %arg34[%dma_start3A_283] : memref<11008xf32, #tpu.memory_space<vmem>> -> memref<128xf32, #tpu.memory_space<vmem>>
    %dma_start3A_285 = arith.constant 1152 : i32
    %dma_start3A_286 = tpu.memref_slice %arg35[%dma_start3A_285] : memref<3840xi32, #tpu.memory_space<vmem>> -> memref<128xi32, #tpu.memory_space<vmem>>
    %dma_start3A_287 = arith.constant 0 : i32
    %dma_start3A_288 = tpu.memref_slice %arg14[%dma_start3A_287] : memref<13776xf32, #tpu.memory_space<hbm>> -> memref<13776xf32, #tpu.memory_space<hbm>>
    tpu.enqueue_indirect_dma source(%dma_start3A_288 : memref<13776xf32, #tpu.memory_space<hbm>>) target(%dma_start3A_284 : memref<128xf32, #tpu.memory_space<vmem>>) offsets(%dma_start3A_286 : memref<128xi32, #tpu.memory_space<vmem>>) semaphore(%arg36 : memref<!tpu.dma_semaphore, #tpu.memory_space<semaphore_mem>>)
    %dma_start3A_289 = arith.constant 3840 : i32
    %dma_start3A_290 = tpu.memref_slice %arg34[%dma_start3A_289] : memref<11008xf32, #tpu.memory_space<vmem>> -> memref<128xf32, #tpu.memory_space<vmem>>
    %dma_start3A_291 = arith.constant 1280 : i32
    %dma_start3A_292 = tpu.memref_slice %arg35[%dma_start3A_291] : memref<3840xi32, #tpu.memory_space<vmem>> -> memref<128xi32, #tpu.memory_space<vmem>>
    %dma_start3A_293 = arith.constant 0 : i32
    %dma_start3A_294 = tpu.memref_slice %arg12[%dma_start3A_293] : memref<13776xf32, #tpu.memory_space<hbm>> -> memref<13776xf32, #tpu.memory_space<hbm>>
    tpu.enqueue_indirect_dma source(%dma_start3A_294 : memref<13776xf32, #tpu.memory_space<hbm>>) target(%dma_start3A_290 : memref<128xf32, #tpu.memory_space<vmem>>) offsets(%dma_start3A_292 : memref<128xi32, #tpu.memory_space<vmem>>) semaphore(%arg36 : memref<!tpu.dma_semaphore, #tpu.memory_space<semaphore_mem>>)
    %dma_start3A_295 = arith.constant 3968 : i32
    %dma_start3A_296 = tpu.memref_slice %arg34[%dma_start3A_295] : memref<11008xf32, #tpu.memory_space<vmem>> -> memref<128xf32, #tpu.memory_space<vmem>>
    %dma_start3A_297 = arith.constant 1408 : i32
    %dma_start3A_298 = tpu.memref_slice %arg35[%dma_start3A_297] : memref<3840xi32, #tpu.memory_space<vmem>> -> memref<128xi32, #tpu.memory_space<vmem>>
    %dma_start3A_299 = arith.constant 0 : i32
    %dma_start3A_300 = tpu.memref_slice %arg12[%dma_start3A_299] : memref<13776xf32, #tpu.memory_space<hbm>> -> memref<13776xf32, #tpu.memory_space<hbm>>
    tpu.enqueue_indirect_dma source(%dma_start3A_300 : memref<13776xf32, #tpu.memory_space<hbm>>) target(%dma_start3A_296 : memref<128xf32, #tpu.memory_space<vmem>>) offsets(%dma_start3A_298 : memref<128xi32, #tpu.memory_space<vmem>>) semaphore(%arg36 : memref<!tpu.dma_semaphore, #tpu.memory_space<semaphore_mem>>)
    %dma_start3A_301 = arith.constant 4096 : i32
    %dma_start3A_302 = tpu.memref_slice %arg34[%dma_start3A_301] : memref<11008xf32, #tpu.memory_space<vmem>> -> memref<128xf32, #tpu.memory_space<vmem>>
    %dma_start3A_303 = arith.constant 1280 : i32
    %dma_start3A_304 = tpu.memref_slice %arg35[%dma_start3A_303] : memref<3840xi32, #tpu.memory_space<vmem>> -> memref<128xi32, #tpu.memory_space<vmem>>
    %dma_start3A_305 = arith.constant 0 : i32
    %dma_start3A_306 = tpu.memref_slice %arg13[%dma_start3A_305] : memref<13776xf32, #tpu.memory_space<hbm>> -> memref<13776xf32, #tpu.memory_space<hbm>>
    tpu.enqueue_indirect_dma source(%dma_start3A_306 : memref<13776xf32, #tpu.memory_space<hbm>>) target(%dma_start3A_302 : memref<128xf32, #tpu.memory_space<vmem>>) offsets(%dma_start3A_304 : memref<128xi32, #tpu.memory_space<vmem>>) semaphore(%arg36 : memref<!tpu.dma_semaphore, #tpu.memory_space<semaphore_mem>>)
    %dma_start3A_307 = arith.constant 4224 : i32
    %dma_start3A_308 = tpu.memref_slice %arg34[%dma_start3A_307] : memref<11008xf32, #tpu.memory_space<vmem>> -> memref<128xf32, #tpu.memory_space<vmem>>
    %dma_start3A_309 = arith.constant 1408 : i32
    %dma_start3A_310 = tpu.memref_slice %arg35[%dma_start3A_309] : memref<3840xi32, #tpu.memory_space<vmem>> -> memref<128xi32, #tpu.memory_space<vmem>>
    %dma_start3A_311 = arith.constant 0 : i32
    %dma_start3A_312 = tpu.memref_slice %arg13[%dma_start3A_311] : memref<13776xf32, #tpu.memory_space<hbm>> -> memref<13776xf32, #tpu.memory_space<hbm>>
    tpu.enqueue_indirect_dma source(%dma_start3A_312 : memref<13776xf32, #tpu.memory_space<hbm>>) target(%dma_start3A_308 : memref<128xf32, #tpu.memory_space<vmem>>) offsets(%dma_start3A_310 : memref<128xi32, #tpu.memory_space<vmem>>) semaphore(%arg36 : memref<!tpu.dma_semaphore, #tpu.memory_space<semaphore_mem>>)
    %dma_start3A_313 = arith.constant 4352 : i32
    %dma_start3A_314 = tpu.memref_slice %arg34[%dma_start3A_313] : memref<11008xf32, #tpu.memory_space<vmem>> -> memref<128xf32, #tpu.memory_space<vmem>>
    %dma_start3A_315 = arith.constant 1280 : i32
    %dma_start3A_316 = tpu.memref_slice %arg35[%dma_start3A_315] : memref<3840xi32, #tpu.memory_space<vmem>> -> memref<128xi32, #tpu.memory_space<vmem>>
    %dma_start3A_317 = arith.constant 0 : i32
    %dma_start3A_318 = tpu.memref_slice %arg14[%dma_start3A_317] : memref<13776xf32, #tpu.memory_space<hbm>> -> memref<13776xf32, #tpu.memory_space<hbm>>
    tpu.enqueue_indirect_dma source(%dma_start3A_318 : memref<13776xf32, #tpu.memory_space<hbm>>) target(%dma_start3A_314 : memref<128xf32, #tpu.memory_space<vmem>>) offsets(%dma_start3A_316 : memref<128xi32, #tpu.memory_space<vmem>>) semaphore(%arg36 : memref<!tpu.dma_semaphore, #tpu.memory_space<semaphore_mem>>)
    %dma_start3A_319 = arith.constant 4480 : i32
    %dma_start3A_320 = tpu.memref_slice %arg34[%dma_start3A_319] : memref<11008xf32, #tpu.memory_space<vmem>> -> memref<128xf32, #tpu.memory_space<vmem>>
    %dma_start3A_321 = arith.constant 1408 : i32
    %dma_start3A_322 = tpu.memref_slice %arg35[%dma_start3A_321] : memref<3840xi32, #tpu.memory_space<vmem>> -> memref<128xi32, #tpu.memory_space<vmem>>
    %dma_start3A_323 = arith.constant 0 : i32
    %dma_start3A_324 = tpu.memref_slice %arg14[%dma_start3A_323] : memref<13776xf32, #tpu.memory_space<hbm>> -> memref<13776xf32, #tpu.memory_space<hbm>>
    tpu.enqueue_indirect_dma source(%dma_start3A_324 : memref<13776xf32, #tpu.memory_space<hbm>>) target(%dma_start3A_320 : memref<128xf32, #tpu.memory_space<vmem>>) offsets(%dma_start3A_322 : memref<128xi32, #tpu.memory_space<vmem>>) semaphore(%arg36 : memref<!tpu.dma_semaphore, #tpu.memory_space<semaphore_mem>>)
    %dma_start3A_325 = arith.constant 4608 : i32
    %dma_start3A_326 = tpu.memref_slice %arg34[%dma_start3A_325] : memref<11008xf32, #tpu.memory_space<vmem>> -> memref<128xf32, #tpu.memory_space<vmem>>
    %dma_start3A_327 = arith.constant 1536 : i32
    %dma_start3A_328 = tpu.memref_slice %arg35[%dma_start3A_327] : memref<3840xi32, #tpu.memory_space<vmem>> -> memref<128xi32, #tpu.memory_space<vmem>>
    %dma_start3A_329 = arith.constant 0 : i32
    %dma_start3A_330 = tpu.memref_slice %arg12[%dma_start3A_329] : memref<13776xf32, #tpu.memory_space<hbm>> -> memref<13776xf32, #tpu.memory_space<hbm>>
    tpu.enqueue_indirect_dma source(%dma_start3A_330 : memref<13776xf32, #tpu.memory_space<hbm>>) target(%dma_start3A_326 : memref<128xf32, #tpu.memory_space<vmem>>) offsets(%dma_start3A_328 : memref<128xi32, #tpu.memory_space<vmem>>) semaphore(%arg36 : memref<!tpu.dma_semaphore, #tpu.memory_space<semaphore_mem>>)
    %dma_start3A_331 = arith.constant 4736 : i32
    %dma_start3A_332 = tpu.memref_slice %arg34[%dma_start3A_331] : memref<11008xf32, #tpu.memory_space<vmem>> -> memref<128xf32, #tpu.memory_space<vmem>>
    %dma_start3A_333 = arith.constant 1664 : i32
    %dma_start3A_334 = tpu.memref_slice %arg35[%dma_start3A_333] : memref<3840xi32, #tpu.memory_space<vmem>> -> memref<128xi32, #tpu.memory_space<vmem>>
    %dma_start3A_335 = arith.constant 0 : i32
    %dma_start3A_336 = tpu.memref_slice %arg12[%dma_start3A_335] : memref<13776xf32, #tpu.memory_space<hbm>> -> memref<13776xf32, #tpu.memory_space<hbm>>
    tpu.enqueue_indirect_dma source(%dma_start3A_336 : memref<13776xf32, #tpu.memory_space<hbm>>) target(%dma_start3A_332 : memref<128xf32, #tpu.memory_space<vmem>>) offsets(%dma_start3A_334 : memref<128xi32, #tpu.memory_space<vmem>>) semaphore(%arg36 : memref<!tpu.dma_semaphore, #tpu.memory_space<semaphore_mem>>)
    %dma_start3A_337 = arith.constant 4864 : i32
    %dma_start3A_338 = tpu.memref_slice %arg34[%dma_start3A_337] : memref<11008xf32, #tpu.memory_space<vmem>> -> memref<128xf32, #tpu.memory_space<vmem>>
    %dma_start3A_339 = arith.constant 1536 : i32
    %dma_start3A_340 = tpu.memref_slice %arg35[%dma_start3A_339] : memref<3840xi32, #tpu.memory_space<vmem>> -> memref<128xi32, #tpu.memory_space<vmem>>
    %dma_start3A_341 = arith.constant 0 : i32
    %dma_start3A_342 = tpu.memref_slice %arg13[%dma_start3A_341] : memref<13776xf32, #tpu.memory_space<hbm>> -> memref<13776xf32, #tpu.memory_space<hbm>>
    tpu.enqueue_indirect_dma source(%dma_start3A_342 : memref<13776xf32, #tpu.memory_space<hbm>>) target(%dma_start3A_338 : memref<128xf32, #tpu.memory_space<vmem>>) offsets(%dma_start3A_340 : memref<128xi32, #tpu.memory_space<vmem>>) semaphore(%arg36 : memref<!tpu.dma_semaphore, #tpu.memory_space<semaphore_mem>>)
    %dma_start3A_343 = arith.constant 4992 : i32
    %dma_start3A_344 = tpu.memref_slice %arg34[%dma_start3A_343] : memref<11008xf32, #tpu.memory_space<vmem>> -> memref<128xf32, #tpu.memory_space<vmem>>
    %dma_start3A_345 = arith.constant 1664 : i32
    %dma_start3A_346 = tpu.memref_slice %arg35[%dma_start3A_345] : memref<3840xi32, #tpu.memory_space<vmem>> -> memref<128xi32, #tpu.memory_space<vmem>>
    %dma_start3A_347 = arith.constant 0 : i32
    %dma_start3A_348 = tpu.memref_slice %arg13[%dma_start3A_347] : memref<13776xf32, #tpu.memory_space<hbm>> -> memref<13776xf32, #tpu.memory_space<hbm>>
    tpu.enqueue_indirect_dma source(%dma_start3A_348 : memref<13776xf32, #tpu.memory_space<hbm>>) target(%dma_start3A_344 : memref<128xf32, #tpu.memory_space<vmem>>) offsets(%dma_start3A_346 : memref<128xi32, #tpu.memory_space<vmem>>) semaphore(%arg36 : memref<!tpu.dma_semaphore, #tpu.memory_space<semaphore_mem>>)
    %dma_start3A_349 = arith.constant 5120 : i32
    %dma_start3A_350 = tpu.memref_slice %arg34[%dma_start3A_349] : memref<11008xf32, #tpu.memory_space<vmem>> -> memref<128xf32, #tpu.memory_space<vmem>>
    %dma_start3A_351 = arith.constant 1536 : i32
    %dma_start3A_352 = tpu.memref_slice %arg35[%dma_start3A_351] : memref<3840xi32, #tpu.memory_space<vmem>> -> memref<128xi32, #tpu.memory_space<vmem>>
    %dma_start3A_353 = arith.constant 0 : i32
    %dma_start3A_354 = tpu.memref_slice %arg14[%dma_start3A_353] : memref<13776xf32, #tpu.memory_space<hbm>> -> memref<13776xf32, #tpu.memory_space<hbm>>
    tpu.enqueue_indirect_dma source(%dma_start3A_354 : memref<13776xf32, #tpu.memory_space<hbm>>) target(%dma_start3A_350 : memref<128xf32, #tpu.memory_space<vmem>>) offsets(%dma_start3A_352 : memref<128xi32, #tpu.memory_space<vmem>>) semaphore(%arg36 : memref<!tpu.dma_semaphore, #tpu.memory_space<semaphore_mem>>)
    %dma_start3A_355 = arith.constant 5248 : i32
    %dma_start3A_356 = tpu.memref_slice %arg34[%dma_start3A_355] : memref<11008xf32, #tpu.memory_space<vmem>> -> memref<128xf32, #tpu.memory_space<vmem>>
    %dma_start3A_357 = arith.constant 1664 : i32
    %dma_start3A_358 = tpu.memref_slice %arg35[%dma_start3A_357] : memref<3840xi32, #tpu.memory_space<vmem>> -> memref<128xi32, #tpu.memory_space<vmem>>
    %dma_start3A_359 = arith.constant 0 : i32
    %dma_start3A_360 = tpu.memref_slice %arg14[%dma_start3A_359] : memref<13776xf32, #tpu.memory_space<hbm>> -> memref<13776xf32, #tpu.memory_space<hbm>>
    tpu.enqueue_indirect_dma source(%dma_start3A_360 : memref<13776xf32, #tpu.memory_space<hbm>>) target(%dma_start3A_356 : memref<128xf32, #tpu.memory_space<vmem>>) offsets(%dma_start3A_358 : memref<128xi32, #tpu.memory_space<vmem>>) semaphore(%arg36 : memref<!tpu.dma_semaphore, #tpu.memory_space<semaphore_mem>>)
    %dma_wait3A_361 = arith.constant 768 : i32
    %dma_wait3A_362 = tpu.memref_slice %arg34[%dma_wait3A_361] : memref<11008xf32, #tpu.memory_space<vmem>> -> memref<128xf32, #tpu.memory_space<vmem>>
    %dma_wait3A_363 = arith.constant 256 : i32
    %dma_wait3A_364 = tpu.memref_slice %arg35[%dma_wait3A_363] : memref<3840xi32, #tpu.memory_space<vmem>> -> memref<128xi32, #tpu.memory_space<vmem>>
    %dma_wait3A_365 = arith.constant 0 : i32
    %dma_wait3A_366 = tpu.memref_slice %arg12[%dma_wait3A_365] : memref<13776xf32, #tpu.memory_space<hbm>> -> memref<13776xf32, #tpu.memory_space<hbm>>
    tpu.wait_indirect_dma semaphore(%arg36 : memref<!tpu.dma_semaphore, #tpu.memory_space<semaphore_mem>>) src(%dma_wait3A_366 : memref<13776xf32, #tpu.memory_space<hbm>>) dst(%dma_wait3A_362 : memref<128xf32, #tpu.memory_space<vmem>>)
    %dma_wait3A_367 = arith.constant 896 : i32
    %dma_wait3A_368 = tpu.memref_slice %arg34[%dma_wait3A_367] : memref<11008xf32, #tpu.memory_space<vmem>> -> memref<128xf32, #tpu.memory_space<vmem>>
    %dma_wait3A_369 = arith.constant 384 : i32
    %dma_wait3A_370 = tpu.memref_slice %arg35[%dma_wait3A_369] : memref<3840xi32, #tpu.memory_space<vmem>> -> memref<128xi32, #tpu.memory_space<vmem>>
    %dma_wait3A_371 = arith.constant 0 : i32
    %dma_wait3A_372 = tpu.memref_slice %arg12[%dma_wait3A_371] : memref<13776xf32, #tpu.memory_space<hbm>> -> memref<13776xf32, #tpu.memory_space<hbm>>
    tpu.wait_indirect_dma semaphore(%arg36 : memref<!tpu.dma_semaphore, #tpu.memory_space<semaphore_mem>>) src(%dma_wait3A_372 : memref<13776xf32, #tpu.memory_space<hbm>>) dst(%dma_wait3A_368 : memref<128xf32, #tpu.memory_space<vmem>>)
    %dma_wait3A_373 = arith.constant 1024 : i32
    %dma_wait3A_374 = tpu.memref_slice %arg34[%dma_wait3A_373] : memref<11008xf32, #tpu.memory_space<vmem>> -> memref<128xf32, #tpu.memory_space<vmem>>
    %dma_wait3A_375 = arith.constant 256 : i32
    %dma_wait3A_376 = tpu.memref_slice %arg35[%dma_wait3A_375] : memref<3840xi32, #tpu.memory_space<vmem>> -> memref<128xi32, #tpu.memory_space<vmem>>
    %dma_wait3A_377 = arith.constant 0 : i32
    %dma_wait3A_378 = tpu.memref_slice %arg13[%dma_wait3A_377] : memref<13776xf32, #tpu.memory_space<hbm>> -> memref<13776xf32, #tpu.memory_space<hbm>>
    tpu.wait_indirect_dma semaphore(%arg36 : memref<!tpu.dma_semaphore, #tpu.memory_space<semaphore_mem>>) src(%dma_wait3A_378 : memref<13776xf32, #tpu.memory_space<hbm>>) dst(%dma_wait3A_374 : memref<128xf32, #tpu.memory_space<vmem>>)
    %dma_wait3A_379 = arith.constant 1152 : i32
    %dma_wait3A_380 = tpu.memref_slice %arg34[%dma_wait3A_379] : memref<11008xf32, #tpu.memory_space<vmem>> -> memref<128xf32, #tpu.memory_space<vmem>>
    %dma_wait3A_381 = arith.constant 384 : i32
    %dma_wait3A_382 = tpu.memref_slice %arg35[%dma_wait3A_381] : memref<3840xi32, #tpu.memory_space<vmem>> -> memref<128xi32, #tpu.memory_space<vmem>>
    %dma_wait3A_383 = arith.constant 0 : i32
    %dma_wait3A_384 = tpu.memref_slice %arg13[%dma_wait3A_383] : memref<13776xf32, #tpu.memory_space<hbm>> -> memref<13776xf32, #tpu.memory_space<hbm>>
    tpu.wait_indirect_dma semaphore(%arg36 : memref<!tpu.dma_semaphore, #tpu.memory_space<semaphore_mem>>) src(%dma_wait3A_384 : memref<13776xf32, #tpu.memory_space<hbm>>) dst(%dma_wait3A_380 : memref<128xf32, #tpu.memory_space<vmem>>)
    %dma_wait3A_385 = arith.constant 1280 : i32
    %dma_wait3A_386 = tpu.memref_slice %arg34[%dma_wait3A_385] : memref<11008xf32, #tpu.memory_space<vmem>> -> memref<128xf32, #tpu.memory_space<vmem>>
    %dma_wait3A_387 = arith.constant 256 : i32
    %dma_wait3A_388 = tpu.memref_slice %arg35[%dma_wait3A_387] : memref<3840xi32, #tpu.memory_space<vmem>> -> memref<128xi32, #tpu.memory_space<vmem>>
    %dma_wait3A_389 = arith.constant 0 : i32
    %dma_wait3A_390 = tpu.memref_slice %arg14[%dma_wait3A_389] : memref<13776xf32, #tpu.memory_space<hbm>> -> memref<13776xf32, #tpu.memory_space<hbm>>
    tpu.wait_indirect_dma semaphore(%arg36 : memref<!tpu.dma_semaphore, #tpu.memory_space<semaphore_mem>>) src(%dma_wait3A_390 : memref<13776xf32, #tpu.memory_space<hbm>>) dst(%dma_wait3A_386 : memref<128xf32, #tpu.memory_space<vmem>>)
    %dma_wait3A_391 = arith.constant 1408 : i32
    %dma_wait3A_392 = tpu.memref_slice %arg34[%dma_wait3A_391] : memref<11008xf32, #tpu.memory_space<vmem>> -> memref<128xf32, #tpu.memory_space<vmem>>
    %dma_wait3A_393 = arith.constant 384 : i32
    %dma_wait3A_394 = tpu.memref_slice %arg35[%dma_wait3A_393] : memref<3840xi32, #tpu.memory_space<vmem>> -> memref<128xi32, #tpu.memory_space<vmem>>
    %dma_wait3A_395 = arith.constant 0 : i32
    %dma_wait3A_396 = tpu.memref_slice %arg14[%dma_wait3A_395] : memref<13776xf32, #tpu.memory_space<hbm>> -> memref<13776xf32, #tpu.memory_space<hbm>>
    tpu.wait_indirect_dma semaphore(%arg36 : memref<!tpu.dma_semaphore, #tpu.memory_space<semaphore_mem>>) src(%dma_wait3A_396 : memref<13776xf32, #tpu.memory_space<hbm>>) dst(%dma_wait3A_392 : memref<128xf32, #tpu.memory_space<vmem>>)
    %dma_wait3A_397 = arith.constant 1536 : i32
    %dma_wait3A_398 = tpu.memref_slice %arg34[%dma_wait3A_397] : memref<11008xf32, #tpu.memory_space<vmem>> -> memref<128xf32, #tpu.memory_space<vmem>>
    %dma_wait3A_399 = arith.constant 512 : i32
    %dma_wait3A_400 = tpu.memref_slice %arg35[%dma_wait3A_399] : memref<3840xi32, #tpu.memory_space<vmem>> -> memref<128xi32, #tpu.memory_space<vmem>>
    %dma_wait3A_401 = arith.constant 0 : i32
    %dma_wait3A_402 = tpu.memref_slice %arg12[%dma_wait3A_401] : memref<13776xf32, #tpu.memory_space<hbm>> -> memref<13776xf32, #tpu.memory_space<hbm>>
    tpu.wait_indirect_dma semaphore(%arg36 : memref<!tpu.dma_semaphore, #tpu.memory_space<semaphore_mem>>) src(%dma_wait3A_402 : memref<13776xf32, #tpu.memory_space<hbm>>) dst(%dma_wait3A_398 : memref<128xf32, #tpu.memory_space<vmem>>)
    %dma_wait3A_403 = arith.constant 1664 : i32
    %dma_wait3A_404 = tpu.memref_slice %arg34[%dma_wait3A_403] : memref<11008xf32, #tpu.memory_space<vmem>> -> memref<128xf32, #tpu.memory_space<vmem>>
    %dma_wait3A_405 = arith.constant 640 : i32
    %dma_wait3A_406 = tpu.memref_slice %arg35[%dma_wait3A_405] : memref<3840xi32, #tpu.memory_space<vmem>> -> memref<128xi32, #tpu.memory_space<vmem>>
    %dma_wait3A_407 = arith.constant 0 : i32
    %dma_wait3A_408 = tpu.memref_slice %arg12[%dma_wait3A_407] : memref<13776xf32, #tpu.memory_space<hbm>> -> memref<13776xf32, #tpu.memory_space<hbm>>
    tpu.wait_indirect_dma semaphore(%arg36 : memref<!tpu.dma_semaphore, #tpu.memory_space<semaphore_mem>>) src(%dma_wait3A_408 : memref<13776xf32, #tpu.memory_space<hbm>>) dst(%dma_wait3A_404 : memref<128xf32, #tpu.memory_space<vmem>>)
    %dma_wait3A_409 = arith.constant 1792 : i32
    %dma_wait3A_410 = tpu.memref_slice %arg34[%dma_wait3A_409] : memref<11008xf32, #tpu.memory_space<vmem>> -> memref<128xf32, #tpu.memory_space<vmem>>
    %dma_wait3A_411 = arith.constant 512 : i32
    %dma_wait3A_412 = tpu.memref_slice %arg35[%dma_wait3A_411] : memref<3840xi32, #tpu.memory_space<vmem>> -> memref<128xi32, #tpu.memory_space<vmem>>
    %dma_wait3A_413 = arith.constant 0 : i32
    %dma_wait3A_414 = tpu.memref_slice %arg13[%dma_wait3A_413] : memref<13776xf32, #tpu.memory_space<hbm>> -> memref<13776xf32, #tpu.memory_space<hbm>>
    tpu.wait_indirect_dma semaphore(%arg36 : memref<!tpu.dma_semaphore, #tpu.memory_space<semaphore_mem>>) src(%dma_wait3A_414 : memref<13776xf32, #tpu.memory_space<hbm>>) dst(%dma_wait3A_410 : memref<128xf32, #tpu.memory_space<vmem>>)
    %dma_wait3A_415 = arith.constant 1920 : i32
    %dma_wait3A_416 = tpu.memref_slice %arg34[%dma_wait3A_415] : memref<11008xf32, #tpu.memory_space<vmem>> -> memref<128xf32, #tpu.memory_space<vmem>>
    %dma_wait3A_417 = arith.constant 640 : i32
    %dma_wait3A_418 = tpu.memref_slice %arg35[%dma_wait3A_417] : memref<3840xi32, #tpu.memory_space<vmem>> -> memref<128xi32, #tpu.memory_space<vmem>>
    %dma_wait3A_419 = arith.constant 0 : i32
    %dma_wait3A_420 = tpu.memref_slice %arg13[%dma_wait3A_419] : memref<13776xf32, #tpu.memory_space<hbm>> -> memref<13776xf32, #tpu.memory_space<hbm>>
    tpu.wait_indirect_dma semaphore(%arg36 : memref<!tpu.dma_semaphore, #tpu.memory_space<semaphore_mem>>) src(%dma_wait3A_420 : memref<13776xf32, #tpu.memory_space<hbm>>) dst(%dma_wait3A_416 : memref<128xf32, #tpu.memory_space<vmem>>)
    %dma_wait3A_421 = arith.constant 2048 : i32
    %dma_wait3A_422 = tpu.memref_slice %arg34[%dma_wait3A_421] : memref<11008xf32, #tpu.memory_space<vmem>> -> memref<128xf32, #tpu.memory_space<vmem>>
    %dma_wait3A_423 = arith.constant 512 : i32
    %dma_wait3A_424 = tpu.memref_slice %arg35[%dma_wait3A_423] : memref<3840xi32, #tpu.memory_space<vmem>> -> memref<128xi32, #tpu.memory_space<vmem>>
    %dma_wait3A_425 = arith.constant 0 : i32
    %dma_wait3A_426 = tpu.memref_slice %arg14[%dma_wait3A_425] : memref<13776xf32, #tpu.memory_space<hbm>> -> memref<13776xf32, #tpu.memory_space<hbm>>
    tpu.wait_indirect_dma semaphore(%arg36 : memref<!tpu.dma_semaphore, #tpu.memory_space<semaphore_mem>>) src(%dma_wait3A_426 : memref<13776xf32, #tpu.memory_space<hbm>>) dst(%dma_wait3A_422 : memref<128xf32, #tpu.memory_space<vmem>>)
    %dma_wait3A_427 = arith.constant 2176 : i32
    %dma_wait3A_428 = tpu.memref_slice %arg34[%dma_wait3A_427] : memref<11008xf32, #tpu.memory_space<vmem>> -> memref<128xf32, #tpu.memory_space<vmem>>
    %dma_wait3A_429 = arith.constant 640 : i32
    %dma_wait3A_430 = tpu.memref_slice %arg35[%dma_wait3A_429] : memref<3840xi32, #tpu.memory_space<vmem>> -> memref<128xi32, #tpu.memory_space<vmem>>
    %dma_wait3A_431 = arith.constant 0 : i32
    %dma_wait3A_432 = tpu.memref_slice %arg14[%dma_wait3A_431] : memref<13776xf32, #tpu.memory_space<hbm>> -> memref<13776xf32, #tpu.memory_space<hbm>>
    tpu.wait_indirect_dma semaphore(%arg36 : memref<!tpu.dma_semaphore, #tpu.memory_space<semaphore_mem>>) src(%dma_wait3A_432 : memref<13776xf32, #tpu.memory_space<hbm>>) dst(%dma_wait3A_428 : memref<128xf32, #tpu.memory_space<vmem>>)
    %dma_wait3A_433 = arith.constant 2304 : i32
    %dma_wait3A_434 = tpu.memref_slice %arg34[%dma_wait3A_433] : memref<11008xf32, #tpu.memory_space<vmem>> -> memref<128xf32, #tpu.memory_space<vmem>>
    %dma_wait3A_435 = arith.constant 768 : i32
    %dma_wait3A_436 = tpu.memref_slice %arg35[%dma_wait3A_435] : memref<3840xi32, #tpu.memory_space<vmem>> -> memref<128xi32, #tpu.memory_space<vmem>>
    %dma_wait3A_437 = arith.constant 0 : i32
    %dma_wait3A_438 = tpu.memref_slice %arg12[%dma_wait3A_437] : memref<13776xf32, #tpu.memory_space<hbm>> -> memref<13776xf32, #tpu.memory_space<hbm>>
    tpu.wait_indirect_dma semaphore(%arg36 : memref<!tpu.dma_semaphore, #tpu.memory_space<semaphore_mem>>) src(%dma_wait3A_438 : memref<13776xf32, #tpu.memory_space<hbm>>) dst(%dma_wait3A_434 : memref<128xf32, #tpu.memory_space<vmem>>)
    %dma_wait3A_439 = arith.constant 2432 : i32
    %dma_wait3A_440 = tpu.memref_slice %arg34[%dma_wait3A_439] : memref<11008xf32, #tpu.memory_space<vmem>> -> memref<128xf32, #tpu.memory_space<vmem>>
    %dma_wait3A_441 = arith.constant 896 : i32
    %dma_wait3A_442 = tpu.memref_slice %arg35[%dma_wait3A_441] : memref<3840xi32, #tpu.memory_space<vmem>> -> memref<128xi32, #tpu.memory_space<vmem>>
    %dma_wait3A_443 = arith.constant 0 : i32
    %dma_wait3A_444 = tpu.memref_slice %arg12[%dma_wait3A_443] : memref<13776xf32, #tpu.memory_space<hbm>> -> memref<13776xf32, #tpu.memory_space<hbm>>
    tpu.wait_indirect_dma semaphore(%arg36 : memref<!tpu.dma_semaphore, #tpu.memory_space<semaphore_mem>>) src(%dma_wait3A_444 : memref<13776xf32, #tpu.memory_space<hbm>>) dst(%dma_wait3A_440 : memref<128xf32, #tpu.memory_space<vmem>>)
    %dma_wait3A_445 = arith.constant 2560 : i32
    %dma_wait3A_446 = tpu.memref_slice %arg34[%dma_wait3A_445] : memref<11008xf32, #tpu.memory_space<vmem>> -> memref<128xf32, #tpu.memory_space<vmem>>
    %dma_wait3A_447 = arith.constant 768 : i32
    %dma_wait3A_448 = tpu.memref_slice %arg35[%dma_wait3A_447] : memref<3840xi32, #tpu.memory_space<vmem>> -> memref<128xi32, #tpu.memory_space<vmem>>
    %dma_wait3A_449 = arith.constant 0 : i32
    %dma_wait3A_450 = tpu.memref_slice %arg13[%dma_wait3A_449] : memref<13776xf32, #tpu.memory_space<hbm>> -> memref<13776xf32, #tpu.memory_space<hbm>>
    tpu.wait_indirect_dma semaphore(%arg36 : memref<!tpu.dma_semaphore, #tpu.memory_space<semaphore_mem>>) src(%dma_wait3A_450 : memref<13776xf32, #tpu.memory_space<hbm>>) dst(%dma_wait3A_446 : memref<128xf32, #tpu.memory_space<vmem>>)
    %dma_wait3A_451 = arith.constant 2688 : i32
    %dma_wait3A_452 = tpu.memref_slice %arg34[%dma_wait3A_451] : memref<11008xf32, #tpu.memory_space<vmem>> -> memref<128xf32, #tpu.memory_space<vmem>>
    %dma_wait3A_453 = arith.constant 896 : i32
    %dma_wait3A_454 = tpu.memref_slice %arg35[%dma_wait3A_453] : memref<3840xi32, #tpu.memory_space<vmem>> -> memref<128xi32, #tpu.memory_space<vmem>>
    %dma_wait3A_455 = arith.constant 0 : i32
    %dma_wait3A_456 = tpu.memref_slice %arg13[%dma_wait3A_455] : memref<13776xf32, #tpu.memory_space<hbm>> -> memref<13776xf32, #tpu.memory_space<hbm>>
    tpu.wait_indirect_dma semaphore(%arg36 : memref<!tpu.dma_semaphore, #tpu.memory_space<semaphore_mem>>) src(%dma_wait3A_456 : memref<13776xf32, #tpu.memory_space<hbm>>) dst(%dma_wait3A_452 : memref<128xf32, #tpu.memory_space<vmem>>)
    %dma_wait3A_457 = arith.constant 2816 : i32
    %dma_wait3A_458 = tpu.memref_slice %arg34[%dma_wait3A_457] : memref<11008xf32, #tpu.memory_space<vmem>> -> memref<128xf32, #tpu.memory_space<vmem>>
    %dma_wait3A_459 = arith.constant 768 : i32
    %dma_wait3A_460 = tpu.memref_slice %arg35[%dma_wait3A_459] : memref<3840xi32, #tpu.memory_space<vmem>> -> memref<128xi32, #tpu.memory_space<vmem>>
    %dma_wait3A_461 = arith.constant 0 : i32
    %dma_wait3A_462 = tpu.memref_slice %arg14[%dma_wait3A_461] : memref<13776xf32, #tpu.memory_space<hbm>> -> memref<13776xf32, #tpu.memory_space<hbm>>
    tpu.wait_indirect_dma semaphore(%arg36 : memref<!tpu.dma_semaphore, #tpu.memory_space<semaphore_mem>>) src(%dma_wait3A_462 : memref<13776xf32, #tpu.memory_space<hbm>>) dst(%dma_wait3A_458 : memref<128xf32, #tpu.memory_space<vmem>>)
    %dma_wait3A_463 = arith.constant 2944 : i32
    %dma_wait3A_464 = tpu.memref_slice %arg34[%dma_wait3A_463] : memref<11008xf32, #tpu.memory_space<vmem>> -> memref<128xf32, #tpu.memory_space<vmem>>
    %dma_wait3A_465 = arith.constant 896 : i32
    %dma_wait3A_466 = tpu.memref_slice %arg35[%dma_wait3A_465] : memref<3840xi32, #tpu.memory_space<vmem>> -> memref<128xi32, #tpu.memory_space<vmem>>
    %dma_wait3A_467 = arith.constant 0 : i32
    %dma_wait3A_468 = tpu.memref_slice %arg14[%dma_wait3A_467] : memref<13776xf32, #tpu.memory_space<hbm>> -> memref<13776xf32, #tpu.memory_space<hbm>>
    tpu.wait_indirect_dma semaphore(%arg36 : memref<!tpu.dma_semaphore, #tpu.memory_space<semaphore_mem>>) src(%dma_wait3A_468 : memref<13776xf32, #tpu.memory_space<hbm>>) dst(%dma_wait3A_464 : memref<128xf32, #tpu.memory_space<vmem>>)
    %dma_wait3A_469 = arith.constant 3072 : i32
    %dma_wait3A_470 = tpu.memref_slice %arg34[%dma_wait3A_469] : memref<11008xf32, #tpu.memory_space<vmem>> -> memref<128xf32, #tpu.memory_space<vmem>>
    %dma_wait3A_471 = arith.constant 1024 : i32
    %dma_wait3A_472 = tpu.memref_slice %arg35[%dma_wait3A_471] : memref<3840xi32, #tpu.memory_space<vmem>> -> memref<128xi32, #tpu.memory_space<vmem>>
    %dma_wait3A_473 = arith.constant 0 : i32
    %dma_wait3A_474 = tpu.memref_slice %arg12[%dma_wait3A_473] : memref<13776xf32, #tpu.memory_space<hbm>> -> memref<13776xf32, #tpu.memory_space<hbm>>
    tpu.wait_indirect_dma semaphore(%arg36 : memref<!tpu.dma_semaphore, #tpu.memory_space<semaphore_mem>>) src(%dma_wait3A_474 : memref<13776xf32, #tpu.memory_space<hbm>>) dst(%dma_wait3A_470 : memref<128xf32, #tpu.memory_space<vmem>>)
    %dma_wait3A_475 = arith.constant 3200 : i32
    %dma_wait3A_476 = tpu.memref_slice %arg34[%dma_wait3A_475] : memref<11008xf32, #tpu.memory_space<vmem>> -> memref<128xf32, #tpu.memory_space<vmem>>
    %dma_wait3A_477 = arith.constant 1152 : i32
    %dma_wait3A_478 = tpu.memref_slice %arg35[%dma_wait3A_477] : memref<3840xi32, #tpu.memory_space<vmem>> -> memref<128xi32, #tpu.memory_space<vmem>>
    %dma_wait3A_479 = arith.constant 0 : i32
    %dma_wait3A_480 = tpu.memref_slice %arg12[%dma_wait3A_479] : memref<13776xf32, #tpu.memory_space<hbm>> -> memref<13776xf32, #tpu.memory_space<hbm>>
    tpu.wait_indirect_dma semaphore(%arg36 : memref<!tpu.dma_semaphore, #tpu.memory_space<semaphore_mem>>) src(%dma_wait3A_480 : memref<13776xf32, #tpu.memory_space<hbm>>) dst(%dma_wait3A_476 : memref<128xf32, #tpu.memory_space<vmem>>)
    %dma_wait3A_481 = arith.constant 3328 : i32
    %dma_wait3A_482 = tpu.memref_slice %arg34[%dma_wait3A_481] : memref<11008xf32, #tpu.memory_space<vmem>> -> memref<128xf32, #tpu.memory_space<vmem>>
    %dma_wait3A_483 = arith.constant 1024 : i32
    %dma_wait3A_484 = tpu.memref_slice %arg35[%dma_wait3A_483] : memref<3840xi32, #tpu.memory_space<vmem>> -> memref<128xi32, #tpu.memory_space<vmem>>
    %dma_wait3A_485 = arith.constant 0 : i32
    %dma_wait3A_486 = tpu.memref_slice %arg13[%dma_wait3A_485] : memref<13776xf32, #tpu.memory_space<hbm>> -> memref<13776xf32, #tpu.memory_space<hbm>>
    tpu.wait_indirect_dma semaphore(%arg36 : memref<!tpu.dma_semaphore, #tpu.memory_space<semaphore_mem>>) src(%dma_wait3A_486 : memref<13776xf32, #tpu.memory_space<hbm>>) dst(%dma_wait3A_482 : memref<128xf32, #tpu.memory_space<vmem>>)
    %dma_wait3A_487 = arith.constant 3456 : i32
    %dma_wait3A_488 = tpu.memref_slice %arg34[%dma_wait3A_487] : memref<11008xf32, #tpu.memory_space<vmem>> -> memref<128xf32, #tpu.memory_space<vmem>>
    %dma_wait3A_489 = arith.constant 1152 : i32
    %dma_wait3A_490 = tpu.memref_slice %arg35[%dma_wait3A_489] : memref<3840xi32, #tpu.memory_space<vmem>> -> memref<128xi32, #tpu.memory_space<vmem>>
    %dma_wait3A_491 = arith.constant 0 : i32
    %dma_wait3A_492 = tpu.memref_slice %arg13[%dma_wait3A_491] : memref<13776xf32, #tpu.memory_space<hbm>> -> memref<13776xf32, #tpu.memory_space<hbm>>
    tpu.wait_indirect_dma semaphore(%arg36 : memref<!tpu.dma_semaphore, #tpu.memory_space<semaphore_mem>>) src(%dma_wait3A_492 : memref<13776xf32, #tpu.memory_space<hbm>>) dst(%dma_wait3A_488 : memref<128xf32, #tpu.memory_space<vmem>>)
    %dma_wait3A_493 = arith.constant 3584 : i32
    %dma_wait3A_494 = tpu.memref_slice %arg34[%dma_wait3A_493] : memref<11008xf32, #tpu.memory_space<vmem>> -> memref<128xf32, #tpu.memory_space<vmem>>
    %dma_wait3A_495 = arith.constant 1024 : i32
    %dma_wait3A_496 = tpu.memref_slice %arg35[%dma_wait3A_495] : memref<3840xi32, #tpu.memory_space<vmem>> -> memref<128xi32, #tpu.memory_space<vmem>>
    %dma_wait3A_497 = arith.constant 0 : i32
    %dma_wait3A_498 = tpu.memref_slice %arg14[%dma_wait3A_497] : memref<13776xf32, #tpu.memory_space<hbm>> -> memref<13776xf32, #tpu.memory_space<hbm>>
    tpu.wait_indirect_dma semaphore(%arg36 : memref<!tpu.dma_semaphore, #tpu.memory_space<semaphore_mem>>) src(%dma_wait3A_498 : memref<13776xf32, #tpu.memory_space<hbm>>) dst(%dma_wait3A_494 : memref<128xf32, #tpu.memory_space<vmem>>)
    %dma_wait3A_499 = arith.constant 3712 : i32
    %dma_wait3A_500 = tpu.memref_slice %arg34[%dma_wait3A_499] : memref<11008xf32, #tpu.memory_space<vmem>> -> memref<128xf32, #tpu.memory_space<vmem>>
    %dma_wait3A_501 = arith.constant 1152 : i32
    %dma_wait3A_502 = tpu.memref_slice %arg35[%dma_wait3A_501] : memref<3840xi32, #tpu.memory_space<vmem>> -> memref<128xi32, #tpu.memory_space<vmem>>
    %dma_wait3A_503 = arith.constant 0 : i32
    %dma_wait3A_504 = tpu.memref_slice %arg14[%dma_wait3A_503] : memref<13776xf32, #tpu.memory_space<hbm>> -> memref<13776xf32, #tpu.memory_space<hbm>>
    tpu.wait_indirect_dma semaphore(%arg36 : memref<!tpu.dma_semaphore, #tpu.memory_space<semaphore_mem>>) src(%dma_wait3A_504 : memref<13776xf32, #tpu.memory_space<hbm>>) dst(%dma_wait3A_500 : memref<128xf32, #tpu.memory_space<vmem>>)
    %dma_wait3A_505 = arith.constant 3840 : i32
    %dma_wait3A_506 = tpu.memref_slice %arg34[%dma_wait3A_505] : memref<11008xf32, #tpu.memory_space<vmem>> -> memref<128xf32, #tpu.memory_space<vmem>>
    %dma_wait3A_507 = arith.constant 1280 : i32
    %dma_wait3A_508 = tpu.memref_slice %arg35[%dma_wait3A_507] : memref<3840xi32, #tpu.memory_space<vmem>> -> memref<128xi32, #tpu.memory_space<vmem>>
    %dma_wait3A_509 = arith.constant 0 : i32
    %dma_wait3A_510 = tpu.memref_slice %arg12[%dma_wait3A_509] : memref<13776xf32, #tpu.memory_space<hbm>> -> memref<13776xf32, #tpu.memory_space<hbm>>
    tpu.wait_indirect_dma semaphore(%arg36 : memref<!tpu.dma_semaphore, #tpu.memory_space<semaphore_mem>>) src(%dma_wait3A_510 : memref<13776xf32, #tpu.memory_space<hbm>>) dst(%dma_wait3A_506 : memref<128xf32, #tpu.memory_space<vmem>>)
    %dma_wait3A_511 = arith.constant 3968 : i32
    %dma_wait3A_512 = tpu.memref_slice %arg34[%dma_wait3A_511] : memref<11008xf32, #tpu.memory_space<vmem>> -> memref<128xf32, #tpu.memory_space<vmem>>
    %dma_wait3A_513 = arith.constant 1408 : i32
    %dma_wait3A_514 = tpu.memref_slice %arg35[%dma_wait3A_513] : memref<3840xi32, #tpu.memory_space<vmem>> -> memref<128xi32, #tpu.memory_space<vmem>>
    %dma_wait3A_515 = arith.constant 0 : i32
    %dma_wait3A_516 = tpu.memref_slice %arg12[%dma_wait3A_515] : memref<13776xf32, #tpu.memory_space<hbm>> -> memref<13776xf32, #tpu.memory_space<hbm>>
    tpu.wait_indirect_dma semaphore(%arg36 : memref<!tpu.dma_semaphore, #tpu.memory_space<semaphore_mem>>) src(%dma_wait3A_516 : memref<13776xf32, #tpu.memory_space<hbm>>) dst(%dma_wait3A_512 : memref<128xf32, #tpu.memory_space<vmem>>)
    %dma_wait3A_517 = arith.constant 4096 : i32
    %dma_wait3A_518 = tpu.memref_slice %arg34[%dma_wait3A_517] : memref<11008xf32, #tpu.memory_space<vmem>> -> memref<128xf32, #tpu.memory_space<vmem>>
    %dma_wait3A_519 = arith.constant 1280 : i32
    %dma_wait3A_520 = tpu.memref_slice %arg35[%dma_wait3A_519] : memref<3840xi32, #tpu.memory_space<vmem>> -> memref<128xi32, #tpu.memory_space<vmem>>
    %dma_wait3A_521 = arith.constant 0 : i32
    %dma_wait3A_522 = tpu.memref_slice %arg13[%dma_wait3A_521] : memref<13776xf32, #tpu.memory_space<hbm>> -> memref<13776xf32, #tpu.memory_space<hbm>>
    tpu.wait_indirect_dma semaphore(%arg36 : memref<!tpu.dma_semaphore, #tpu.memory_space<semaphore_mem>>) src(%dma_wait3A_522 : memref<13776xf32, #tpu.memory_space<hbm>>) dst(%dma_wait3A_518 : memref<128xf32, #tpu.memory_space<vmem>>)
    %dma_wait3A_523 = arith.constant 4224 : i32
    %dma_wait3A_524 = tpu.memref_slice %arg34[%dma_wait3A_523] : memref<11008xf32, #tpu.memory_space<vmem>> -> memref<128xf32, #tpu.memory_space<vmem>>
    %dma_wait3A_525 = arith.constant 1408 : i32
    %dma_wait3A_526 = tpu.memref_slice %arg35[%dma_wait3A_525] : memref<3840xi32, #tpu.memory_space<vmem>> -> memref<128xi32, #tpu.memory_space<vmem>>
    %dma_wait3A_527 = arith.constant 0 : i32
    %dma_wait3A_528 = tpu.memref_slice %arg13[%dma_wait3A_527] : memref<13776xf32, #tpu.memory_space<hbm>> -> memref<13776xf32, #tpu.memory_space<hbm>>
    tpu.wait_indirect_dma semaphore(%arg36 : memref<!tpu.dma_semaphore, #tpu.memory_space<semaphore_mem>>) src(%dma_wait3A_528 : memref<13776xf32, #tpu.memory_space<hbm>>) dst(%dma_wait3A_524 : memref<128xf32, #tpu.memory_space<vmem>>)
    %dma_wait3A_529 = arith.constant 4352 : i32
    %dma_wait3A_530 = tpu.memref_slice %arg34[%dma_wait3A_529] : memref<11008xf32, #tpu.memory_space<vmem>> -> memref<128xf32, #tpu.memory_space<vmem>>
    %dma_wait3A_531 = arith.constant 1280 : i32
    %dma_wait3A_532 = tpu.memref_slice %arg35[%dma_wait3A_531] : memref<3840xi32, #tpu.memory_space<vmem>> -> memref<128xi32, #tpu.memory_space<vmem>>
    %dma_wait3A_533 = arith.constant 0 : i32
    %dma_wait3A_534 = tpu.memref_slice %arg14[%dma_wait3A_533] : memref<13776xf32, #tpu.memory_space<hbm>> -> memref<13776xf32, #tpu.memory_space<hbm>>
    tpu.wait_indirect_dma semaphore(%arg36 : memref<!tpu.dma_semaphore, #tpu.memory_space<semaphore_mem>>) src(%dma_wait3A_534 : memref<13776xf32, #tpu.memory_space<hbm>>) dst(%dma_wait3A_530 : memref<128xf32, #tpu.memory_space<vmem>>)
    %dma_wait3A_535 = arith.constant 4480 : i32
    %dma_wait3A_536 = tpu.memref_slice %arg34[%dma_wait3A_535] : memref<11008xf32, #tpu.memory_space<vmem>> -> memref<128xf32, #tpu.memory_space<vmem>>
    %dma_wait3A_537 = arith.constant 1408 : i32
    %dma_wait3A_538 = tpu.memref_slice %arg35[%dma_wait3A_537] : memref<3840xi32, #tpu.memory_space<vmem>> -> memref<128xi32, #tpu.memory_space<vmem>>
    %dma_wait3A_539 = arith.constant 0 : i32
    %dma_wait3A_540 = tpu.memref_slice %arg14[%dma_wait3A_539] : memref<13776xf32, #tpu.memory_space<hbm>> -> memref<13776xf32, #tpu.memory_space<hbm>>
    tpu.wait_indirect_dma semaphore(%arg36 : memref<!tpu.dma_semaphore, #tpu.memory_space<semaphore_mem>>) src(%dma_wait3A_540 : memref<13776xf32, #tpu.memory_space<hbm>>) dst(%dma_wait3A_536 : memref<128xf32, #tpu.memory_space<vmem>>)
    %dma_wait3A_541 = arith.constant 4608 : i32
    %dma_wait3A_542 = tpu.memref_slice %arg34[%dma_wait3A_541] : memref<11008xf32, #tpu.memory_space<vmem>> -> memref<128xf32, #tpu.memory_space<vmem>>
    %dma_wait3A_543 = arith.constant 1536 : i32
    %dma_wait3A_544 = tpu.memref_slice %arg35[%dma_wait3A_543] : memref<3840xi32, #tpu.memory_space<vmem>> -> memref<128xi32, #tpu.memory_space<vmem>>
    %dma_wait3A_545 = arith.constant 0 : i32
    %dma_wait3A_546 = tpu.memref_slice %arg12[%dma_wait3A_545] : memref<13776xf32, #tpu.memory_space<hbm>> -> memref<13776xf32, #tpu.memory_space<hbm>>
    tpu.wait_indirect_dma semaphore(%arg36 : memref<!tpu.dma_semaphore, #tpu.memory_space<semaphore_mem>>) src(%dma_wait3A_546 : memref<13776xf32, #tpu.memory_space<hbm>>) dst(%dma_wait3A_542 : memref<128xf32, #tpu.memory_space<vmem>>)
    %dma_wait3A_547 = arith.constant 4736 : i32
    %dma_wait3A_548 = tpu.memref_slice %arg34[%dma_wait3A_547] : memref<11008xf32, #tpu.memory_space<vmem>> -> memref<128xf32, #tpu.memory_space<vmem>>
    %dma_wait3A_549 = arith.constant 1664 : i32
    %dma_wait3A_550 = tpu.memref_slice %arg35[%dma_wait3A_549] : memref<3840xi32, #tpu.memory_space<vmem>> -> memref<128xi32, #tpu.memory_space<vmem>>
    %dma_wait3A_551 = arith.constant 0 : i32
    %dma_wait3A_552 = tpu.memref_slice %arg12[%dma_wait3A_551] : memref<13776xf32, #tpu.memory_space<hbm>> -> memref<13776xf32, #tpu.memory_space<hbm>>
    tpu.wait_indirect_dma semaphore(%arg36 : memref<!tpu.dma_semaphore, #tpu.memory_space<semaphore_mem>>) src(%dma_wait3A_552 : memref<13776xf32, #tpu.memory_space<hbm>>) dst(%dma_wait3A_548 : memref<128xf32, #tpu.memory_space<vmem>>)
    %dma_wait3A_553 = arith.constant 4864 : i32
    %dma_wait3A_554 = tpu.memref_slice %arg34[%dma_wait3A_553] : memref<11008xf32, #tpu.memory_space<vmem>> -> memref<128xf32, #tpu.memory_space<vmem>>
    %dma_wait3A_555 = arith.constant 1536 : i32
    %dma_wait3A_556 = tpu.memref_slice %arg35[%dma_wait3A_555] : memref<3840xi32, #tpu.memory_space<vmem>> -> memref<128xi32, #tpu.memory_space<vmem>>
    %dma_wait3A_557 = arith.constant 0 : i32
    %dma_wait3A_558 = tpu.memref_slice %arg13[%dma_wait3A_557] : memref<13776xf32, #tpu.memory_space<hbm>> -> memref<13776xf32, #tpu.memory_space<hbm>>
    tpu.wait_indirect_dma semaphore(%arg36 : memref<!tpu.dma_semaphore, #tpu.memory_space<semaphore_mem>>) src(%dma_wait3A_558 : memref<13776xf32, #tpu.memory_space<hbm>>) dst(%dma_wait3A_554 : memref<128xf32, #tpu.memory_space<vmem>>)
    %dma_wait3A_559 = arith.constant 4992 : i32
    %dma_wait3A_560 = tpu.memref_slice %arg34[%dma_wait3A_559] : memref<11008xf32, #tpu.memory_space<vmem>> -> memref<128xf32, #tpu.memory_space<vmem>>
    %dma_wait3A_561 = arith.constant 1664 : i32
    %dma_wait3A_562 = tpu.memref_slice %arg35[%dma_wait3A_561] : memref<3840xi32, #tpu.memory_space<vmem>> -> memref<128xi32, #tpu.memory_space<vmem>>
    %dma_wait3A_563 = arith.constant 0 : i32
    %dma_wait3A_564 = tpu.memref_slice %arg13[%dma_wait3A_563] : memref<13776xf32, #tpu.memory_space<hbm>> -> memref<13776xf32, #tpu.memory_space<hbm>>
    tpu.wait_indirect_dma semaphore(%arg36 : memref<!tpu.dma_semaphore, #tpu.memory_space<semaphore_mem>>) src(%dma_wait3A_564 : memref<13776xf32, #tpu.memory_space<hbm>>) dst(%dma_wait3A_560 : memref<128xf32, #tpu.memory_space<vmem>>)
    %dma_wait3A_565 = arith.constant 5120 : i32
    %dma_wait3A_566 = tpu.memref_slice %arg34[%dma_wait3A_565] : memref<11008xf32, #tpu.memory_space<vmem>> -> memref<128xf32, #tpu.memory_space<vmem>>
    %dma_wait3A_567 = arith.constant 1536 : i32
    %dma_wait3A_568 = tpu.memref_slice %arg35[%dma_wait3A_567] : memref<3840xi32, #tpu.memory_space<vmem>> -> memref<128xi32, #tpu.memory_space<vmem>>
    %dma_wait3A_569 = arith.constant 0 : i32
    %dma_wait3A_570 = tpu.memref_slice %arg14[%dma_wait3A_569] : memref<13776xf32, #tpu.memory_space<hbm>> -> memref<13776xf32, #tpu.memory_space<hbm>>
    tpu.wait_indirect_dma semaphore(%arg36 : memref<!tpu.dma_semaphore, #tpu.memory_space<semaphore_mem>>) src(%dma_wait3A_570 : memref<13776xf32, #tpu.memory_space<hbm>>) dst(%dma_wait3A_566 : memref<128xf32, #tpu.memory_space<vmem>>)
    %dma_wait3A_571 = arith.constant 5248 : i32
    %dma_wait3A_572 = tpu.memref_slice %arg34[%dma_wait3A_571] : memref<11008xf32, #tpu.memory_space<vmem>> -> memref<128xf32, #tpu.memory_space<vmem>>
    %dma_wait3A_573 = arith.constant 1664 : i32
    %dma_wait3A_574 = tpu.memref_slice %arg35[%dma_wait3A_573] : memref<3840xi32, #tpu.memory_space<vmem>> -> memref<128xi32, #tpu.memory_space<vmem>>
    %dma_wait3A_575 = arith.constant 0 : i32
    %dma_wait3A_576 = tpu.memref_slice %arg14[%dma_wait3A_575] : memref<13776xf32, #tpu.memory_space<hbm>> -> memref<13776xf32, #tpu.memory_space<hbm>>
    tpu.wait_indirect_dma semaphore(%arg36 : memref<!tpu.dma_semaphore, #tpu.memory_space<semaphore_mem>>) src(%dma_wait3A_576 : memref<13776xf32, #tpu.memory_space<hbm>>) dst(%dma_wait3A_572 : memref<128xf32, #tpu.memory_space<vmem>>)
    %scan3A = arith.constant 0 : i32
    %scan3A_577 = arith.constant 16 : i32
    %scan3A_578 = arith.addi %scan3A, %scan3A_577 : i32
    %scan3A_579 = arith.constant 1 : i32
    scf.for %scan3A_1162 = %scan3A to %scan3A_578 step %scan3A_579  : i32 {
      %mul3A_1163 = arith.constant 16 : i32
      %mul3A_1164 = arith.muli %scan3A_1162, %mul3A_1163 : i32
      %add3A_1165 = arith.constant 0 : i32
      %add3A_1166 = arith.addi %add3A_1165, %mul3A_1164 : i32
      %get3A = arith.index_cast %add3A_1166 : i32 to index
      %get3A_1167 = tpu.vector_load %arg34[%get3A] {strides = array<i32>} : memref<11008xf32, #tpu.memory_space<vmem>>, vector<16xf32>,
      %get3A_1168 = vector.shape_cast %get3A_1167 : vector<16xf32> to vector<16xf32>
      %add3A_1169 = arith.constant 256 : i32
      %add3A_1170 = arith.addi %add3A_1169, %mul3A_1164 : i32
      %get3A_1171 = arith.index_cast %add3A_1170 : i32 to index
      %get3A_1172 = tpu.vector_load %arg34[%get3A_1171] {strides = array<i32>} : memref<11008xf32, #tpu.memory_space<vmem>>, vector<16xf32>,
      %get3A_1173 = vector.shape_cast %get3A_1172 : vector<16xf32> to vector<16xf32>
      %add3A_1174 = arith.constant 512 : i32
      %add3A_1175 = arith.addi %add3A_1174, %mul3A_1164 : i32
      %get3A_1176 = arith.index_cast %add3A_1175 : i32 to index
      %get3A_1177 = tpu.vector_load %arg34[%get3A_1176] {strides = array<i32>} : memref<11008xf32, #tpu.memory_space<vmem>>, vector<16xf32>,
      %get3A_1178 = vector.shape_cast %get3A_1177 : vector<16xf32> to vector<16xf32>
      %add3A_1179 = arith.constant 768 : i32
      %add3A_1180 = arith.addi %add3A_1179, %mul3A_1164 : i32
      %get3A_1181 = arith.index_cast %add3A_1180 : i32 to index
      %get3A_1182 = tpu.vector_load %arg34[%get3A_1181] {strides = array<i32>} : memref<11008xf32, #tpu.memory_space<vmem>>, vector<16xf32>,
      %get3A_1183 = vector.shape_cast %get3A_1182 : vector<16xf32> to vector<16xf32>
      %sub3A = arith.subf %get3A_1168, %get3A_1183 : vector<16xf32>
      %add3A_1184 = arith.constant 1024 : i32
      %add3A_1185 = arith.addi %add3A_1184, %mul3A_1164 : i32
      %get3A_1186 = arith.index_cast %add3A_1185 : i32 to index
      %get3A_1187 = tpu.vector_load %arg34[%get3A_1186] {strides = array<i32>} : memref<11008xf32, #tpu.memory_space<vmem>>, vector<16xf32>,
      %get3A_1188 = vector.shape_cast %get3A_1187 : vector<16xf32> to vector<16xf32>
      %sub3A_1189 = arith.subf %get3A_1173, %get3A_1188 : vector<16xf32>
      %add3A_1190 = arith.constant 1280 : i32
      %add3A_1191 = arith.addi %add3A_1190, %mul3A_1164 : i32
      %get3A_1192 = arith.index_cast %add3A_1191 : i32 to index
      %get3A_1193 = tpu.vector_load %arg34[%get3A_1192] {strides = array<i32>} : memref<11008xf32, #tpu.memory_space<vmem>>, vector<16xf32>,
      %get3A_1194 = vector.shape_cast %get3A_1193 : vector<16xf32> to vector<16xf32>
      %sub3A_1195 = arith.subf %get3A_1178, %get3A_1194 : vector<16xf32>
      %mul3A_1196 = arith.mulf %sub3A, %sub3A : vector<16xf32>
      %mul3A_1197 = arith.mulf %sub3A_1189, %sub3A_1189 : vector<16xf32>
      %add3A_1198 = arith.addf %mul3A_1196, %mul3A_1197 : vector<16xf32>
      %mul3A_1199 = arith.mulf %sub3A_1195, %sub3A_1195 : vector<16xf32>
      %add3A_1200 = arith.addf %add3A_1198, %mul3A_1199 : vector<16xf32>
      %broadcast_in_dim3A = arith.constant 0 : i32
      %broadcast_in_dim3A_1201 = vector.broadcast %broadcast_in_dim3A : i32 to vector<16xi32>
      %add3A_1202 = arith.constant 1536 : i32
      %add3A_1203 = arith.addi %add3A_1202, %mul3A_1164 : i32
      %get3A_1204 = arith.index_cast %add3A_1203 : i32 to index
      %get3A_1205 = tpu.vector_load %arg34[%get3A_1204] {strides = array<i32>} : memref<11008xf32, #tpu.memory_space<vmem>>, vector<16xf32>,
      %get3A_1206 = vector.shape_cast %get3A_1205 : vector<16xf32> to vector<16xf32>
      %sub3A_1207 = arith.subf %get3A_1168, %get3A_1206 : vector<16xf32>
      %add3A_1208 = arith.constant 1792 : i32
      %add3A_1209 = arith.addi %add3A_1208, %mul3A_1164 : i32
      %get3A_1210 = arith.index_cast %add3A_1209 : i32 to index
      %get3A_1211 = tpu.vector_load %arg34[%get3A_1210] {strides = array<i32>} : memref<11008xf32, #tpu.memory_space<vmem>>, vector<16xf32>,
      %get3A_1212 = vector.shape_cast %get3A_1211 : vector<16xf32> to vector<16xf32>
      %sub3A_1213 = arith.subf %get3A_1173, %get3A_1212 : vector<16xf32>
      %add3A_1214 = arith.constant 2048 : i32
      %add3A_1215 = arith.addi %add3A_1214, %mul3A_1164 : i32
      %get3A_1216 = arith.index_cast %add3A_1215 : i32 to index
      %get3A_1217 = tpu.vector_load %arg34[%get3A_1216] {strides = array<i32>} : memref<11008xf32, #tpu.memory_space<vmem>>, vector<16xf32>,
      %get3A_1218 = vector.shape_cast %get3A_1217 : vector<16xf32> to vector<16xf32>
      %sub3A_1219 = arith.subf %get3A_1178, %get3A_1218 : vector<16xf32>
      %mul3A_1220 = arith.mulf %sub3A_1207, %sub3A_1207 : vector<16xf32>
      %mul3A_1221 = arith.mulf %sub3A_1213, %sub3A_1213 : vector<16xf32>
      %add3A_1222 = arith.addf %mul3A_1220, %mul3A_1221 : vector<16xf32>
      %mul3A_1223 = arith.mulf %sub3A_1219, %sub3A_1219 : vector<16xf32>
      %add3A_1224 = arith.addf %add3A_1222, %mul3A_1223 : vector<16xf32>
      %lt3A = arith.cmpf olt, %add3A_1224, %add3A_1200 : vector<16xf32>
      %select_n3A = arith.select %lt3A, %add3A_1224, %add3A_1200 : vector<16xi1>, vector<16xf32>
      %jit3A = arith.constant 1 : i32
      %broadcast_in_dim3A_1225 = vector.broadcast %jit3A : i32 to vector<16xi32>
      %select_n3A_1226 = arith.select %lt3A, %broadcast_in_dim3A_1225, %broadcast_in_dim3A_1201 : vector<16xi1>, vector<16xi32>
      %add3A_1227 = arith.constant 2304 : i32
      %add3A_1228 = arith.addi %add3A_1227, %mul3A_1164 : i32
      %get3A_1229 = arith.index_cast %add3A_1228 : i32 to index
      %get3A_1230 = tpu.vector_load %arg34[%get3A_1229] {strides = array<i32>} : memref<11008xf32, #tpu.memory_space<vmem>>, vector<16xf32>,
      %get3A_1231 = vector.shape_cast %get3A_1230 : vector<16xf32> to vector<16xf32>
      %sub3A_1232 = arith.subf %get3A_1168, %get3A_1231 : vector<16xf32>
      %add3A_1233 = arith.constant 2560 : i32
      %add3A_1234 = arith.addi %add3A_1233, %mul3A_1164 : i32
      %get3A_1235 = arith.index_cast %add3A_1234 : i32 to index
      %get3A_1236 = tpu.vector_load %arg34[%get3A_1235] {strides = array<i32>} : memref<11008xf32, #tpu.memory_space<vmem>>, vector<16xf32>,
      %get3A_1237 = vector.shape_cast %get3A_1236 : vector<16xf32> to vector<16xf32>
      %sub3A_1238 = arith.subf %get3A_1173, %get3A_1237 : vector<16xf32>
      %add3A_1239 = arith.constant 2816 : i32
      %add3A_1240 = arith.addi %add3A_1239, %mul3A_1164 : i32
      %get3A_1241 = arith.index_cast %add3A_1240 : i32 to index
      %get3A_1242 = tpu.vector_load %arg34[%get3A_1241] {strides = array<i32>} : memref<11008xf32, #tpu.memory_space<vmem>>, vector<16xf32>,
      %get3A_1243 = vector.shape_cast %get3A_1242 : vector<16xf32> to vector<16xf32>
      %sub3A_1244 = arith.subf %get3A_1178, %get3A_1243 : vector<16xf32>
      %mul3A_1245 = arith.mulf %sub3A_1232, %sub3A_1232 : vector<16xf32>
      %mul3A_1246 = arith.mulf %sub3A_1238, %sub3A_1238 : vector<16xf32>
      %add3A_1247 = arith.addf %mul3A_1245, %mul3A_1246 : vector<16xf32>
      %mul3A_1248 = arith.mulf %sub3A_1244, %sub3A_1244 : vector<16xf32>
      %add3A_1249 = arith.addf %add3A_1247, %mul3A_1248 : vector<16xf32>
      %lt3A_1250 = arith.cmpf olt, %add3A_1249, %select_n3A : vector<16xf32>
      %select_n3A_1251 = arith.select %lt3A_1250, %add3A_1249, %select_n3A : vector<16xi1>, vector<16xf32>
      %jit3A_1252 = arith.constant 2 : i32
      %broadcast_in_dim3A_1253 = vector.broadcast %jit3A_1252 : i32 to vector<16xi32>
      %select_n3A_1254 = arith.select %lt3A_1250, %broadcast_in_dim3A_1253, %select_n3A_1226 : vector<16xi1>, vector<16xi32>
      %add3A_1255 = arith.constant 3072 : i32
      %add3A_1256 = arith.addi %add3A_1255, %mul3A_1164 : i32
      %get3A_1257 = arith.index_cast %add3A_1256 : i32 to index
      %get3A_1258 = tpu.vector_load %arg34[%get3A_1257] {strides = array<i32>} : memref<11008xf32, #tpu.memory_space<vmem>>, vector<16xf32>,
      %get3A_1259 = vector.shape_cast %get3A_1258 : vector<16xf32> to vector<16xf32>
      %sub3A_1260 = arith.subf %get3A_1168, %get3A_1259 : vector<16xf32>
      %add3A_1261 = arith.constant 3328 : i32
      %add3A_1262 = arith.addi %add3A_1261, %mul3A_1164 : i32
      %get3A_1263 = arith.index_cast %add3A_1262 : i32 to index
      %get3A_1264 = tpu.vector_load %arg34[%get3A_1263] {strides = array<i32>} : memref<11008xf32, #tpu.memory_space<vmem>>, vector<16xf32>,
      %get3A_1265 = vector.shape_cast %get3A_1264 : vector<16xf32> to vector<16xf32>
      %sub3A_1266 = arith.subf %get3A_1173, %get3A_1265 : vector<16xf32>
      %add3A_1267 = arith.constant 3584 : i32
      %add3A_1268 = arith.addi %add3A_1267, %mul3A_1164 : i32
      %get3A_1269 = arith.index_cast %add3A_1268 : i32 to index
      %get3A_1270 = tpu.vector_load %arg34[%get3A_1269] {strides = array<i32>} : memref<11008xf32, #tpu.memory_space<vmem>>, vector<16xf32>,
      %get3A_1271 = vector.shape_cast %get3A_1270 : vector<16xf32> to vector<16xf32>
      %sub3A_1272 = arith.subf %get3A_1178, %get3A_1271 : vector<16xf32>
      %mul3A_1273 = arith.mulf %sub3A_1260, %sub3A_1260 : vector<16xf32>
      %mul3A_1274 = arith.mulf %sub3A_1266, %sub3A_1266 : vector<16xf32>
      %add3A_1275 = arith.addf %mul3A_1273, %mul3A_1274 : vector<16xf32>
      %mul3A_1276 = arith.mulf %sub3A_1272, %sub3A_1272 : vector<16xf32>
      %add3A_1277 = arith.addf %add3A_1275, %mul3A_1276 : vector<16xf32>
      %lt3A_1278 = arith.cmpf olt, %add3A_1277, %select_n3A_1251 : vector<16xf32>
      %select_n3A_1279 = arith.select %lt3A_1278, %add3A_1277, %select_n3A_1251 : vector<16xi1>, vector<16xf32>
      %jit3A_1280 = arith.constant 3 : i32
      %broadcast_in_dim3A_1281 = vector.broadcast %jit3A_1280 : i32 to vector<16xi32>
      %select_n3A_1282 = arith.select %lt3A_1278, %broadcast_in_dim3A_1281, %select_n3A_1254 : vector<16xi1>, vector<16xi32>
      %add3A_1283 = arith.constant 3840 : i32
      %add3A_1284 = arith.addi %add3A_1283, %mul3A_1164 : i32
      %get3A_1285 = arith.index_cast %add3A_1284 : i32 to index
      %get3A_1286 = tpu.vector_load %arg34[%get3A_1285] {strides = array<i32>} : memref<11008xf32, #tpu.memory_space<vmem>>, vector<16xf32>,
      %get3A_1287 = vector.shape_cast %get3A_1286 : vector<16xf32> to vector<16xf32>
      %sub3A_1288 = arith.subf %get3A_1168, %get3A_1287 : vector<16xf32>
      %add3A_1289 = arith.constant 4096 : i32
      %add3A_1290 = arith.addi %add3A_1289, %mul3A_1164 : i32
      %get3A_1291 = arith.index_cast %add3A_1290 : i32 to index
      %get3A_1292 = tpu.vector_load %arg34[%get3A_1291] {strides = array<i32>} : memref<11008xf32, #tpu.memory_space<vmem>>, vector<16xf32>,
      %get3A_1293 = vector.shape_cast %get3A_1292 : vector<16xf32> to vector<16xf32>
      %sub3A_1294 = arith.subf %get3A_1173, %get3A_1293 : vector<16xf32>
      %add3A_1295 = arith.constant 4352 : i32
      %add3A_1296 = arith.addi %add3A_1295, %mul3A_1164 : i32
      %get3A_1297 = arith.index_cast %add3A_1296 : i32 to index
      %get3A_1298 = tpu.vector_load %arg34[%get3A_1297] {strides = array<i32>} : memref<11008xf32, #tpu.memory_space<vmem>>, vector<16xf32>,
      %get3A_1299 = vector.shape_cast %get3A_1298 : vector<16xf32> to vector<16xf32>
      %sub3A_1300 = arith.subf %get3A_1178, %get3A_1299 : vector<16xf32>
      %mul3A_1301 = arith.mulf %sub3A_1288, %sub3A_1288 : vector<16xf32>
      %mul3A_1302 = arith.mulf %sub3A_1294, %sub3A_1294 : vector<16xf32>
      %add3A_1303 = arith.addf %mul3A_1301, %mul3A_1302 : vector<16xf32>
      %mul3A_1304 = arith.mulf %sub3A_1300, %sub3A_1300 : vector<16xf32>
      %add3A_1305 = arith.addf %add3A_1303, %mul3A_1304 : vector<16xf32>
      %lt3A_1306 = arith.cmpf olt, %add3A_1305, %select_n3A_1279 : vector<16xf32>
      %select_n3A_1307 = arith.select %lt3A_1306, %add3A_1305, %select_n3A_1279 : vector<16xi1>, vector<16xf32>
      %jit3A_1308 = arith.constant 4 : i32
      %broadcast_in_dim3A_1309 = vector.broadcast %jit3A_1308 : i32 to vector<16xi32>
      %select_n3A_1310 = arith.select %lt3A_1306, %broadcast_in_dim3A_1309, %select_n3A_1282 : vector<16xi1>, vector<16xi32>
      %add3A_1311 = arith.constant 4608 : i32
      %add3A_1312 = arith.addi %add3A_1311, %mul3A_1164 : i32
      %get3A_1313 = arith.index_cast %add3A_1312 : i32 to index
      %get3A_1314 = tpu.vector_load %arg34[%get3A_1313] {strides = array<i32>} : memref<11008xf32, #tpu.memory_space<vmem>>, vector<16xf32>,
      %get3A_1315 = vector.shape_cast %get3A_1314 : vector<16xf32> to vector<16xf32>
      %sub3A_1316 = arith.subf %get3A_1168, %get3A_1315 : vector<16xf32>
      %add3A_1317 = arith.constant 4864 : i32
      %add3A_1318 = arith.addi %add3A_1317, %mul3A_1164 : i32
      %get3A_1319 = arith.index_cast %add3A_1318 : i32 to index
      %get3A_1320 = tpu.vector_load %arg34[%get3A_1319] {strides = array<i32>} : memref<11008xf32, #tpu.memory_space<vmem>>, vector<16xf32>,
      %get3A_1321 = vector.shape_cast %get3A_1320 : vector<16xf32> to vector<16xf32>
      %sub3A_1322 = arith.subf %get3A_1173, %get3A_1321 : vector<16xf32>
      %add3A_1323 = arith.constant 5120 : i32
      %add3A_1324 = arith.addi %add3A_1323, %mul3A_1164 : i32
      %get3A_1325 = arith.index_cast %add3A_1324 : i32 to index
      %get3A_1326 = tpu.vector_load %arg34[%get3A_1325] {strides = array<i32>} : memref<11008xf32, #tpu.memory_space<vmem>>, vector<16xf32>,
      %get3A_1327 = vector.shape_cast %get3A_1326 : vector<16xf32> to vector<16xf32>
      %sub3A_1328 = arith.subf %get3A_1178, %get3A_1327 : vector<16xf32>
      %mul3A_1329 = arith.mulf %sub3A_1316, %sub3A_1316 : vector<16xf32>
      %mul3A_1330 = arith.mulf %sub3A_1322, %sub3A_1322 : vector<16xf32>
      %add3A_1331 = arith.addf %mul3A_1329, %mul3A_1330 : vector<16xf32>
      %mul3A_1332 = arith.mulf %sub3A_1328, %sub3A_1328 : vector<16xf32>
      %add3A_1333 = arith.addf %add3A_1331, %mul3A_1332 : vector<16xf32>
      %lt3A_1334 = arith.cmpf olt, %add3A_1333, %select_n3A_1307 : vector<16xf32>
      %select_n3A_1335 = arith.select %lt3A_1334, %add3A_1333, %select_n3A_1307 : vector<16xi1>, vector<16xf32>
      %jit3A_1336 = arith.constant 5 : i32
      %broadcast_in_dim3A_1337 = vector.broadcast %jit3A_1336 : i32 to vector<16xi32>
      %select_n3A_1338 = arith.select %lt3A_1334, %broadcast_in_dim3A_1337, %select_n3A_1310 : vector<16xi1>, vector<16xi32>
      %add3A_1339 = arith.constant 256 : i32
      %add3A_1340 = arith.addi %add3A_1339, %mul3A_1164 : i32
      %get3A_1341 = arith.index_cast %add3A_1340 : i32 to index
      %get3A_1342 = tpu.vector_load %arg35[%get3A_1341] {strides = array<i32>} : memref<3840xi32, #tpu.memory_space<vmem>>, vector<16xi32>,
      %get3A_1343 = vector.shape_cast %get3A_1342 : vector<16xi32> to vector<16xi32>
      %eq3A = arith.constant 1 : i32
      %eq3A_1344 = vector.broadcast %eq3A : i32 to vector<16xi32>
      %eq3A_1345 = arith.cmpi eq, %select_n3A_1338, %eq3A_1344 : vector<16xi32>
      %add3A_1346 = arith.constant 512 : i32
      %add3A_1347 = arith.addi %add3A_1346, %mul3A_1164 : i32
      %get3A_1348 = arith.index_cast %add3A_1347 : i32 to index
      %get3A_1349 = tpu.vector_load %arg35[%get3A_1348] {strides = array<i32>} : memref<3840xi32, #tpu.memory_space<vmem>>, vector<16xi32>,
      %get3A_1350 = vector.shape_cast %get3A_1349 : vector<16xi32> to vector<16xi32>
      %select_n3A_1351 = arith.select %eq3A_1345, %get3A_1350, %get3A_1343 : vector<16xi1>, vector<16xi32>
      %eq3A_1352 = arith.constant 2 : i32
      %eq3A_1353 = vector.broadcast %eq3A_1352 : i32 to vector<16xi32>
      %eq3A_1354 = arith.cmpi eq, %select_n3A_1338, %eq3A_1353 : vector<16xi32>
      %add3A_1355 = arith.constant 768 : i32
      %add3A_1356 = arith.addi %add3A_1355, %mul3A_1164 : i32
      %get3A_1357 = arith.index_cast %add3A_1356 : i32 to index
      %get3A_1358 = tpu.vector_load %arg35[%get3A_1357] {strides = array<i32>} : memref<3840xi32, #tpu.memory_space<vmem>>, vector<16xi32>,
      %get3A_1359 = vector.shape_cast %get3A_1358 : vector<16xi32> to vector<16xi32>
      %select_n3A_1360 = arith.select %eq3A_1354, %get3A_1359, %select_n3A_1351 : vector<16xi1>, vector<16xi32>
      %eq3A_1361 = arith.constant 3 : i32
      %eq3A_1362 = vector.broadcast %eq3A_1361 : i32 to vector<16xi32>
      %eq3A_1363 = arith.cmpi eq, %select_n3A_1338, %eq3A_1362 : vector<16xi32>
      %add3A_1364 = arith.constant 1024 : i32
      %add3A_1365 = arith.addi %add3A_1364, %mul3A_1164 : i32
      %get3A_1366 = arith.index_cast %add3A_1365 : i32 to index
      %get3A_1367 = tpu.vector_load %arg35[%get3A_1366] {strides = array<i32>} : memref<3840xi32, #tpu.memory_space<vmem>>, vector<16xi32>,
      %get3A_1368 = vector.shape_cast %get3A_1367 : vector<16xi32> to vector<16xi32>
      %select_n3A_1369 = arith.select %eq3A_1363, %get3A_1368, %select_n3A_1360 : vector<16xi1>, vector<16xi32>
      %eq3A_1370 = arith.constant 4 : i32
      %eq3A_1371 = vector.broadcast %eq3A_1370 : i32 to vector<16xi32>
      %eq3A_1372 = arith.cmpi eq, %select_n3A_1338, %eq3A_1371 : vector<16xi32>
      %add3A_1373 = arith.constant 1280 : i32
      %add3A_1374 = arith.addi %add3A_1373, %mul3A_1164 : i32
      %get3A_1375 = arith.index_cast %add3A_1374 : i32 to index
      %get3A_1376 = tpu.vector_load %arg35[%get3A_1375] {strides = array<i32>} : memref<3840xi32, #tpu.memory_space<vmem>>, vector<16xi32>,
      %get3A_1377 = vector.shape_cast %get3A_1376 : vector<16xi32> to vector<16xi32>
      %select_n3A_1378 = arith.select %eq3A_1372, %get3A_1377, %select_n3A_1369 : vector<16xi1>, vector<16xi32>
      %eq3A_1379 = arith.constant 5 : i32
      %eq3A_1380 = vector.broadcast %eq3A_1379 : i32 to vector<16xi32>
      %eq3A_1381 = arith.cmpi eq, %select_n3A_1338, %eq3A_1380 : vector<16xi32>
      %add3A_1382 = arith.constant 1536 : i32
      %add3A_1383 = arith.addi %add3A_1382, %mul3A_1164 : i32
      %get3A_1384 = arith.index_cast %add3A_1383 : i32 to index
      %get3A_1385 = tpu.vector_load %arg35[%get3A_1384] {strides = array<i32>} : memref<3840xi32, #tpu.memory_space<vmem>>, vector<16xi32>,
      %get3A_1386 = vector.shape_cast %get3A_1385 : vector<16xi32> to vector<16xi32>
      %select_n3A_1387 = arith.select %eq3A_1381, %get3A_1386, %select_n3A_1378 : vector<16xi1>, vector<16xi32>
      %add3A_1388 = arith.constant 1792 : i32
      %add3A_1389 = arith.addi %add3A_1388, %mul3A_1164 : i32
      %swap3A = arith.index_cast %add3A_1389 : i32 to index
      %swap3A_1390 = tpu.vector_load %arg35[%swap3A] {strides = array<i32>} : memref<3840xi32, #tpu.memory_space<vmem>>, vector<16xi32>,
      %swap3A_1391 = vector.shape_cast %swap3A_1390 : vector<16xi32> to vector<16xi32>
      %swap3A_1392 = vector.shape_cast %select_n3A_1387 : vector<16xi32> to vector<16xi32>
      tpu.vector_store %arg35[%swap3A], %swap3A_1392 {strides = array<i32>} : memref<3840xi32, #tpu.memory_space<vmem>>, vector<16xi32>,
    }
    %scan3A_580 = arith.constant 16 : i32
    "tpu.region"() ({
      %run_scoped3A = tpu.sem_alloc : memref<!tpu.dma_semaphore, #tpu.memory_space<semaphore_mem>>
      %dma_start3A_1162 = arith.constant 1792 : i32
      %dma_start3A_1163 = tpu.memref_slice %arg35[%dma_start3A_1162] : memref<3840xi32, #tpu.memory_space<vmem>> -> memref<256xi32, #tpu.memory_space<vmem>>
      %dma_start3A_1164 = tpu.memref_slice %arg33[%mul3A_2] : memref<8192xi32, #tpu.memory_space<hbm>> -> memref<256xi32, #tpu.memory_space<hbm>>
      %dma_start3A_1165 = tpu.memref_slice %arg33[%mul3A_2] : memref<8192xi32, #tpu.memory_space<hbm>> -> memref<256xi32, #tpu.memory_space<hbm>>
      %dma_start3A_1166 = arith.constant 1792 : i32
      %dma_start3A_1167 = tpu.memref_slice %arg35[%dma_start3A_1166] : memref<3840xi32, #tpu.memory_space<vmem>> -> memref<256xi32, #tpu.memory_space<vmem>>
      tpu.enqueue_dma source(%dma_start3A_1167 : memref<256xi32, #tpu.memory_space<vmem>>) target(%dma_start3A_1165 : memref<256xi32, #tpu.memory_space<hbm>>) target_semaphore(%run_scoped3A : memref<!tpu.dma_semaphore, #tpu.memory_space<semaphore_mem>>)
      %dma_wait3A_1168 = arith.constant 1792 : i32
      %dma_wait3A_1169 = tpu.memref_slice %arg35[%dma_wait3A_1168] : memref<3840xi32, #tpu.memory_space<vmem>> -> memref<256xi32, #tpu.memory_space<vmem>>
      %dma_wait3A_1170 = tpu.memref_slice %arg33[%mul3A_2] : memref<8192xi32, #tpu.memory_space<hbm>> -> memref<256xi32, #tpu.memory_space<hbm>>
      %dma_wait3A_1171 = tpu.memref_slice %arg33[%mul3A_2] : memref<8192xi32, #tpu.memory_space<hbm>> -> memref<256xi32, #tpu.memory_space<hbm>>
      %dma_wait3A_1172 = arith.constant 1792 : i32
      %dma_wait3A_1173 = tpu.memref_slice %arg35[%dma_wait3A_1172] : memref<3840xi32, #tpu.memory_space<vmem>> -> memref<256xi32, #tpu.memory_space<vmem>>
      tpu.wait_dma2 semaphore(%run_scoped3A : memref<!tpu.dma_semaphore, #tpu.memory_space<semaphore_mem>>) src(%dma_wait3A_1173 : memref<256xi32, #tpu.memory_space<vmem>>) dst(%dma_wait3A_1171 : memref<256xi32, #tpu.memory_space<hbm>>)
      tpu.yield
    }) : () -> ()
    "tpu.region"() ({
      %run_scoped3A = tpu.sem_alloc : memref<!tpu.dma_semaphore, #tpu.memory_space<semaphore_mem>>
      %dma_start3A_1162 = arith.constant 3584 : i32
      %dma_start3A_1163 = tpu.memref_slice %arg35[%dma_start3A_1162] : memref<3840xi32, #tpu.memory_space<vmem>> -> memref<256xi32, #tpu.memory_space<vmem>>
      %dma_start3A_1164 = tpu.memref_slice %arg33[%mul3A_2] : memref<8192xi32, #tpu.memory_space<hbm>> -> memref<256xi32, #tpu.memory_space<hbm>>
      %dma_start3A_1165 = arith.constant 3584 : i32
      %dma_start3A_1166 = tpu.memref_slice %arg35[%dma_start3A_1165] : memref<3840xi32, #tpu.memory_space<vmem>> -> memref<256xi32, #tpu.memory_space<vmem>>
      %dma_start3A_1167 = tpu.memref_slice %arg33[%mul3A_2] : memref<8192xi32, #tpu.memory_space<hbm>> -> memref<256xi32, #tpu.memory_space<hbm>>
      tpu.enqueue_dma source(%dma_start3A_1167 : memref<256xi32, #tpu.memory_space<hbm>>) target(%dma_start3A_1166 : memref<256xi32, #tpu.memory_space<vmem>>) target_semaphore(%run_scoped3A : memref<!tpu.dma_semaphore, #tpu.memory_space<semaphore_mem>>)
      %dma_wait3A_1168 = arith.constant 3584 : i32
      %dma_wait3A_1169 = tpu.memref_slice %arg35[%dma_wait3A_1168] : memref<3840xi32, #tpu.memory_space<vmem>> -> memref<256xi32, #tpu.memory_space<vmem>>
      %dma_wait3A_1170 = tpu.memref_slice %arg33[%mul3A_2] : memref<8192xi32, #tpu.memory_space<hbm>> -> memref<256xi32, #tpu.memory_space<hbm>>
      %dma_wait3A_1171 = arith.constant 3584 : i32
      %dma_wait3A_1172 = tpu.memref_slice %arg35[%dma_wait3A_1171] : memref<3840xi32, #tpu.memory_space<vmem>> -> memref<256xi32, #tpu.memory_space<vmem>>
      %dma_wait3A_1173 = tpu.memref_slice %arg33[%mul3A_2] : memref<8192xi32, #tpu.memory_space<hbm>> -> memref<256xi32, #tpu.memory_space<hbm>>
      tpu.wait_dma2 semaphore(%run_scoped3A : memref<!tpu.dma_semaphore, #tpu.memory_space<semaphore_mem>>) src(%dma_wait3A_1173 : memref<256xi32, #tpu.memory_space<hbm>>) dst(%dma_wait3A_1172 : memref<256xi32, #tpu.memory_space<vmem>>)
      tpu.yield
    }) : () -> ()
    %dma_start3A_581 = arith.constant 2048 : i32
    %dma_start3A_582 = tpu.memref_slice %arg35[%dma_start3A_581] : memref<3840xi32, #tpu.memory_space<vmem>> -> memref<128xi32, #tpu.memory_space<vmem>>
    %dma_start3A_583 = arith.constant 3584 : i32
    %dma_start3A_584 = tpu.memref_slice %arg35[%dma_start3A_583] : memref<3840xi32, #tpu.memory_space<vmem>> -> memref<128xi32, #tpu.memory_space<vmem>>
    %dma_start3A_585 = arith.constant 0 : i32
    %dma_start3A_586 = tpu.memref_slice %arg18[%dma_start3A_585] : memref<13776xi32, #tpu.memory_space<hbm>> -> memref<13776xi32, #tpu.memory_space<hbm>>
    tpu.enqueue_indirect_dma source(%dma_start3A_586 : memref<13776xi32, #tpu.memory_space<hbm>>) target(%dma_start3A_582 : memref<128xi32, #tpu.memory_space<vmem>>) offsets(%dma_start3A_584 : memref<128xi32, #tpu.memory_space<vmem>>) semaphore(%arg36 : memref<!tpu.dma_semaphore, #tpu.memory_space<semaphore_mem>>)
    %dma_start3A_587 = arith.constant 2176 : i32
    %dma_start3A_588 = tpu.memref_slice %arg35[%dma_start3A_587] : memref<3840xi32, #tpu.memory_space<vmem>> -> memref<128xi32, #tpu.memory_space<vmem>>
    %dma_start3A_589 = arith.constant 3712 : i32
    %dma_start3A_590 = tpu.memref_slice %arg35[%dma_start3A_589] : memref<3840xi32, #tpu.memory_space<vmem>> -> memref<128xi32, #tpu.memory_space<vmem>>
    %dma_start3A_591 = arith.constant 0 : i32
    %dma_start3A_592 = tpu.memref_slice %arg18[%dma_start3A_591] : memref<13776xi32, #tpu.memory_space<hbm>> -> memref<13776xi32, #tpu.memory_space<hbm>>
    tpu.enqueue_indirect_dma source(%dma_start3A_592 : memref<13776xi32, #tpu.memory_space<hbm>>) target(%dma_start3A_588 : memref<128xi32, #tpu.memory_space<vmem>>) offsets(%dma_start3A_590 : memref<128xi32, #tpu.memory_space<vmem>>) semaphore(%arg36 : memref<!tpu.dma_semaphore, #tpu.memory_space<semaphore_mem>>)
    %dma_start3A_593 = arith.constant 2304 : i32
    %dma_start3A_594 = tpu.memref_slice %arg35[%dma_start3A_593] : memref<3840xi32, #tpu.memory_space<vmem>> -> memref<128xi32, #tpu.memory_space<vmem>>
    %dma_start3A_595 = arith.constant 3584 : i32
    %dma_start3A_596 = tpu.memref_slice %arg35[%dma_start3A_595] : memref<3840xi32, #tpu.memory_space<vmem>> -> memref<128xi32, #tpu.memory_space<vmem>>
    %dma_start3A_597 = arith.constant 0 : i32
    %dma_start3A_598 = tpu.memref_slice %arg19[%dma_start3A_597] : memref<13776xi32, #tpu.memory_space<hbm>> -> memref<13776xi32, #tpu.memory_space<hbm>>
    tpu.enqueue_indirect_dma source(%dma_start3A_598 : memref<13776xi32, #tpu.memory_space<hbm>>) target(%dma_start3A_594 : memref<128xi32, #tpu.memory_space<vmem>>) offsets(%dma_start3A_596 : memref<128xi32, #tpu.memory_space<vmem>>) semaphore(%arg36 : memref<!tpu.dma_semaphore, #tpu.memory_space<semaphore_mem>>)
    %dma_start3A_599 = arith.constant 2432 : i32
    %dma_start3A_600 = tpu.memref_slice %arg35[%dma_start3A_599] : memref<3840xi32, #tpu.memory_space<vmem>> -> memref<128xi32, #tpu.memory_space<vmem>>
    %dma_start3A_601 = arith.constant 3712 : i32
    %dma_start3A_602 = tpu.memref_slice %arg35[%dma_start3A_601] : memref<3840xi32, #tpu.memory_space<vmem>> -> memref<128xi32, #tpu.memory_space<vmem>>
    %dma_start3A_603 = arith.constant 0 : i32
    %dma_start3A_604 = tpu.memref_slice %arg19[%dma_start3A_603] : memref<13776xi32, #tpu.memory_space<hbm>> -> memref<13776xi32, #tpu.memory_space<hbm>>
    tpu.enqueue_indirect_dma source(%dma_start3A_604 : memref<13776xi32, #tpu.memory_space<hbm>>) target(%dma_start3A_600 : memref<128xi32, #tpu.memory_space<vmem>>) offsets(%dma_start3A_602 : memref<128xi32, #tpu.memory_space<vmem>>) semaphore(%arg36 : memref<!tpu.dma_semaphore, #tpu.memory_space<semaphore_mem>>)
    %dma_start3A_605 = arith.constant 2560 : i32
    %dma_start3A_606 = tpu.memref_slice %arg35[%dma_start3A_605] : memref<3840xi32, #tpu.memory_space<vmem>> -> memref<128xi32, #tpu.memory_space<vmem>>
    %dma_start3A_607 = arith.constant 3584 : i32
    %dma_start3A_608 = tpu.memref_slice %arg35[%dma_start3A_607] : memref<3840xi32, #tpu.memory_space<vmem>> -> memref<128xi32, #tpu.memory_space<vmem>>
    %dma_start3A_609 = arith.constant 0 : i32
    %dma_start3A_610 = tpu.memref_slice %arg20[%dma_start3A_609] : memref<13776xi32, #tpu.memory_space<hbm>> -> memref<13776xi32, #tpu.memory_space<hbm>>
    tpu.enqueue_indirect_dma source(%dma_start3A_610 : memref<13776xi32, #tpu.memory_space<hbm>>) target(%dma_start3A_606 : memref<128xi32, #tpu.memory_space<vmem>>) offsets(%dma_start3A_608 : memref<128xi32, #tpu.memory_space<vmem>>) semaphore(%arg36 : memref<!tpu.dma_semaphore, #tpu.memory_space<semaphore_mem>>)
    %dma_start3A_611 = arith.constant 2688 : i32
    %dma_start3A_612 = tpu.memref_slice %arg35[%dma_start3A_611] : memref<3840xi32, #tpu.memory_space<vmem>> -> memref<128xi32, #tpu.memory_space<vmem>>
    %dma_start3A_613 = arith.constant 3712 : i32
    %dma_start3A_614 = tpu.memref_slice %arg35[%dma_start3A_613] : memref<3840xi32, #tpu.memory_space<vmem>> -> memref<128xi32, #tpu.memory_space<vmem>>
    %dma_start3A_615 = arith.constant 0 : i32
    %dma_start3A_616 = tpu.memref_slice %arg20[%dma_start3A_615] : memref<13776xi32, #tpu.memory_space<hbm>> -> memref<13776xi32, #tpu.memory_space<hbm>>
    tpu.enqueue_indirect_dma source(%dma_start3A_616 : memref<13776xi32, #tpu.memory_space<hbm>>) target(%dma_start3A_612 : memref<128xi32, #tpu.memory_space<vmem>>) offsets(%dma_start3A_614 : memref<128xi32, #tpu.memory_space<vmem>>) semaphore(%arg36 : memref<!tpu.dma_semaphore, #tpu.memory_space<semaphore_mem>>)
    %dma_start3A_617 = arith.constant 2816 : i32
    %dma_start3A_618 = tpu.memref_slice %arg35[%dma_start3A_617] : memref<3840xi32, #tpu.memory_space<vmem>> -> memref<128xi32, #tpu.memory_space<vmem>>
    %dma_start3A_619 = arith.constant 3584 : i32
    %dma_start3A_620 = tpu.memref_slice %arg35[%dma_start3A_619] : memref<3840xi32, #tpu.memory_space<vmem>> -> memref<128xi32, #tpu.memory_space<vmem>>
    %dma_start3A_621 = arith.constant 0 : i32
    %dma_start3A_622 = tpu.memref_slice %arg21[%dma_start3A_621] : memref<13776xi32, #tpu.memory_space<hbm>> -> memref<13776xi32, #tpu.memory_space<hbm>>
    tpu.enqueue_indirect_dma source(%dma_start3A_622 : memref<13776xi32, #tpu.memory_space<hbm>>) target(%dma_start3A_618 : memref<128xi32, #tpu.memory_space<vmem>>) offsets(%dma_start3A_620 : memref<128xi32, #tpu.memory_space<vmem>>) semaphore(%arg36 : memref<!tpu.dma_semaphore, #tpu.memory_space<semaphore_mem>>)
    %dma_start3A_623 = arith.constant 2944 : i32
    %dma_start3A_624 = tpu.memref_slice %arg35[%dma_start3A_623] : memref<3840xi32, #tpu.memory_space<vmem>> -> memref<128xi32, #tpu.memory_space<vmem>>
    %dma_start3A_625 = arith.constant 3712 : i32
    %dma_start3A_626 = tpu.memref_slice %arg35[%dma_start3A_625] : memref<3840xi32, #tpu.memory_space<vmem>> -> memref<128xi32, #tpu.memory_space<vmem>>
    %dma_start3A_627 = arith.constant 0 : i32
    %dma_start3A_628 = tpu.memref_slice %arg21[%dma_start3A_627] : memref<13776xi32, #tpu.memory_space<hbm>> -> memref<13776xi32, #tpu.memory_space<hbm>>
    tpu.enqueue_indirect_dma source(%dma_start3A_628 : memref<13776xi32, #tpu.memory_space<hbm>>) target(%dma_start3A_624 : memref<128xi32, #tpu.memory_space<vmem>>) offsets(%dma_start3A_626 : memref<128xi32, #tpu.memory_space<vmem>>) semaphore(%arg36 : memref<!tpu.dma_semaphore, #tpu.memory_space<semaphore_mem>>)
    %dma_start3A_629 = arith.constant 3072 : i32
    %dma_start3A_630 = tpu.memref_slice %arg35[%dma_start3A_629] : memref<3840xi32, #tpu.memory_space<vmem>> -> memref<128xi32, #tpu.memory_space<vmem>>
    %dma_start3A_631 = arith.constant 3584 : i32
    %dma_start3A_632 = tpu.memref_slice %arg35[%dma_start3A_631] : memref<3840xi32, #tpu.memory_space<vmem>> -> memref<128xi32, #tpu.memory_space<vmem>>
    %dma_start3A_633 = arith.constant 0 : i32
    %dma_start3A_634 = tpu.memref_slice %arg22[%dma_start3A_633] : memref<13776xi32, #tpu.memory_space<hbm>> -> memref<13776xi32, #tpu.memory_space<hbm>>
    tpu.enqueue_indirect_dma source(%dma_start3A_634 : memref<13776xi32, #tpu.memory_space<hbm>>) target(%dma_start3A_630 : memref<128xi32, #tpu.memory_space<vmem>>) offsets(%dma_start3A_632 : memref<128xi32, #tpu.memory_space<vmem>>) semaphore(%arg36 : memref<!tpu.dma_semaphore, #tpu.memory_space<semaphore_mem>>)
    %dma_start3A_635 = arith.constant 3200 : i32
    %dma_start3A_636 = tpu.memref_slice %arg35[%dma_start3A_635] : memref<3840xi32, #tpu.memory_space<vmem>> -> memref<128xi32, #tpu.memory_space<vmem>>
    %dma_start3A_637 = arith.constant 3712 : i32
    %dma_start3A_638 = tpu.memref_slice %arg35[%dma_start3A_637] : memref<3840xi32, #tpu.memory_space<vmem>> -> memref<128xi32, #tpu.memory_space<vmem>>
    %dma_start3A_639 = arith.constant 0 : i32
    %dma_start3A_640 = tpu.memref_slice %arg22[%dma_start3A_639] : memref<13776xi32, #tpu.memory_space<hbm>> -> memref<13776xi32, #tpu.memory_space<hbm>>
    tpu.enqueue_indirect_dma source(%dma_start3A_640 : memref<13776xi32, #tpu.memory_space<hbm>>) target(%dma_start3A_636 : memref<128xi32, #tpu.memory_space<vmem>>) offsets(%dma_start3A_638 : memref<128xi32, #tpu.memory_space<vmem>>) semaphore(%arg36 : memref<!tpu.dma_semaphore, #tpu.memory_space<semaphore_mem>>)
    %dma_start3A_641 = arith.constant 3328 : i32
    %dma_start3A_642 = tpu.memref_slice %arg35[%dma_start3A_641] : memref<3840xi32, #tpu.memory_space<vmem>> -> memref<128xi32, #tpu.memory_space<vmem>>
    %dma_start3A_643 = arith.constant 3584 : i32
    %dma_start3A_644 = tpu.memref_slice %arg35[%dma_start3A_643] : memref<3840xi32, #tpu.memory_space<vmem>> -> memref<128xi32, #tpu.memory_space<vmem>>
    %dma_start3A_645 = arith.constant 0 : i32
    %dma_start3A_646 = tpu.memref_slice %arg23[%dma_start3A_645] : memref<13776xi32, #tpu.memory_space<hbm>> -> memref<13776xi32, #tpu.memory_space<hbm>>
    tpu.enqueue_indirect_dma source(%dma_start3A_646 : memref<13776xi32, #tpu.memory_space<hbm>>) target(%dma_start3A_642 : memref<128xi32, #tpu.memory_space<vmem>>) offsets(%dma_start3A_644 : memref<128xi32, #tpu.memory_space<vmem>>) semaphore(%arg36 : memref<!tpu.dma_semaphore, #tpu.memory_space<semaphore_mem>>)
    %dma_start3A_647 = arith.constant 3456 : i32
    %dma_start3A_648 = tpu.memref_slice %arg35[%dma_start3A_647] : memref<3840xi32, #tpu.memory_space<vmem>> -> memref<128xi32, #tpu.memory_space<vmem>>
    %dma_start3A_649 = arith.constant 3712 : i32
    %dma_start3A_650 = tpu.memref_slice %arg35[%dma_start3A_649] : memref<3840xi32, #tpu.memory_space<vmem>> -> memref<128xi32, #tpu.memory_space<vmem>>
    %dma_start3A_651 = arith.constant 0 : i32
    %dma_start3A_652 = tpu.memref_slice %arg23[%dma_start3A_651] : memref<13776xi32, #tpu.memory_space<hbm>> -> memref<13776xi32, #tpu.memory_space<hbm>>
    tpu.enqueue_indirect_dma source(%dma_start3A_652 : memref<13776xi32, #tpu.memory_space<hbm>>) target(%dma_start3A_648 : memref<128xi32, #tpu.memory_space<vmem>>) offsets(%dma_start3A_650 : memref<128xi32, #tpu.memory_space<vmem>>) semaphore(%arg36 : memref<!tpu.dma_semaphore, #tpu.memory_space<semaphore_mem>>)
    %dma_start3A_653 = arith.constant 5376 : i32
    %dma_start3A_654 = tpu.memref_slice %arg34[%dma_start3A_653] : memref<11008xf32, #tpu.memory_space<vmem>> -> memref<128xf32, #tpu.memory_space<vmem>>
    %dma_start3A_655 = arith.constant 3584 : i32
    %dma_start3A_656 = tpu.memref_slice %arg35[%dma_start3A_655] : memref<3840xi32, #tpu.memory_space<vmem>> -> memref<128xi32, #tpu.memory_space<vmem>>
    %dma_start3A_657 = arith.constant 0 : i32
    %dma_start3A_658 = tpu.memref_slice %arg15[%dma_start3A_657] : memref<13776xf32, #tpu.memory_space<hbm>> -> memref<13776xf32, #tpu.memory_space<hbm>>
    tpu.enqueue_indirect_dma source(%dma_start3A_658 : memref<13776xf32, #tpu.memory_space<hbm>>) target(%dma_start3A_654 : memref<128xf32, #tpu.memory_space<vmem>>) offsets(%dma_start3A_656 : memref<128xi32, #tpu.memory_space<vmem>>) semaphore(%arg36 : memref<!tpu.dma_semaphore, #tpu.memory_space<semaphore_mem>>)
    %dma_start3A_659 = arith.constant 5504 : i32
    %dma_start3A_660 = tpu.memref_slice %arg34[%dma_start3A_659] : memref<11008xf32, #tpu.memory_space<vmem>> -> memref<128xf32, #tpu.memory_space<vmem>>
    %dma_start3A_661 = arith.constant 3712 : i32
    %dma_start3A_662 = tpu.memref_slice %arg35[%dma_start3A_661] : memref<3840xi32, #tpu.memory_space<vmem>> -> memref<128xi32, #tpu.memory_space<vmem>>
    %dma_start3A_663 = arith.constant 0 : i32
    %dma_start3A_664 = tpu.memref_slice %arg15[%dma_start3A_663] : memref<13776xf32, #tpu.memory_space<hbm>> -> memref<13776xf32, #tpu.memory_space<hbm>>
    tpu.enqueue_indirect_dma source(%dma_start3A_664 : memref<13776xf32, #tpu.memory_space<hbm>>) target(%dma_start3A_660 : memref<128xf32, #tpu.memory_space<vmem>>) offsets(%dma_start3A_662 : memref<128xi32, #tpu.memory_space<vmem>>) semaphore(%arg36 : memref<!tpu.dma_semaphore, #tpu.memory_space<semaphore_mem>>)
    %dma_start3A_665 = arith.constant 5632 : i32
    %dma_start3A_666 = tpu.memref_slice %arg34[%dma_start3A_665] : memref<11008xf32, #tpu.memory_space<vmem>> -> memref<128xf32, #tpu.memory_space<vmem>>
    %dma_start3A_667 = arith.constant 3584 : i32
    %dma_start3A_668 = tpu.memref_slice %arg35[%dma_start3A_667] : memref<3840xi32, #tpu.memory_space<vmem>> -> memref<128xi32, #tpu.memory_space<vmem>>
    %dma_start3A_669 = arith.constant 0 : i32
    %dma_start3A_670 = tpu.memref_slice %arg16[%dma_start3A_669] : memref<13776xf32, #tpu.memory_space<hbm>> -> memref<13776xf32, #tpu.memory_space<hbm>>
    tpu.enqueue_indirect_dma source(%dma_start3A_670 : memref<13776xf32, #tpu.memory_space<hbm>>) target(%dma_start3A_666 : memref<128xf32, #tpu.memory_space<vmem>>) offsets(%dma_start3A_668 : memref<128xi32, #tpu.memory_space<vmem>>) semaphore(%arg36 : memref<!tpu.dma_semaphore, #tpu.memory_space<semaphore_mem>>)
    %dma_start3A_671 = arith.constant 5760 : i32
    %dma_start3A_672 = tpu.memref_slice %arg34[%dma_start3A_671] : memref<11008xf32, #tpu.memory_space<vmem>> -> memref<128xf32, #tpu.memory_space<vmem>>
    %dma_start3A_673 = arith.constant 3712 : i32
    %dma_start3A_674 = tpu.memref_slice %arg35[%dma_start3A_673] : memref<3840xi32, #tpu.memory_space<vmem>> -> memref<128xi32, #tpu.memory_space<vmem>>
    %dma_start3A_675 = arith.constant 0 : i32
    %dma_start3A_676 = tpu.memref_slice %arg16[%dma_start3A_675] : memref<13776xf32, #tpu.memory_space<hbm>> -> memref<13776xf32, #tpu.memory_space<hbm>>
    tpu.enqueue_indirect_dma source(%dma_start3A_676 : memref<13776xf32, #tpu.memory_space<hbm>>) target(%dma_start3A_672 : memref<128xf32, #tpu.memory_space<vmem>>) offsets(%dma_start3A_674 : memref<128xi32, #tpu.memory_space<vmem>>) semaphore(%arg36 : memref<!tpu.dma_semaphore, #tpu.memory_space<semaphore_mem>>)
    %dma_start3A_677 = arith.constant 5888 : i32
    %dma_start3A_678 = tpu.memref_slice %arg34[%dma_start3A_677] : memref<11008xf32, #tpu.memory_space<vmem>> -> memref<128xf32, #tpu.memory_space<vmem>>
    %dma_start3A_679 = arith.constant 3584 : i32
    %dma_start3A_680 = tpu.memref_slice %arg35[%dma_start3A_679] : memref<3840xi32, #tpu.memory_space<vmem>> -> memref<128xi32, #tpu.memory_space<vmem>>
    %dma_start3A_681 = arith.constant 0 : i32
    %dma_start3A_682 = tpu.memref_slice %arg17[%dma_start3A_681] : memref<13776xf32, #tpu.memory_space<hbm>> -> memref<13776xf32, #tpu.memory_space<hbm>>
    tpu.enqueue_indirect_dma source(%dma_start3A_682 : memref<13776xf32, #tpu.memory_space<hbm>>) target(%dma_start3A_678 : memref<128xf32, #tpu.memory_space<vmem>>) offsets(%dma_start3A_680 : memref<128xi32, #tpu.memory_space<vmem>>) semaphore(%arg36 : memref<!tpu.dma_semaphore, #tpu.memory_space<semaphore_mem>>)
    %dma_start3A_683 = arith.constant 6016 : i32
    %dma_start3A_684 = tpu.memref_slice %arg34[%dma_start3A_683] : memref<11008xf32, #tpu.memory_space<vmem>> -> memref<128xf32, #tpu.memory_space<vmem>>
    %dma_start3A_685 = arith.constant 3712 : i32
    %dma_start3A_686 = tpu.memref_slice %arg35[%dma_start3A_685] : memref<3840xi32, #tpu.memory_space<vmem>> -> memref<128xi32, #tpu.memory_space<vmem>>
    %dma_start3A_687 = arith.constant 0 : i32
    %dma_start3A_688 = tpu.memref_slice %arg17[%dma_start3A_687] : memref<13776xf32, #tpu.memory_space<hbm>> -> memref<13776xf32, #tpu.memory_space<hbm>>
    tpu.enqueue_indirect_dma source(%dma_start3A_688 : memref<13776xf32, #tpu.memory_space<hbm>>) target(%dma_start3A_684 : memref<128xf32, #tpu.memory_space<vmem>>) offsets(%dma_start3A_686 : memref<128xi32, #tpu.memory_space<vmem>>) semaphore(%arg36 : memref<!tpu.dma_semaphore, #tpu.memory_space<semaphore_mem>>)
    %dma_wait3A_689 = arith.constant 2048 : i32
    %dma_wait3A_690 = tpu.memref_slice %arg35[%dma_wait3A_689] : memref<3840xi32, #tpu.memory_space<vmem>> -> memref<128xi32, #tpu.memory_space<vmem>>
    %dma_wait3A_691 = arith.constant 3584 : i32
    %dma_wait3A_692 = tpu.memref_slice %arg35[%dma_wait3A_691] : memref<3840xi32, #tpu.memory_space<vmem>> -> memref<128xi32, #tpu.memory_space<vmem>>
    %dma_wait3A_693 = arith.constant 0 : i32
    %dma_wait3A_694 = tpu.memref_slice %arg18[%dma_wait3A_693] : memref<13776xi32, #tpu.memory_space<hbm>> -> memref<13776xi32, #tpu.memory_space<hbm>>
    tpu.wait_indirect_dma semaphore(%arg36 : memref<!tpu.dma_semaphore, #tpu.memory_space<semaphore_mem>>) src(%dma_wait3A_694 : memref<13776xi32, #tpu.memory_space<hbm>>) dst(%dma_wait3A_690 : memref<128xi32, #tpu.memory_space<vmem>>)
    %dma_wait3A_695 = arith.constant 2176 : i32
    %dma_wait3A_696 = tpu.memref_slice %arg35[%dma_wait3A_695] : memref<3840xi32, #tpu.memory_space<vmem>> -> memref<128xi32, #tpu.memory_space<vmem>>
    %dma_wait3A_697 = arith.constant 3712 : i32
    %dma_wait3A_698 = tpu.memref_slice %arg35[%dma_wait3A_697] : memref<3840xi32, #tpu.memory_space<vmem>> -> memref<128xi32, #tpu.memory_space<vmem>>
    %dma_wait3A_699 = arith.constant 0 : i32
    %dma_wait3A_700 = tpu.memref_slice %arg18[%dma_wait3A_699] : memref<13776xi32, #tpu.memory_space<hbm>> -> memref<13776xi32, #tpu.memory_space<hbm>>
    tpu.wait_indirect_dma semaphore(%arg36 : memref<!tpu.dma_semaphore, #tpu.memory_space<semaphore_mem>>) src(%dma_wait3A_700 : memref<13776xi32, #tpu.memory_space<hbm>>) dst(%dma_wait3A_696 : memref<128xi32, #tpu.memory_space<vmem>>)
    %dma_wait3A_701 = arith.constant 2304 : i32
    %dma_wait3A_702 = tpu.memref_slice %arg35[%dma_wait3A_701] : memref<3840xi32, #tpu.memory_space<vmem>> -> memref<128xi32, #tpu.memory_space<vmem>>
    %dma_wait3A_703 = arith.constant 3584 : i32
    %dma_wait3A_704 = tpu.memref_slice %arg35[%dma_wait3A_703] : memref<3840xi32, #tpu.memory_space<vmem>> -> memref<128xi32, #tpu.memory_space<vmem>>
    %dma_wait3A_705 = arith.constant 0 : i32
    %dma_wait3A_706 = tpu.memref_slice %arg19[%dma_wait3A_705] : memref<13776xi32, #tpu.memory_space<hbm>> -> memref<13776xi32, #tpu.memory_space<hbm>>
    tpu.wait_indirect_dma semaphore(%arg36 : memref<!tpu.dma_semaphore, #tpu.memory_space<semaphore_mem>>) src(%dma_wait3A_706 : memref<13776xi32, #tpu.memory_space<hbm>>) dst(%dma_wait3A_702 : memref<128xi32, #tpu.memory_space<vmem>>)
    %dma_wait3A_707 = arith.constant 2432 : i32
    %dma_wait3A_708 = tpu.memref_slice %arg35[%dma_wait3A_707] : memref<3840xi32, #tpu.memory_space<vmem>> -> memref<128xi32, #tpu.memory_space<vmem>>
    %dma_wait3A_709 = arith.constant 3712 : i32
    %dma_wait3A_710 = tpu.memref_slice %arg35[%dma_wait3A_709] : memref<3840xi32, #tpu.memory_space<vmem>> -> memref<128xi32, #tpu.memory_space<vmem>>
    %dma_wait3A_711 = arith.constant 0 : i32
    %dma_wait3A_712 = tpu.memref_slice %arg19[%dma_wait3A_711] : memref<13776xi32, #tpu.memory_space<hbm>> -> memref<13776xi32, #tpu.memory_space<hbm>>
    tpu.wait_indirect_dma semaphore(%arg36 : memref<!tpu.dma_semaphore, #tpu.memory_space<semaphore_mem>>) src(%dma_wait3A_712 : memref<13776xi32, #tpu.memory_space<hbm>>) dst(%dma_wait3A_708 : memref<128xi32, #tpu.memory_space<vmem>>)
    %dma_wait3A_713 = arith.constant 2560 : i32
    %dma_wait3A_714 = tpu.memref_slice %arg35[%dma_wait3A_713] : memref<3840xi32, #tpu.memory_space<vmem>> -> memref<128xi32, #tpu.memory_space<vmem>>
    %dma_wait3A_715 = arith.constant 3584 : i32
    %dma_wait3A_716 = tpu.memref_slice %arg35[%dma_wait3A_715] : memref<3840xi32, #tpu.memory_space<vmem>> -> memref<128xi32, #tpu.memory_space<vmem>>
    %dma_wait3A_717 = arith.constant 0 : i32
    %dma_wait3A_718 = tpu.memref_slice %arg20[%dma_wait3A_717] : memref<13776xi32, #tpu.memory_space<hbm>> -> memref<13776xi32, #tpu.memory_space<hbm>>
    tpu.wait_indirect_dma semaphore(%arg36 : memref<!tpu.dma_semaphore, #tpu.memory_space<semaphore_mem>>) src(%dma_wait3A_718 : memref<13776xi32, #tpu.memory_space<hbm>>) dst(%dma_wait3A_714 : memref<128xi32, #tpu.memory_space<vmem>>)
    %dma_wait3A_719 = arith.constant 2688 : i32
    %dma_wait3A_720 = tpu.memref_slice %arg35[%dma_wait3A_719] : memref<3840xi32, #tpu.memory_space<vmem>> -> memref<128xi32, #tpu.memory_space<vmem>>
    %dma_wait3A_721 = arith.constant 3712 : i32
    %dma_wait3A_722 = tpu.memref_slice %arg35[%dma_wait3A_721] : memref<3840xi32, #tpu.memory_space<vmem>> -> memref<128xi32, #tpu.memory_space<vmem>>
    %dma_wait3A_723 = arith.constant 0 : i32
    %dma_wait3A_724 = tpu.memref_slice %arg20[%dma_wait3A_723] : memref<13776xi32, #tpu.memory_space<hbm>> -> memref<13776xi32, #tpu.memory_space<hbm>>
    tpu.wait_indirect_dma semaphore(%arg36 : memref<!tpu.dma_semaphore, #tpu.memory_space<semaphore_mem>>) src(%dma_wait3A_724 : memref<13776xi32, #tpu.memory_space<hbm>>) dst(%dma_wait3A_720 : memref<128xi32, #tpu.memory_space<vmem>>)
    %dma_wait3A_725 = arith.constant 2816 : i32
    %dma_wait3A_726 = tpu.memref_slice %arg35[%dma_wait3A_725] : memref<3840xi32, #tpu.memory_space<vmem>> -> memref<128xi32, #tpu.memory_space<vmem>>
    %dma_wait3A_727 = arith.constant 3584 : i32
    %dma_wait3A_728 = tpu.memref_slice %arg35[%dma_wait3A_727] : memref<3840xi32, #tpu.memory_space<vmem>> -> memref<128xi32, #tpu.memory_space<vmem>>
    %dma_wait3A_729 = arith.constant 0 : i32
    %dma_wait3A_730 = tpu.memref_slice %arg21[%dma_wait3A_729] : memref<13776xi32, #tpu.memory_space<hbm>> -> memref<13776xi32, #tpu.memory_space<hbm>>
    tpu.wait_indirect_dma semaphore(%arg36 : memref<!tpu.dma_semaphore, #tpu.memory_space<semaphore_mem>>) src(%dma_wait3A_730 : memref<13776xi32, #tpu.memory_space<hbm>>) dst(%dma_wait3A_726 : memref<128xi32, #tpu.memory_space<vmem>>)
    %dma_wait3A_731 = arith.constant 2944 : i32
    %dma_wait3A_732 = tpu.memref_slice %arg35[%dma_wait3A_731] : memref<3840xi32, #tpu.memory_space<vmem>> -> memref<128xi32, #tpu.memory_space<vmem>>
    %dma_wait3A_733 = arith.constant 3712 : i32
    %dma_wait3A_734 = tpu.memref_slice %arg35[%dma_wait3A_733] : memref<3840xi32, #tpu.memory_space<vmem>> -> memref<128xi32, #tpu.memory_space<vmem>>
    %dma_wait3A_735 = arith.constant 0 : i32
    %dma_wait3A_736 = tpu.memref_slice %arg21[%dma_wait3A_735] : memref<13776xi32, #tpu.memory_space<hbm>> -> memref<13776xi32, #tpu.memory_space<hbm>>
    tpu.wait_indirect_dma semaphore(%arg36 : memref<!tpu.dma_semaphore, #tpu.memory_space<semaphore_mem>>) src(%dma_wait3A_736 : memref<13776xi32, #tpu.memory_space<hbm>>) dst(%dma_wait3A_732 : memref<128xi32, #tpu.memory_space<vmem>>)
    %dma_wait3A_737 = arith.constant 3072 : i32
    %dma_wait3A_738 = tpu.memref_slice %arg35[%dma_wait3A_737] : memref<3840xi32, #tpu.memory_space<vmem>> -> memref<128xi32, #tpu.memory_space<vmem>>
    %dma_wait3A_739 = arith.constant 3584 : i32
    %dma_wait3A_740 = tpu.memref_slice %arg35[%dma_wait3A_739] : memref<3840xi32, #tpu.memory_space<vmem>> -> memref<128xi32, #tpu.memory_space<vmem>>
    %dma_wait3A_741 = arith.constant 0 : i32
    %dma_wait3A_742 = tpu.memref_slice %arg22[%dma_wait3A_741] : memref<13776xi32, #tpu.memory_space<hbm>> -> memref<13776xi32, #tpu.memory_space<hbm>>
    tpu.wait_indirect_dma semaphore(%arg36 : memref<!tpu.dma_semaphore, #tpu.memory_space<semaphore_mem>>) src(%dma_wait3A_742 : memref<13776xi32, #tpu.memory_space<hbm>>) dst(%dma_wait3A_738 : memref<128xi32, #tpu.memory_space<vmem>>)
    %dma_wait3A_743 = arith.constant 3200 : i32
    %dma_wait3A_744 = tpu.memref_slice %arg35[%dma_wait3A_743] : memref<3840xi32, #tpu.memory_space<vmem>> -> memref<128xi32, #tpu.memory_space<vmem>>
    %dma_wait3A_745 = arith.constant 3712 : i32
    %dma_wait3A_746 = tpu.memref_slice %arg35[%dma_wait3A_745] : memref<3840xi32, #tpu.memory_space<vmem>> -> memref<128xi32, #tpu.memory_space<vmem>>
    %dma_wait3A_747 = arith.constant 0 : i32
    %dma_wait3A_748 = tpu.memref_slice %arg22[%dma_wait3A_747] : memref<13776xi32, #tpu.memory_space<hbm>> -> memref<13776xi32, #tpu.memory_space<hbm>>
    tpu.wait_indirect_dma semaphore(%arg36 : memref<!tpu.dma_semaphore, #tpu.memory_space<semaphore_mem>>) src(%dma_wait3A_748 : memref<13776xi32, #tpu.memory_space<hbm>>) dst(%dma_wait3A_744 : memref<128xi32, #tpu.memory_space<vmem>>)
    %dma_wait3A_749 = arith.constant 3328 : i32
    %dma_wait3A_750 = tpu.memref_slice %arg35[%dma_wait3A_749] : memref<3840xi32, #tpu.memory_space<vmem>> -> memref<128xi32, #tpu.memory_space<vmem>>
    %dma_wait3A_751 = arith.constant 3584 : i32
    %dma_wait3A_752 = tpu.memref_slice %arg35[%dma_wait3A_751] : memref<3840xi32, #tpu.memory_space<vmem>> -> memref<128xi32, #tpu.memory_space<vmem>>
    %dma_wait3A_753 = arith.constant 0 : i32
    %dma_wait3A_754 = tpu.memref_slice %arg23[%dma_wait3A_753] : memref<13776xi32, #tpu.memory_space<hbm>> -> memref<13776xi32, #tpu.memory_space<hbm>>
    tpu.wait_indirect_dma semaphore(%arg36 : memref<!tpu.dma_semaphore, #tpu.memory_space<semaphore_mem>>) src(%dma_wait3A_754 : memref<13776xi32, #tpu.memory_space<hbm>>) dst(%dma_wait3A_750 : memref<128xi32, #tpu.memory_space<vmem>>)
    %dma_wait3A_755 = arith.constant 3456 : i32
    %dma_wait3A_756 = tpu.memref_slice %arg35[%dma_wait3A_755] : memref<3840xi32, #tpu.memory_space<vmem>> -> memref<128xi32, #tpu.memory_space<vmem>>
    %dma_wait3A_757 = arith.constant 3712 : i32
    %dma_wait3A_758 = tpu.memref_slice %arg35[%dma_wait3A_757] : memref<3840xi32, #tpu.memory_space<vmem>> -> memref<128xi32, #tpu.memory_space<vmem>>
    %dma_wait3A_759 = arith.constant 0 : i32
    %dma_wait3A_760 = tpu.memref_slice %arg23[%dma_wait3A_759] : memref<13776xi32, #tpu.memory_space<hbm>> -> memref<13776xi32, #tpu.memory_space<hbm>>
    tpu.wait_indirect_dma semaphore(%arg36 : memref<!tpu.dma_semaphore, #tpu.memory_space<semaphore_mem>>) src(%dma_wait3A_760 : memref<13776xi32, #tpu.memory_space<hbm>>) dst(%dma_wait3A_756 : memref<128xi32, #tpu.memory_space<vmem>>)
    %dma_wait3A_761 = arith.constant 5376 : i32
    %dma_wait3A_762 = tpu.memref_slice %arg34[%dma_wait3A_761] : memref<11008xf32, #tpu.memory_space<vmem>> -> memref<128xf32, #tpu.memory_space<vmem>>
    %dma_wait3A_763 = arith.constant 3584 : i32
    %dma_wait3A_764 = tpu.memref_slice %arg35[%dma_wait3A_763] : memref<3840xi32, #tpu.memory_space<vmem>> -> memref<128xi32, #tpu.memory_space<vmem>>
    %dma_wait3A_765 = arith.constant 0 : i32
    %dma_wait3A_766 = tpu.memref_slice %arg15[%dma_wait3A_765] : memref<13776xf32, #tpu.memory_space<hbm>> -> memref<13776xf32, #tpu.memory_space<hbm>>
    tpu.wait_indirect_dma semaphore(%arg36 : memref<!tpu.dma_semaphore, #tpu.memory_space<semaphore_mem>>) src(%dma_wait3A_766 : memref<13776xf32, #tpu.memory_space<hbm>>) dst(%dma_wait3A_762 : memref<128xf32, #tpu.memory_space<vmem>>)
    %dma_wait3A_767 = arith.constant 5504 : i32
    %dma_wait3A_768 = tpu.memref_slice %arg34[%dma_wait3A_767] : memref<11008xf32, #tpu.memory_space<vmem>> -> memref<128xf32, #tpu.memory_space<vmem>>
    %dma_wait3A_769 = arith.constant 3712 : i32
    %dma_wait3A_770 = tpu.memref_slice %arg35[%dma_wait3A_769] : memref<3840xi32, #tpu.memory_space<vmem>> -> memref<128xi32, #tpu.memory_space<vmem>>
    %dma_wait3A_771 = arith.constant 0 : i32
    %dma_wait3A_772 = tpu.memref_slice %arg15[%dma_wait3A_771] : memref<13776xf32, #tpu.memory_space<hbm>> -> memref<13776xf32, #tpu.memory_space<hbm>>
    tpu.wait_indirect_dma semaphore(%arg36 : memref<!tpu.dma_semaphore, #tpu.memory_space<semaphore_mem>>) src(%dma_wait3A_772 : memref<13776xf32, #tpu.memory_space<hbm>>) dst(%dma_wait3A_768 : memref<128xf32, #tpu.memory_space<vmem>>)
    %dma_wait3A_773 = arith.constant 5632 : i32
    %dma_wait3A_774 = tpu.memref_slice %arg34[%dma_wait3A_773] : memref<11008xf32, #tpu.memory_space<vmem>> -> memref<128xf32, #tpu.memory_space<vmem>>
    %dma_wait3A_775 = arith.constant 3584 : i32
    %dma_wait3A_776 = tpu.memref_slice %arg35[%dma_wait3A_775] : memref<3840xi32, #tpu.memory_space<vmem>> -> memref<128xi32, #tpu.memory_space<vmem>>
    %dma_wait3A_777 = arith.constant 0 : i32
    %dma_wait3A_778 = tpu.memref_slice %arg16[%dma_wait3A_777] : memref<13776xf32, #tpu.memory_space<hbm>> -> memref<13776xf32, #tpu.memory_space<hbm>>
    tpu.wait_indirect_dma semaphore(%arg36 : memref<!tpu.dma_semaphore, #tpu.memory_space<semaphore_mem>>) src(%dma_wait3A_778 : memref<13776xf32, #tpu.memory_space<hbm>>) dst(%dma_wait3A_774 : memref<128xf32, #tpu.memory_space<vmem>>)
    %dma_wait3A_779 = arith.constant 5760 : i32
    %dma_wait3A_780 = tpu.memref_slice %arg34[%dma_wait3A_779] : memref<11008xf32, #tpu.memory_space<vmem>> -> memref<128xf32, #tpu.memory_space<vmem>>
    %dma_wait3A_781 = arith.constant 3712 : i32
    %dma_wait3A_782 = tpu.memref_slice %arg35[%dma_wait3A_781] : memref<3840xi32, #tpu.memory_space<vmem>> -> memref<128xi32, #tpu.memory_space<vmem>>
    %dma_wait3A_783 = arith.constant 0 : i32
    %dma_wait3A_784 = tpu.memref_slice %arg16[%dma_wait3A_783] : memref<13776xf32, #tpu.memory_space<hbm>> -> memref<13776xf32, #tpu.memory_space<hbm>>
    tpu.wait_indirect_dma semaphore(%arg36 : memref<!tpu.dma_semaphore, #tpu.memory_space<semaphore_mem>>) src(%dma_wait3A_784 : memref<13776xf32, #tpu.memory_space<hbm>>) dst(%dma_wait3A_780 : memref<128xf32, #tpu.memory_space<vmem>>)
    %dma_wait3A_785 = arith.constant 5888 : i32
    %dma_wait3A_786 = tpu.memref_slice %arg34[%dma_wait3A_785] : memref<11008xf32, #tpu.memory_space<vmem>> -> memref<128xf32, #tpu.memory_space<vmem>>
    %dma_wait3A_787 = arith.constant 3584 : i32
    %dma_wait3A_788 = tpu.memref_slice %arg35[%dma_wait3A_787] : memref<3840xi32, #tpu.memory_space<vmem>> -> memref<128xi32, #tpu.memory_space<vmem>>
    %dma_wait3A_789 = arith.constant 0 : i32
    %dma_wait3A_790 = tpu.memref_slice %arg17[%dma_wait3A_789] : memref<13776xf32, #tpu.memory_space<hbm>> -> memref<13776xf32, #tpu.memory_space<hbm>>
    tpu.wait_indirect_dma semaphore(%arg36 : memref<!tpu.dma_semaphore, #tpu.memory_space<semaphore_mem>>) src(%dma_wait3A_790 : memref<13776xf32, #tpu.memory_space<hbm>>) dst(%dma_wait3A_786 : memref<128xf32, #tpu.memory_space<vmem>>)
    %dma_wait3A_791 = arith.constant 6016 : i32
    %dma_wait3A_792 = tpu.memref_slice %arg34[%dma_wait3A_791] : memref<11008xf32, #tpu.memory_space<vmem>> -> memref<128xf32, #tpu.memory_space<vmem>>
    %dma_wait3A_793 = arith.constant 3712 : i32
    %dma_wait3A_794 = tpu.memref_slice %arg35[%dma_wait3A_793] : memref<3840xi32, #tpu.memory_space<vmem>> -> memref<128xi32, #tpu.memory_space<vmem>>
    %dma_wait3A_795 = arith.constant 0 : i32
    %dma_wait3A_796 = tpu.memref_slice %arg17[%dma_wait3A_795] : memref<13776xf32, #tpu.memory_space<hbm>> -> memref<13776xf32, #tpu.memory_space<hbm>>
    tpu.wait_indirect_dma semaphore(%arg36 : memref<!tpu.dma_semaphore, #tpu.memory_space<semaphore_mem>>) src(%dma_wait3A_796 : memref<13776xf32, #tpu.memory_space<hbm>>) dst(%dma_wait3A_792 : memref<128xf32, #tpu.memory_space<vmem>>)
    %dma_start3A_797 = arith.constant 6144 : i32
    %dma_start3A_798 = tpu.memref_slice %arg34[%dma_start3A_797] : memref<11008xf32, #tpu.memory_space<vmem>> -> memref<128xf32, #tpu.memory_space<vmem>>
    %dma_start3A_799 = arith.constant 2048 : i32
    %dma_start3A_800 = tpu.memref_slice %arg35[%dma_start3A_799] : memref<3840xi32, #tpu.memory_space<vmem>> -> memref<128xi32, #tpu.memory_space<vmem>>
    %dma_start3A_801 = arith.constant 0 : i32
    %dma_start3A_802 = tpu.memref_slice %arg24[%dma_start3A_801] : memref<6890xf32, #tpu.memory_space<hbm>> -> memref<6890xf32, #tpu.memory_space<hbm>>
    tpu.enqueue_indirect_dma source(%dma_start3A_802 : memref<6890xf32, #tpu.memory_space<hbm>>) target(%dma_start3A_798 : memref<128xf32, #tpu.memory_space<vmem>>) offsets(%dma_start3A_800 : memref<128xi32, #tpu.memory_space<vmem>>) semaphore(%arg36 : memref<!tpu.dma_semaphore, #tpu.memory_space<semaphore_mem>>)
    %dma_start3A_803 = arith.constant 6272 : i32
    %dma_start3A_804 = tpu.memref_slice %arg34[%dma_start3A_803] : memref<11008xf32, #tpu.memory_space<vmem>> -> memref<128xf32, #tpu.memory_space<vmem>>
    %dma_start3A_805 = arith.constant 2176 : i32
    %dma_start3A_806 = tpu.memref_slice %arg35[%dma_start3A_805] : memref<3840xi32, #tpu.memory_space<vmem>> -> memref<128xi32, #tpu.memory_space<vmem>>
    %dma_start3A_807 = arith.constant 0 : i32
    %dma_start3A_808 = tpu.memref_slice %arg24[%dma_start3A_807] : memref<6890xf32, #tpu.memory_space<hbm>> -> memref<6890xf32, #tpu.memory_space<hbm>>
    tpu.enqueue_indirect_dma source(%dma_start3A_808 : memref<6890xf32, #tpu.memory_space<hbm>>) target(%dma_start3A_804 : memref<128xf32, #tpu.memory_space<vmem>>) offsets(%dma_start3A_806 : memref<128xi32, #tpu.memory_space<vmem>>) semaphore(%arg36 : memref<!tpu.dma_semaphore, #tpu.memory_space<semaphore_mem>>)
    %dma_start3A_809 = arith.constant 6400 : i32
    %dma_start3A_810 = tpu.memref_slice %arg34[%dma_start3A_809] : memref<11008xf32, #tpu.memory_space<vmem>> -> memref<128xf32, #tpu.memory_space<vmem>>
    %dma_start3A_811 = arith.constant 2048 : i32
    %dma_start3A_812 = tpu.memref_slice %arg35[%dma_start3A_811] : memref<3840xi32, #tpu.memory_space<vmem>> -> memref<128xi32, #tpu.memory_space<vmem>>
    %dma_start3A_813 = arith.constant 0 : i32
    %dma_start3A_814 = tpu.memref_slice %arg25[%dma_start3A_813] : memref<6890xf32, #tpu.memory_space<hbm>> -> memref<6890xf32, #tpu.memory_space<hbm>>
    tpu.enqueue_indirect_dma source(%dma_start3A_814 : memref<6890xf32, #tpu.memory_space<hbm>>) target(%dma_start3A_810 : memref<128xf32, #tpu.memory_space<vmem>>) offsets(%dma_start3A_812 : memref<128xi32, #tpu.memory_space<vmem>>) semaphore(%arg36 : memref<!tpu.dma_semaphore, #tpu.memory_space<semaphore_mem>>)
    %dma_start3A_815 = arith.constant 6528 : i32
    %dma_start3A_816 = tpu.memref_slice %arg34[%dma_start3A_815] : memref<11008xf32, #tpu.memory_space<vmem>> -> memref<128xf32, #tpu.memory_space<vmem>>
    %dma_start3A_817 = arith.constant 2176 : i32
    %dma_start3A_818 = tpu.memref_slice %arg35[%dma_start3A_817] : memref<3840xi32, #tpu.memory_space<vmem>> -> memref<128xi32, #tpu.memory_space<vmem>>
    %dma_start3A_819 = arith.constant 0 : i32
    %dma_start3A_820 = tpu.memref_slice %arg25[%dma_start3A_819] : memref<6890xf32, #tpu.memory_space<hbm>> -> memref<6890xf32, #tpu.memory_space<hbm>>
    tpu.enqueue_indirect_dma source(%dma_start3A_820 : memref<6890xf32, #tpu.memory_space<hbm>>) target(%dma_start3A_816 : memref<128xf32, #tpu.memory_space<vmem>>) offsets(%dma_start3A_818 : memref<128xi32, #tpu.memory_space<vmem>>) semaphore(%arg36 : memref<!tpu.dma_semaphore, #tpu.memory_space<semaphore_mem>>)
    %dma_start3A_821 = arith.constant 6656 : i32
    %dma_start3A_822 = tpu.memref_slice %arg34[%dma_start3A_821] : memref<11008xf32, #tpu.memory_space<vmem>> -> memref<128xf32, #tpu.memory_space<vmem>>
    %dma_start3A_823 = arith.constant 2048 : i32
    %dma_start3A_824 = tpu.memref_slice %arg35[%dma_start3A_823] : memref<3840xi32, #tpu.memory_space<vmem>> -> memref<128xi32, #tpu.memory_space<vmem>>
    %dma_start3A_825 = arith.constant 0 : i32
    %dma_start3A_826 = tpu.memref_slice %arg26[%dma_start3A_825] : memref<6890xf32, #tpu.memory_space<hbm>> -> memref<6890xf32, #tpu.memory_space<hbm>>
    tpu.enqueue_indirect_dma source(%dma_start3A_826 : memref<6890xf32, #tpu.memory_space<hbm>>) target(%dma_start3A_822 : memref<128xf32, #tpu.memory_space<vmem>>) offsets(%dma_start3A_824 : memref<128xi32, #tpu.memory_space<vmem>>) semaphore(%arg36 : memref<!tpu.dma_semaphore, #tpu.memory_space<semaphore_mem>>)
    %dma_start3A_827 = arith.constant 6784 : i32
    %dma_start3A_828 = tpu.memref_slice %arg34[%dma_start3A_827] : memref<11008xf32, #tpu.memory_space<vmem>> -> memref<128xf32, #tpu.memory_space<vmem>>
    %dma_start3A_829 = arith.constant 2176 : i32
    %dma_start3A_830 = tpu.memref_slice %arg35[%dma_start3A_829] : memref<3840xi32, #tpu.memory_space<vmem>> -> memref<128xi32, #tpu.memory_space<vmem>>
    %dma_start3A_831 = arith.constant 0 : i32
    %dma_start3A_832 = tpu.memref_slice %arg26[%dma_start3A_831] : memref<6890xf32, #tpu.memory_space<hbm>> -> memref<6890xf32, #tpu.memory_space<hbm>>
    tpu.enqueue_indirect_dma source(%dma_start3A_832 : memref<6890xf32, #tpu.memory_space<hbm>>) target(%dma_start3A_828 : memref<128xf32, #tpu.memory_space<vmem>>) offsets(%dma_start3A_830 : memref<128xi32, #tpu.memory_space<vmem>>) semaphore(%arg36 : memref<!tpu.dma_semaphore, #tpu.memory_space<semaphore_mem>>)
    %dma_start3A_833 = arith.constant 8448 : i32
    %dma_start3A_834 = tpu.memref_slice %arg34[%dma_start3A_833] : memref<11008xf32, #tpu.memory_space<vmem>> -> memref<128xf32, #tpu.memory_space<vmem>>
    %dma_start3A_835 = arith.constant 2816 : i32
    %dma_start3A_836 = tpu.memref_slice %arg35[%dma_start3A_835] : memref<3840xi32, #tpu.memory_space<vmem>> -> memref<128xi32, #tpu.memory_space<vmem>>
    %dma_start3A_837 = arith.constant 0 : i32
    %dma_start3A_838 = tpu.memref_slice %arg27[%dma_start3A_837] : memref<7576xf32, #tpu.memory_space<hbm>> -> memref<7576xf32, #tpu.memory_space<hbm>>
    tpu.enqueue_indirect_dma source(%dma_start3A_838 : memref<7576xf32, #tpu.memory_space<hbm>>) target(%dma_start3A_834 : memref<128xf32, #tpu.memory_space<vmem>>) offsets(%dma_start3A_836 : memref<128xi32, #tpu.memory_space<vmem>>) semaphore(%arg36 : memref<!tpu.dma_semaphore, #tpu.memory_space<semaphore_mem>>)
    %dma_start3A_839 = arith.constant 8576 : i32
    %dma_start3A_840 = tpu.memref_slice %arg34[%dma_start3A_839] : memref<11008xf32, #tpu.memory_space<vmem>> -> memref<128xf32, #tpu.memory_space<vmem>>
    %dma_start3A_841 = arith.constant 2944 : i32
    %dma_start3A_842 = tpu.memref_slice %arg35[%dma_start3A_841] : memref<3840xi32, #tpu.memory_space<vmem>> -> memref<128xi32, #tpu.memory_space<vmem>>
    %dma_start3A_843 = arith.constant 0 : i32
    %dma_start3A_844 = tpu.memref_slice %arg27[%dma_start3A_843] : memref<7576xf32, #tpu.memory_space<hbm>> -> memref<7576xf32, #tpu.memory_space<hbm>>
    tpu.enqueue_indirect_dma source(%dma_start3A_844 : memref<7576xf32, #tpu.memory_space<hbm>>) target(%dma_start3A_840 : memref<128xf32, #tpu.memory_space<vmem>>) offsets(%dma_start3A_842 : memref<128xi32, #tpu.memory_space<vmem>>) semaphore(%arg36 : memref<!tpu.dma_semaphore, #tpu.memory_space<semaphore_mem>>)
    %dma_start3A_845 = arith.constant 8704 : i32
    %dma_start3A_846 = tpu.memref_slice %arg34[%dma_start3A_845] : memref<11008xf32, #tpu.memory_space<vmem>> -> memref<128xf32, #tpu.memory_space<vmem>>
    %dma_start3A_847 = arith.constant 2816 : i32
    %dma_start3A_848 = tpu.memref_slice %arg35[%dma_start3A_847] : memref<3840xi32, #tpu.memory_space<vmem>> -> memref<128xi32, #tpu.memory_space<vmem>>
    %dma_start3A_849 = arith.constant 0 : i32
    %dma_start3A_850 = tpu.memref_slice %arg28[%dma_start3A_849] : memref<7576xf32, #tpu.memory_space<hbm>> -> memref<7576xf32, #tpu.memory_space<hbm>>
    tpu.enqueue_indirect_dma source(%dma_start3A_850 : memref<7576xf32, #tpu.memory_space<hbm>>) target(%dma_start3A_846 : memref<128xf32, #tpu.memory_space<vmem>>) offsets(%dma_start3A_848 : memref<128xi32, #tpu.memory_space<vmem>>) semaphore(%arg36 : memref<!tpu.dma_semaphore, #tpu.memory_space<semaphore_mem>>)
    %dma_start3A_851 = arith.constant 8832 : i32
    %dma_start3A_852 = tpu.memref_slice %arg34[%dma_start3A_851] : memref<11008xf32, #tpu.memory_space<vmem>> -> memref<128xf32, #tpu.memory_space<vmem>>
    %dma_start3A_853 = arith.constant 2944 : i32
    %dma_start3A_854 = tpu.memref_slice %arg35[%dma_start3A_853] : memref<3840xi32, #tpu.memory_space<vmem>> -> memref<128xi32, #tpu.memory_space<vmem>>
    %dma_start3A_855 = arith.constant 0 : i32
    %dma_start3A_856 = tpu.memref_slice %arg28[%dma_start3A_855] : memref<7576xf32, #tpu.memory_space<hbm>> -> memref<7576xf32, #tpu.memory_space<hbm>>
    tpu.enqueue_indirect_dma source(%dma_start3A_856 : memref<7576xf32, #tpu.memory_space<hbm>>) target(%dma_start3A_852 : memref<128xf32, #tpu.memory_space<vmem>>) offsets(%dma_start3A_854 : memref<128xi32, #tpu.memory_space<vmem>>) semaphore(%arg36 : memref<!tpu.dma_semaphore, #tpu.memory_space<semaphore_mem>>)
    %dma_start3A_857 = arith.constant 6912 : i32
    %dma_start3A_858 = tpu.memref_slice %arg34[%dma_start3A_857] : memref<11008xf32, #tpu.memory_space<vmem>> -> memref<128xf32, #tpu.memory_space<vmem>>
    %dma_start3A_859 = arith.constant 2304 : i32
    %dma_start3A_860 = tpu.memref_slice %arg35[%dma_start3A_859] : memref<3840xi32, #tpu.memory_space<vmem>> -> memref<128xi32, #tpu.memory_space<vmem>>
    %dma_start3A_861 = arith.constant 0 : i32
    %dma_start3A_862 = tpu.memref_slice %arg24[%dma_start3A_861] : memref<6890xf32, #tpu.memory_space<hbm>> -> memref<6890xf32, #tpu.memory_space<hbm>>
    tpu.enqueue_indirect_dma source(%dma_start3A_862 : memref<6890xf32, #tpu.memory_space<hbm>>) target(%dma_start3A_858 : memref<128xf32, #tpu.memory_space<vmem>>) offsets(%dma_start3A_860 : memref<128xi32, #tpu.memory_space<vmem>>) semaphore(%arg36 : memref<!tpu.dma_semaphore, #tpu.memory_space<semaphore_mem>>)
    %dma_start3A_863 = arith.constant 7040 : i32
    %dma_start3A_864 = tpu.memref_slice %arg34[%dma_start3A_863] : memref<11008xf32, #tpu.memory_space<vmem>> -> memref<128xf32, #tpu.memory_space<vmem>>
    %dma_start3A_865 = arith.constant 2432 : i32
    %dma_start3A_866 = tpu.memref_slice %arg35[%dma_start3A_865] : memref<3840xi32, #tpu.memory_space<vmem>> -> memref<128xi32, #tpu.memory_space<vmem>>
    %dma_start3A_867 = arith.constant 0 : i32
    %dma_start3A_868 = tpu.memref_slice %arg24[%dma_start3A_867] : memref<6890xf32, #tpu.memory_space<hbm>> -> memref<6890xf32, #tpu.memory_space<hbm>>
    tpu.enqueue_indirect_dma source(%dma_start3A_868 : memref<6890xf32, #tpu.memory_space<hbm>>) target(%dma_start3A_864 : memref<128xf32, #tpu.memory_space<vmem>>) offsets(%dma_start3A_866 : memref<128xi32, #tpu.memory_space<vmem>>) semaphore(%arg36 : memref<!tpu.dma_semaphore, #tpu.memory_space<semaphore_mem>>)
    %dma_start3A_869 = arith.constant 7168 : i32
    %dma_start3A_870 = tpu.memref_slice %arg34[%dma_start3A_869] : memref<11008xf32, #tpu.memory_space<vmem>> -> memref<128xf32, #tpu.memory_space<vmem>>
    %dma_start3A_871 = arith.constant 2304 : i32
    %dma_start3A_872 = tpu.memref_slice %arg35[%dma_start3A_871] : memref<3840xi32, #tpu.memory_space<vmem>> -> memref<128xi32, #tpu.memory_space<vmem>>
    %dma_start3A_873 = arith.constant 0 : i32
    %dma_start3A_874 = tpu.memref_slice %arg25[%dma_start3A_873] : memref<6890xf32, #tpu.memory_space<hbm>> -> memref<6890xf32, #tpu.memory_space<hbm>>
    tpu.enqueue_indirect_dma source(%dma_start3A_874 : memref<6890xf32, #tpu.memory_space<hbm>>) target(%dma_start3A_870 : memref<128xf32, #tpu.memory_space<vmem>>) offsets(%dma_start3A_872 : memref<128xi32, #tpu.memory_space<vmem>>) semaphore(%arg36 : memref<!tpu.dma_semaphore, #tpu.memory_space<semaphore_mem>>)
    %dma_start3A_875 = arith.constant 7296 : i32
    %dma_start3A_876 = tpu.memref_slice %arg34[%dma_start3A_875] : memref<11008xf32, #tpu.memory_space<vmem>> -> memref<128xf32, #tpu.memory_space<vmem>>
    %dma_start3A_877 = arith.constant 2432 : i32
    %dma_start3A_878 = tpu.memref_slice %arg35[%dma_start3A_877] : memref<3840xi32, #tpu.memory_space<vmem>> -> memref<128xi32, #tpu.memory_space<vmem>>
    %dma_start3A_879 = arith.constant 0 : i32
    %dma_start3A_880 = tpu.memref_slice %arg25[%dma_start3A_879] : memref<6890xf32, #tpu.memory_space<hbm>> -> memref<6890xf32, #tpu.memory_space<hbm>>
    tpu.enqueue_indirect_dma source(%dma_start3A_880 : memref<6890xf32, #tpu.memory_space<hbm>>) target(%dma_start3A_876 : memref<128xf32, #tpu.memory_space<vmem>>) offsets(%dma_start3A_878 : memref<128xi32, #tpu.memory_space<vmem>>) semaphore(%arg36 : memref<!tpu.dma_semaphore, #tpu.memory_space<semaphore_mem>>)
    %dma_start3A_881 = arith.constant 7424 : i32
    %dma_start3A_882 = tpu.memref_slice %arg34[%dma_start3A_881] : memref<11008xf32, #tpu.memory_space<vmem>> -> memref<128xf32, #tpu.memory_space<vmem>>
    %dma_start3A_883 = arith.constant 2304 : i32
    %dma_start3A_884 = tpu.memref_slice %arg35[%dma_start3A_883] : memref<3840xi32, #tpu.memory_space<vmem>> -> memref<128xi32, #tpu.memory_space<vmem>>
    %dma_start3A_885 = arith.constant 0 : i32
    %dma_start3A_886 = tpu.memref_slice %arg26[%dma_start3A_885] : memref<6890xf32, #tpu.memory_space<hbm>> -> memref<6890xf32, #tpu.memory_space<hbm>>
    tpu.enqueue_indirect_dma source(%dma_start3A_886 : memref<6890xf32, #tpu.memory_space<hbm>>) target(%dma_start3A_882 : memref<128xf32, #tpu.memory_space<vmem>>) offsets(%dma_start3A_884 : memref<128xi32, #tpu.memory_space<vmem>>) semaphore(%arg36 : memref<!tpu.dma_semaphore, #tpu.memory_space<semaphore_mem>>)
    %dma_start3A_887 = arith.constant 7552 : i32
    %dma_start3A_888 = tpu.memref_slice %arg34[%dma_start3A_887] : memref<11008xf32, #tpu.memory_space<vmem>> -> memref<128xf32, #tpu.memory_space<vmem>>
    %dma_start3A_889 = arith.constant 2432 : i32
    %dma_start3A_890 = tpu.memref_slice %arg35[%dma_start3A_889] : memref<3840xi32, #tpu.memory_space<vmem>> -> memref<128xi32, #tpu.memory_space<vmem>>
    %dma_start3A_891 = arith.constant 0 : i32
    %dma_start3A_892 = tpu.memref_slice %arg26[%dma_start3A_891] : memref<6890xf32, #tpu.memory_space<hbm>> -> memref<6890xf32, #tpu.memory_space<hbm>>
    tpu.enqueue_indirect_dma source(%dma_start3A_892 : memref<6890xf32, #tpu.memory_space<hbm>>) target(%dma_start3A_888 : memref<128xf32, #tpu.memory_space<vmem>>) offsets(%dma_start3A_890 : memref<128xi32, #tpu.memory_space<vmem>>) semaphore(%arg36 : memref<!tpu.dma_semaphore, #tpu.memory_space<semaphore_mem>>)
    %dma_start3A_893 = arith.constant 8960 : i32
    %dma_start3A_894 = tpu.memref_slice %arg34[%dma_start3A_893] : memref<11008xf32, #tpu.memory_space<vmem>> -> memref<128xf32, #tpu.memory_space<vmem>>
    %dma_start3A_895 = arith.constant 3072 : i32
    %dma_start3A_896 = tpu.memref_slice %arg35[%dma_start3A_895] : memref<3840xi32, #tpu.memory_space<vmem>> -> memref<128xi32, #tpu.memory_space<vmem>>
    %dma_start3A_897 = arith.constant 0 : i32
    %dma_start3A_898 = tpu.memref_slice %arg27[%dma_start3A_897] : memref<7576xf32, #tpu.memory_space<hbm>> -> memref<7576xf32, #tpu.memory_space<hbm>>
    tpu.enqueue_indirect_dma source(%dma_start3A_898 : memref<7576xf32, #tpu.memory_space<hbm>>) target(%dma_start3A_894 : memref<128xf32, #tpu.memory_space<vmem>>) offsets(%dma_start3A_896 : memref<128xi32, #tpu.memory_space<vmem>>) semaphore(%arg36 : memref<!tpu.dma_semaphore, #tpu.memory_space<semaphore_mem>>)
    %dma_start3A_899 = arith.constant 9088 : i32
    %dma_start3A_900 = tpu.memref_slice %arg34[%dma_start3A_899] : memref<11008xf32, #tpu.memory_space<vmem>> -> memref<128xf32, #tpu.memory_space<vmem>>
    %dma_start3A_901 = arith.constant 3200 : i32
    %dma_start3A_902 = tpu.memref_slice %arg35[%dma_start3A_901] : memref<3840xi32, #tpu.memory_space<vmem>> -> memref<128xi32, #tpu.memory_space<vmem>>
    %dma_start3A_903 = arith.constant 0 : i32
    %dma_start3A_904 = tpu.memref_slice %arg27[%dma_start3A_903] : memref<7576xf32, #tpu.memory_space<hbm>> -> memref<7576xf32, #tpu.memory_space<hbm>>
    tpu.enqueue_indirect_dma source(%dma_start3A_904 : memref<7576xf32, #tpu.memory_space<hbm>>) target(%dma_start3A_900 : memref<128xf32, #tpu.memory_space<vmem>>) offsets(%dma_start3A_902 : memref<128xi32, #tpu.memory_space<vmem>>) semaphore(%arg36 : memref<!tpu.dma_semaphore, #tpu.memory_space<semaphore_mem>>)
    %dma_start3A_905 = arith.constant 9216 : i32
    %dma_start3A_906 = tpu.memref_slice %arg34[%dma_start3A_905] : memref<11008xf32, #tpu.memory_space<vmem>> -> memref<128xf32, #tpu.memory_space<vmem>>
    %dma_start3A_907 = arith.constant 3072 : i32
    %dma_start3A_908 = tpu.memref_slice %arg35[%dma_start3A_907] : memref<3840xi32, #tpu.memory_space<vmem>> -> memref<128xi32, #tpu.memory_space<vmem>>
    %dma_start3A_909 = arith.constant 0 : i32
    %dma_start3A_910 = tpu.memref_slice %arg28[%dma_start3A_909] : memref<7576xf32, #tpu.memory_space<hbm>> -> memref<7576xf32, #tpu.memory_space<hbm>>
    tpu.enqueue_indirect_dma source(%dma_start3A_910 : memref<7576xf32, #tpu.memory_space<hbm>>) target(%dma_start3A_906 : memref<128xf32, #tpu.memory_space<vmem>>) offsets(%dma_start3A_908 : memref<128xi32, #tpu.memory_space<vmem>>) semaphore(%arg36 : memref<!tpu.dma_semaphore, #tpu.memory_space<semaphore_mem>>)
    %dma_start3A_911 = arith.constant 9344 : i32
    %dma_start3A_912 = tpu.memref_slice %arg34[%dma_start3A_911] : memref<11008xf32, #tpu.memory_space<vmem>> -> memref<128xf32, #tpu.memory_space<vmem>>
    %dma_start3A_913 = arith.constant 3200 : i32
    %dma_start3A_914 = tpu.memref_slice %arg35[%dma_start3A_913] : memref<3840xi32, #tpu.memory_space<vmem>> -> memref<128xi32, #tpu.memory_space<vmem>>
    %dma_start3A_915 = arith.constant 0 : i32
    %dma_start3A_916 = tpu.memref_slice %arg28[%dma_start3A_915] : memref<7576xf32, #tpu.memory_space<hbm>> -> memref<7576xf32, #tpu.memory_space<hbm>>
    tpu.enqueue_indirect_dma source(%dma_start3A_916 : memref<7576xf32, #tpu.memory_space<hbm>>) target(%dma_start3A_912 : memref<128xf32, #tpu.memory_space<vmem>>) offsets(%dma_start3A_914 : memref<128xi32, #tpu.memory_space<vmem>>) semaphore(%arg36 : memref<!tpu.dma_semaphore, #tpu.memory_space<semaphore_mem>>)
    %dma_start3A_917 = arith.constant 7680 : i32
    %dma_start3A_918 = tpu.memref_slice %arg34[%dma_start3A_917] : memref<11008xf32, #tpu.memory_space<vmem>> -> memref<128xf32, #tpu.memory_space<vmem>>
    %dma_start3A_919 = arith.constant 2560 : i32
    %dma_start3A_920 = tpu.memref_slice %arg35[%dma_start3A_919] : memref<3840xi32, #tpu.memory_space<vmem>> -> memref<128xi32, #tpu.memory_space<vmem>>
    %dma_start3A_921 = arith.constant 0 : i32
    %dma_start3A_922 = tpu.memref_slice %arg24[%dma_start3A_921] : memref<6890xf32, #tpu.memory_space<hbm>> -> memref<6890xf32, #tpu.memory_space<hbm>>
    tpu.enqueue_indirect_dma source(%dma_start3A_922 : memref<6890xf32, #tpu.memory_space<hbm>>) target(%dma_start3A_918 : memref<128xf32, #tpu.memory_space<vmem>>) offsets(%dma_start3A_920 : memref<128xi32, #tpu.memory_space<vmem>>) semaphore(%arg36 : memref<!tpu.dma_semaphore, #tpu.memory_space<semaphore_mem>>)
    %dma_start3A_923 = arith.constant 7808 : i32
    %dma_start3A_924 = tpu.memref_slice %arg34[%dma_start3A_923] : memref<11008xf32, #tpu.memory_space<vmem>> -> memref<128xf32, #tpu.memory_space<vmem>>
    %dma_start3A_925 = arith.constant 2688 : i32
    %dma_start3A_926 = tpu.memref_slice %arg35[%dma_start3A_925] : memref<3840xi32, #tpu.memory_space<vmem>> -> memref<128xi32, #tpu.memory_space<vmem>>
    %dma_start3A_927 = arith.constant 0 : i32
    %dma_start3A_928 = tpu.memref_slice %arg24[%dma_start3A_927] : memref<6890xf32, #tpu.memory_space<hbm>> -> memref<6890xf32, #tpu.memory_space<hbm>>
    tpu.enqueue_indirect_dma source(%dma_start3A_928 : memref<6890xf32, #tpu.memory_space<hbm>>) target(%dma_start3A_924 : memref<128xf32, #tpu.memory_space<vmem>>) offsets(%dma_start3A_926 : memref<128xi32, #tpu.memory_space<vmem>>) semaphore(%arg36 : memref<!tpu.dma_semaphore, #tpu.memory_space<semaphore_mem>>)
    %dma_start3A_929 = arith.constant 7936 : i32
    %dma_start3A_930 = tpu.memref_slice %arg34[%dma_start3A_929] : memref<11008xf32, #tpu.memory_space<vmem>> -> memref<128xf32, #tpu.memory_space<vmem>>
    %dma_start3A_931 = arith.constant 2560 : i32
    %dma_start3A_932 = tpu.memref_slice %arg35[%dma_start3A_931] : memref<3840xi32, #tpu.memory_space<vmem>> -> memref<128xi32, #tpu.memory_space<vmem>>
    %dma_start3A_933 = arith.constant 0 : i32
    %dma_start3A_934 = tpu.memref_slice %arg25[%dma_start3A_933] : memref<6890xf32, #tpu.memory_space<hbm>> -> memref<6890xf32, #tpu.memory_space<hbm>>
    tpu.enqueue_indirect_dma source(%dma_start3A_934 : memref<6890xf32, #tpu.memory_space<hbm>>) target(%dma_start3A_930 : memref<128xf32, #tpu.memory_space<vmem>>) offsets(%dma_start3A_932 : memref<128xi32, #tpu.memory_space<vmem>>) semaphore(%arg36 : memref<!tpu.dma_semaphore, #tpu.memory_space<semaphore_mem>>)
    %dma_start3A_935 = arith.constant 8064 : i32
    %dma_start3A_936 = tpu.memref_slice %arg34[%dma_start3A_935] : memref<11008xf32, #tpu.memory_space<vmem>> -> memref<128xf32, #tpu.memory_space<vmem>>
    %dma_start3A_937 = arith.constant 2688 : i32
    %dma_start3A_938 = tpu.memref_slice %arg35[%dma_start3A_937] : memref<3840xi32, #tpu.memory_space<vmem>> -> memref<128xi32, #tpu.memory_space<vmem>>
    %dma_start3A_939 = arith.constant 0 : i32
    %dma_start3A_940 = tpu.memref_slice %arg25[%dma_start3A_939] : memref<6890xf32, #tpu.memory_space<hbm>> -> memref<6890xf32, #tpu.memory_space<hbm>>
    tpu.enqueue_indirect_dma source(%dma_start3A_940 : memref<6890xf32, #tpu.memory_space<hbm>>) target(%dma_start3A_936 : memref<128xf32, #tpu.memory_space<vmem>>) offsets(%dma_start3A_938 : memref<128xi32, #tpu.memory_space<vmem>>) semaphore(%arg36 : memref<!tpu.dma_semaphore, #tpu.memory_space<semaphore_mem>>)
    %dma_start3A_941 = arith.constant 8192 : i32
    %dma_start3A_942 = tpu.memref_slice %arg34[%dma_start3A_941] : memref<11008xf32, #tpu.memory_space<vmem>> -> memref<128xf32, #tpu.memory_space<vmem>>
    %dma_start3A_943 = arith.constant 2560 : i32
    %dma_start3A_944 = tpu.memref_slice %arg35[%dma_start3A_943] : memref<3840xi32, #tpu.memory_space<vmem>> -> memref<128xi32, #tpu.memory_space<vmem>>
    %dma_start3A_945 = arith.constant 0 : i32
    %dma_start3A_946 = tpu.memref_slice %arg26[%dma_start3A_945] : memref<6890xf32, #tpu.memory_space<hbm>> -> memref<6890xf32, #tpu.memory_space<hbm>>
    tpu.enqueue_indirect_dma source(%dma_start3A_946 : memref<6890xf32, #tpu.memory_space<hbm>>) target(%dma_start3A_942 : memref<128xf32, #tpu.memory_space<vmem>>) offsets(%dma_start3A_944 : memref<128xi32, #tpu.memory_space<vmem>>) semaphore(%arg36 : memref<!tpu.dma_semaphore, #tpu.memory_space<semaphore_mem>>)
    %dma_start3A_947 = arith.constant 8320 : i32
    %dma_start3A_948 = tpu.memref_slice %arg34[%dma_start3A_947] : memref<11008xf32, #tpu.memory_space<vmem>> -> memref<128xf32, #tpu.memory_space<vmem>>
    %dma_start3A_949 = arith.constant 2688 : i32
    %dma_start3A_950 = tpu.memref_slice %arg35[%dma_start3A_949] : memref<3840xi32, #tpu.memory_space<vmem>> -> memref<128xi32, #tpu.memory_space<vmem>>
    %dma_start3A_951 = arith.constant 0 : i32
    %dma_start3A_952 = tpu.memref_slice %arg26[%dma_start3A_951] : memref<6890xf32, #tpu.memory_space<hbm>> -> memref<6890xf32, #tpu.memory_space<hbm>>
    tpu.enqueue_indirect_dma source(%dma_start3A_952 : memref<6890xf32, #tpu.memory_space<hbm>>) target(%dma_start3A_948 : memref<128xf32, #tpu.memory_space<vmem>>) offsets(%dma_start3A_950 : memref<128xi32, #tpu.memory_space<vmem>>) semaphore(%arg36 : memref<!tpu.dma_semaphore, #tpu.memory_space<semaphore_mem>>)
    %dma_start3A_953 = arith.constant 9472 : i32
    %dma_start3A_954 = tpu.memref_slice %arg34[%dma_start3A_953] : memref<11008xf32, #tpu.memory_space<vmem>> -> memref<128xf32, #tpu.memory_space<vmem>>
    %dma_start3A_955 = arith.constant 3328 : i32
    %dma_start3A_956 = tpu.memref_slice %arg35[%dma_start3A_955] : memref<3840xi32, #tpu.memory_space<vmem>> -> memref<128xi32, #tpu.memory_space<vmem>>
    %dma_start3A_957 = arith.constant 0 : i32
    %dma_start3A_958 = tpu.memref_slice %arg27[%dma_start3A_957] : memref<7576xf32, #tpu.memory_space<hbm>> -> memref<7576xf32, #tpu.memory_space<hbm>>
    tpu.enqueue_indirect_dma source(%dma_start3A_958 : memref<7576xf32, #tpu.memory_space<hbm>>) target(%dma_start3A_954 : memref<128xf32, #tpu.memory_space<vmem>>) offsets(%dma_start3A_956 : memref<128xi32, #tpu.memory_space<vmem>>) semaphore(%arg36 : memref<!tpu.dma_semaphore, #tpu.memory_space<semaphore_mem>>)
    %dma_start3A_959 = arith.constant 9600 : i32
    %dma_start3A_960 = tpu.memref_slice %arg34[%dma_start3A_959] : memref<11008xf32, #tpu.memory_space<vmem>> -> memref<128xf32, #tpu.memory_space<vmem>>
    %dma_start3A_961 = arith.constant 3456 : i32
    %dma_start3A_962 = tpu.memref_slice %arg35[%dma_start3A_961] : memref<3840xi32, #tpu.memory_space<vmem>> -> memref<128xi32, #tpu.memory_space<vmem>>
    %dma_start3A_963 = arith.constant 0 : i32
    %dma_start3A_964 = tpu.memref_slice %arg27[%dma_start3A_963] : memref<7576xf32, #tpu.memory_space<hbm>> -> memref<7576xf32, #tpu.memory_space<hbm>>
    tpu.enqueue_indirect_dma source(%dma_start3A_964 : memref<7576xf32, #tpu.memory_space<hbm>>) target(%dma_start3A_960 : memref<128xf32, #tpu.memory_space<vmem>>) offsets(%dma_start3A_962 : memref<128xi32, #tpu.memory_space<vmem>>) semaphore(%arg36 : memref<!tpu.dma_semaphore, #tpu.memory_space<semaphore_mem>>)
    %dma_start3A_965 = arith.constant 9728 : i32
    %dma_start3A_966 = tpu.memref_slice %arg34[%dma_start3A_965] : memref<11008xf32, #tpu.memory_space<vmem>> -> memref<128xf32, #tpu.memory_space<vmem>>
    %dma_start3A_967 = arith.constant 3328 : i32
    %dma_start3A_968 = tpu.memref_slice %arg35[%dma_start3A_967] : memref<3840xi32, #tpu.memory_space<vmem>> -> memref<128xi32, #tpu.memory_space<vmem>>
    %dma_start3A_969 = arith.constant 0 : i32
    %dma_start3A_970 = tpu.memref_slice %arg28[%dma_start3A_969] : memref<7576xf32, #tpu.memory_space<hbm>> -> memref<7576xf32, #tpu.memory_space<hbm>>
    tpu.enqueue_indirect_dma source(%dma_start3A_970 : memref<7576xf32, #tpu.memory_space<hbm>>) target(%dma_start3A_966 : memref<128xf32, #tpu.memory_space<vmem>>) offsets(%dma_start3A_968 : memref<128xi32, #tpu.memory_space<vmem>>) semaphore(%arg36 : memref<!tpu.dma_semaphore, #tpu.memory_space<semaphore_mem>>)
    %dma_start3A_971 = arith.constant 9856 : i32
    %dma_start3A_972 = tpu.memref_slice %arg34[%dma_start3A_971] : memref<11008xf32, #tpu.memory_space<vmem>> -> memref<128xf32, #tpu.memory_space<vmem>>
    %dma_start3A_973 = arith.constant 3456 : i32
    %dma_start3A_974 = tpu.memref_slice %arg35[%dma_start3A_973] : memref<3840xi32, #tpu.memory_space<vmem>> -> memref<128xi32, #tpu.memory_space<vmem>>
    %dma_start3A_975 = arith.constant 0 : i32
    %dma_start3A_976 = tpu.memref_slice %arg28[%dma_start3A_975] : memref<7576xf32, #tpu.memory_space<hbm>> -> memref<7576xf32, #tpu.memory_space<hbm>>
    tpu.enqueue_indirect_dma source(%dma_start3A_976 : memref<7576xf32, #tpu.memory_space<hbm>>) target(%dma_start3A_972 : memref<128xf32, #tpu.memory_space<vmem>>) offsets(%dma_start3A_974 : memref<128xi32, #tpu.memory_space<vmem>>) semaphore(%arg36 : memref<!tpu.dma_semaphore, #tpu.memory_space<semaphore_mem>>)
    %dma_wait3A_977 = arith.constant 6144 : i32
    %dma_wait3A_978 = tpu.memref_slice %arg34[%dma_wait3A_977] : memref<11008xf32, #tpu.memory_space<vmem>> -> memref<128xf32, #tpu.memory_space<vmem>>
    %dma_wait3A_979 = arith.constant 2048 : i32
    %dma_wait3A_980 = tpu.memref_slice %arg35[%dma_wait3A_979] : memref<3840xi32, #tpu.memory_space<vmem>> -> memref<128xi32, #tpu.memory_space<vmem>>
    %dma_wait3A_981 = arith.constant 0 : i32
    %dma_wait3A_982 = tpu.memref_slice %arg24[%dma_wait3A_981] : memref<6890xf32, #tpu.memory_space<hbm>> -> memref<6890xf32, #tpu.memory_space<hbm>>
    tpu.wait_indirect_dma semaphore(%arg36 : memref<!tpu.dma_semaphore, #tpu.memory_space<semaphore_mem>>) src(%dma_wait3A_982 : memref<6890xf32, #tpu.memory_space<hbm>>) dst(%dma_wait3A_978 : memref<128xf32, #tpu.memory_space<vmem>>)
    %dma_wait3A_983 = arith.constant 6272 : i32
    %dma_wait3A_984 = tpu.memref_slice %arg34[%dma_wait3A_983] : memref<11008xf32, #tpu.memory_space<vmem>> -> memref<128xf32, #tpu.memory_space<vmem>>
    %dma_wait3A_985 = arith.constant 2176 : i32
    %dma_wait3A_986 = tpu.memref_slice %arg35[%dma_wait3A_985] : memref<3840xi32, #tpu.memory_space<vmem>> -> memref<128xi32, #tpu.memory_space<vmem>>
    %dma_wait3A_987 = arith.constant 0 : i32
    %dma_wait3A_988 = tpu.memref_slice %arg24[%dma_wait3A_987] : memref<6890xf32, #tpu.memory_space<hbm>> -> memref<6890xf32, #tpu.memory_space<hbm>>
    tpu.wait_indirect_dma semaphore(%arg36 : memref<!tpu.dma_semaphore, #tpu.memory_space<semaphore_mem>>) src(%dma_wait3A_988 : memref<6890xf32, #tpu.memory_space<hbm>>) dst(%dma_wait3A_984 : memref<128xf32, #tpu.memory_space<vmem>>)
    %dma_wait3A_989 = arith.constant 6400 : i32
    %dma_wait3A_990 = tpu.memref_slice %arg34[%dma_wait3A_989] : memref<11008xf32, #tpu.memory_space<vmem>> -> memref<128xf32, #tpu.memory_space<vmem>>
    %dma_wait3A_991 = arith.constant 2048 : i32
    %dma_wait3A_992 = tpu.memref_slice %arg35[%dma_wait3A_991] : memref<3840xi32, #tpu.memory_space<vmem>> -> memref<128xi32, #tpu.memory_space<vmem>>
    %dma_wait3A_993 = arith.constant 0 : i32
    %dma_wait3A_994 = tpu.memref_slice %arg25[%dma_wait3A_993] : memref<6890xf32, #tpu.memory_space<hbm>> -> memref<6890xf32, #tpu.memory_space<hbm>>
    tpu.wait_indirect_dma semaphore(%arg36 : memref<!tpu.dma_semaphore, #tpu.memory_space<semaphore_mem>>) src(%dma_wait3A_994 : memref<6890xf32, #tpu.memory_space<hbm>>) dst(%dma_wait3A_990 : memref<128xf32, #tpu.memory_space<vmem>>)
    %dma_wait3A_995 = arith.constant 6528 : i32
    %dma_wait3A_996 = tpu.memref_slice %arg34[%dma_wait3A_995] : memref<11008xf32, #tpu.memory_space<vmem>> -> memref<128xf32, #tpu.memory_space<vmem>>
    %dma_wait3A_997 = arith.constant 2176 : i32
    %dma_wait3A_998 = tpu.memref_slice %arg35[%dma_wait3A_997] : memref<3840xi32, #tpu.memory_space<vmem>> -> memref<128xi32, #tpu.memory_space<vmem>>
    %dma_wait3A_999 = arith.constant 0 : i32
    %dma_wait3A_1000 = tpu.memref_slice %arg25[%dma_wait3A_999] : memref<6890xf32, #tpu.memory_space<hbm>> -> memref<6890xf32, #tpu.memory_space<hbm>>
    tpu.wait_indirect_dma semaphore(%arg36 : memref<!tpu.dma_semaphore, #tpu.memory_space<semaphore_mem>>) src(%dma_wait3A_1000 : memref<6890xf32, #tpu.memory_space<hbm>>) dst(%dma_wait3A_996 : memref<128xf32, #tpu.memory_space<vmem>>)
    %dma_wait3A_1001 = arith.constant 6656 : i32
    %dma_wait3A_1002 = tpu.memref_slice %arg34[%dma_wait3A_1001] : memref<11008xf32, #tpu.memory_space<vmem>> -> memref<128xf32, #tpu.memory_space<vmem>>
    %dma_wait3A_1003 = arith.constant 2048 : i32
    %dma_wait3A_1004 = tpu.memref_slice %arg35[%dma_wait3A_1003] : memref<3840xi32, #tpu.memory_space<vmem>> -> memref<128xi32, #tpu.memory_space<vmem>>
    %dma_wait3A_1005 = arith.constant 0 : i32
    %dma_wait3A_1006 = tpu.memref_slice %arg26[%dma_wait3A_1005] : memref<6890xf32, #tpu.memory_space<hbm>> -> memref<6890xf32, #tpu.memory_space<hbm>>
    tpu.wait_indirect_dma semaphore(%arg36 : memref<!tpu.dma_semaphore, #tpu.memory_space<semaphore_mem>>) src(%dma_wait3A_1006 : memref<6890xf32, #tpu.memory_space<hbm>>) dst(%dma_wait3A_1002 : memref<128xf32, #tpu.memory_space<vmem>>)
    %dma_wait3A_1007 = arith.constant 6784 : i32
    %dma_wait3A_1008 = tpu.memref_slice %arg34[%dma_wait3A_1007] : memref<11008xf32, #tpu.memory_space<vmem>> -> memref<128xf32, #tpu.memory_space<vmem>>
    %dma_wait3A_1009 = arith.constant 2176 : i32
    %dma_wait3A_1010 = tpu.memref_slice %arg35[%dma_wait3A_1009] : memref<3840xi32, #tpu.memory_space<vmem>> -> memref<128xi32, #tpu.memory_space<vmem>>
    %dma_wait3A_1011 = arith.constant 0 : i32
    %dma_wait3A_1012 = tpu.memref_slice %arg26[%dma_wait3A_1011] : memref<6890xf32, #tpu.memory_space<hbm>> -> memref<6890xf32, #tpu.memory_space<hbm>>
    tpu.wait_indirect_dma semaphore(%arg36 : memref<!tpu.dma_semaphore, #tpu.memory_space<semaphore_mem>>) src(%dma_wait3A_1012 : memref<6890xf32, #tpu.memory_space<hbm>>) dst(%dma_wait3A_1008 : memref<128xf32, #tpu.memory_space<vmem>>)
    %dma_wait3A_1013 = arith.constant 8448 : i32
    %dma_wait3A_1014 = tpu.memref_slice %arg34[%dma_wait3A_1013] : memref<11008xf32, #tpu.memory_space<vmem>> -> memref<128xf32, #tpu.memory_space<vmem>>
    %dma_wait3A_1015 = arith.constant 2816 : i32
    %dma_wait3A_1016 = tpu.memref_slice %arg35[%dma_wait3A_1015] : memref<3840xi32, #tpu.memory_space<vmem>> -> memref<128xi32, #tpu.memory_space<vmem>>
    %dma_wait3A_1017 = arith.constant 0 : i32
    %dma_wait3A_1018 = tpu.memref_slice %arg27[%dma_wait3A_1017] : memref<7576xf32, #tpu.memory_space<hbm>> -> memref<7576xf32, #tpu.memory_space<hbm>>
    tpu.wait_indirect_dma semaphore(%arg36 : memref<!tpu.dma_semaphore, #tpu.memory_space<semaphore_mem>>) src(%dma_wait3A_1018 : memref<7576xf32, #tpu.memory_space<hbm>>) dst(%dma_wait3A_1014 : memref<128xf32, #tpu.memory_space<vmem>>)
    %dma_wait3A_1019 = arith.constant 8576 : i32
    %dma_wait3A_1020 = tpu.memref_slice %arg34[%dma_wait3A_1019] : memref<11008xf32, #tpu.memory_space<vmem>> -> memref<128xf32, #tpu.memory_space<vmem>>
    %dma_wait3A_1021 = arith.constant 2944 : i32
    %dma_wait3A_1022 = tpu.memref_slice %arg35[%dma_wait3A_1021] : memref<3840xi32, #tpu.memory_space<vmem>> -> memref<128xi32, #tpu.memory_space<vmem>>
    %dma_wait3A_1023 = arith.constant 0 : i32
    %dma_wait3A_1024 = tpu.memref_slice %arg27[%dma_wait3A_1023] : memref<7576xf32, #tpu.memory_space<hbm>> -> memref<7576xf32, #tpu.memory_space<hbm>>
    tpu.wait_indirect_dma semaphore(%arg36 : memref<!tpu.dma_semaphore, #tpu.memory_space<semaphore_mem>>) src(%dma_wait3A_1024 : memref<7576xf32, #tpu.memory_space<hbm>>) dst(%dma_wait3A_1020 : memref<128xf32, #tpu.memory_space<vmem>>)
    %dma_wait3A_1025 = arith.constant 8704 : i32
    %dma_wait3A_1026 = tpu.memref_slice %arg34[%dma_wait3A_1025] : memref<11008xf32, #tpu.memory_space<vmem>> -> memref<128xf32, #tpu.memory_space<vmem>>
    %dma_wait3A_1027 = arith.constant 2816 : i32
    %dma_wait3A_1028 = tpu.memref_slice %arg35[%dma_wait3A_1027] : memref<3840xi32, #tpu.memory_space<vmem>> -> memref<128xi32, #tpu.memory_space<vmem>>
    %dma_wait3A_1029 = arith.constant 0 : i32
    %dma_wait3A_1030 = tpu.memref_slice %arg28[%dma_wait3A_1029] : memref<7576xf32, #tpu.memory_space<hbm>> -> memref<7576xf32, #tpu.memory_space<hbm>>
    tpu.wait_indirect_dma semaphore(%arg36 : memref<!tpu.dma_semaphore, #tpu.memory_space<semaphore_mem>>) src(%dma_wait3A_1030 : memref<7576xf32, #tpu.memory_space<hbm>>) dst(%dma_wait3A_1026 : memref<128xf32, #tpu.memory_space<vmem>>)
    %dma_wait3A_1031 = arith.constant 8832 : i32
    %dma_wait3A_1032 = tpu.memref_slice %arg34[%dma_wait3A_1031] : memref<11008xf32, #tpu.memory_space<vmem>> -> memref<128xf32, #tpu.memory_space<vmem>>
    %dma_wait3A_1033 = arith.constant 2944 : i32
    %dma_wait3A_1034 = tpu.memref_slice %arg35[%dma_wait3A_1033] : memref<3840xi32, #tpu.memory_space<vmem>> -> memref<128xi32, #tpu.memory_space<vmem>>
    %dma_wait3A_1035 = arith.constant 0 : i32
    %dma_wait3A_1036 = tpu.memref_slice %arg28[%dma_wait3A_1035] : memref<7576xf32, #tpu.memory_space<hbm>> -> memref<7576xf32, #tpu.memory_space<hbm>>
    tpu.wait_indirect_dma semaphore(%arg36 : memref<!tpu.dma_semaphore, #tpu.memory_space<semaphore_mem>>) src(%dma_wait3A_1036 : memref<7576xf32, #tpu.memory_space<hbm>>) dst(%dma_wait3A_1032 : memref<128xf32, #tpu.memory_space<vmem>>)
    %dma_wait3A_1037 = arith.constant 6912 : i32
    %dma_wait3A_1038 = tpu.memref_slice %arg34[%dma_wait3A_1037] : memref<11008xf32, #tpu.memory_space<vmem>> -> memref<128xf32, #tpu.memory_space<vmem>>
    %dma_wait3A_1039 = arith.constant 2304 : i32
    %dma_wait3A_1040 = tpu.memref_slice %arg35[%dma_wait3A_1039] : memref<3840xi32, #tpu.memory_space<vmem>> -> memref<128xi32, #tpu.memory_space<vmem>>
    %dma_wait3A_1041 = arith.constant 0 : i32
    %dma_wait3A_1042 = tpu.memref_slice %arg24[%dma_wait3A_1041] : memref<6890xf32, #tpu.memory_space<hbm>> -> memref<6890xf32, #tpu.memory_space<hbm>>
    tpu.wait_indirect_dma semaphore(%arg36 : memref<!tpu.dma_semaphore, #tpu.memory_space<semaphore_mem>>) src(%dma_wait3A_1042 : memref<6890xf32, #tpu.memory_space<hbm>>) dst(%dma_wait3A_1038 : memref<128xf32, #tpu.memory_space<vmem>>)
    %dma_wait3A_1043 = arith.constant 7040 : i32
    %dma_wait3A_1044 = tpu.memref_slice %arg34[%dma_wait3A_1043] : memref<11008xf32, #tpu.memory_space<vmem>> -> memref<128xf32, #tpu.memory_space<vmem>>
    %dma_wait3A_1045 = arith.constant 2432 : i32
    %dma_wait3A_1046 = tpu.memref_slice %arg35[%dma_wait3A_1045] : memref<3840xi32, #tpu.memory_space<vmem>> -> memref<128xi32, #tpu.memory_space<vmem>>
    %dma_wait3A_1047 = arith.constant 0 : i32
    %dma_wait3A_1048 = tpu.memref_slice %arg24[%dma_wait3A_1047] : memref<6890xf32, #tpu.memory_space<hbm>> -> memref<6890xf32, #tpu.memory_space<hbm>>
    tpu.wait_indirect_dma semaphore(%arg36 : memref<!tpu.dma_semaphore, #tpu.memory_space<semaphore_mem>>) src(%dma_wait3A_1048 : memref<6890xf32, #tpu.memory_space<hbm>>) dst(%dma_wait3A_1044 : memref<128xf32, #tpu.memory_space<vmem>>)
    %dma_wait3A_1049 = arith.constant 7168 : i32
    %dma_wait3A_1050 = tpu.memref_slice %arg34[%dma_wait3A_1049] : memref<11008xf32, #tpu.memory_space<vmem>> -> memref<128xf32, #tpu.memory_space<vmem>>
    %dma_wait3A_1051 = arith.constant 2304 : i32
    %dma_wait3A_1052 = tpu.memref_slice %arg35[%dma_wait3A_1051] : memref<3840xi32, #tpu.memory_space<vmem>> -> memref<128xi32, #tpu.memory_space<vmem>>
    %dma_wait3A_1053 = arith.constant 0 : i32
    %dma_wait3A_1054 = tpu.memref_slice %arg25[%dma_wait3A_1053] : memref<6890xf32, #tpu.memory_space<hbm>> -> memref<6890xf32, #tpu.memory_space<hbm>>
    tpu.wait_indirect_dma semaphore(%arg36 : memref<!tpu.dma_semaphore, #tpu.memory_space<semaphore_mem>>) src(%dma_wait3A_1054 : memref<6890xf32, #tpu.memory_space<hbm>>) dst(%dma_wait3A_1050 : memref<128xf32, #tpu.memory_space<vmem>>)
    %dma_wait3A_1055 = arith.constant 7296 : i32
    %dma_wait3A_1056 = tpu.memref_slice %arg34[%dma_wait3A_1055] : memref<11008xf32, #tpu.memory_space<vmem>> -> memref<128xf32, #tpu.memory_space<vmem>>
    %dma_wait3A_1057 = arith.constant 2432 : i32
    %dma_wait3A_1058 = tpu.memref_slice %arg35[%dma_wait3A_1057] : memref<3840xi32, #tpu.memory_space<vmem>> -> memref<128xi32, #tpu.memory_space<vmem>>
    %dma_wait3A_1059 = arith.constant 0 : i32
    %dma_wait3A_1060 = tpu.memref_slice %arg25[%dma_wait3A_1059] : memref<6890xf32, #tpu.memory_space<hbm>> -> memref<6890xf32, #tpu.memory_space<hbm>>
    tpu.wait_indirect_dma semaphore(%arg36 : memref<!tpu.dma_semaphore, #tpu.memory_space<semaphore_mem>>) src(%dma_wait3A_1060 : memref<6890xf32, #tpu.memory_space<hbm>>) dst(%dma_wait3A_1056 : memref<128xf32, #tpu.memory_space<vmem>>)
    %dma_wait3A_1061 = arith.constant 7424 : i32
    %dma_wait3A_1062 = tpu.memref_slice %arg34[%dma_wait3A_1061] : memref<11008xf32, #tpu.memory_space<vmem>> -> memref<128xf32, #tpu.memory_space<vmem>>
    %dma_wait3A_1063 = arith.constant 2304 : i32
    %dma_wait3A_1064 = tpu.memref_slice %arg35[%dma_wait3A_1063] : memref<3840xi32, #tpu.memory_space<vmem>> -> memref<128xi32, #tpu.memory_space<vmem>>
    %dma_wait3A_1065 = arith.constant 0 : i32
    %dma_wait3A_1066 = tpu.memref_slice %arg26[%dma_wait3A_1065] : memref<6890xf32, #tpu.memory_space<hbm>> -> memref<6890xf32, #tpu.memory_space<hbm>>
    tpu.wait_indirect_dma semaphore(%arg36 : memref<!tpu.dma_semaphore, #tpu.memory_space<semaphore_mem>>) src(%dma_wait3A_1066 : memref<6890xf32, #tpu.memory_space<hbm>>) dst(%dma_wait3A_1062 : memref<128xf32, #tpu.memory_space<vmem>>)
    %dma_wait3A_1067 = arith.constant 7552 : i32
    %dma_wait3A_1068 = tpu.memref_slice %arg34[%dma_wait3A_1067] : memref<11008xf32, #tpu.memory_space<vmem>> -> memref<128xf32, #tpu.memory_space<vmem>>
    %dma_wait3A_1069 = arith.constant 2432 : i32
    %dma_wait3A_1070 = tpu.memref_slice %arg35[%dma_wait3A_1069] : memref<3840xi32, #tpu.memory_space<vmem>> -> memref<128xi32, #tpu.memory_space<vmem>>
    %dma_wait3A_1071 = arith.constant 0 : i32
    %dma_wait3A_1072 = tpu.memref_slice %arg26[%dma_wait3A_1071] : memref<6890xf32, #tpu.memory_space<hbm>> -> memref<6890xf32, #tpu.memory_space<hbm>>
    tpu.wait_indirect_dma semaphore(%arg36 : memref<!tpu.dma_semaphore, #tpu.memory_space<semaphore_mem>>) src(%dma_wait3A_1072 : memref<6890xf32, #tpu.memory_space<hbm>>) dst(%dma_wait3A_1068 : memref<128xf32, #tpu.memory_space<vmem>>)
    %dma_wait3A_1073 = arith.constant 8960 : i32
    %dma_wait3A_1074 = tpu.memref_slice %arg34[%dma_wait3A_1073] : memref<11008xf32, #tpu.memory_space<vmem>> -> memref<128xf32, #tpu.memory_space<vmem>>
    %dma_wait3A_1075 = arith.constant 3072 : i32
    %dma_wait3A_1076 = tpu.memref_slice %arg35[%dma_wait3A_1075] : memref<3840xi32, #tpu.memory_space<vmem>> -> memref<128xi32, #tpu.memory_space<vmem>>
    %dma_wait3A_1077 = arith.constant 0 : i32
    %dma_wait3A_1078 = tpu.memref_slice %arg27[%dma_wait3A_1077] : memref<7576xf32, #tpu.memory_space<hbm>> -> memref<7576xf32, #tpu.memory_space<hbm>>
    tpu.wait_indirect_dma semaphore(%arg36 : memref<!tpu.dma_semaphore, #tpu.memory_space<semaphore_mem>>) src(%dma_wait3A_1078 : memref<7576xf32, #tpu.memory_space<hbm>>) dst(%dma_wait3A_1074 : memref<128xf32, #tpu.memory_space<vmem>>)
    %dma_wait3A_1079 = arith.constant 9088 : i32
    %dma_wait3A_1080 = tpu.memref_slice %arg34[%dma_wait3A_1079] : memref<11008xf32, #tpu.memory_space<vmem>> -> memref<128xf32, #tpu.memory_space<vmem>>
    %dma_wait3A_1081 = arith.constant 3200 : i32
    %dma_wait3A_1082 = tpu.memref_slice %arg35[%dma_wait3A_1081] : memref<3840xi32, #tpu.memory_space<vmem>> -> memref<128xi32, #tpu.memory_space<vmem>>
    %dma_wait3A_1083 = arith.constant 0 : i32
    %dma_wait3A_1084 = tpu.memref_slice %arg27[%dma_wait3A_1083] : memref<7576xf32, #tpu.memory_space<hbm>> -> memref<7576xf32, #tpu.memory_space<hbm>>
    tpu.wait_indirect_dma semaphore(%arg36 : memref<!tpu.dma_semaphore, #tpu.memory_space<semaphore_mem>>) src(%dma_wait3A_1084 : memref<7576xf32, #tpu.memory_space<hbm>>) dst(%dma_wait3A_1080 : memref<128xf32, #tpu.memory_space<vmem>>)
    %dma_wait3A_1085 = arith.constant 9216 : i32
    %dma_wait3A_1086 = tpu.memref_slice %arg34[%dma_wait3A_1085] : memref<11008xf32, #tpu.memory_space<vmem>> -> memref<128xf32, #tpu.memory_space<vmem>>
    %dma_wait3A_1087 = arith.constant 3072 : i32
    %dma_wait3A_1088 = tpu.memref_slice %arg35[%dma_wait3A_1087] : memref<3840xi32, #tpu.memory_space<vmem>> -> memref<128xi32, #tpu.memory_space<vmem>>
    %dma_wait3A_1089 = arith.constant 0 : i32
    %dma_wait3A_1090 = tpu.memref_slice %arg28[%dma_wait3A_1089] : memref<7576xf32, #tpu.memory_space<hbm>> -> memref<7576xf32, #tpu.memory_space<hbm>>
    tpu.wait_indirect_dma semaphore(%arg36 : memref<!tpu.dma_semaphore, #tpu.memory_space<semaphore_mem>>) src(%dma_wait3A_1090 : memref<7576xf32, #tpu.memory_space<hbm>>) dst(%dma_wait3A_1086 : memref<128xf32, #tpu.memory_space<vmem>>)
    %dma_wait3A_1091 = arith.constant 9344 : i32
    %dma_wait3A_1092 = tpu.memref_slice %arg34[%dma_wait3A_1091] : memref<11008xf32, #tpu.memory_space<vmem>> -> memref<128xf32, #tpu.memory_space<vmem>>
    %dma_wait3A_1093 = arith.constant 3200 : i32
    %dma_wait3A_1094 = tpu.memref_slice %arg35[%dma_wait3A_1093] : memref<3840xi32, #tpu.memory_space<vmem>> -> memref<128xi32, #tpu.memory_space<vmem>>
    %dma_wait3A_1095 = arith.constant 0 : i32
    %dma_wait3A_1096 = tpu.memref_slice %arg28[%dma_wait3A_1095] : memref<7576xf32, #tpu.memory_space<hbm>> -> memref<7576xf32, #tpu.memory_space<hbm>>
    tpu.wait_indirect_dma semaphore(%arg36 : memref<!tpu.dma_semaphore, #tpu.memory_space<semaphore_mem>>) src(%dma_wait3A_1096 : memref<7576xf32, #tpu.memory_space<hbm>>) dst(%dma_wait3A_1092 : memref<128xf32, #tpu.memory_space<vmem>>)
    %dma_wait3A_1097 = arith.constant 7680 : i32
    %dma_wait3A_1098 = tpu.memref_slice %arg34[%dma_wait3A_1097] : memref<11008xf32, #tpu.memory_space<vmem>> -> memref<128xf32, #tpu.memory_space<vmem>>
    %dma_wait3A_1099 = arith.constant 2560 : i32
    %dma_wait3A_1100 = tpu.memref_slice %arg35[%dma_wait3A_1099] : memref<3840xi32, #tpu.memory_space<vmem>> -> memref<128xi32, #tpu.memory_space<vmem>>
    %dma_wait3A_1101 = arith.constant 0 : i32
    %dma_wait3A_1102 = tpu.memref_slice %arg24[%dma_wait3A_1101] : memref<6890xf32, #tpu.memory_space<hbm>> -> memref<6890xf32, #tpu.memory_space<hbm>>
    tpu.wait_indirect_dma semaphore(%arg36 : memref<!tpu.dma_semaphore, #tpu.memory_space<semaphore_mem>>) src(%dma_wait3A_1102 : memref<6890xf32, #tpu.memory_space<hbm>>) dst(%dma_wait3A_1098 : memref<128xf32, #tpu.memory_space<vmem>>)
    %dma_wait3A_1103 = arith.constant 7808 : i32
    %dma_wait3A_1104 = tpu.memref_slice %arg34[%dma_wait3A_1103] : memref<11008xf32, #tpu.memory_space<vmem>> -> memref<128xf32, #tpu.memory_space<vmem>>
    %dma_wait3A_1105 = arith.constant 2688 : i32
    %dma_wait3A_1106 = tpu.memref_slice %arg35[%dma_wait3A_1105] : memref<3840xi32, #tpu.memory_space<vmem>> -> memref<128xi32, #tpu.memory_space<vmem>>
    %dma_wait3A_1107 = arith.constant 0 : i32
    %dma_wait3A_1108 = tpu.memref_slice %arg24[%dma_wait3A_1107] : memref<6890xf32, #tpu.memory_space<hbm>> -> memref<6890xf32, #tpu.memory_space<hbm>>
    tpu.wait_indirect_dma semaphore(%arg36 : memref<!tpu.dma_semaphore, #tpu.memory_space<semaphore_mem>>) src(%dma_wait3A_1108 : memref<6890xf32, #tpu.memory_space<hbm>>) dst(%dma_wait3A_1104 : memref<128xf32, #tpu.memory_space<vmem>>)
    %dma_wait3A_1109 = arith.constant 7936 : i32
    %dma_wait3A_1110 = tpu.memref_slice %arg34[%dma_wait3A_1109] : memref<11008xf32, #tpu.memory_space<vmem>> -> memref<128xf32, #tpu.memory_space<vmem>>
    %dma_wait3A_1111 = arith.constant 2560 : i32
    %dma_wait3A_1112 = tpu.memref_slice %arg35[%dma_wait3A_1111] : memref<3840xi32, #tpu.memory_space<vmem>> -> memref<128xi32, #tpu.memory_space<vmem>>
    %dma_wait3A_1113 = arith.constant 0 : i32
    %dma_wait3A_1114 = tpu.memref_slice %arg25[%dma_wait3A_1113] : memref<6890xf32, #tpu.memory_space<hbm>> -> memref<6890xf32, #tpu.memory_space<hbm>>
    tpu.wait_indirect_dma semaphore(%arg36 : memref<!tpu.dma_semaphore, #tpu.memory_space<semaphore_mem>>) src(%dma_wait3A_1114 : memref<6890xf32, #tpu.memory_space<hbm>>) dst(%dma_wait3A_1110 : memref<128xf32, #tpu.memory_space<vmem>>)
    %dma_wait3A_1115 = arith.constant 8064 : i32
    %dma_wait3A_1116 = tpu.memref_slice %arg34[%dma_wait3A_1115] : memref<11008xf32, #tpu.memory_space<vmem>> -> memref<128xf32, #tpu.memory_space<vmem>>
    %dma_wait3A_1117 = arith.constant 2688 : i32
    %dma_wait3A_1118 = tpu.memref_slice %arg35[%dma_wait3A_1117] : memref<3840xi32, #tpu.memory_space<vmem>> -> memref<128xi32, #tpu.memory_space<vmem>>
    %dma_wait3A_1119 = arith.constant 0 : i32
    %dma_wait3A_1120 = tpu.memref_slice %arg25[%dma_wait3A_1119] : memref<6890xf32, #tpu.memory_space<hbm>> -> memref<6890xf32, #tpu.memory_space<hbm>>
    tpu.wait_indirect_dma semaphore(%arg36 : memref<!tpu.dma_semaphore, #tpu.memory_space<semaphore_mem>>) src(%dma_wait3A_1120 : memref<6890xf32, #tpu.memory_space<hbm>>) dst(%dma_wait3A_1116 : memref<128xf32, #tpu.memory_space<vmem>>)
    %dma_wait3A_1121 = arith.constant 8192 : i32
    %dma_wait3A_1122 = tpu.memref_slice %arg34[%dma_wait3A_1121] : memref<11008xf32, #tpu.memory_space<vmem>> -> memref<128xf32, #tpu.memory_space<vmem>>
    %dma_wait3A_1123 = arith.constant 2560 : i32
    %dma_wait3A_1124 = tpu.memref_slice %arg35[%dma_wait3A_1123] : memref<3840xi32, #tpu.memory_space<vmem>> -> memref<128xi32, #tpu.memory_space<vmem>>
    %dma_wait3A_1125 = arith.constant 0 : i32
    %dma_wait3A_1126 = tpu.memref_slice %arg26[%dma_wait3A_1125] : memref<6890xf32, #tpu.memory_space<hbm>> -> memref<6890xf32, #tpu.memory_space<hbm>>
    tpu.wait_indirect_dma semaphore(%arg36 : memref<!tpu.dma_semaphore, #tpu.memory_space<semaphore_mem>>) src(%dma_wait3A_1126 : memref<6890xf32, #tpu.memory_space<hbm>>) dst(%dma_wait3A_1122 : memref<128xf32, #tpu.memory_space<vmem>>)
    %dma_wait3A_1127 = arith.constant 8320 : i32
    %dma_wait3A_1128 = tpu.memref_slice %arg34[%dma_wait3A_1127] : memref<11008xf32, #tpu.memory_space<vmem>> -> memref<128xf32, #tpu.memory_space<vmem>>
    %dma_wait3A_1129 = arith.constant 2688 : i32
    %dma_wait3A_1130 = tpu.memref_slice %arg35[%dma_wait3A_1129] : memref<3840xi32, #tpu.memory_space<vmem>> -> memref<128xi32, #tpu.memory_space<vmem>>
    %dma_wait3A_1131 = arith.constant 0 : i32
    %dma_wait3A_1132 = tpu.memref_slice %arg26[%dma_wait3A_1131] : memref<6890xf32, #tpu.memory_space<hbm>> -> memref<6890xf32, #tpu.memory_space<hbm>>
    tpu.wait_indirect_dma semaphore(%arg36 : memref<!tpu.dma_semaphore, #tpu.memory_space<semaphore_mem>>) src(%dma_wait3A_1132 : memref<6890xf32, #tpu.memory_space<hbm>>) dst(%dma_wait3A_1128 : memref<128xf32, #tpu.memory_space<vmem>>)
    %dma_wait3A_1133 = arith.constant 9472 : i32
    %dma_wait3A_1134 = tpu.memref_slice %arg34[%dma_wait3A_1133] : memref<11008xf32, #tpu.memory_space<vmem>> -> memref<128xf32, #tpu.memory_space<vmem>>
    %dma_wait3A_1135 = arith.constant 3328 : i32
    %dma_wait3A_1136 = tpu.memref_slice %arg35[%dma_wait3A_1135] : memref<3840xi32, #tpu.memory_space<vmem>> -> memref<128xi32, #tpu.memory_space<vmem>>
    %dma_wait3A_1137 = arith.constant 0 : i32
    %dma_wait3A_1138 = tpu.memref_slice %arg27[%dma_wait3A_1137] : memref<7576xf32, #tpu.memory_space<hbm>> -> memref<7576xf32, #tpu.memory_space<hbm>>
    tpu.wait_indirect_dma semaphore(%arg36 : memref<!tpu.dma_semaphore, #tpu.memory_space<semaphore_mem>>) src(%dma_wait3A_1138 : memref<7576xf32, #tpu.memory_space<hbm>>) dst(%dma_wait3A_1134 : memref<128xf32, #tpu.memory_space<vmem>>)
    %dma_wait3A_1139 = arith.constant 9600 : i32
    %dma_wait3A_1140 = tpu.memref_slice %arg34[%dma_wait3A_1139] : memref<11008xf32, #tpu.memory_space<vmem>> -> memref<128xf32, #tpu.memory_space<vmem>>
    %dma_wait3A_1141 = arith.constant 3456 : i32
    %dma_wait3A_1142 = tpu.memref_slice %arg35[%dma_wait3A_1141] : memref<3840xi32, #tpu.memory_space<vmem>> -> memref<128xi32, #tpu.memory_space<vmem>>
    %dma_wait3A_1143 = arith.constant 0 : i32
    %dma_wait3A_1144 = tpu.memref_slice %arg27[%dma_wait3A_1143] : memref<7576xf32, #tpu.memory_space<hbm>> -> memref<7576xf32, #tpu.memory_space<hbm>>
    tpu.wait_indirect_dma semaphore(%arg36 : memref<!tpu.dma_semaphore, #tpu.memory_space<semaphore_mem>>) src(%dma_wait3A_1144 : memref<7576xf32, #tpu.memory_space<hbm>>) dst(%dma_wait3A_1140 : memref<128xf32, #tpu.memory_space<vmem>>)
    %dma_wait3A_1145 = arith.constant 9728 : i32
    %dma_wait3A_1146 = tpu.memref_slice %arg34[%dma_wait3A_1145] : memref<11008xf32, #tpu.memory_space<vmem>> -> memref<128xf32, #tpu.memory_space<vmem>>
    %dma_wait3A_1147 = arith.constant 3328 : i32
    %dma_wait3A_1148 = tpu.memref_slice %arg35[%dma_wait3A_1147] : memref<3840xi32, #tpu.memory_space<vmem>> -> memref<128xi32, #tpu.memory_space<vmem>>
    %dma_wait3A_1149 = arith.constant 0 : i32
    %dma_wait3A_1150 = tpu.memref_slice %arg28[%dma_wait3A_1149] : memref<7576xf32, #tpu.memory_space<hbm>> -> memref<7576xf32, #tpu.memory_space<hbm>>
    tpu.wait_indirect_dma semaphore(%arg36 : memref<!tpu.dma_semaphore, #tpu.memory_space<semaphore_mem>>) src(%dma_wait3A_1150 : memref<7576xf32, #tpu.memory_space<hbm>>) dst(%dma_wait3A_1146 : memref<128xf32, #tpu.memory_space<vmem>>)
    %dma_wait3A_1151 = arith.constant 9856 : i32
    %dma_wait3A_1152 = tpu.memref_slice %arg34[%dma_wait3A_1151] : memref<11008xf32, #tpu.memory_space<vmem>> -> memref<128xf32, #tpu.memory_space<vmem>>
    %dma_wait3A_1153 = arith.constant 3456 : i32
    %dma_wait3A_1154 = tpu.memref_slice %arg35[%dma_wait3A_1153] : memref<3840xi32, #tpu.memory_space<vmem>> -> memref<128xi32, #tpu.memory_space<vmem>>
    %dma_wait3A_1155 = arith.constant 0 : i32
    %dma_wait3A_1156 = tpu.memref_slice %arg28[%dma_wait3A_1155] : memref<7576xf32, #tpu.memory_space<hbm>> -> memref<7576xf32, #tpu.memory_space<hbm>>
    tpu.wait_indirect_dma semaphore(%arg36 : memref<!tpu.dma_semaphore, #tpu.memory_space<semaphore_mem>>) src(%dma_wait3A_1156 : memref<7576xf32, #tpu.memory_space<hbm>>) dst(%dma_wait3A_1152 : memref<128xf32, #tpu.memory_space<vmem>>)
    %scan3A_1157 = arith.constant 0 : i32
    %scan3A_1158 = arith.constant 16 : i32
    %scan3A_1159 = arith.addi %scan3A_1157, %scan3A_1158 : i32
    %scan3A_1160 = arith.constant 1 : i32
    scf.for %scan3A_1162 = %scan3A_1157 to %scan3A_1159 step %scan3A_1160  : i32 {
      %mul3A_1163 = arith.constant 16 : i32
      %mul3A_1164 = arith.muli %scan3A_1162, %mul3A_1163 : i32
      %add3A_1165 = arith.constant 0 : i32
      %add3A_1166 = arith.addi %add3A_1165, %mul3A_1164 : i32
      %get3A = arith.index_cast %add3A_1166 : i32 to index
      %get3A_1167 = tpu.vector_load %arg34[%get3A] {strides = array<i32>} : memref<11008xf32, #tpu.memory_space<vmem>>, vector<16xf32>,
      %get3A_1168 = vector.shape_cast %get3A_1167 : vector<16xf32> to vector<16xf32>
      %add3A_1169 = arith.constant 256 : i32
      %add3A_1170 = arith.addi %add3A_1169, %mul3A_1164 : i32
      %get3A_1171 = arith.index_cast %add3A_1170 : i32 to index
      %get3A_1172 = tpu.vector_load %arg34[%get3A_1171] {strides = array<i32>} : memref<11008xf32, #tpu.memory_space<vmem>>, vector<16xf32>,
      %get3A_1173 = vector.shape_cast %get3A_1172 : vector<16xf32> to vector<16xf32>
      %add3A_1174 = arith.constant 512 : i32
      %add3A_1175 = arith.addi %add3A_1174, %mul3A_1164 : i32
      %get3A_1176 = arith.index_cast %add3A_1175 : i32 to index
      %get3A_1177 = tpu.vector_load %arg34[%get3A_1176] {strides = array<i32>} : memref<11008xf32, #tpu.memory_space<vmem>>, vector<16xf32>,
      %get3A_1178 = vector.shape_cast %get3A_1177 : vector<16xf32> to vector<16xf32>
      %add3A_1179 = arith.constant 6144 : i32
      %add3A_1180 = arith.addi %add3A_1179, %mul3A_1164 : i32
      %get3A_1181 = arith.index_cast %add3A_1180 : i32 to index
      %get3A_1182 = tpu.vector_load %arg34[%get3A_1181] {strides = array<i32>} : memref<11008xf32, #tpu.memory_space<vmem>>, vector<16xf32>,
      %get3A_1183 = vector.shape_cast %get3A_1182 : vector<16xf32> to vector<16xf32>
      %add3A_1184 = arith.constant 6400 : i32
      %add3A_1185 = arith.addi %add3A_1184, %mul3A_1164 : i32
      %get3A_1186 = arith.index_cast %add3A_1185 : i32 to index
      %get3A_1187 = tpu.vector_load %arg34[%get3A_1186] {strides = array<i32>} : memref<11008xf32, #tpu.memory_space<vmem>>, vector<16xf32>,
      %get3A_1188 = vector.shape_cast %get3A_1187 : vector<16xf32> to vector<16xf32>
      %add3A_1189 = arith.constant 6656 : i32
      %add3A_1190 = arith.addi %add3A_1189, %mul3A_1164 : i32
      %get3A_1191 = arith.index_cast %add3A_1190 : i32 to index
      %get3A_1192 = tpu.vector_load %arg34[%get3A_1191] {strides = array<i32>} : memref<11008xf32, #tpu.memory_space<vmem>>, vector<16xf32>,
      %get3A_1193 = vector.shape_cast %get3A_1192 : vector<16xf32> to vector<16xf32>
      %add3A_1194 = arith.constant 6912 : i32
      %add3A_1195 = arith.addi %add3A_1194, %mul3A_1164 : i32
      %get3A_1196 = arith.index_cast %add3A_1195 : i32 to index
      %get3A_1197 = tpu.vector_load %arg34[%get3A_1196] {strides = array<i32>} : memref<11008xf32, #tpu.memory_space<vmem>>, vector<16xf32>,
      %get3A_1198 = vector.shape_cast %get3A_1197 : vector<16xf32> to vector<16xf32>
      %add3A_1199 = arith.constant 7168 : i32
      %add3A_1200 = arith.addi %add3A_1199, %mul3A_1164 : i32
      %get3A_1201 = arith.index_cast %add3A_1200 : i32 to index
      %get3A_1202 = tpu.vector_load %arg34[%get3A_1201] {strides = array<i32>} : memref<11008xf32, #tpu.memory_space<vmem>>, vector<16xf32>,
      %get3A_1203 = vector.shape_cast %get3A_1202 : vector<16xf32> to vector<16xf32>
      %add3A_1204 = arith.constant 7424 : i32
      %add3A_1205 = arith.addi %add3A_1204, %mul3A_1164 : i32
      %get3A_1206 = arith.index_cast %add3A_1205 : i32 to index
      %get3A_1207 = tpu.vector_load %arg34[%get3A_1206] {strides = array<i32>} : memref<11008xf32, #tpu.memory_space<vmem>>, vector<16xf32>,
      %get3A_1208 = vector.shape_cast %get3A_1207 : vector<16xf32> to vector<16xf32>
      %add3A_1209 = arith.constant 7680 : i32
      %add3A_1210 = arith.addi %add3A_1209, %mul3A_1164 : i32
      %get3A_1211 = arith.index_cast %add3A_1210 : i32 to index
      %get3A_1212 = tpu.vector_load %arg34[%get3A_1211] {strides = array<i32>} : memref<11008xf32, #tpu.memory_space<vmem>>, vector<16xf32>,
      %get3A_1213 = vector.shape_cast %get3A_1212 : vector<16xf32> to vector<16xf32>
      %add3A_1214 = arith.constant 7936 : i32
      %add3A_1215 = arith.addi %add3A_1214, %mul3A_1164 : i32
      %get3A_1216 = arith.index_cast %add3A_1215 : i32 to index
      %get3A_1217 = tpu.vector_load %arg34[%get3A_1216] {strides = array<i32>} : memref<11008xf32, #tpu.memory_space<vmem>>, vector<16xf32>,
      %get3A_1218 = vector.shape_cast %get3A_1217 : vector<16xf32> to vector<16xf32>
      %add3A_1219 = arith.constant 8192 : i32
      %add3A_1220 = arith.addi %add3A_1219, %mul3A_1164 : i32
      %get3A_1221 = arith.index_cast %add3A_1220 : i32 to index
      %get3A_1222 = tpu.vector_load %arg34[%get3A_1221] {strides = array<i32>} : memref<11008xf32, #tpu.memory_space<vmem>>, vector<16xf32>,
      %get3A_1223 = vector.shape_cast %get3A_1222 : vector<16xf32> to vector<16xf32>
      %sub3A = arith.subf %get3A_1198, %get3A_1183 : vector<16xf32>
      %sub3A_1224 = arith.subf %get3A_1203, %get3A_1188 : vector<16xf32>
      %sub3A_1225 = arith.subf %get3A_1208, %get3A_1193 : vector<16xf32>
      %sub3A_1226 = arith.subf %get3A_1213, %get3A_1183 : vector<16xf32>
      %sub3A_1227 = arith.subf %get3A_1218, %get3A_1188 : vector<16xf32>
      %sub3A_1228 = arith.subf %get3A_1223, %get3A_1193 : vector<16xf32>
      %sub3A_1229 = arith.subf %get3A_1168, %get3A_1183 : vector<16xf32>
      %sub3A_1230 = arith.subf %get3A_1173, %get3A_1188 : vector<16xf32>
      %sub3A_1231 = arith.subf %get3A_1178, %get3A_1193 : vector<16xf32>
      %mul3A_1232 = arith.mulf %sub3A, %sub3A_1229 : vector<16xf32>
      %mul3A_1233 = arith.mulf %sub3A_1224, %sub3A_1230 : vector<16xf32>
      %add3A_1234 = arith.addf %mul3A_1232, %mul3A_1233 : vector<16xf32>
      %mul3A_1235 = arith.mulf %sub3A_1225, %sub3A_1231 : vector<16xf32>
      %add3A_1236 = arith.addf %add3A_1234, %mul3A_1235 : vector<16xf32>
      %mul3A_1237 = arith.mulf %sub3A_1226, %sub3A_1229 : vector<16xf32>
      %mul3A_1238 = arith.mulf %sub3A_1227, %sub3A_1230 : vector<16xf32>
      %add3A_1239 = arith.addf %mul3A_1237, %mul3A_1238 : vector<16xf32>
      %mul3A_1240 = arith.mulf %sub3A_1228, %sub3A_1231 : vector<16xf32>
      %add3A_1241 = arith.addf %add3A_1239, %mul3A_1240 : vector<16xf32>
      %sub3A_1242 = arith.subf %get3A_1168, %get3A_1198 : vector<16xf32>
      %sub3A_1243 = arith.subf %get3A_1173, %get3A_1203 : vector<16xf32>
      %sub3A_1244 = arith.subf %get3A_1178, %get3A_1208 : vector<16xf32>
      %mul3A_1245 = arith.mulf %sub3A, %sub3A_1242 : vector<16xf32>
      %mul3A_1246 = arith.mulf %sub3A_1224, %sub3A_1243 : vector<16xf32>
      %add3A_1247 = arith.addf %mul3A_1245, %mul3A_1246 : vector<16xf32>
      %mul3A_1248 = arith.mulf %sub3A_1225, %sub3A_1244 : vector<16xf32>
      %add3A_1249 = arith.addf %add3A_1247, %mul3A_1248 : vector<16xf32>
      %mul3A_1250 = arith.mulf %sub3A_1226, %sub3A_1242 : vector<16xf32>
      %mul3A_1251 = arith.mulf %sub3A_1227, %sub3A_1243 : vector<16xf32>
      %add3A_1252 = arith.addf %mul3A_1250, %mul3A_1251 : vector<16xf32>
      %mul3A_1253 = arith.mulf %sub3A_1228, %sub3A_1244 : vector<16xf32>
      %add3A_1254 = arith.addf %add3A_1252, %mul3A_1253 : vector<16xf32>
      %sub3A_1255 = arith.subf %get3A_1168, %get3A_1213 : vector<16xf32>
      %sub3A_1256 = arith.subf %get3A_1173, %get3A_1218 : vector<16xf32>
      %sub3A_1257 = arith.subf %get3A_1178, %get3A_1223 : vector<16xf32>
      %mul3A_1258 = arith.mulf %sub3A, %sub3A_1255 : vector<16xf32>
      %mul3A_1259 = arith.mulf %sub3A_1224, %sub3A_1256 : vector<16xf32>
      %add3A_1260 = arith.addf %mul3A_1258, %mul3A_1259 : vector<16xf32>
      %mul3A_1261 = arith.mulf %sub3A_1225, %sub3A_1257 : vector<16xf32>
      %add3A_1262 = arith.addf %add3A_1260, %mul3A_1261 : vector<16xf32>
      %mul3A_1263 = arith.mulf %sub3A_1226, %sub3A_1255 : vector<16xf32>
      %mul3A_1264 = arith.mulf %sub3A_1227, %sub3A_1256 : vector<16xf32>
      %add3A_1265 = arith.addf %mul3A_1263, %mul3A_1264 : vector<16xf32>
      %mul3A_1266 = arith.mulf %sub3A_1228, %sub3A_1257 : vector<16xf32>
      %add3A_1267 = arith.addf %add3A_1265, %mul3A_1266 : vector<16xf32>
      %mul3A_1268 = arith.mulf %add3A_1236, %add3A_1254 : vector<16xf32>
      %mul3A_1269 = arith.mulf %add3A_1249, %add3A_1241 : vector<16xf32>
      %sub3A_1270 = arith.subf %mul3A_1268, %mul3A_1269 : vector<16xf32>
      %mul3A_1271 = arith.mulf %add3A_1262, %add3A_1241 : vector<16xf32>
      %mul3A_1272 = arith.mulf %add3A_1236, %add3A_1267 : vector<16xf32>
      %sub3A_1273 = arith.subf %mul3A_1271, %mul3A_1272 : vector<16xf32>
      %mul3A_1274 = arith.mulf %add3A_1249, %add3A_1267 : vector<16xf32>
      %mul3A_1275 = arith.mulf %add3A_1262, %add3A_1254 : vector<16xf32>
      %sub3A_1276 = arith.subf %mul3A_1274, %mul3A_1275 : vector<16xf32>
      %le3A = arith.constant 0.000000e+00 : f32
      %le3A_1277 = vector.broadcast %le3A : f32 to vector<16xf32>
      %le3A_1278 = arith.cmpf ole, %add3A_1236, %le3A_1277 : vector<16xf32>
      %le3A_1279 = arith.constant 0.000000e+00 : f32
      %le3A_1280 = vector.broadcast %le3A_1279 : f32 to vector<16xf32>
      %le3A_1281 = arith.cmpf ole, %add3A_1241, %le3A_1280 : vector<16xf32>
      %and3A = arith.andi %le3A_1278, %le3A_1281 : vector<16xi1>
      %ge3A = arith.constant 0.000000e+00 : f32
      %ge3A_1282 = vector.broadcast %ge3A : f32 to vector<16xf32>
      %ge3A_1283 = arith.cmpf oge, %add3A_1249, %ge3A_1282 : vector<16xf32>
      %le3A_1284 = arith.cmpf ole, %add3A_1254, %add3A_1249 : vector<16xf32>
      %and3A_1285 = arith.andi %ge3A_1283, %le3A_1284 : vector<16xi1>
      %ge3A_1286 = arith.constant 0.000000e+00 : f32
      %ge3A_1287 = vector.broadcast %ge3A_1286 : f32 to vector<16xf32>
      %ge3A_1288 = arith.cmpf oge, %add3A_1267, %ge3A_1287 : vector<16xf32>
      %lt3A = arith.cmpf olt, %add3A_1262, %add3A_1267 : vector<16xf32>
      %and3A_1289 = arith.andi %ge3A_1288, %lt3A : vector<16xi1>
      %le3A_1290 = arith.constant 0.000000e+00 : f32
      %le3A_1291 = vector.broadcast %le3A_1290 : f32 to vector<16xf32>
      %le3A_1292 = arith.cmpf ole, %sub3A_1270, %le3A_1291 : vector<16xf32>
      %ge3A_1293 = arith.constant 0.000000e+00 : f32
      %ge3A_1294 = vector.broadcast %ge3A_1293 : f32 to vector<16xf32>
      %ge3A_1295 = arith.cmpf oge, %add3A_1236, %ge3A_1294 : vector<16xf32>
      %and3A_1296 = arith.andi %le3A_1292, %ge3A_1295 : vector<16xi1>
      %le3A_1297 = arith.constant 0.000000e+00 : f32
      %le3A_1298 = vector.broadcast %le3A_1297 : f32 to vector<16xf32>
      %le3A_1299 = arith.cmpf ole, %add3A_1249, %le3A_1298 : vector<16xf32>
      %and3A_1300 = arith.andi %and3A_1296, %le3A_1299 : vector<16xi1>
      %le3A_1301 = arith.constant 0.000000e+00 : f32
      %le3A_1302 = vector.broadcast %le3A_1301 : f32 to vector<16xf32>
      %le3A_1303 = arith.cmpf ole, %sub3A_1273, %le3A_1302 : vector<16xf32>
      %ge3A_1304 = arith.constant 0.000000e+00 : f32
      %ge3A_1305 = vector.broadcast %ge3A_1304 : f32 to vector<16xf32>
      %ge3A_1306 = arith.cmpf oge, %add3A_1241, %ge3A_1305 : vector<16xf32>
      %and3A_1307 = arith.andi %le3A_1303, %ge3A_1306 : vector<16xi1>
      %le3A_1308 = arith.constant 0.000000e+00 : f32
      %le3A_1309 = vector.broadcast %le3A_1308 : f32 to vector<16xf32>
      %le3A_1310 = arith.cmpf ole, %add3A_1267, %le3A_1309 : vector<16xf32>
      %and3A_1311 = arith.andi %and3A_1307, %le3A_1310 : vector<16xi1>
      %le3A_1312 = arith.constant 0.000000e+00 : f32
      %le3A_1313 = vector.broadcast %le3A_1312 : f32 to vector<16xf32>
      %le3A_1314 = arith.cmpf ole, %sub3A_1276, %le3A_1313 : vector<16xf32>
      %ge3A_1315 = arith.cmpf oge, %add3A_1254, %add3A_1249 : vector<16xf32>
      %and3A_1316 = arith.andi %le3A_1314, %ge3A_1315 : vector<16xi1>
      %le3A_1317 = arith.cmpf ole, %add3A_1267, %add3A_1262 : vector<16xf32>
      %and3A_1318 = arith.andi %and3A_1316, %le3A_1317 : vector<16xi1>
      %or3A = arith.ori %and3A, %and3A_1285 : vector<16xi1>
      %or3A_1319 = arith.ori %or3A, %and3A_1289 : vector<16xi1>
      %or3A_1320 = arith.ori %or3A_1319, %and3A_1300 : vector<16xi1>
      %or3A_1321 = arith.ori %or3A_1320, %and3A_1311 : vector<16xi1>
      %or3A_1322 = arith.ori %or3A_1321, %and3A_1318 : vector<16xi1>
      %sub3A_1323 = arith.subf %add3A_1236, %add3A_1249 : vector<16xf32>
      %eq3A = arith.constant 0.000000e+00 : f32
      %eq3A_1324 = vector.broadcast %eq3A : f32 to vector<16xf32>
      %eq3A_1325 = arith.cmpf oeq, %sub3A_1323, %eq3A_1324 : vector<16xf32>
      %jit3A = arith.constant 1.000000e+00 : f32
      %broadcast_in_dim3A = vector.broadcast %jit3A : f32 to vector<16xf32>
      %select_n3A = arith.select %eq3A_1325, %broadcast_in_dim3A, %sub3A_1323 : vector<16xi1>, vector<16xf32>
      %div3A = arith.divf %add3A_1236, %select_n3A : vector<16xf32>
      %sub3A_1326 = arith.subf %add3A_1241, %add3A_1267 : vector<16xf32>
      %eq3A_1327 = arith.constant 0.000000e+00 : f32
      %eq3A_1328 = vector.broadcast %eq3A_1327 : f32 to vector<16xf32>
      %eq3A_1329 = arith.cmpf oeq, %sub3A_1326, %eq3A_1328 : vector<16xf32>
      %jit3A_1330 = arith.constant 1.000000e+00 : f32
      %broadcast_in_dim3A_1331 = vector.broadcast %jit3A_1330 : f32 to vector<16xf32>
      %select_n3A_1332 = arith.select %eq3A_1329, %broadcast_in_dim3A_1331, %sub3A_1326 : vector<16xi1>, vector<16xf32>
      %div3A_1333 = arith.divf %add3A_1241, %select_n3A_1332 : vector<16xf32>
      %sub3A_1334 = arith.subf %add3A_1254, %add3A_1249 : vector<16xf32>
      %sub3A_1335 = arith.subf %add3A_1254, %add3A_1249 : vector<16xf32>
      %sub3A_1336 = arith.subf %add3A_1262, %add3A_1267 : vector<16xf32>
      %add3A_1337 = arith.addf %sub3A_1335, %sub3A_1336 : vector<16xf32>
      %eq3A_1338 = arith.constant 0.000000e+00 : f32
      %eq3A_1339 = vector.broadcast %eq3A_1338 : f32 to vector<16xf32>
      %eq3A_1340 = arith.cmpf oeq, %add3A_1337, %eq3A_1339 : vector<16xf32>
      %jit3A_1341 = arith.constant 1.000000e+00 : f32
      %broadcast_in_dim3A_1342 = vector.broadcast %jit3A_1341 : f32 to vector<16xf32>
      %select_n3A_1343 = arith.select %eq3A_1340, %broadcast_in_dim3A_1342, %add3A_1337 : vector<16xi1>, vector<16xf32>
      %div3A_1344 = arith.divf %sub3A_1334, %select_n3A_1343 : vector<16xf32>
      %add3A_1345 = arith.addf %sub3A_1276, %sub3A_1273 : vector<16xf32>
      %add3A_1346 = arith.addf %add3A_1345, %sub3A_1270 : vector<16xf32>
      %eq3A_1347 = arith.constant 0.000000e+00 : f32
      %eq3A_1348 = vector.broadcast %eq3A_1347 : f32 to vector<16xf32>
      %eq3A_1349 = arith.cmpf oeq, %add3A_1346, %eq3A_1348 : vector<16xf32>
      %jit3A_1350 = arith.constant 1.000000e+00 : f32
      %broadcast_in_dim3A_1351 = vector.broadcast %jit3A_1350 : f32 to vector<16xf32>
      %select_n3A_1352 = arith.select %eq3A_1349, %broadcast_in_dim3A_1351, %add3A_1346 : vector<16xi1>, vector<16xf32>
      %div3A_1353 = arith.constant 1.000000e+00 : f32
      %div3A_1354 = vector.broadcast %div3A_1353 : f32 to vector<16xf32>
      %div3A_1355 = arith.divf %div3A_1354, %select_n3A_1352 : vector<16xf32>
      %mul3A_1356 = arith.mulf %sub3A_1273, %div3A_1355 : vector<16xf32>
      %mul3A_1357 = arith.mulf %sub3A_1270, %div3A_1355 : vector<16xf32>
      %broadcast_in_dim3A_1358 = arith.constant 0.000000e+00 : f32
      %broadcast_in_dim3A_1359 = vector.broadcast %broadcast_in_dim3A_1358 : f32 to vector<16xf32>
      %broadcast_in_dim3A_1360 = arith.constant 0.000000e+00 : f32
      %broadcast_in_dim3A_1361 = vector.broadcast %broadcast_in_dim3A_1360 : f32 to vector<16xf32>
      %broadcast_in_dim3A_1362 = arith.constant 0.000000e+00 : f32
      %broadcast_in_dim3A_1363 = vector.broadcast %broadcast_in_dim3A_1362 : f32 to vector<16xf32>
      %select_n3A_1364 = arith.select %and3A, %get3A_1183, %broadcast_in_dim3A_1359 : vector<16xi1>, vector<16xf32>
      %select_n3A_1365 = arith.select %and3A, %get3A_1188, %broadcast_in_dim3A_1361 : vector<16xi1>, vector<16xf32>
      %select_n3A_1366 = arith.select %and3A, %get3A_1193, %broadcast_in_dim3A_1363 : vector<16xi1>, vector<16xf32>
      %select_n3A_1367 = arith.select %and3A_1285, %get3A_1198, %select_n3A_1364 : vector<16xi1>, vector<16xf32>
      %select_n3A_1368 = arith.select %and3A_1285, %get3A_1203, %select_n3A_1365 : vector<16xi1>, vector<16xf32>
      %select_n3A_1369 = arith.select %and3A_1285, %get3A_1208, %select_n3A_1366 : vector<16xi1>, vector<16xf32>
      %select_n3A_1370 = arith.select %and3A_1289, %get3A_1213, %select_n3A_1367 : vector<16xi1>, vector<16xf32>
      %select_n3A_1371 = arith.select %and3A_1289, %get3A_1218, %select_n3A_1368 : vector<16xi1>, vector<16xf32>
      %select_n3A_1372 = arith.select %and3A_1289, %get3A_1223, %select_n3A_1369 : vector<16xi1>, vector<16xf32>
      %mul3A_1373 = arith.mulf %div3A, %sub3A : vector<16xf32>
      %add3A_1374 = arith.addf %get3A_1183, %mul3A_1373 : vector<16xf32>
      %select_n3A_1375 = arith.select %and3A_1300, %add3A_1374, %select_n3A_1370 : vector<16xi1>, vector<16xf32>
      %mul3A_1376 = arith.mulf %div3A, %sub3A_1224 : vector<16xf32>
      %add3A_1377 = arith.addf %get3A_1188, %mul3A_1376 : vector<16xf32>
      %select_n3A_1378 = arith.select %and3A_1300, %add3A_1377, %select_n3A_1371 : vector<16xi1>, vector<16xf32>
      %mul3A_1379 = arith.mulf %div3A, %sub3A_1225 : vector<16xf32>
      %add3A_1380 = arith.addf %get3A_1193, %mul3A_1379 : vector<16xf32>
      %select_n3A_1381 = arith.select %and3A_1300, %add3A_1380, %select_n3A_1372 : vector<16xi1>, vector<16xf32>
      %mul3A_1382 = arith.mulf %div3A_1333, %sub3A_1226 : vector<16xf32>
      %add3A_1383 = arith.addf %get3A_1183, %mul3A_1382 : vector<16xf32>
      %select_n3A_1384 = arith.select %and3A_1311, %add3A_1383, %select_n3A_1375 : vector<16xi1>, vector<16xf32>
      %mul3A_1385 = arith.mulf %div3A_1333, %sub3A_1227 : vector<16xf32>
      %add3A_1386 = arith.addf %get3A_1188, %mul3A_1385 : vector<16xf32>
      %select_n3A_1387 = arith.select %and3A_1311, %add3A_1386, %select_n3A_1378 : vector<16xi1>, vector<16xf32>
      %mul3A_1388 = arith.mulf %div3A_1333, %sub3A_1228 : vector<16xf32>
      %add3A_1389 = arith.addf %get3A_1193, %mul3A_1388 : vector<16xf32>
      %select_n3A_1390 = arith.select %and3A_1311, %add3A_1389, %select_n3A_1381 : vector<16xi1>, vector<16xf32>
      %sub3A_1391 = arith.subf %get3A_1213, %get3A_1198 : vector<16xf32>
      %sub3A_1392 = arith.subf %get3A_1218, %get3A_1203 : vector<16xf32>
      %sub3A_1393 = arith.subf %get3A_1223, %get3A_1208 : vector<16xf32>
      %mul3A_1394 = arith.mulf %div3A_1344, %sub3A_1391 : vector<16xf32>
      %add3A_1395 = arith.addf %get3A_1198, %mul3A_1394 : vector<16xf32>
      %select_n3A_1396 = arith.select %and3A_1318, %add3A_1395, %select_n3A_1384 : vector<16xi1>, vector<16xf32>
      %mul3A_1397 = arith.mulf %div3A_1344, %sub3A_1392 : vector<16xf32>
      %add3A_1398 = arith.addf %get3A_1203, %mul3A_1397 : vector<16xf32>
      %select_n3A_1399 = arith.select %and3A_1318, %add3A_1398, %select_n3A_1387 : vector<16xi1>, vector<16xf32>
      %mul3A_1400 = arith.mulf %div3A_1344, %sub3A_1393 : vector<16xf32>
      %add3A_1401 = arith.addf %get3A_1208, %mul3A_1400 : vector<16xf32>
      %select_n3A_1402 = arith.select %and3A_1318, %add3A_1401, %select_n3A_1390 : vector<16xi1>, vector<16xf32>
      %mul3A_1403 = arith.mulf %sub3A, %mul3A_1356 : vector<16xf32>
      %add3A_1404 = arith.addf %get3A_1183, %mul3A_1403 : vector<16xf32>
      %mul3A_1405 = arith.mulf %mul3A_1357, %sub3A_1226 : vector<16xf32>
      %add3A_1406 = arith.addf %add3A_1404, %mul3A_1405 : vector<16xf32>
      %select_n3A_1407 = arith.select %or3A_1322, %select_n3A_1396, %add3A_1406 : vector<16xi1>, vector<16xf32>
      %mul3A_1408 = arith.mulf %sub3A_1224, %mul3A_1356 : vector<16xf32>
      %add3A_1409 = arith.addf %get3A_1188, %mul3A_1408 : vector<16xf32>
      %mul3A_1410 = arith.mulf %mul3A_1357, %sub3A_1227 : vector<16xf32>
      %add3A_1411 = arith.addf %add3A_1409, %mul3A_1410 : vector<16xf32>
      %select_n3A_1412 = arith.select %or3A_1322, %select_n3A_1399, %add3A_1411 : vector<16xi1>, vector<16xf32>
      %mul3A_1413 = arith.mulf %sub3A_1225, %mul3A_1356 : vector<16xf32>
      %add3A_1414 = arith.addf %get3A_1193, %mul3A_1413 : vector<16xf32>
      %mul3A_1415 = arith.mulf %mul3A_1357, %sub3A_1228 : vector<16xf32>
      %add3A_1416 = arith.addf %add3A_1414, %mul3A_1415 : vector<16xf32>
      %select_n3A_1417 = arith.select %or3A_1322, %select_n3A_1402, %add3A_1416 : vector<16xi1>, vector<16xf32>
      %broadcast_in_dim3A_1418 = arith.constant 0.000000e+00 : f32
      %broadcast_in_dim3A_1419 = vector.broadcast %broadcast_in_dim3A_1418 : f32 to vector<16xf32>
      %jit3A_1420 = arith.constant 1.000000e+00 : f32
      %broadcast_in_dim3A_1421 = vector.broadcast %jit3A_1420 : f32 to vector<16xf32>
      %select_n3A_1422 = arith.select %and3A, %broadcast_in_dim3A_1421, %broadcast_in_dim3A_1419 : vector<16xi1>, vector<16xf32>
      %jit3A_1423 = arith.constant 1.000000e+00 : f32
      %broadcast_in_dim3A_1424 = vector.broadcast %jit3A_1423 : f32 to vector<16xf32>
      %select_n3A_1425 = arith.select %and3A_1285, %broadcast_in_dim3A_1424, %broadcast_in_dim3A_1419 : vector<16xi1>, vector<16xf32>
      %jit3A_1426 = arith.constant 1.000000e+00 : f32
      %broadcast_in_dim3A_1427 = vector.broadcast %jit3A_1426 : f32 to vector<16xf32>
      %select_n3A_1428 = arith.select %and3A_1289, %broadcast_in_dim3A_1427, %broadcast_in_dim3A_1419 : vector<16xi1>, vector<16xf32>
      %sub3A_1429 = arith.constant 1.000000e+00 : f32
      %sub3A_1430 = vector.broadcast %sub3A_1429 : f32 to vector<16xf32>
      %sub3A_1431 = arith.subf %sub3A_1430, %div3A : vector<16xf32>
      %select_n3A_1432 = arith.select %and3A_1300, %sub3A_1431, %select_n3A_1422 : vector<16xi1>, vector<16xf32>
      %select_n3A_1433 = arith.select %and3A_1300, %div3A, %select_n3A_1425 : vector<16xi1>, vector<16xf32>
      %sub3A_1434 = arith.constant 1.000000e+00 : f32
      %sub3A_1435 = vector.broadcast %sub3A_1434 : f32 to vector<16xf32>
      %sub3A_1436 = arith.subf %sub3A_1435, %div3A_1333 : vector<16xf32>
      %select_n3A_1437 = arith.select %and3A_1311, %sub3A_1436, %select_n3A_1432 : vector<16xi1>, vector<16xf32>
      %select_n3A_1438 = arith.select %and3A_1311, %div3A_1333, %select_n3A_1428 : vector<16xi1>, vector<16xf32>
      %sub3A_1439 = arith.constant 1.000000e+00 : f32
      %sub3A_1440 = vector.broadcast %sub3A_1439 : f32 to vector<16xf32>
      %sub3A_1441 = arith.subf %sub3A_1440, %div3A_1344 : vector<16xf32>
      %select_n3A_1442 = arith.select %and3A_1318, %sub3A_1441, %select_n3A_1433 : vector<16xi1>, vector<16xf32>
      %select_n3A_1443 = arith.select %and3A_1318, %div3A_1344, %select_n3A_1438 : vector<16xi1>, vector<16xf32>
      %sub3A_1444 = arith.constant 1.000000e+00 : f32
      %sub3A_1445 = vector.broadcast %sub3A_1444 : f32 to vector<16xf32>
      %sub3A_1446 = arith.subf %sub3A_1445, %mul3A_1356 : vector<16xf32>
      %sub3A_1447 = arith.subf %sub3A_1446, %mul3A_1357 : vector<16xf32>
      %select_n3A_1448 = arith.select %or3A_1322, %select_n3A_1437, %sub3A_1447 : vector<16xi1>, vector<16xf32>
      %select_n3A_1449 = arith.select %or3A_1322, %select_n3A_1442, %mul3A_1356 : vector<16xi1>, vector<16xf32>
      %select_n3A_1450 = arith.select %or3A_1322, %select_n3A_1443, %mul3A_1357 : vector<16xi1>, vector<16xf32>
      %sub3A_1451 = arith.subf %select_n3A_1407, %get3A_1168 : vector<16xf32>
      %sub3A_1452 = arith.subf %select_n3A_1412, %get3A_1173 : vector<16xf32>
      %sub3A_1453 = arith.subf %select_n3A_1417, %get3A_1178 : vector<16xf32>
      %mul3A_1454 = arith.mulf %sub3A_1451, %sub3A_1451 : vector<16xf32>
      %mul3A_1455 = arith.mulf %sub3A_1452, %sub3A_1452 : vector<16xf32>
      %add3A_1456 = arith.addf %mul3A_1454, %mul3A_1455 : vector<16xf32>
      %mul3A_1457 = arith.mulf %sub3A_1453, %sub3A_1453 : vector<16xf32>
      %add3A_1458 = arith.addf %add3A_1456, %mul3A_1457 : vector<16xf32>
      %bitcast_convert_type3A = tpu.bitcast %add3A_1458 : vector<16xf32> -> vector<16xi32>
      %shift_right_arithmetic3A = arith.constant 1 : i32
      %shift_right_arithmetic3A_1459 = vector.broadcast %shift_right_arithmetic3A : i32 to vector<16xi32>
      %shift_right_arithmetic3A_1460 = arith.shrsi %bitcast_convert_type3A, %shift_right_arithmetic3A_1459 : vector<16xi32>
      %sub3A_1461 = arith.constant 1597463007 : i32
      %sub3A_1462 = vector.broadcast %sub3A_1461 : i32 to vector<16xi32>
      %sub3A_1463 = arith.subi %sub3A_1462, %shift_right_arithmetic3A_1460 : vector<16xi32>
      %bitcast_convert_type3A_1464 = tpu.bitcast %sub3A_1463 : vector<16xi32> -> vector<16xf32>
      %mul3A_1465 = arith.constant 5.000000e-01 : f32
      %mul3A_1466 = vector.broadcast %mul3A_1465 : f32 to vector<16xf32>
      %mul3A_1467 = arith.mulf %mul3A_1466, %add3A_1458 : vector<16xf32>
      %mul3A_1468 = arith.mulf %mul3A_1467, %bitcast_convert_type3A_1464 : vector<16xf32>
      %mul3A_1469 = arith.mulf %mul3A_1468, %bitcast_convert_type3A_1464 : vector<16xf32>
      %sub3A_1470 = arith.constant 1.500000e+00 : f32
      %sub3A_1471 = vector.broadcast %sub3A_1470 : f32 to vector<16xf32>
      %sub3A_1472 = arith.subf %sub3A_1471, %mul3A_1469 : vector<16xf32>
      %mul3A_1473 = arith.mulf %bitcast_convert_type3A_1464, %sub3A_1472 : vector<16xf32>
      %mul3A_1474 = arith.constant 5.000000e-01 : f32
      %mul3A_1475 = vector.broadcast %mul3A_1474 : f32 to vector<16xf32>
      %mul3A_1476 = arith.mulf %mul3A_1475, %add3A_1458 : vector<16xf32>
      %mul3A_1477 = arith.mulf %mul3A_1476, %mul3A_1473 : vector<16xf32>
      %mul3A_1478 = arith.mulf %mul3A_1477, %mul3A_1473 : vector<16xf32>
      %sub3A_1479 = arith.constant 1.500000e+00 : f32
      %sub3A_1480 = vector.broadcast %sub3A_1479 : f32 to vector<16xf32>
      %sub3A_1481 = arith.subf %sub3A_1480, %mul3A_1478 : vector<16xf32>
      %mul3A_1482 = arith.mulf %mul3A_1473, %sub3A_1481 : vector<16xf32>
      %mul3A_1483 = arith.constant 5.000000e-01 : f32
      %mul3A_1484 = vector.broadcast %mul3A_1483 : f32 to vector<16xf32>
      %mul3A_1485 = arith.mulf %mul3A_1484, %add3A_1458 : vector<16xf32>
      %mul3A_1486 = arith.mulf %mul3A_1485, %mul3A_1482 : vector<16xf32>
      %mul3A_1487 = arith.mulf %mul3A_1486, %mul3A_1482 : vector<16xf32>
      %sub3A_1488 = arith.constant 1.500000e+00 : f32
      %sub3A_1489 = vector.broadcast %sub3A_1488 : f32 to vector<16xf32>
      %sub3A_1490 = arith.subf %sub3A_1489, %mul3A_1487 : vector<16xf32>
      %mul3A_1491 = arith.mulf %mul3A_1482, %sub3A_1490 : vector<16xf32>
      %le3A_1492 = arith.constant 0.000000e+00 : f32
      %le3A_1493 = vector.broadcast %le3A_1492 : f32 to vector<16xf32>
      %le3A_1494 = arith.cmpf ole, %add3A_1458, %le3A_1493 : vector<16xf32>
      %mul3A_1495 = arith.mulf %add3A_1458, %mul3A_1491 : vector<16xf32>
      %jit3A_1496 = arith.constant 0.000000e+00 : f32
      %broadcast_in_dim3A_1497 = vector.broadcast %jit3A_1496 : f32 to vector<16xf32>
      %select_n3A_1498 = arith.select %le3A_1494, %broadcast_in_dim3A_1497, %mul3A_1495 : vector<16xi1>, vector<16xf32>
      %add3A_1499 = arith.constant 5376 : i32
      %add3A_1500 = arith.addi %add3A_1499, %mul3A_1164 : i32
      %get3A_1501 = arith.index_cast %add3A_1500 : i32 to index
      %get3A_1502 = tpu.vector_load %arg34[%get3A_1501] {strides = array<i32>} : memref<11008xf32, #tpu.memory_space<vmem>>, vector<16xf32>,
      %get3A_1503 = vector.shape_cast %get3A_1502 : vector<16xf32> to vector<16xf32>
      %add3A_1504 = arith.constant 5632 : i32
      %add3A_1505 = arith.addi %add3A_1504, %mul3A_1164 : i32
      %get3A_1506 = arith.index_cast %add3A_1505 : i32 to index
      %get3A_1507 = tpu.vector_load %arg34[%get3A_1506] {strides = array<i32>} : memref<11008xf32, #tpu.memory_space<vmem>>, vector<16xf32>,
      %get3A_1508 = vector.shape_cast %get3A_1507 : vector<16xf32> to vector<16xf32>
      %add3A_1509 = arith.constant 5888 : i32
      %add3A_1510 = arith.addi %add3A_1509, %mul3A_1164 : i32
      %get3A_1511 = arith.index_cast %add3A_1510 : i32 to index
      %get3A_1512 = tpu.vector_load %arg34[%get3A_1511] {strides = array<i32>} : memref<11008xf32, #tpu.memory_space<vmem>>, vector<16xf32>,
      %get3A_1513 = vector.shape_cast %get3A_1512 : vector<16xf32> to vector<16xf32>
      %sub3A_1514 = arith.subf %get3A_1168, %select_n3A_1407 : vector<16xf32>
      %mul3A_1515 = arith.mulf %get3A_1503, %sub3A_1514 : vector<16xf32>
      %sub3A_1516 = arith.subf %get3A_1173, %select_n3A_1412 : vector<16xf32>
      %mul3A_1517 = arith.mulf %get3A_1508, %sub3A_1516 : vector<16xf32>
      %add3A_1518 = arith.addf %mul3A_1515, %mul3A_1517 : vector<16xf32>
      %sub3A_1519 = arith.subf %get3A_1178, %select_n3A_1417 : vector<16xf32>
      %mul3A_1520 = arith.mulf %get3A_1513, %sub3A_1519 : vector<16xf32>
      %add3A_1521 = arith.addf %add3A_1518, %mul3A_1520 : vector<16xf32>
      %sign3A = tpu.bitcast %add3A_1521 : vector<16xf32> -> vector<16xi32>
      %sign3A_1522 = arith.constant -2147483648 : i32
      %sign3A_1523 = vector.broadcast %sign3A_1522 : i32 to vector<16xi32>
      %sign3A_1524 = arith.andi %sign3A, %sign3A_1523 : vector<16xi32>
      %sign3A_1525 = arith.constant 1065353216 : i32
      %sign3A_1526 = vector.broadcast %sign3A_1525 : i32 to vector<16xi32>
      %sign3A_1527 = arith.ori %sign3A_1526, %sign3A_1524 : vector<16xi32>
      %sign3A_1528 = tpu.bitcast %sign3A_1527 : vector<16xi32> -> vector<16xf32>
      %sign3A_1529 = math.absf %add3A_1521 : vector<16xf32>
      %sign3A_1530 = arith.constant 0.000000e+00 : f32
      %sign3A_1531 = vector.broadcast %sign3A_1530 : f32 to vector<16xf32>
      %sign3A_1532 = arith.cmpf ogt, %sign3A_1529, %sign3A_1531 : vector<16xf32>
      %sign3A_1533 = arith.select %sign3A_1532, %sign3A_1528, %add3A_1521 : vector<16xi1>, vector<16xf32>
      %mul3A_1534 = arith.mulf %sign3A_1533, %select_n3A_1498 : vector<16xf32>
      %add3A_1535 = arith.constant 8448 : i32
      %add3A_1536 = arith.addi %add3A_1535, %mul3A_1164 : i32
      %get3A_1537 = arith.index_cast %add3A_1536 : i32 to index
      %get3A_1538 = tpu.vector_load %arg34[%get3A_1537] {strides = array<i32>} : memref<11008xf32, #tpu.memory_space<vmem>>, vector<16xf32>,
      %get3A_1539 = vector.shape_cast %get3A_1538 : vector<16xf32> to vector<16xf32>
      %add3A_1540 = arith.constant 8704 : i32
      %add3A_1541 = arith.addi %add3A_1540, %mul3A_1164 : i32
      %get3A_1542 = arith.index_cast %add3A_1541 : i32 to index
      %get3A_1543 = tpu.vector_load %arg34[%get3A_1542] {strides = array<i32>} : memref<11008xf32, #tpu.memory_space<vmem>>, vector<16xf32>,
      %get3A_1544 = vector.shape_cast %get3A_1543 : vector<16xf32> to vector<16xf32>
      %add3A_1545 = arith.constant 8960 : i32
      %add3A_1546 = arith.addi %add3A_1545, %mul3A_1164 : i32
      %get3A_1547 = arith.index_cast %add3A_1546 : i32 to index
      %get3A_1548 = tpu.vector_load %arg34[%get3A_1547] {strides = array<i32>} : memref<11008xf32, #tpu.memory_space<vmem>>, vector<16xf32>,
      %get3A_1549 = vector.shape_cast %get3A_1548 : vector<16xf32> to vector<16xf32>
      %add3A_1550 = arith.constant 9216 : i32
      %add3A_1551 = arith.addi %add3A_1550, %mul3A_1164 : i32
      %get3A_1552 = arith.index_cast %add3A_1551 : i32 to index
      %get3A_1553 = tpu.vector_load %arg34[%get3A_1552] {strides = array<i32>} : memref<11008xf32, #tpu.memory_space<vmem>>, vector<16xf32>,
      %get3A_1554 = vector.shape_cast %get3A_1553 : vector<16xf32> to vector<16xf32>
      %add3A_1555 = arith.constant 9472 : i32
      %add3A_1556 = arith.addi %add3A_1555, %mul3A_1164 : i32
      %get3A_1557 = arith.index_cast %add3A_1556 : i32 to index
      %get3A_1558 = tpu.vector_load %arg34[%get3A_1557] {strides = array<i32>} : memref<11008xf32, #tpu.memory_space<vmem>>, vector<16xf32>,
      %get3A_1559 = vector.shape_cast %get3A_1558 : vector<16xf32> to vector<16xf32>
      %add3A_1560 = arith.constant 9728 : i32
      %add3A_1561 = arith.addi %add3A_1560, %mul3A_1164 : i32
      %get3A_1562 = arith.index_cast %add3A_1561 : i32 to index
      %get3A_1563 = tpu.vector_load %arg34[%get3A_1562] {strides = array<i32>} : memref<11008xf32, #tpu.memory_space<vmem>>, vector<16xf32>,
      %get3A_1564 = vector.shape_cast %get3A_1563 : vector<16xf32> to vector<16xf32>
      %mul3A_1565 = arith.mulf %select_n3A_1448, %get3A_1539 : vector<16xf32>
      %mul3A_1566 = arith.mulf %select_n3A_1449, %get3A_1549 : vector<16xf32>
      %add3A_1567 = arith.addf %mul3A_1565, %mul3A_1566 : vector<16xf32>
      %mul3A_1568 = arith.mulf %select_n3A_1450, %get3A_1559 : vector<16xf32>
      %add3A_1569 = arith.addf %add3A_1567, %mul3A_1568 : vector<16xf32>
      %mul3A_1570 = arith.mulf %select_n3A_1448, %get3A_1544 : vector<16xf32>
      %mul3A_1571 = arith.mulf %select_n3A_1449, %get3A_1554 : vector<16xf32>
      %add3A_1572 = arith.addf %mul3A_1570, %mul3A_1571 : vector<16xf32>
      %mul3A_1573 = arith.mulf %select_n3A_1450, %get3A_1564 : vector<16xf32>
      %add3A_1574 = arith.addf %add3A_1572, %mul3A_1573 : vector<16xf32>
      %mul3A_1575 = arith.constant -1.000000e+01 : f32
      %mul3A_1576 = vector.broadcast %mul3A_1575 : f32 to vector<16xf32>
      %mul3A_1577 = arith.mulf %mul3A_1576, %mul3A_1534 : vector<16xf32>
      %exp3A = math.exp %mul3A_1577 : vector<16xf32>
      %add3A_1578 = arith.constant 1.000000e+00 : f32
      %add3A_1579 = vector.broadcast %add3A_1578 : f32 to vector<16xf32>
      %add3A_1580 = arith.addf %add3A_1579, %exp3A : vector<16xf32>
      %div3A_1581 = arith.constant 1.000000e+00 : f32
      %div3A_1582 = vector.broadcast %div3A_1581 : f32 to vector<16xf32>
      %div3A_1583 = arith.divf %div3A_1582, %add3A_1580 : vector<16xf32>
      %jit3A_1584 = arith.constant 0.000000e+00 : f32
      %jit3A_1585 = arith.constant 1.000000e+00 : f32
      %max3A = vector.broadcast %jit3A_1584 : f32 to vector<16xf32>
      %max3A_1586 = arith.maximumf %max3A, %add3A_1569 : vector<16xf32>
      %min3A = vector.broadcast %jit3A_1585 : f32 to vector<16xf32>
      %min3A_1587 = arith.minimumf %min3A, %max3A_1586 : vector<16xf32>
      %add3A_1588 = arith.constant 9984 : i32
      %add3A_1589 = arith.addi %add3A_1588, %mul3A_1164 : i32
      %swap3A = arith.index_cast %add3A_1589 : i32 to index
      %swap3A_1590 = tpu.vector_load %arg34[%swap3A] {strides = array<i32>} : memref<11008xf32, #tpu.memory_space<vmem>>, vector<16xf32>,
      %swap3A_1591 = vector.shape_cast %swap3A_1590 : vector<16xf32> to vector<16xf32>
      %swap3A_1592 = vector.shape_cast %min3A_1587 : vector<16xf32> to vector<16xf32>
      tpu.vector_store %arg34[%swap3A], %swap3A_1592 {strides = array<i32>} : memref<11008xf32, #tpu.memory_space<vmem>>, vector<16xf32>,
      %jit3A_1593 = arith.constant 0.000000e+00 : f32
      %jit3A_1594 = arith.constant 1.000000e+00 : f32
      %max3A_1595 = vector.broadcast %jit3A_1593 : f32 to vector<16xf32>
      %max3A_1596 = arith.maximumf %max3A_1595, %add3A_1574 : vector<16xf32>
      %min3A_1597 = vector.broadcast %jit3A_1594 : f32 to vector<16xf32>
      %min3A_1598 = arith.minimumf %min3A_1597, %max3A_1596 : vector<16xf32>
      %add3A_1599 = arith.constant 10240 : i32
      %add3A_1600 = arith.addi %add3A_1599, %mul3A_1164 : i32
      %swap3A_1601 = arith.index_cast %add3A_1600 : i32 to index
      %swap3A_1602 = tpu.vector_load %arg34[%swap3A_1601] {strides = array<i32>} : memref<11008xf32, #tpu.memory_space<vmem>>, vector<16xf32>,
      %swap3A_1603 = vector.shape_cast %swap3A_1602 : vector<16xf32> to vector<16xf32>
      %swap3A_1604 = vector.shape_cast %min3A_1598 : vector<16xf32> to vector<16xf32>
      tpu.vector_store %arg34[%swap3A_1601], %swap3A_1604 {strides = array<i32>} : memref<11008xf32, #tpu.memory_space<vmem>>, vector<16xf32>,
      %jit3A_1605 = arith.constant 0.000000e+00 : f32
      %jit3A_1606 = arith.constant 1.000000e+00 : f32
      %max3A_1607 = vector.broadcast %jit3A_1605 : f32 to vector<16xf32>
      %max3A_1608 = arith.maximumf %max3A_1607, %div3A_1583 : vector<16xf32>
      %min3A_1609 = vector.broadcast %jit3A_1606 : f32 to vector<16xf32>
      %min3A_1610 = arith.minimumf %min3A_1609, %max3A_1608 : vector<16xf32>
      %add3A_1611 = arith.constant 10496 : i32
      %add3A_1612 = arith.addi %add3A_1611, %mul3A_1164 : i32
      %swap3A_1613 = arith.index_cast %add3A_1612 : i32 to index
      %swap3A_1614 = tpu.vector_load %arg34[%swap3A_1613] {strides = array<i32>} : memref<11008xf32, #tpu.memory_space<vmem>>, vector<16xf32>,
      %swap3A_1615 = vector.shape_cast %swap3A_1614 : vector<16xf32> to vector<16xf32>
      %swap3A_1616 = vector.shape_cast %min3A_1610 : vector<16xf32> to vector<16xf32>
      tpu.vector_store %arg34[%swap3A_1613], %swap3A_1616 {strides = array<i32>} : memref<11008xf32, #tpu.memory_space<vmem>>, vector<16xf32>,
      %add3A_1617 = arith.constant 10752 : i32
      %add3A_1618 = arith.addi %add3A_1617, %mul3A_1164 : i32
      %swap3A_1619 = arith.index_cast %add3A_1618 : i32 to index
      %swap3A_1620 = tpu.vector_load %arg34[%swap3A_1619] {strides = array<i32>} : memref<11008xf32, #tpu.memory_space<vmem>>, vector<16xf32>,
      %swap3A_1621 = vector.shape_cast %swap3A_1620 : vector<16xf32> to vector<16xf32>
      %swap3A_1622 = vector.shape_cast %mul3A_1534 : vector<16xf32> to vector<16xf32>
      tpu.vector_store %arg34[%swap3A_1619], %swap3A_1622 {strides = array<i32>} : memref<11008xf32, #tpu.memory_space<vmem>>, vector<16xf32>,
    }
    %scan3A_1161 = arith.constant 16 : i32
    "tpu.region"() ({
      %run_scoped3A = tpu.sem_alloc : memref<!tpu.dma_semaphore, #tpu.memory_space<semaphore_mem>>
      %dma_start3A_1162 = arith.constant 9984 : i32
      %dma_start3A_1163 = tpu.memref_slice %arg34[%dma_start3A_1162] : memref<11008xf32, #tpu.memory_space<vmem>> -> memref<256xf32, #tpu.memory_space<vmem>>
      %dma_start3A_1164 = tpu.memref_slice %arg29[%mul3A_2] : memref<8192xf32, #tpu.memory_space<hbm>> -> memref<256xf32, #tpu.memory_space<hbm>>
      %dma_start3A_1165 = tpu.memref_slice %arg29[%mul3A_2] : memref<8192xf32, #tpu.memory_space<hbm>> -> memref<256xf32, #tpu.memory_space<hbm>>
      %dma_start3A_1166 = arith.constant 9984 : i32
      %dma_start3A_1167 = tpu.memref_slice %arg34[%dma_start3A_1166] : memref<11008xf32, #tpu.memory_space<vmem>> -> memref<256xf32, #tpu.memory_space<vmem>>
      tpu.enqueue_dma source(%dma_start3A_1167 : memref<256xf32, #tpu.memory_space<vmem>>) target(%dma_start3A_1165 : memref<256xf32, #tpu.memory_space<hbm>>) target_semaphore(%run_scoped3A : memref<!tpu.dma_semaphore, #tpu.memory_space<semaphore_mem>>)
      %dma_wait3A_1168 = arith.constant 9984 : i32
      %dma_wait3A_1169 = tpu.memref_slice %arg34[%dma_wait3A_1168] : memref<11008xf32, #tpu.memory_space<vmem>> -> memref<256xf32, #tpu.memory_space<vmem>>
      %dma_wait3A_1170 = tpu.memref_slice %arg29[%mul3A_2] : memref<8192xf32, #tpu.memory_space<hbm>> -> memref<256xf32, #tpu.memory_space<hbm>>
      %dma_wait3A_1171 = tpu.memref_slice %arg29[%mul3A_2] : memref<8192xf32, #tpu.memory_space<hbm>> -> memref<256xf32, #tpu.memory_space<hbm>>
      %dma_wait3A_1172 = arith.constant 9984 : i32
      %dma_wait3A_1173 = tpu.memref_slice %arg34[%dma_wait3A_1172] : memref<11008xf32, #tpu.memory_space<vmem>> -> memref<256xf32, #tpu.memory_space<vmem>>
      tpu.wait_dma2 semaphore(%run_scoped3A : memref<!tpu.dma_semaphore, #tpu.memory_space<semaphore_mem>>) src(%dma_wait3A_1173 : memref<256xf32, #tpu.memory_space<vmem>>) dst(%dma_wait3A_1171 : memref<256xf32, #tpu.memory_space<hbm>>)
      tpu.yield
    }) : () -> ()
    "tpu.region"() ({
      %run_scoped3A = tpu.sem_alloc : memref<!tpu.dma_semaphore, #tpu.memory_space<semaphore_mem>>
      %dma_start3A_1162 = arith.constant 10240 : i32
      %dma_start3A_1163 = tpu.memref_slice %arg34[%dma_start3A_1162] : memref<11008xf32, #tpu.memory_space<vmem>> -> memref<256xf32, #tpu.memory_space<vmem>>
      %dma_start3A_1164 = tpu.memref_slice %arg30[%mul3A_2] : memref<8192xf32, #tpu.memory_space<hbm>> -> memref<256xf32, #tpu.memory_space<hbm>>
      %dma_start3A_1165 = tpu.memref_slice %arg30[%mul3A_2] : memref<8192xf32, #tpu.memory_space<hbm>> -> memref<256xf32, #tpu.memory_space<hbm>>
      %dma_start3A_1166 = arith.constant 10240 : i32
      %dma_start3A_1167 = tpu.memref_slice %arg34[%dma_start3A_1166] : memref<11008xf32, #tpu.memory_space<vmem>> -> memref<256xf32, #tpu.memory_space<vmem>>
      tpu.enqueue_dma source(%dma_start3A_1167 : memref<256xf32, #tpu.memory_space<vmem>>) target(%dma_start3A_1165 : memref<256xf32, #tpu.memory_space<hbm>>) target_semaphore(%run_scoped3A : memref<!tpu.dma_semaphore, #tpu.memory_space<semaphore_mem>>)
      %dma_wait3A_1168 = arith.constant 10240 : i32
      %dma_wait3A_1169 = tpu.memref_slice %arg34[%dma_wait3A_1168] : memref<11008xf32, #tpu.memory_space<vmem>> -> memref<256xf32, #tpu.memory_space<vmem>>
      %dma_wait3A_1170 = tpu.memref_slice %arg30[%mul3A_2] : memref<8192xf32, #tpu.memory_space<hbm>> -> memref<256xf32, #tpu.memory_space<hbm>>
      %dma_wait3A_1171 = tpu.memref_slice %arg30[%mul3A_2] : memref<8192xf32, #tpu.memory_space<hbm>> -> memref<256xf32, #tpu.memory_space<hbm>>
      %dma_wait3A_1172 = arith.constant 10240 : i32
      %dma_wait3A_1173 = tpu.memref_slice %arg34[%dma_wait3A_1172] : memref<11008xf32, #tpu.memory_space<vmem>> -> memref<256xf32, #tpu.memory_space<vmem>>
      tpu.wait_dma2 semaphore(%run_scoped3A : memref<!tpu.dma_semaphore, #tpu.memory_space<semaphore_mem>>) src(%dma_wait3A_1173 : memref<256xf32, #tpu.memory_space<vmem>>) dst(%dma_wait3A_1171 : memref<256xf32, #tpu.memory_space<hbm>>)
      tpu.yield
    }) : () -> ()
    "tpu.region"() ({
      %run_scoped3A = tpu.sem_alloc : memref<!tpu.dma_semaphore, #tpu.memory_space<semaphore_mem>>
      %dma_start3A_1162 = arith.constant 10496 : i32
      %dma_start3A_1163 = tpu.memref_slice %arg34[%dma_start3A_1162] : memref<11008xf32, #tpu.memory_space<vmem>> -> memref<256xf32, #tpu.memory_space<vmem>>
      %dma_start3A_1164 = tpu.memref_slice %arg31[%mul3A_2] : memref<8192xf32, #tpu.memory_space<hbm>> -> memref<256xf32, #tpu.memory_space<hbm>>
      %dma_start3A_1165 = tpu.memref_slice %arg31[%mul3A_2] : memref<8192xf32, #tpu.memory_space<hbm>> -> memref<256xf32, #tpu.memory_space<hbm>>
      %dma_start3A_1166 = arith.constant 10496 : i32
      %dma_start3A_1167 = tpu.memref_slice %arg34[%dma_start3A_1166] : memref<11008xf32, #tpu.memory_space<vmem>> -> memref<256xf32, #tpu.memory_space<vmem>>
      tpu.enqueue_dma source(%dma_start3A_1167 : memref<256xf32, #tpu.memory_space<vmem>>) target(%dma_start3A_1165 : memref<256xf32, #tpu.memory_space<hbm>>) target_semaphore(%run_scoped3A : memref<!tpu.dma_semaphore, #tpu.memory_space<semaphore_mem>>)
      %dma_wait3A_1168 = arith.constant 10496 : i32
      %dma_wait3A_1169 = tpu.memref_slice %arg34[%dma_wait3A_1168] : memref<11008xf32, #tpu.memory_space<vmem>> -> memref<256xf32, #tpu.memory_space<vmem>>
      %dma_wait3A_1170 = tpu.memref_slice %arg31[%mul3A_2] : memref<8192xf32, #tpu.memory_space<hbm>> -> memref<256xf32, #tpu.memory_space<hbm>>
      %dma_wait3A_1171 = tpu.memref_slice %arg31[%mul3A_2] : memref<8192xf32, #tpu.memory_space<hbm>> -> memref<256xf32, #tpu.memory_space<hbm>>
      %dma_wait3A_1172 = arith.constant 10496 : i32
      %dma_wait3A_1173 = tpu.memref_slice %arg34[%dma_wait3A_1172] : memref<11008xf32, #tpu.memory_space<vmem>> -> memref<256xf32, #tpu.memory_space<vmem>>
      tpu.wait_dma2 semaphore(%run_scoped3A : memref<!tpu.dma_semaphore, #tpu.memory_space<semaphore_mem>>) src(%dma_wait3A_1173 : memref<256xf32, #tpu.memory_space<vmem>>) dst(%dma_wait3A_1171 : memref<256xf32, #tpu.memory_space<hbm>>)
      tpu.yield
    }) : () -> ()
    "tpu.region"() ({
      %run_scoped3A = tpu.sem_alloc : memref<!tpu.dma_semaphore, #tpu.memory_space<semaphore_mem>>
      %dma_start3A_1162 = arith.constant 10752 : i32
      %dma_start3A_1163 = tpu.memref_slice %arg34[%dma_start3A_1162] : memref<11008xf32, #tpu.memory_space<vmem>> -> memref<256xf32, #tpu.memory_space<vmem>>
      %dma_start3A_1164 = tpu.memref_slice %arg32[%mul3A_2] : memref<8192xf32, #tpu.memory_space<hbm>> -> memref<256xf32, #tpu.memory_space<hbm>>
      %dma_start3A_1165 = tpu.memref_slice %arg32[%mul3A_2] : memref<8192xf32, #tpu.memory_space<hbm>> -> memref<256xf32, #tpu.memory_space<hbm>>
      %dma_start3A_1166 = arith.constant 10752 : i32
      %dma_start3A_1167 = tpu.memref_slice %arg34[%dma_start3A_1166] : memref<11008xf32, #tpu.memory_space<vmem>> -> memref<256xf32, #tpu.memory_space<vmem>>
      tpu.enqueue_dma source(%dma_start3A_1167 : memref<256xf32, #tpu.memory_space<vmem>>) target(%dma_start3A_1165 : memref<256xf32, #tpu.memory_space<hbm>>) target_semaphore(%run_scoped3A : memref<!tpu.dma_semaphore, #tpu.memory_space<semaphore_mem>>)
      %dma_wait3A_1168 = arith.constant 10752 : i32
      %dma_wait3A_1169 = tpu.memref_slice %arg34[%dma_wait3A_1168] : memref<11008xf32, #tpu.memory_space<vmem>> -> memref<256xf32, #tpu.memory_space<vmem>>
      %dma_wait3A_1170 = tpu.memref_slice %arg32[%mul3A_2] : memref<8192xf32, #tpu.memory_space<hbm>> -> memref<256xf32, #tpu.memory_space<hbm>>
      %dma_wait3A_1171 = tpu.memref_slice %arg32[%mul3A_2] : memref<8192xf32, #tpu.memory_space<hbm>> -> memref<256xf32, #tpu.memory_space<hbm>>
      %dma_wait3A_1172 = arith.constant 10752 : i32
      %dma_wait3A_1173 = tpu.memref_slice %arg34[%dma_wait3A_1172] : memref<11008xf32, #tpu.memory_space<vmem>> -> memref<256xf32, #tpu.memory_space<vmem>>
      tpu.wait_dma2 semaphore(%run_scoped3A : memref<!tpu.dma_semaphore, #tpu.memory_space<semaphore_mem>>) src(%dma_wait3A_1173 : memref<256xf32, #tpu.memory_space<vmem>>) dst(%dma_wait3A_1171 : memref<256xf32, #tpu.memory_space<hbm>>)
      tpu.yield
    }) : () -> ()
    return
  }
}

module attributes {stable_mosaic.version = 14 : i64} {
  func.func @_nn_body(%arg0: i32, %arg1: i32, %arg2: memref<512x1xf32, #tpu.memory_space<vmem>>, %arg3: memref<512x1xf32, #tpu.memory_space<vmem>>, %arg4: memref<512x1xf32, #tpu.memory_space<vmem>>, %arg5: memref<8x1024xf32, #tpu.memory_space<vmem>>, %arg6: memref<512x1xi32, #tpu.memory_space<vmem>>, %arg7: memref<512x1xf32, #tpu.memory_space<vmem>>, %arg8: memref<512x1xi32, #tpu.memory_space<vmem>>) attributes {dimension_semantics = [#tpu.dimension_semantics<parallel>, #tpu.dimension_semantics<arbitrary>], iteration_bounds = array<i64: 16, 7>, scalar_prefetch = 0 : i64, scratch_operands = 2 : i64, tpu.core_type = #tpu.core_type<tc>, window_params = [{transform_indices = @transform_0, window_bounds = array<i64: 512, 1>}, {transform_indices = @transform_1, window_bounds = array<i64: 512, 1>}, {transform_indices = @transform_2, window_bounds = array<i64: 512, 1>}, {transform_indices = @transform_3, window_bounds = array<i64: 8, 1024>}, {transform_indices = @transform_4, window_bounds = array<i64: 512, 1>}]} {
    %get3A = arith.constant 0 : index
    %get3A_0 = arith.constant 0 : index
    %get3A_1 = vector.load %arg5[%get3A, %get3A_0] : memref<8x1024xf32, #tpu.memory_space<vmem>>, vector<1x1024xf32>
    %get3A_2 = arith.constant 1 : index
    %get3A_3 = arith.constant 0 : index
    %get3A_4 = vector.load %arg5[%get3A_2, %get3A_3] : memref<8x1024xf32, #tpu.memory_space<vmem>>, vector<1x1024xf32>
    %get3A_5 = arith.constant 2 : index
    %get3A_6 = arith.constant 0 : index
    %get3A_7 = vector.load %arg5[%get3A_5, %get3A_6] : memref<8x1024xf32, #tpu.memory_space<vmem>>, vector<1x1024xf32>
    %get3A_8 = arith.constant 0 : index
    %get3A_9 = arith.constant 0 : index
    %get3A_10 = vector.load %arg2[%get3A_8, %get3A_9] : memref<512x1xf32, #tpu.memory_space<vmem>>, vector<512x1xf32>
    %get3A_11 = arith.constant 0 : index
    %get3A_12 = arith.constant 0 : index
    %get3A_13 = vector.load %arg3[%get3A_11, %get3A_12] : memref<512x1xf32, #tpu.memory_space<vmem>>, vector<512x1xf32>
    %get3A_14 = arith.constant 0 : index
    %get3A_15 = arith.constant 0 : index
    %get3A_16 = vector.load %arg4[%get3A_14, %get3A_15] : memref<512x1xf32, #tpu.memory_space<vmem>>, vector<512x1xf32>
    %mul3A = arith.constant 2.000000e+00 : f32
    %mul3A_17 = vector.broadcast %mul3A : f32 to vector<512x1xf32>
    %mul3A_18 = arith.mulf %mul3A_17, %get3A_10 : vector<512x1xf32>
    %convert_element_type3A = arith.truncf %mul3A_18 : vector<512x1xf32> to vector<512x1xbf16>
    %convert_element_type3A_19 = arith.extf %convert_element_type3A : vector<512x1xbf16> to vector<512x1xf32>
    %mul3A_20 = arith.constant 2.000000e+00 : f32
    %mul3A_21 = vector.broadcast %mul3A_20 : f32 to vector<512x1xf32>
    %mul3A_22 = arith.mulf %mul3A_21, %get3A_13 : vector<512x1xf32>
    %convert_element_type3A_23 = arith.truncf %mul3A_22 : vector<512x1xf32> to vector<512x1xbf16>
    %convert_element_type3A_24 = arith.extf %convert_element_type3A_23 : vector<512x1xbf16> to vector<512x1xf32>
    %mul3A_25 = arith.constant 2.000000e+00 : f32
    %mul3A_26 = vector.broadcast %mul3A_25 : f32 to vector<512x1xf32>
    %mul3A_27 = arith.mulf %mul3A_26, %get3A_16 : vector<512x1xf32>
    %convert_element_type3A_28 = arith.truncf %mul3A_27 : vector<512x1xf32> to vector<512x1xbf16>
    %convert_element_type3A_29 = arith.extf %convert_element_type3A_28 : vector<512x1xbf16> to vector<512x1xf32>
    %convert_element_type3A_30 = arith.truncf %get3A_1 : vector<1x1024xf32> to vector<1x1024xbf16>
    %convert_element_type3A_31 = arith.extf %convert_element_type3A_30 : vector<1x1024xbf16> to vector<1x1024xf32>
    %convert_element_type3A_32 = arith.truncf %get3A_4 : vector<1x1024xf32> to vector<1x1024xbf16>
    %convert_element_type3A_33 = arith.extf %convert_element_type3A_32 : vector<1x1024xbf16> to vector<1x1024xf32>
    %convert_element_type3A_34 = arith.truncf %get3A_7 : vector<1x1024xf32> to vector<1x1024xbf16>
    %convert_element_type3A_35 = arith.extf %convert_element_type3A_34 : vector<1x1024xbf16> to vector<1x1024xf32>
    %mul3A_36 = vector.broadcast %convert_element_type3A_19 : vector<512x1xf32> to vector<512x1024xf32>
    %mul3A_37 = vector.broadcast %convert_element_type3A_31 : vector<1x1024xf32> to vector<512x1024xf32>
    %mul3A_38 = arith.mulf %mul3A_36, %mul3A_37 : vector<512x1024xf32>
    %mul3A_39 = vector.broadcast %convert_element_type3A_24 : vector<512x1xf32> to vector<512x1024xf32>
    %mul3A_40 = vector.broadcast %convert_element_type3A_33 : vector<1x1024xf32> to vector<512x1024xf32>
    %mul3A_41 = arith.mulf %mul3A_39, %mul3A_40 : vector<512x1024xf32>
    %add3A = arith.addf %mul3A_38, %mul3A_41 : vector<512x1024xf32>
    %mul3A_42 = vector.broadcast %convert_element_type3A_29 : vector<512x1xf32> to vector<512x1024xf32>
    %mul3A_43 = vector.broadcast %convert_element_type3A_35 : vector<1x1024xf32> to vector<512x1024xf32>
    %mul3A_44 = arith.mulf %mul3A_42, %mul3A_43 : vector<512x1024xf32>
    %add3A_45 = arith.addf %add3A, %mul3A_44 : vector<512x1024xf32>
    %mul3A_46 = arith.mulf %get3A_10, %get3A_10 : vector<512x1xf32>
    %mul3A_47 = arith.mulf %get3A_13, %get3A_13 : vector<512x1xf32>
    %add3A_48 = arith.addf %mul3A_46, %mul3A_47 : vector<512x1xf32>
    %mul3A_49 = arith.mulf %get3A_16, %get3A_16 : vector<512x1xf32>
    %add3A_50 = arith.addf %add3A_48, %mul3A_49 : vector<512x1xf32>
    %mul3A_51 = arith.mulf %get3A_1, %get3A_1 : vector<1x1024xf32>
    %mul3A_52 = arith.mulf %get3A_4, %get3A_4 : vector<1x1024xf32>
    %add3A_53 = arith.addf %mul3A_51, %mul3A_52 : vector<1x1024xf32>
    %mul3A_54 = arith.mulf %get3A_7, %get3A_7 : vector<1x1024xf32>
    %add3A_55 = arith.addf %add3A_53, %mul3A_54 : vector<1x1024xf32>
    %add3A_56 = vector.broadcast %add3A_50 : vector<512x1xf32> to vector<512x1024xf32>
    %add3A_57 = vector.broadcast %add3A_55 : vector<1x1024xf32> to vector<512x1024xf32>
    %add3A_58 = arith.addf %add3A_56, %add3A_57 : vector<512x1024xf32>
    %sub3A = arith.subf %add3A_58, %add3A_45 : vector<512x1024xf32>
    %reduce_min3A = arith.constant dense<0x7F800000> : vector<512xf32>
    %reduce_min3A_59 = vector.multi_reduction <minimumf>, %sub3A, %reduce_min3A [1] : vector<512x1024xf32> to vector<512xf32>
    %broadcast_in_dim3A = vector.shape_cast %reduce_min3A_59 : vector<512xf32> to vector<512x1xf32>
    %iota3A = tpu.iota {dimensions = array<i32: 1>} : vector<512x1024xi32>
    %mul3A_60 = arith.constant 1024 : i32
    %mul3A_61 = arith.muli %arg1, %mul3A_60 : i32
    %add3A_62 = vector.broadcast %mul3A_61 : i32 to vector<512x1024xi32>
    %add3A_63 = arith.addi %iota3A, %add3A_62 : vector<512x1024xi32>
    %eq3A = vector.broadcast %broadcast_in_dim3A : vector<512x1xf32> to vector<512x1024xf32>
    %eq3A_64 = arith.cmpf oeq, %sub3A, %eq3A : vector<512x1024xf32>
    %jit3A = arith.constant 1073741824 : i32
    %broadcast_in_dim3A_65 = vector.broadcast %jit3A : i32 to vector<512x1024xi32>
    %select_n3A = arith.select %eq3A_64, %add3A_63, %broadcast_in_dim3A_65 : vector<512x1024xi1>, vector<512x1024xi32>
    %reduce_min3A_66 = arith.constant dense<2147483647> : vector<512xi32>
    %reduce_min3A_67 = vector.multi_reduction <minsi>, %select_n3A, %reduce_min3A_66 [1] : vector<512x1024xi32> to vector<512xi32>
    %broadcast_in_dim3A_68 = vector.shape_cast %reduce_min3A_67 : vector<512xi32> to vector<512x1xi32>
    %eq3A_69 = arith.constant 0 : i32
    %eq3A_70 = arith.cmpi eq, %arg1, %eq3A_69 : i32
    %convert_element_type3A_71 = arith.extui %eq3A_70 : i1 to i32
    %cond3A = arith.constant 0 : i32
    %cond3A_72 = arith.cmpi ne, %convert_element_type3A_71, %cond3A : i32
    scf.if %cond3A_72 {
      %swap3A = arith.constant 0 : index
      %swap3A_82 = arith.constant 0 : index
      %swap3A_83 = vector.load %arg7[%swap3A, %swap3A_82] : memref<512x1xf32, #tpu.memory_space<vmem>>, vector<512x1xf32>
      tpu.vector_store %arg7[%swap3A, %swap3A_82], %broadcast_in_dim3A {strides = array<i32>} : memref<512x1xf32, #tpu.memory_space<vmem>>, vector<512x1xf32>,
      %swap3A_84 = arith.constant 0 : index
      %swap3A_85 = arith.constant 0 : index
      %swap3A_86 = vector.load %arg8[%swap3A_84, %swap3A_85] : memref<512x1xi32, #tpu.memory_space<vmem>>, vector<512x1xi32>
      tpu.vector_store %arg8[%swap3A_84, %swap3A_85], %broadcast_in_dim3A_68 {strides = array<i32>} : memref<512x1xi32, #tpu.memory_space<vmem>>, vector<512x1xi32>,
    } else {
    }
    %gt3A = arith.constant 0 : i32
    %gt3A_73 = arith.cmpi sgt, %arg1, %gt3A : i32
    %convert_element_type3A_74 = arith.extui %gt3A_73 : i1 to i32
    %cond3A_75 = arith.constant 0 : i32
    %cond3A_76 = arith.cmpi ne, %convert_element_type3A_74, %cond3A_75 : i32
    scf.if %cond3A_76 {
      %get3A_82 = arith.constant 0 : index
      %get3A_83 = arith.constant 0 : index
      %get3A_84 = vector.load %arg7[%get3A_82, %get3A_83] : memref<512x1xf32, #tpu.memory_space<vmem>>, vector<512x1xf32>
      %lt3A = arith.cmpf olt, %broadcast_in_dim3A, %get3A_84 : vector<512x1xf32>
      %get3A_85 = arith.constant 0 : index
      %get3A_86 = arith.constant 0 : index
      %get3A_87 = vector.load %arg7[%get3A_85, %get3A_86] : memref<512x1xf32, #tpu.memory_space<vmem>>, vector<512x1xf32>
      %select_n3A_88 = arith.select %lt3A, %broadcast_in_dim3A, %get3A_87 : vector<512x1xi1>, vector<512x1xf32>
      %swap3A = arith.constant 0 : index
      %swap3A_89 = arith.constant 0 : index
      %swap3A_90 = vector.load %arg7[%swap3A, %swap3A_89] : memref<512x1xf32, #tpu.memory_space<vmem>>, vector<512x1xf32>
      tpu.vector_store %arg7[%swap3A, %swap3A_89], %select_n3A_88 {strides = array<i32>} : memref<512x1xf32, #tpu.memory_space<vmem>>, vector<512x1xf32>,
      %get3A_91 = arith.constant 0 : index
      %get3A_92 = arith.constant 0 : index
      %get3A_93 = vector.load %arg8[%get3A_91, %get3A_92] : memref<512x1xi32, #tpu.memory_space<vmem>>, vector<512x1xi32>
      %select_n3A_94 = arith.select %lt3A, %broadcast_in_dim3A_68, %get3A_93 : vector<512x1xi1>, vector<512x1xi32>
      %swap3A_95 = arith.constant 0 : index
      %swap3A_96 = arith.constant 0 : index
      %swap3A_97 = vector.load %arg8[%swap3A_95, %swap3A_96] : memref<512x1xi32, #tpu.memory_space<vmem>>, vector<512x1xi32>
      tpu.vector_store %arg8[%swap3A_95, %swap3A_96], %select_n3A_94 {strides = array<i32>} : memref<512x1xi32, #tpu.memory_space<vmem>>, vector<512x1xi32>,
    } else {
    }
    %eq3A_77 = arith.constant 6 : i32
    %eq3A_78 = arith.cmpi eq, %arg1, %eq3A_77 : i32
    %convert_element_type3A_79 = arith.extui %eq3A_78 : i1 to i32
    %cond3A_80 = arith.constant 0 : i32
    %cond3A_81 = arith.cmpi ne, %convert_element_type3A_79, %cond3A_80 : i32
    scf.if %cond3A_81 {
      %get3A_82 = arith.constant 0 : index
      %get3A_83 = arith.constant 0 : index
      %get3A_84 = vector.load %arg8[%get3A_82, %get3A_83] : memref<512x1xi32, #tpu.memory_space<vmem>>, vector<512x1xi32>
      %swap3A = arith.constant 0 : index
      %swap3A_85 = arith.constant 0 : index
      %swap3A_86 = vector.load %arg6[%swap3A, %swap3A_85] : memref<512x1xi32, #tpu.memory_space<vmem>>, vector<512x1xi32>
      tpu.vector_store %arg6[%swap3A, %swap3A_85], %get3A_84 {strides = array<i32>} : memref<512x1xi32, #tpu.memory_space<vmem>>, vector<512x1xi32>,
    } else {
    }
    return
  }
  func.func @transform_0(%arg0: i32, %arg1: i32) -> (i32, i32) {
    %c0_i32 = arith.constant 0 : i32
    %c0_i32_0 = arith.constant 0 : i32
    return %arg0, %c0_i32 : i32, i32
  }
  func.func @transform_1(%arg0: i32, %arg1: i32) -> (i32, i32) {
    %c0_i32 = arith.constant 0 : i32
    %c0_i32_0 = arith.constant 0 : i32
    return %arg0, %c0_i32 : i32, i32
  }
  func.func @transform_2(%arg0: i32, %arg1: i32) -> (i32, i32) {
    %c0_i32 = arith.constant 0 : i32
    %c0_i32_0 = arith.constant 0 : i32
    return %arg0, %c0_i32 : i32, i32
  }
  func.func @transform_3(%arg0: i32, %arg1: i32) -> (i32, i32) {
    %c0_i32 = arith.constant 0 : i32
    %c0_i32_0 = arith.constant 0 : i32
    return %c0_i32, %arg1 : i32, i32
  }
  func.func @transform_4(%arg0: i32, %arg1: i32) -> (i32, i32) {
    %c0_i32 = arith.constant 0 : i32
    %c0_i32_0 = arith.constant 0 : i32
    return %arg0, %c0_i32 : i32, i32
  }
}

</mosaic_0001>

<sc_bundles>
// kernel: kernel.4.cloned.1.call-start
scs
__scs_entry_jumppad:
0x0: {  	(pc) =	sbr.rel $0x88, $3  }
0x1: {  	(tag) =	ssettag $0x0;
	lr =	simm.s32 $0x1  }
0x2: {  	[smem:$0x3F99] =	sst lr;
	_ =	strace $0xD0000000  }
0x3: {  	_ = 	snop  }
0x4: {  	_ = 	snop  }
0x5: {  	_ = 	snop  }
0x6: {  	_ = 	snop  }
0x7: {  	_ = 	snop  }
__scs_overlays_trampoline_lowered:
0x8: {  	[smem:$0x3FA8] =	sst s0  }
0x9: {  	[smem:$0x3FA9] =	sst s1  }
0xa: {  	[smem:$0x3FAA] =	sst s2  }
0xb: {  	[smem:$0x3FAB] =	sst s3  }
0xc: {  	[smem:$0x3FAC] =	sst s4  }
0xd: {  	[smem:$0x3FAD] =	sst s5  }
0xe: {  	[smem:$0x3FAE] =	sst s6  }
0xf: {  	[smem:$0x3FAF] =	sst s7  }
0x10: {  	[smem:$0x3FB0] =	sst s8  }
0x11: {  	[smem:$0x3FB1] =	sst s9;
	s0 =	simm.s32 @!p0 $0x0  }
0x12: {  	s1 =	sld [smem:$0x3F97];
	s0 =	simm.s32 @p0 $0x1  }
0x13: {  	[smem:$0x3FB2] =	sst s0;
	s0 =	simm.s32 @!p1 $0x0  }
0x14: {  	s2 =	sld [smem:$0x3F96];
	s0 =	simm.s32 @p1 $0x1  }
0x15: {  	[smem:$0x3FB3] =	sst s0;
	s0 =	simm.s32 @!p2 $0x0  }
0x16: {  	s3 =	sld [smem:$0x3FDB];
	s0 =	simm.s32 @p2 $0x1  }
0x17: {  	s4 =	simm.s32 $0x1BF5;
	[smem:$0x3FB5] =	sst s0  }
0x18: {  	s0 =	sld [smem:$0x3F98];
	_ =	swait.ge [sflag:s4], $0x0  }
0x19: {  	s7 =	sld [smem:$0x3F99]  }
0x1a: {  	s8 =	sadd.s32 $0xFFFFE003, lr  }
0x1b: {  	s9 =	sadd.s32 $0xFFFFFEF7, lr;
	s5 =	simm.s32 $0xFFFFFFFF;
	p2 =	slt.u32 s8, $0xFFFFF086  }
0x1c: {  	p1 =	slt.u32 s9, $0xF7A;
	s5 =	simm.s32 @!p2 $0x0  }
0x1d: {  	s5 =	simm.s32 @p1 $0x1;
	p0 =	seq.s32 s7, s2  }
0x1e: {  	s7 =	smul.u32 @!p0 $0xF7A, s2;
	p2 =	seq.s32 @!p0 s5, $0x0  }
0x1f: {  	s9 =	smul.u32 $0xF7A, s1;
	s8 =	simm.s32 @!p0 $0x1BF5;
	p2 =	por !p2, p0  }
0x20: {  	[sflag:s8] =	ssyncset.s32 @!p0 $0xFFFFF086;
	s6 =	sadd.s32 @!p0 s3, s7;
	s7 =	simm.s32 @!p0 $0x108  }
0x21: {  	s3 =	sadd.s32 s3, s9;
	s6 =	sadd.s32 @!p0 $0x88, s6;
	s7 =	simm.s32 @p2 $0x1082  }
0x22: {  	[simem:s7], [sflag:s8] =	dma.local @!p0 [hbm:s6], $0xF7A  }
0x23: {  	s9 =	sor.u32 $0xD0000000, s2;
	s6 =	simm.s32 $0x108;
	_ =	swait.ge @!p0 [sflag:s8], $0x0  }
0x24: {  	s3 =	sadd.s32 $0x88, s3;
	s6 =	simm.s32 @!p1 $0x1082;
	[sflag:s4] =	ssyncset.s32 $0xFFFFF086  }
0x25: {  	[simem:s6], [sflag:s4] =	dma.local [hbm:s3], $0xF7A  }
0x26: {  	[smem:$0x3F99] =	sst s1;
	(tag) =	ssettag s2;
	_ =	strace s9  }
0x27: {  	s1 =	sld [smem:$0x3FA9]  }
0x28: {  	s2 =	sld [smem:$0x3FAA]  }
0x29: {  	s4 =	sld [smem:$0x3FAC]  }
0x2a: {  	p0 =	seq.s32 s5, $0x0;
	s5 =	sld [smem:$0x3FAD]  }
0x2b: {  	s6 =	sld [smem:$0x3FAE]  }
0x2c: {  	s7 =	sld [smem:$0x3FAF]  }
0x2d: {  	s3 =	simm.s32 $0x108;
	s8 =	sld [smem:$0x3FB0]  }
0x2e: {  	s3 =	simm.s32 @!p0 $0x1082;
	s9 =	sld [smem:$0x3FB1]  }
0x2f: {  	lr =	sadd.s32 s0, s3;
	s0 =	sld [smem:$0x3FA8]  }
0x30: {  	s3 =	sld [smem:$0x3FAB]  }
0x31: {  	[smem:$0x3FB4] =	sst s10  }
0x32: {  	s10 =	sld [smem:$0x3FB2];
	_ =	sdelay $0x3  }
0x33: {  	p0 =	seq.s32 s10, $0x1;
	s10 =	sld [smem:$0x3FB4];
	_ =	sdelay $0x3  }
0x34: {  	[smem:$0x3FB4] =	sst s10  }
0x35: {  	s10 =	sld [smem:$0x3FB3];
	_ =	sdelay $0x3  }
0x36: {  	p1 =	seq.s32 s10, $0x1;
	s10 =	sld [smem:$0x3FB4];
	_ =	sdelay $0x3  }
0x37: {  	[smem:$0x3FB4] =	sst s10  }
0x38: {  	s10 =	sld [smem:$0x3FB5]  }
0x39: {  	_ = 	snop;
	(pc) =	sbr.ind lr, $3  }
0x3a: {  	_ = 	snop  }
0x3b: {  	_ = 	snop  }
0x3c: {  	p2 =	seq.s32 s10, $0x1;
	s10 =	sld [smem:$0x3FB4]  }
0x3d: {  	_ =	shalt  }
0x3e: {  	_ =	shalt  }
0x3f: {  	_ =	shalt  }
0x40: {  	_ =	shalt  }
0x41: {  	_ =	shalt  }
0x42: {  	_ =	shalt  }
0x43: {  	_ =	shalt  }
0x44: {  	_ =	shalt  }
0x45: {  	_ =	shalt  }
0x46: {  	_ =	shalt  }
0x47: {  	_ =	shalt  }
0x48: {  	_ =	shalt  }
0x49: {  	_ =	shalt  }
0x4a: {  	_ =	shalt  }
0x4b: {  	_ =	shalt  }
0x4c: {  	_ =	shalt  }
0x4d: {  	_ =	shalt  }
0x4e: {  	_ =	shalt  }
0x4f: {  	_ =	shalt  }
0x50: {  	_ =	shalt  }
0x51: {  	_ =	shalt  }
0x52: {  	_ =	shalt  }
0x53: {  	_ =	shalt  }
0x54: {  	_ =	shalt  }
0x55: {  	_ =	shalt  }
0x56: {  	_ =	shalt  }
0x57: {  	_ =	shalt  }
0x58: {  	_ =	shalt  }
0x59: {  	_ =	shalt  }
0x5a: {  	_ =	shalt  }
0x5b: {  	_ =	shalt  }
0x5c: {  	_ =	shalt  }
0x5d: {  	_ =	shalt  }
0x5e: {  	_ =	shalt  }
0x5f: {  	_ =	shalt  }
0x60: {  	_ =	shalt  }
0x61: {  	_ =	shalt  }
0x62: {  	_ =	shalt  }
0x63: {  	_ =	shalt  }
0x64: {  	_ =	shalt  }
0x65: {  	_ =	shalt  }
0x66: {  	_ =	shalt  }
0x67: {  	_ =	shalt  }
0x68: {  	_ =	shalt  }
0x69: {  	_ =	shalt  }
0x6a: {  	_ =	shalt  }
0x6b: {  	_ =	shalt  }
0x6c: {  	_ =	shalt  }
0x6d: {  	_ =	shalt  }
0x6e: {  	_ =	shalt  }
0x6f: {  	_ =	shalt  }
0x70: {  	_ =	shalt  }
0x71: {  	_ =	shalt  }
0x72: {  	_ =	shalt  }
0x73: {  	_ =	shalt  }
0x74: {  	_ =	shalt  }
0x75: {  	_ =	shalt  }
0x76: {  	_ =	shalt  }
0x77: {  	_ =	shalt  }
0x78: {  	_ =	shalt  }
0x79: {  	_ =	shalt  }
0x7a: {  	_ =	shalt  }
0x7b: {  	_ =	shalt  }
0x7c: {  	_ =	shalt  }
0x7d: {  	_ =	shalt  }
0x7e: {  	_ =	shalt  }
0x7f: {  	_ =	shalt  }
0x80: {  	_ =	shalt  }
0x81: {  	_ =	shalt  }
0x82: {  	_ =	shalt  }
0x83: {  	_ =	shalt  }
0x84: {  	_ =	shalt  }
0x85: {  	_ =	shalt  }
0x86: {  	_ =	shalt  }
0x87: {  	_ =	shalt  }
.Lfunc_end0:
.L_simem_size_0:
called_computation_lowered:
.L_overlay_start_0:
0x88: {  	s2 =	sld [smem:$0x3FD9]  }
0x89: {  	s3 =	sld [smem:$0x3FFE];
	_ =	sdelay $0x1  }
0x8a: {  	s1 =	srdreg.scid  }
0x8b: {  	s0 =	sand.u32 $0x1, s1  }
0x8c: {  	s14 =	sshll.u32 s0, $0xA;
	s2 =	sadd.s32 s3, s2  }
0x8d: {  	s2 =	sadd.s32 s2, s14  }
0x8e: {  	[smem:$0x3FC0] =	sst s2  }
0x8f: {  	_ = 	snop  }
0x90: {  	s2 =	sld [smem:$0x3FD0];
	_ =	sdelay $0x2  }
0x91: {  	s15 =	simm.s32 $0xA;
	s4 =	simm.s32 $0x10  }
0x92: {  	[smem:s4], [sflag:s15] =	dma.local [hbm:s2], $0x1  }
0x93: {  	_ =	swait.eq [sflag:s15], $0x1  }
0x94: {  	[sflag:s15] =	ssyncset.done $0x0  }
0x95: {  	s16 =	sld [smem:$0x10];
	[sflag:s15] =	ssyncadd.s32 $0xFFFFFFFF  }
0x96: {  	s17 =	sld [smem:$0x11];
	(tm) =	ssettm $0x1  }
0x97: {  	s18 =	sld [smem:$0x3FFB];
	_ =	sdelay $0x3  }
0x98: {  	_ =	strace s18  }
0x99: {  	s4 =	sld [smem:$0x3FFC];
	_ =	sdelay $0x3  }
0x9a: {  	_ =	strace s4  }
0x9b: {  	s4 =	sld [smem:$0x3FFD];
	_ =	sdelay $0x3  }
0x9c: {  	_ =	strace s4  }
0x9d: {  	_ =	strace $0x8FFFFFFF  }
0x9e: {  	s19 =	sld [smem:$0x3FDB];
	_ =	sdelay $0x1  }
0x9f: {  	s5 =	simm.s32 $_scs_section_size  }
0xa0: {  	s6 =	simm.s32 $_size__tile_overlayer_lowered;
	s7 =	simm.s32 $_tile_overlayer_lowered  }
0xa1: {  	s22 =	simm.s32 $0x1BFF;
	s21 =	sshll.u32 s7, $0x1;
	s4 =	sadd.s32 s5, s19  }
0xa2: {  	s8 =	simm.s32 $0x0;
	s20 =	sshll.u32 s6, $0x1;
	s6 =	sadd.s32 s21, s4  }
0xa3: {  	[timem:s8], [sflag:s22] =	dma.local [hbm:s6], s20  }
0xa4: {  	_ =	swait.ge [sflag:s22], s20  }
0xa5: {  	s5 =	ssub.s32 $0x0, s20;
	[sflag:s22] =	ssyncset.done $0x0  }
0xa6: {  	[sflag:s22] =	ssyncadd.s32 s5;
	_ =	sdelay $0x1  }
0xa7: {  	s23 =	simm.s32 $0x1B8B  }
0xa8: {  	_ =	swait.ge [sflag:s23], $0x1  }
0xa9: {  	[sflag:s23] =	ssyncset.done $0x0  }
0xaa: {  	s25 =	simm.s32 $0x1B8E;
	s24 =	sld [smem:$0x3FFE];
	[sflag:s23] =	ssyncadd.s32 $0xFFFFFFFF  }
0xab: {  	s26 =	simm.s32 $execute0_lowered;
	[smem:$0x3FD2] =	sst s25  }
0xac: {  	s6 =	sshll.u32 s26, $0x1;
	_ =	strace $0x80000046;
	[dreg:$0x1] =	wrdreg $0xFFFFFFFF  }
0xad: {  	s28 =	simm.s32 $_size_execute0_lowered;
	s4 =	sadd.s32 s4, s6;
	[dreg:$0x0] =	wrdreg $0x0  }
0xae: {  	s6 =	sshll.u32 s28, $0x1;
	[dreg:$0x2] =	wrdreg s4  }
0xaf: {  	[dreg:$0x3] =	wrdreg s6  }
0xb0: {  	[dreg:$0x4] =	wrdreg $0xC0  }
0xb1: {  	_ =	task [dreg:s8], $0x5FFFF  }
0xb2: {  	[dreg:$0x1] =	wrdreg $0xFFFFFFFF  }
0xb3: {  	[dreg:$0x0] =	wrdreg $0x60  }
0xb4: {  	[dreg:$0x2] =	wrdreg s24  }
0xb5: {  	[dreg:$0x3] =	wrdreg s16  }
0xb6: {  	[dreg:$0x4] =	wrdreg s17  }
0xb7: {  	[dreg:$0x5] =	wrdreg $0x9  }
0xb8: {  	_ =	task.clear_ibuf [dreg:s8], $0x6FFFF;
	_ =	strace $0x90000046  }
0xb9: {  	s29 =	simm.s32 $0x9;
	_ =	strace $0x80000048  }
0xba: {  	_ =	swait.ge [sflag:s29], $0x1  }
0xbb: {  	[sflag:s29] =	ssyncadd.s32 $0xFFFFFFFF  }
0xbc: {  	_ =	strace $0x90000048  }
0xbd: {  	_ =	sfence  }
0xbe: {  	s30 =	sld [smem:$0x0];
	_ =	sdelay $0x2  }
0xbf: {  	s31 =	sshll.u32 s1, $0xD;
	s1 =	sshrl.u32 s1, $0x2  }
0xc0: {  	s3 =	sand.u32 $0x4000, s31;
	s1 =	sadd.s32 s1, s30  }
0xc1: {  	s0 =	sor.u32 s3, s0;
	s1 =	sshll.u32 s1, $0x11  }
0xc2: {  	s0 =	sor.u32 s1, s0  }
0xc3: {  	s0 =	sadd.s32 $0x8F2B, s0  }
0xc4: {  	[sflag:s0] =	ssyncadd.remote.s32 $0x1  }
0xc5: {  	_ =	sfence.sel $0xFFFF  }
0xc6: {  	[dreg:$0x0] =	wrdreg $0xFFFFFFFF;
	(pc) =	sbr.abs _section_cstart, $3  }
0xc7: {  	[dreg:$0x1] =	wrdreg $0xFFFFFFFF  }
0xc8: {  	_ =	task.clear_ibuf [dreg:s8], $0x2FFFF;
	_ =	strace $0x9FFFFFFF  }
0xc9: {  	(tm) =	ssettm $0x7FFFFFFF  }
tec
execute0_lowered:
.L_overlay_start_1:
0x0: {  	(tag) =	ssettag $0x1  }
0x1: {  	s1 =	rddreg [dreg:$0x0]  }
0x2: {  	s0 =	rddreg [dreg:$0x2];
	s3 =	simm.s32 $0x0  }
0x3: {  	[smem:$0x7FF] =	sst s3;
	s2 =	sadd.s32 $0x2C00, s1  }
0x4: {  	s31 =	sadd.s32 $0x2800, s1;
	_ =	strace $0x80000047;
	[dreg:$0x4] =	wrdreg s2  }
0x5: {  	s4 =	sadd.s32 $0x2400, s1;
	[dreg:$0x5] =	wrdreg s31  }
0x6: {  	s5 =	sadd.s32 $0x2000, s1;
	[dreg:$0x6] =	wrdreg s4  }
0x7: {  	s6 =	sadd.s32 $0x1C00, s1;
	[dreg:$0x7] =	wrdreg s5  }
0x8: {  	s7 =	sadd.s32 $0x1800, s1;
	[dreg:$0x8] =	wrdreg s6  }
0x9: {  	s10 =	sadd.s32 $0x3C00, s1;
	[dreg:$0x9] =	wrdreg s7  }
0xa: {  	s24 =	sadd.s32 $0x7C00, s1;
	[dreg:$0xb] =	wrdreg s10  }
0xb: {  	s8 =	srdreg.scid;
	s25 =	sadd.s32 $0x8400, s1;
	[dreg:$0x16] =	wrdreg s24  }
0xc: {  	s26 =	sadd.s32 $0x8C00, s1;
	s28 =	sadd.s32 $0x7400, s1;
	[dreg:$0x17] =	wrdreg s25  }
0xd: {  	s30 =	sadd.s32 $0x6C00, s1;
	s5 =	stileid.u32;
	[dreg:$0x18] =	wrdreg s26  }
0xe: {  	s2 =	sand.u32 $0x1, s8;
	s6 =	sadd.s32 $0x4400, s1;
	[dreg:$0x19] =	wrdreg s28  }
0xf: {  	[dreg:$0x1a] =	wrdreg s30;
	s4 =	sshll.u32 s2, $0x9;
	s5 =	sshll.u32 s5, $0x5  }
0x10: {  	s31 =	sadd.s32 $0x6400, s1;
	[dreg:$0xa] =	wrdreg s6;
	s4 =	sor.u32 s5, s4  }
0x11: {  	[dreg:$0x1b] =	wrdreg s31;
	s14 =	sadd.s32 s4, s1;
	s0 =	sadd.s32 s0, s4  }
0x12: {  	s29 =	simm.s32 $0x3980;
	s15 =	sadd.s32 $0x3800, s14;
	[dreg:$0x12] =	wrdreg s0  }
0x13: {  	s11 =	sadd.s32 $0x4C00, s1;
	s16 =	sadd.s32 $0x1000, s14;
	[dreg:$0xc] =	wrdreg s15  }
0x14: {  	s12 =	sadd.s32 $0x5400, s1;
	s17 =	sadd.s32 $0x1400, s14;
	[dreg:$0xd] =	wrdreg s16  }
0x15: {  	s13 =	sadd.s32 $0x5C00, s1;
	s18 =	sadd.s32 $0xC00, s14;
	[dreg:$0xe] =	wrdreg s17  }
0x16: {  	s10 =	sadd.s32 $0x800, s1;
	s19 =	sadd.s32 $0x9400, s14;
	[dreg:$0xf] =	wrdreg s18  }
0x17: {  	s2 =	ssub.s32 $0x2, s2;
	s20 =	sadd.s32 $0x9800, s14;
	[dreg:$0x10] =	wrdreg s19  }
0x18: {  	s9 =	sshrl.u32 s2, $0x1;
	s21 =	sadd.s32 $0x9C00, s14;
	[dreg:$0x11] =	wrdreg s20  }
0x19: {  	s2 =	ssub.s32 s2, s9;
	s22 =	sadd.s32 $0xA000, s14;
	[dreg:$0x13] =	wrdreg s21  }
0x1a: {  	s26 =	simm.s32 $0x3900;
	s23 =	smax.u32 s2, $0x1;
	[dreg:$0x14] =	wrdreg s22  }
0x1b: {  	s25 =	simm.s32 $0x0;
	s2 =	sadd.s32 $0x400, s1;
	[dreg:$0x15] =	wrdreg s23  }
0x1c: {  	v2 =	vimm.f32 $1.000000000e+00;
	s16 =	sadd.s32 $0x3400, s1;
	s17 =	sadd.s32 $0x3000, s1;
	s18 =	simm.s32 $0x2B00  }
0x1d: {  	v0 =	vimm.s32 $0x0;
	v1 =	vimm.f32 $0.0e+00;
	v2 =	vand.u32 $0x7FFFFFFF, v2;
	s19 =	simm.s32 $0x2;
	s21 =	simm.s32 $0x80;
	s20 =	simm.s32 $0x1  }
.LBB2_1:
0x1e: {  	s4 =	rddreg [dreg:$0xc]  }
0x1f: {  	[tilespmem:s18], [sflag:$0x2] =	stream.linear.gather [hbm4b:s4+s3], $0x100, $0x38;
	[tilespmem:$0x3A00] =	vst v63  }
0x20: {  	_ =	swait.ge [sflag:s19], $0x100  }
0x21: {  	[sflag:s19] =	ssyncset.done $0x0  }
0x22: {  	s14 =	rddreg [dreg:$0xd];
	[sflag:s19] =	ssyncadd.s32 $0xFFFFFF00  }
0x23: {  	[tilespmem:s3], [sflag:$0x2] =	stream.linear.gather [hbm4b:s14+s3], $0x100, $0x38;
	[tilespmem:$0x3A00] =	vst v63  }
0x24: {  	_ =	swait.ge [sflag:s19], $0x100  }
0x25: {  	[sflag:s19] =	ssyncset.done $0x0  }
0x26: {  	s5 =	simm.s32 $0x100;
	s15 =	rddreg [dreg:$0xe];
	[sflag:s19] =	ssyncadd.s32 $0xFFFFFF00  }
0x27: {  	[tilespmem:s5], [sflag:$0x2] =	stream.linear.gather [hbm4b:s15+s3], $0x100, $0x38;
	[tilespmem:$0x3A00] =	vst v63  }
0x28: {  	_ =	swait.ge [sflag:s19], $0x100  }
0x29: {  	[sflag:s19] =	ssyncset.done $0x0  }
0x2a: {  	s23 =	simm.s32 $0x200;
	s22 =	rddreg [dreg:$0xf];
	[sflag:s19] =	ssyncadd.s32 $0xFFFFFF00  }
0x2b: {  	[tilespmem:s23], [sflag:$0x2] =	stream.linear.gather [hbm4b:s22+s3], $0x100, $0x38;
	[tilespmem:$0x3A00] =	vst v63  }
0x2c: {  	_ =	swait.ge [sflag:s19], $0x100  }
0x2d: {  	[sflag:s19] =	ssyncset.done $0x0  }
0x2e: {  	s6 =	simm.s32 $0x2C00;
	s24 =	rddreg [dreg:$0x4];
	[sflag:s19] =	ssyncadd.s32 $0xFFFFFF00  }
0x2f: {  	[tilespmem:s6], [sflag:$0x1] =	stream.indirect.gather [hbm4b:s24+s21], $0x1, s18, s21, $0xb8;
	[tilespmem:$0x3A00] =	vst v63  }
0x30: {  	s7 =	simm.s32 $0x2C80;
	s23 =	simm.s32 $0x2B80  }
0x31: {  	[tilespmem:s7], [sflag:$0x1] =	stream.indirect.gather [hbm4b:s24+s21], $0x1, s23, s21, $0xb8;
	[tilespmem:$0x3A00] =	vst v63  }
0x32: {  	s8 =	simm.s32 $0x2D00;
	s28 =	rddreg [dreg:$0x5]  }
0x33: {  	[tilespmem:s8], [sflag:$0x1] =	stream.indirect.gather [hbm4b:s28+s21], $0x1, s18, s21, $0xb8;
	[tilespmem:$0x3A00] =	vst v63  }
0x34: {  	s9 =	simm.s32 $0x2D80  }
0x35: {  	[tilespmem:s9], [sflag:$0x1] =	stream.indirect.gather [hbm4b:s28+s21], $0x1, s23, s21, $0xb8;
	[tilespmem:$0x3A00] =	vst v63  }
0x36: {  	s14 =	simm.s32 $0x2E00;
	s30 =	rddreg [dreg:$0x6]  }
0x37: {  	[tilespmem:s14], [sflag:$0x1] =	stream.indirect.gather [hbm4b:s30+s21], $0x1, s18, s21, $0xb8;
	[tilespmem:$0x3A00] =	vst v63  }
0x38: {  	s15 =	simm.s32 $0x2E80  }
0x39: {  	[tilespmem:s15], [sflag:$0x1] =	stream.indirect.gather [hbm4b:s30+s21], $0x1, s23, s21, $0xb8;
	[tilespmem:$0x3A00] =	vst v63  }
0x3a: {  	s4 =	simm.s32 $0x2F00;
	s31 =	rddreg [dreg:$0x7]  }
0x3b: {  	[tilespmem:s4], [sflag:$0x1] =	stream.indirect.gather [hbm4b:s31+s21], $0x1, s18, s21, $0xb8;
	[tilespmem:$0x3A00] =	vst v63  }
0x3c: {  	s28 =	simm.s32 $0x2F80  }
0x3d: {  	[tilespmem:s28], [sflag:$0x1] =	stream.indirect.gather [hbm4b:s31+s21], $0x1, s23, s21, $0xb8;
	[tilespmem:$0x3A00] =	vst v63  }
0x3e: {  	s0 =	rddreg [dreg:$0x8];
	s30 =	simm.s32 $0x3000  }
0x3f: {  	[tilespmem:s30], [sflag:$0x1] =	stream.indirect.gather [hbm4b:s0+s21], $0x1, s18, s21, $0xb8;
	[tilespmem:$0x3A00] =	vst v63  }
0x40: {  	s22 =	simm.s32 $0x3080  }
0x41: {  	[tilespmem:s22], [sflag:$0x1] =	stream.indirect.gather [hbm4b:s0+s21], $0x1, s23, s21, $0xb8;
	[tilespmem:$0x3A00] =	vst v63  }
0x42: {  	s24 =	rddreg [dreg:$0x9];
	s31 =	simm.s32 $0x3100  }
0x43: {  	[tilespmem:s31], [sflag:$0x1] =	stream.indirect.gather [hbm4b:s24+s21], $0x1, s18, s21, $0xb8;
	[tilespmem:$0x3A00] =	vst v63  }
0x44: {  	s0 =	simm.s32 $0x3180  }
0x45: {  	[tilespmem:s0], [sflag:$0x1] =	stream.indirect.gather [hbm4b:s24+s21], $0x1, s23, s21, $0xb8;
	[tilespmem:$0x3A00] =	vst v63  }
0x46: {  	_ =	swait.ge [sflag:s20], $0x80  }
0x47: {  	[sflag:s20] =	ssyncset.done $0x0  }
0x48: {  	[sflag:s20] =	ssyncadd.s32 $0xFFFFFF80  }
0x49: {  	_ =	swait.ge [sflag:s20], $0x80  }
0x4a: {  	[sflag:s20] =	ssyncset.done $0x0  }
0x4b: {  	[sflag:s20] =	ssyncadd.s32 $0xFFFFFF80  }
0x4c: {  	_ =	swait.ge [sflag:s20], $0x80  }
0x4d: {  	[sflag:s20] =	ssyncset.done $0x0  }
0x4e: {  	[sflag:s20] =	ssyncadd.s32 $0xFFFFFF80  }
0x4f: {  	_ =	swait.ge [sflag:s20], $0x80  }
0x50: {  	[sflag:s20] =	ssyncset.done $0x0  }
0x51: {  	[sflag:s20] =	ssyncadd.s32 $0xFFFFFF80  }
0x52: {  	_ =	swait.ge [sflag:s20], $0x80  }
0x53: {  	[sflag:s20] =	ssyncset.done $0x0  }
0x54: {  	[sflag:s20] =	ssyncadd.s32 $0xFFFFFF80  }
0x55: {  	_ =	swait.ge [sflag:s20], $0x80  }
0x56: {  	[sflag:s20] =	ssyncset.done $0x0  }
0x57: {  	[sflag:s20] =	ssyncadd.s32 $0xFFFFFF80  }
0x58: {  	_ =	swait.ge [sflag:s20], $0x80  }
0x59: {  	[sflag:s20] =	ssyncset.done $0x0  }
0x5a: {  	[sflag:s20] =	ssyncadd.s32 $0xFFFFFF80  }
0x5b: {  	_ =	swait.ge [sflag:s20], $0x80  }
0x5c: {  	[sflag:s20] =	ssyncset.done $0x0  }
0x5d: {  	[sflag:s20] =	ssyncadd.s32 $0xFFFFFF80  }
0x5e: {  	_ =	swait.ge [sflag:s20], $0x80  }
0x5f: {  	[sflag:s20] =	ssyncset.done $0x0  }
0x60: {  	[sflag:s20] =	ssyncadd.s32 $0xFFFFFF80  }
0x61: {  	_ =	swait.ge [sflag:s20], $0x80  }
0x62: {  	[sflag:s20] =	ssyncset.done $0x0  }
0x63: {  	[sflag:s20] =	ssyncadd.s32 $0xFFFFFF80  }
0x64: {  	_ =	swait.ge [sflag:s20], $0x80  }
0x65: {  	[sflag:s20] =	ssyncset.done $0x0  }
0x66: {  	[sflag:s20] =	ssyncadd.s32 $0xFFFFFF80  }
0x67: {  	_ =	swait.ge [sflag:s20], $0x80  }
0x68: {  	[sflag:s20] =	ssyncset.done $0x0  }
0x69: {  	s23 =	simm.s32 $0x300;
	[sflag:s20] =	ssyncadd.s32 $0xFFFFFF80  }
0x6a: {  	[tilespmem:s23], [sflag:$0x1] =	stream.indirect.gather [hbm4b:s11+s21], $0x1, s6, s21, $0xb8;
	[tilespmem:$0x3A00] =	vst v63  }
0x6b: {  	s24 =	simm.s32 $0x380  }
0x6c: {  	[tilespmem:s24], [sflag:$0x1] =	stream.indirect.gather [hbm4b:s11+s21], $0x1, s7, s21, $0xb8;
	[tilespmem:$0x3A00] =	vst v63  }
0x6d: {  	s5 =	simm.s32 $0x400  }
0x6e: {  	[tilespmem:s5], [sflag:$0x1] =	stream.indirect.gather [hbm4b:s12+s21], $0x1, s6, s21, $0xb8;
	[tilespmem:$0x3A00] =	vst v63  }
0x6f: {  	s24 =	simm.s32 $0x480  }
0x70: {  	[tilespmem:s24], [sflag:$0x1] =	stream.indirect.gather [hbm4b:s12+s21], $0x1, s7, s21, $0xb8;
	[tilespmem:$0x3A00] =	vst v63  }
0x71: {  	s23 =	simm.s32 $0x500  }
0x72: {  	[tilespmem:s23], [sflag:$0x1] =	stream.indirect.gather [hbm4b:s13+s21], $0x1, s6, s21, $0xb8;
	[tilespmem:$0x3A00] =	vst v63  }
0x73: {  	s23 =	simm.s32 $0x580  }
0x74: {  	[tilespmem:s23], [sflag:$0x1] =	stream.indirect.gather [hbm4b:s13+s21], $0x1, s7, s21, $0xb8;
	[tilespmem:$0x3A00] =	vst v63  }
0x75: {  	s24 =	simm.s32 $0x600  }
0x76: {  	[tilespmem:s24], [sflag:$0x1] =	stream.indirect.gather [hbm4b:s11+s21], $0x1, s8, s21, $0xb8;
	[tilespmem:$0x3A00] =	vst v63  }
0x77: {  	s7 =	simm.s32 $0x680  }
0x78: {  	[tilespmem:s7], [sflag:$0x1] =	stream.indirect.gather [hbm4b:s11+s21], $0x1, s9, s21, $0xb8;
	[tilespmem:$0x3A00] =	vst v63  }
0x79: {  	s23 =	simm.s32 $0x700  }
0x7a: {  	[tilespmem:s23], [sflag:$0x1] =	stream.indirect.gather [hbm4b:s12+s21], $0x1, s8, s21, $0xb8;
	[tilespmem:$0x3A00] =	vst v63  }
0x7b: {  	s24 =	simm.s32 $0x780  }
0x7c: {  	[tilespmem:s24], [sflag:$0x1] =	stream.indirect.gather [hbm4b:s12+s21], $0x1, s9, s21, $0xb8;
	[tilespmem:$0x3A00] =	vst v63  }
0x7d: {  	s7 =	simm.s32 $0x800  }
0x7e: {  	[tilespmem:s7], [sflag:$0x1] =	stream.indirect.gather [hbm4b:s13+s21], $0x1, s8, s21, $0xb8;
	[tilespmem:$0x3A00] =	vst v63  }
0x7f: {  	s23 =	simm.s32 $0x880  }
0x80: {  	[tilespmem:s23], [sflag:$0x1] =	stream.indirect.gather [hbm4b:s13+s21], $0x1, s9, s21, $0xb8;
	[tilespmem:$0x3A00] =	vst v63  }
0x81: {  	s24 =	simm.s32 $0x900  }
0x82: {  	[tilespmem:s24], [sflag:$0x1] =	stream.indirect.gather [hbm4b:s11+s21], $0x1, s14, s21, $0xb8;
	[tilespmem:$0x3A00] =	vst v63  }
0x83: {  	s7 =	simm.s32 $0x980  }
0x84: {  	[tilespmem:s7], [sflag:$0x1] =	stream.indirect.gather [hbm4b:s11+s21], $0x1, s15, s21, $0xb8;
	[tilespmem:$0x3A00] =	vst v63  }
0x85: {  	s8 =	simm.s32 $0xA00  }
0x86: {  	[tilespmem:s8], [sflag:$0x1] =	stream.indirect.gather [hbm4b:s12+s21], $0x1, s14, s21, $0xb8;
	[tilespmem:$0x3A00] =	vst v63  }
0x87: {  	s9 =	simm.s32 $0xA80  }
0x88: {  	[tilespmem:s9], [sflag:$0x1] =	stream.indirect.gather [hbm4b:s12+s21], $0x1, s15, s21, $0xb8;
	[tilespmem:$0x3A00] =	vst v63  }
0x89: {  	s23 =	simm.s32 $0xB00  }
0x8a: {  	[tilespmem:s23], [sflag:$0x1] =	stream.indirect.gather [hbm4b:s13+s21], $0x1, s14, s21, $0xb8;
	[tilespmem:$0x3A00] =	vst v63  }
0x8b: {  	s24 =	simm.s32 $0xB80  }
0x8c: {  	[tilespmem:s24], [sflag:$0x1] =	stream.indirect.gather [hbm4b:s13+s21], $0x1, s15, s21, $0xb8;
	[tilespmem:$0x3A00] =	vst v63  }
0x8d: {  	s7 =	simm.s32 $0xC00  }
0x8e: {  	[tilespmem:s7], [sflag:$0x1] =	stream.indirect.gather [hbm4b:s11+s21], $0x1, s4, s21, $0xb8;
	[tilespmem:$0x3A00] =	vst v63  }
0x8f: {  	s8 =	simm.s32 $0xC80  }
0x90: {  	[tilespmem:s8], [sflag:$0x1] =	stream.indirect.gather [hbm4b:s11+s21], $0x1, s28, s21, $0xb8;
	[tilespmem:$0x3A00] =	vst v63  }
0x91: {  	s9 =	simm.s32 $0xD00  }
0x92: {  	[tilespmem:s9], [sflag:$0x1] =	stream.indirect.gather [hbm4b:s12+s21], $0x1, s4, s21, $0xb8;
	[tilespmem:$0x3A00] =	vst v63  }
0x93: {  	s14 =	simm.s32 $0xD80  }
0x94: {  	[tilespmem:s14], [sflag:$0x1] =	stream.indirect.gather [hbm4b:s12+s21], $0x1, s28, s21, $0xb8;
	[tilespmem:$0x3A00] =	vst v63  }
0x95: {  	s15 =	simm.s32 $0xE00  }
0x96: {  	[tilespmem:s15], [sflag:$0x1] =	stream.indirect.gather [hbm4b:s13+s21], $0x1, s4, s21, $0xb8;
	[tilespmem:$0x3A00] =	vst v63  }
0x97: {  	s23 =	simm.s32 $0xE80  }
0x98: {  	[tilespmem:s23], [sflag:$0x1] =	stream.indirect.gather [hbm4b:s13+s21], $0x1, s28, s21, $0xb8;
	[tilespmem:$0x3A00] =	vst v63  }
0x99: {  	s24 =	simm.s32 $0xF00  }
0x9a: {  	[tilespmem:s24], [sflag:$0x1] =	stream.indirect.gather [hbm4b:s11+s21], $0x1, s30, s21, $0xb8;
	[tilespmem:$0x3A00] =	vst v63  }
0x9b: {  	s28 =	simm.s32 $0xF80  }
0x9c: {  	[tilespmem:s28], [sflag:$0x1] =	stream.indirect.gather [hbm4b:s11+s21], $0x1, s22, s21, $0xb8;
	[tilespmem:$0x3A00] =	vst v63  }
0x9d: {  	s7 =	simm.s32 $0x1000  }
0x9e: {  	[tilespmem:s7], [sflag:$0x1] =	stream.indirect.gather [hbm4b:s12+s21], $0x1, s30, s21, $0xb8;
	[tilespmem:$0x3A00] =	vst v63  }
0x9f: {  	s8 =	simm.s32 $0x1080  }
0xa0: {  	[tilespmem:s8], [sflag:$0x1] =	stream.indirect.gather [hbm4b:s12+s21], $0x1, s22, s21, $0xb8;
	[tilespmem:$0x3A00] =	vst v63  }
0xa1: {  	s9 =	simm.s32 $0x1100  }
0xa2: {  	[tilespmem:s9], [sflag:$0x1] =	stream.indirect.gather [hbm4b:s13+s21], $0x1, s30, s21, $0xb8;
	[tilespmem:$0x3A00] =	vst v63  }
0xa3: {  	s14 =	simm.s32 $0x1180  }
0xa4: {  	[tilespmem:s14], [sflag:$0x1] =	stream.indirect.gather [hbm4b:s13+s21], $0x1, s22, s21, $0xb8;
	[tilespmem:$0x3A00] =	vst v63  }
0xa5: {  	s15 =	simm.s32 $0x1200  }
0xa6: {  	[tilespmem:s15], [sflag:$0x1] =	stream.indirect.gather [hbm4b:s11+s21], $0x1, s31, s21, $0xb8;
	[tilespmem:$0x3A00] =	vst v63  }
0xa7: {  	s22 =	simm.s32 $0x1280  }
0xa8: {  	[tilespmem:s22], [sflag:$0x1] =	stream.indirect.gather [hbm4b:s11+s21], $0x1, s0, s21, $0xb8;
	[tilespmem:$0x3A00] =	vst v63  }
0xa9: {  	s23 =	simm.s32 $0x1300  }
0xaa: {  	[tilespmem:s23], [sflag:$0x1] =	stream.indirect.gather [hbm4b:s12+s21], $0x1, s31, s21, $0xb8;
	[tilespmem:$0x3A00] =	vst v63  }
0xab: {  	s24 =	simm.s32 $0x1380  }
0xac: {  	[tilespmem:s24], [sflag:$0x1] =	stream.indirect.gather [hbm4b:s12+s21], $0x1, s0, s21, $0xb8;
	[tilespmem:$0x3A00] =	vst v63  }
0xad: {  	s28 =	simm.s32 $0x1400  }
0xae: {  	[tilespmem:s28], [sflag:$0x1] =	stream.indirect.gather [hbm4b:s13+s21], $0x1, s31, s21, $0xb8;
	[tilespmem:$0x3A00] =	vst v63  }
0xaf: {  	s30 =	simm.s32 $0x1480  }
0xb0: {  	[tilespmem:s30], [sflag:$0x1] =	stream.indirect.gather [hbm4b:s13+s21], $0x1, s0, s21, $0xb8;
	[tilespmem:$0x3A00] =	vst v63  }
0xb1: {  	_ =	swait.ge [sflag:s20], $0x80  }
0xb2: {  	[sflag:s20] =	ssyncset.done $0x0  }
0xb3: {  	[sflag:s20] =	ssyncadd.s32 $0xFFFFFF80  }
0xb4: {  	_ =	swait.ge [sflag:s20], $0x80  }
0xb5: {  	[sflag:s20] =	ssyncset.done $0x0  }
0xb6: {  	[sflag:s20] =	ssyncadd.s32 $0xFFFFFF80  }
0xb7: {  	_ =	swait.ge [sflag:s20], $0x80  }
0xb8: {  	[sflag:s20] =	ssyncset.done $0x0  }
0xb9: {  	[sflag:s20] =	ssyncadd.s32 $0xFFFFFF80  }
0xba: {  	_ =	swait.ge [sflag:s20], $0x80  }
0xbb: {  	[sflag:s20] =	ssyncset.done $0x0  }
0xbc: {  	[sflag:s20] =	ssyncadd.s32 $0xFFFFFF80  }
0xbd: {  	_ =	swait.ge [sflag:s20], $0x80  }
0xbe: {  	[sflag:s20] =	ssyncset.done $0x0  }
0xbf: {  	[sflag:s20] =	ssyncadd.s32 $0xFFFFFF80  }
0xc0: {  	_ =	swait.ge [sflag:s20], $0x80  }
0xc1: {  	[sflag:s20] =	ssyncset.done $0x0  }
0xc2: {  	[sflag:s20] =	ssyncadd.s32 $0xFFFFFF80  }
0xc3: {  	_ =	swait.ge [sflag:s20], $0x80  }
0xc4: {  	[sflag:s20] =	ssyncset.done $0x0  }
0xc5: {  	[sflag:s20] =	ssyncadd.s32 $0xFFFFFF80  }
0xc6: {  	_ =	swait.ge [sflag:s20], $0x80  }
0xc7: {  	[sflag:s20] =	ssyncset.done $0x0  }
0xc8: {  	[sflag:s20] =	ssyncadd.s32 $0xFFFFFF80  }
0xc9: {  	_ =	swait.ge [sflag:s20], $0x80  }
0xca: {  	[sflag:s20] =	ssyncset.done $0x0  }
0xcb: {  	[sflag:s20] =	ssyncadd.s32 $0xFFFFFF80  }
0xcc: {  	_ =	swait.ge [sflag:s20], $0x80  }
0xcd: {  	[sflag:s20] =	ssyncset.done $0x0  }
0xce: {  	[sflag:s20] =	ssyncadd.s32 $0xFFFFFF80  }
0xcf: {  	_ =	swait.ge [sflag:s20], $0x80  }
0xd0: {  	[sflag:s20] =	ssyncset.done $0x0  }
0xd1: {  	[sflag:s20] =	ssyncadd.s32 $0xFFFFFF80  }
0xd2: {  	_ =	swait.ge [sflag:s20], $0x80  }
0xd3: {  	[sflag:s20] =	ssyncset.done $0x0  }
0xd4: {  	[sflag:s20] =	ssyncadd.s32 $0xFFFFFF80  }
0xd5: {  	_ =	swait.ge [sflag:s20], $0x80  }
0xd6: {  	[sflag:s20] =	ssyncset.done $0x0  }
0xd7: {  	[sflag:s20] =	ssyncadd.s32 $0xFFFFFF80  }
0xd8: {  	_ =	swait.ge [sflag:s20], $0x80  }
0xd9: {  	[sflag:s20] =	ssyncset.done $0x0  }
0xda: {  	[sflag:s20] =	ssyncadd.s32 $0xFFFFFF80  }
0xdb: {  	_ =	swait.ge [sflag:s20], $0x80  }
0xdc: {  	[sflag:s20] =	ssyncset.done $0x0  }
0xdd: {  	[sflag:s20] =	ssyncadd.s32 $0xFFFFFF80  }
0xde: {  	_ =	swait.ge [sflag:s20], $0x80  }
0xdf: {  	[sflag:s20] =	ssyncset.done $0x0  }
0xe0: {  	[sflag:s20] =	ssyncadd.s32 $0xFFFFFF80  }
0xe1: {  	_ =	swait.ge [sflag:s20], $0x80  }
0xe2: {  	[sflag:s20] =	ssyncset.done $0x0  }
0xe3: {  	[sflag:s20] =	ssyncadd.s32 $0xFFFFFF80  }
0xe4: {  	_ =	swait.ge [sflag:s20], $0x80  }
0xe5: {  	[sflag:s20] =	ssyncset.done $0x0  }
0xe6: {  	[sflag:s20] =	ssyncadd.s32 $0xFFFFFF80  }
0xe7: {  	_ =	swait.ge [sflag:s20], $0x80  }
0xe8: {  	[sflag:s20] =	ssyncset.done $0x0  }
0xe9: {  	[sflag:s20] =	ssyncadd.s32 $0xFFFFFF80  }
0xea: {  	_ =	swait.ge [sflag:s20], $0x80  }
0xeb: {  	[sflag:s20] =	ssyncset.done $0x0  }
0xec: {  	[sflag:s20] =	ssyncadd.s32 $0xFFFFFF80  }
0xed: {  	_ =	swait.ge [sflag:s20], $0x80  }
0xee: {  	[sflag:s20] =	ssyncset.done $0x0  }
0xef: {  	[sflag:s20] =	ssyncadd.s32 $0xFFFFFF80  }
0xf0: {  	_ =	swait.ge [sflag:s20], $0x80  }
0xf1: {  	[sflag:s20] =	ssyncset.done $0x0  }
0xf2: {  	[sflag:s20] =	ssyncadd.s32 $0xFFFFFF80  }
0xf3: {  	_ =	swait.ge [sflag:s20], $0x80  }
0xf4: {  	[sflag:s20] =	ssyncset.done $0x0  }
0xf5: {  	[sflag:s20] =	ssyncadd.s32 $0xFFFFFF80  }
0xf6: {  	_ =	swait.ge [sflag:s20], $0x80  }
0xf7: {  	[sflag:s20] =	ssyncset.done $0x0  }
0xf8: {  	[sflag:s20] =	ssyncadd.s32 $0xFFFFFF80  }
0xf9: {  	_ =	swait.ge [sflag:s20], $0x80  }
0xfa: {  	[sflag:s20] =	ssyncset.done $0x0  }
0xfb: {  	[sflag:s20] =	ssyncadd.s32 $0xFFFFFF80  }
0xfc: {  	_ =	swait.ge [sflag:s20], $0x80  }
0xfd: {  	[sflag:s20] =	ssyncset.done $0x0  }
0xfe: {  	[sflag:s20] =	ssyncadd.s32 $0xFFFFFF80  }
0xff: {  	_ =	swait.ge [sflag:s20], $0x80  }
0x100: {  	[sflag:s20] =	ssyncset.done $0x0  }
0x101: {  	[sflag:s20] =	ssyncadd.s32 $0xFFFFFF80  }
0x102: {  	_ =	swait.ge [sflag:s20], $0x80  }
0x103: {  	[sflag:s20] =	ssyncset.done $0x0  }
0x104: {  	[sflag:s20] =	ssyncadd.s32 $0xFFFFFF80  }
0x105: {  	_ =	swait.ge [sflag:s20], $0x80  }
0x106: {  	[sflag:s20] =	ssyncset.done $0x0  }
0x107: {  	[sflag:s20] =	ssyncadd.s32 $0xFFFFFF80  }
0x108: {  	_ =	swait.ge [sflag:s20], $0x80  }
0x109: {  	[sflag:s20] =	ssyncset.done $0x0  }
0x10a: {  	[sflag:s20] =	ssyncadd.s32 $0xFFFFFF80  }
0x10b: {  	_ =	swait.ge [sflag:s20], $0x80  }
0x10c: {  	[sflag:s20] =	ssyncset.done $0x0  }
0x10d: {  	[sflag:s20] =	ssyncadd.s32 $0xFFFFFF80  }
0x10e: {  	_ =	swait.ge [sflag:s20], $0x80  }
0x10f: {  	[sflag:s20] =	ssyncset.done $0x0  }
0x110: {  	[sflag:s20] =	ssyncadd.s32 $0xFFFFFF80  }
0x111: {  	_ =	swait.ge [sflag:s20], $0x80  }
0x112: {  	[sflag:s20] =	ssyncset.done $0x0  }
0x113: {  	[sflag:s20] =	ssyncadd.s32 $0xFFFFFF80  }
0x114: {  	_ =	swait.ge [sflag:s20], $0x80  }
0x115: {  	[sflag:s20] =	ssyncset.done $0x0  }
0x116: {  	[sflag:s20] =	ssyncadd.s32 $0xFFFFFF80  }
0x117: {  	_ =	swait.ge [sflag:s20], $0x80  }
0x118: {  	[sflag:s20] =	ssyncset.done $0x0  }
0x119: {  	[sflag:s20] =	ssyncadd.s32 $0xFFFFFF80  }
0x11a: {  	_ =	swait.ge [sflag:s20], $0x80  }
0x11b: {  	[sflag:s20] =	ssyncset.done $0x0  }
0x11c: {  	[sflag:s20] =	ssyncadd.s32 $0xFFFFFF80  }
0x11d: {  	v3 =	vld [tilespmem:s5+$0x0]  }
0x11e: {  	v4 =	vld [tilespmem:s5+$0x100]  }
0x11f: {  	v5 =	vld [tilespmem:s5+$0xFFFFFE00]  }
0x120: {  	s31 =	sand.u32 $0xF0, s3;
	v6 =	vld [tilespmem:s5+$0xFFFFFF00]  }
0x121: {  	v7 =	vld [tilespmem:s31+$0x1200]  }
0x122: {  	v8 =	vld [tilespmem:s5+$0xFFFFFC00]  }
0x123: {  	v9 =	vld [tilespmem:s5+$0x200]  }
0x124: {  	v10 =	vld [tilespmem:s5+$0xFFFFFD00]  }
0x125: {  	v11 =	vld [tilespmem:s31+$0xA00]  }
0x126: {  	v12 =	vld [tilespmem:s5+$0x300]  }
0x127: {  	v13 =	vld [tilespmem:s31+$0xC00]  }
0x128: {  	v14 =	vld [tilespmem:s31+$0x1000]  }
0x129: {  	v15 =	vld [tilespmem:s31+$0xD00]  }
0x12a: {  	v16 =	vld [tilespmem:s31+$0x900]  }
0x12b: {  	v17 =	vld [tilespmem:s31+$0x800];
	v4 =	vsub.f32 v5, v4  }
0x12c: {  	v18 =	vld [tilespmem:s31+$0xB00];
	v6 =	vsub.f32 v8, v6;
	v7 =	vsub.f32 v8, v7  }
0x12d: {  	v19 =	vld [tilespmem:s31+$0xF00];
	v9 =	vsub.f32 v8, v9;
	v11 =	vsub.f32 v10, v11  }
0x12e: {  	v20 =	vld [tilespmem:s31+$0xE00];
	v12 =	vsub.f32 v10, v12;
	v13 =	vsub.f32 v8, v13  }
0x12f: {  	v21 =	vld [tilespmem:s31+$0x1300];
	v14 =	vsub.f32 v10, v14;
	v3 =	vsub.f32 v10, v3  }
0x130: {  	v16 =	vsub.f32 v8, v16;
	v15 =	vsub.f32 v10, v15  }
0x131: {  	v17 =	vsub.f32 v5, v17;
	v59 =	vsub.f32 v5, v18;
	v4 =	vmul.f32 v4, v4  }
0x132: {  	v8 =	vsub.f32 v8, v19;
	v9 =	vmul.f32 v9, v9;
	v6 =	vmul.f32 v6, v6  }
0x133: {  	v60 =	vld [tilespmem:s31+$0x1100];
	v62 =	vsub.f32 v5, v20;
	v12 =	vmul.f32 v12, v12;
	v3 =	vmul.f32 v3, v3  }
0x134: {  	v10 =	vsub.f32 v10, v21;
	v11 =	vmul.f32 v11, v11;
	v58 =	vmul.f32 v16, v16  }
0x135: {  	v9 =	vadd.f32 v12, v9;
	v3 =	vadd.f32 v3, v6;
	v6 =	vmul.f32 v17, v17  }
0x136: {  	v7 =	vmul.f32 v7, v7;
	v13 =	vmul.f32 v13, v13;
	v11 =	vadd.f32 v11, v58  }
0x137: {  	v3 =	vadd.f32 v4, v3;
	v4 =	vadd.f32 v6, v9;
	v6 =	vmul.f32 v59, v59;
	v9 =	vld [tilespmem:s31+$0x1400]  }
0x138: {  	v63 =	vsub.f32 v5, v60;
	v15 =	vmul.f32 v15, v15;
	v61 =	vmul.f32 v14, v14  }
0x139: {  	v8 =	vmul.f32 v8, v8;
	vm0 =	vlt.f32 v4, v3;
	v6 =	vadd.f32 v6, v11  }
0x13a: {  	v11 =	vadd.f32 v15, v13;
	v3 =	vsel vm0, v4, v3;
	v4 =	vmul.f32 v62, v62  }
0x13b: {  	v10 =	vmul.f32 v10, v10;
	v8 =	vadd.f32 v61, v8;
	vm1 =	vlt.f32 v6, v3  }
0x13c: {  	v4 =	vadd.f32 v4, v11;
	v11 =	vmul.f32 v63, v63;
	v5 =	vsub.f32 v5, v9  }
0x13d: {  	v7 =	vadd.f32 v10, v7;
	v6 =	vsel vm1, v6, v3  }
0x13e: {  	vm2 =	vlt.f32 v4, v6;
	v8 =	vadd.f32 v11, v8;
	v5 =	vmul.f32 v5, v5  }
0x13f: {  	v3 =	vld [tilespmem:s4+$0x100];
	v6 =	vsel vm2, v4, v6  }
0x140: {  	v9 =	vsel vm0, $0x1, v0;
	v4 =	vld [tilespmem:s4+$0xFFFFFE00];
	vm0 =	vlt.f32 v8, v6;
	v7 =	vadd.f32 v5, v7  }
0x141: {  	v9 =	vsel vm1, $0x2, v9;
	v5 =	vld [tilespmem:s4+$0xFFFFFD00];
	v6 =	vsel vm0, v8, v6  }
0x142: {  	v8 =	vsel vm2, $0x3, v9;
	vm1 =	vlt.f32 v7, v6;
	v6 =	vld [tilespmem:s4+$0xFFFFFF00]  }
0x143: {  	s6 =	simm.s32 $0x10;
	s7 =	simm.s32 $0x2F10;
	v8 =	vsel vm0, $0x4, v8;
	v7 =	vld [tilespmem:s4+$0x0];
	vm1 =	vmneg vm1  }
.LBB2_2:
0x144: {  	p0 =	sne.s32 s6, $0xF0  }
0x145: {  	v9 =	vld [tilespmem:s7+$0x100];
	v8 =	vnsel vm1, $0x5, v8;
	s5 =	sadd.s32 $0x10, s5;
	s8 =	smov.u32 s6;
	s6 =	sadd.s32 $0x10, s6  }
0x146: {  	vm2 =	veq.s32 v8, $0x1;
	v10 =	vld [tilespmem:s4+$0x200]  }
0x147: {  	v4 =	vsel vm2, v4, v5;
	vm2 =	veq.s32 v8, $0x2  }
0x148: {  	v4 =	vsel vm2, v6, v4;
	vm2 =	veq.s32 v8, $0x3  }
0x149: {  	v4 =	vsel vm2, v7, v4  }
0x14a: {  	v4 =	vsel vm0, v3, v4;
	v3 =	vmov v9  }
0x14b: {  	v4 =	vsel vm1, v4, v10  }
0x14c: {  	[tilespmem:s4+$0x300] =	vst v4;
	s4 =	smov.u32 s7  }
0x14d: {  	v4 =	vld [tilespmem:s5+$0x0]  }
0x14e: {  	s8 =	sand.u32 $0xF0, s8;
	v5 =	vld [tilespmem:s5+$0x100]  }
0x14f: {  	v6 =	vld [tilespmem:s5+$0xFFFFFE00]  }
0x150: {  	v7 =	vld [tilespmem:s5+$0xFFFFFF00]  }
0x151: {  	v8 =	vld [tilespmem:s8+$0x1200]  }
0x152: {  	v9 =	vld [tilespmem:s5+$0xFFFFFC00]  }
0x153: {  	v10 =	vld [tilespmem:s5+$0x200]  }
0x154: {  	v11 =	vld [tilespmem:s5+$0xFFFFFD00];
	v5 =	vsub.f32 v6, v5  }
0x155: {  	v12 =	vld [tilespmem:s8+$0xA00]  }
0x156: {  	v13 =	vld [tilespmem:s5+$0x300]  }
0x157: {  	v7 =	vsub.f32 v9, v7;
	v14 =	vld [tilespmem:s8+$0xC00];
	v8 =	vsub.f32 v9, v8  }
0x158: {  	v10 =	vsub.f32 v9, v10;
	v15 =	vld [tilespmem:s8+$0x1000]  }
0x159: {  	v16 =	vld [tilespmem:s8+$0xD00]  }
0x15a: {  	v17 =	vld [tilespmem:s8+$0x900]  }
0x15b: {  	v12 =	vsub.f32 v11, v12;
	v18 =	vld [tilespmem:s8+$0x800]  }
0x15c: {  	v5 =	vmul.f32 v5, v5;
	v8 =	vmul.f32 v8, v8;
	v13 =	vsub.f32 v11, v13;
	v19 =	vld [tilespmem:s8+$0xF00]  }
0x15d: {  	v10 =	vmul.f32 v10, v10;
	v14 =	vsub.f32 v9, v14;
	v20 =	vld [tilespmem:s8+$0xB00];
	v15 =	vsub.f32 v11, v15  }
0x15e: {  	v4 =	vsub.f32 v11, v4;
	v7 =	vmul.f32 v7, v7;
	v13 =	vmul.f32 v13, v13  }
0x15f: {  	v16 =	vsub.f32 v11, v16;
	v14 =	vmul.f32 v14, v14;
	v17 =	vsub.f32 v9, v17;
	v21 =	vld [tilespmem:s8+$0xE00]  }
0x160: {  	v4 =	vmul.f32 v4, v4;
	v12 =	vmul.f32 v12, v12;
	v18 =	vsub.f32 v6, v18;
	v22 =	vld [tilespmem:s8+$0x1300]  }
0x161: {  	v10 =	vadd.f32 v13, v10;
	v16 =	vmul.f32 v16, v16;
	v13 =	vmul.f32 v17, v17  }
0x162: {  	v4 =	vadd.f32 v4, v7;
	v7 =	vmul.f32 v18, v18;
	v17 =	vsub.f32 v6, v20;
	v18 =	vld [tilespmem:s8+$0x1100]  }
0x163: {  	v9 =	vsub.f32 v9, v19;
	v12 =	vadd.f32 v12, v13;
	v13 =	vmul.f32 v15, v15  }
0x164: {  	v4 =	vadd.f32 v5, v4;
	v5 =	vadd.f32 v7, v10;
	v7 =	vmul.f32 v17, v17;
	v10 =	vld [tilespmem:s8+$0x1400]  }
0x165: {  	v9 =	vmul.f32 v9, v9;
	v15 =	vsub.f32 v6, v21;
	v11 =	vsub.f32 v11, v22  }
0x166: {  	vm0 =	vlt.f32 v5, v4;
	v7 =	vadd.f32 v7, v12;
	v12 =	vadd.f32 v16, v14  }
0x167: {  	v4 =	vsel vm0, v5, v4;
	v5 =	vmul.f32 v15, v15;
	v14 =	vsub.f32 v6, v18  }
0x168: {  	v9 =	vadd.f32 v13, v9;
	v11 =	vmul.f32 v11, v11;
	vm1 =	vlt.f32 v7, v4  }
0x169: {  	v4 =	vsel vm1, v7, v4;
	v5 =	vadd.f32 v5, v12;
	v7 =	vmul.f32 v14, v14  }
0x16a: {  	v6 =	vsub.f32 v6, v10;
	v8 =	vadd.f32 v11, v8  }
0x16b: {  	vm2 =	vlt.f32 v5, v4;
	v7 =	vadd.f32 v7, v9  }
0x16c: {  	v4 =	vsel vm2, v5, v4;
	v5 =	vmul.f32 v6, v6  }
.Ltmp0:
0x16d: {  	v6 =	vsel vm0, $0x1, v0;
	vm0 =	vlt.f32 v7, v4;
	(pc) =	sbr.rel @p0 .LBB2_2-.Ltmp0, $4  }
0x16e: {  	v6 =	vsel vm1, $0x2, v6;
	v7 =	vsel vm0, v7, v4;
	v9 =	vadd.f32 v5, v8;
	v4 =	vld [tilespmem:s7+$0xFFFFFE00]  }
0x16f: {  	v6 =	vsel vm2, $0x3, v6;
	v5 =	vld [tilespmem:s7+$0xFFFFFD00]  }
0x170: {  	v8 =	vsel vm0, $0x4, v6;
	vm1 =	vlt.f32 v9, v7;
	v6 =	vld [tilespmem:s7+$0xFFFFFF00]  }
0x171: {  	s7 =	sadd.s32 $0x10, s7;
	vm1 =	vmneg vm1;
	v7 =	vld [tilespmem:s4+$0x0]  }
0x172: {  	v8 =	vnsel vm1, $0x5, v8  }
0x173: {  	v9 =	vld [tilespmem:s4+$0x200];
	vm2 =	veq.s32 v8, $0x1  }
0x174: {  	vm7 =	veq.s32 v8, $0x2;
	v4 =	vsel vm2, v4, v5  }
0x175: {  	vm8 =	veq.s32 v8, $0x3;
	v4 =	vsel vm7, v6, v4  }
0x176: {  	v4 =	vsel vm8, v7, v4  }
0x177: {  	v3 =	vsel vm0, v3, v4  }
0x178: {  	v3 =	vsel vm1, v3, v9  }
0x179: {  	s5 =	rddreg [dreg:$0x10];
	s0 =	simm.s32 $0x3200;
	[tilespmem:s4+$0x300] =	vst v3;
	s4 =	simm.s32 $0x0  }
0x17a: {  	[hbm4b:s5+s4] =	stream.linear.scatter [tilespmem:s0], [sflag:$0x2], $0x100, $0x38;
	[tilespmem:$0x3A00] =	vst v63  }
0x17b: {  	_ =	swait.ge [sflag:s19], $0x100  }
0x17c: {  	[sflag:s19] =	ssyncset.done $0x0  }
0x17d: {  	[sflag:s19] =	ssyncadd.s32 $0xFFFFFF00  }
0x17e: {  	[tilespmem:s26], [sflag:$0x2] =	stream.linear.gather [hbm4b:s5+s4], $0x100, $0x38;
	[tilespmem:$0x3A00] =	vst v63  }
0x17f: {  	_ =	swait.ge [sflag:s19], $0x100  }
0x180: {  	[sflag:s19] =	ssyncset.done $0x0  }
0x181: {  	s0 =	simm.s32 $0x3300;
	s23 =	rddreg [dreg:$0x16];
	[sflag:s19] =	ssyncadd.s32 $0xFFFFFF00  }
0x182: {  	[tilespmem:s0], [sflag:$0x1] =	stream.indirect.gather [hbm4b:s23+s21], $0x1, s26, s21, $0xb8;
	[tilespmem:$0x3A00] =	vst v63  }
0x183: {  	s6 =	simm.s32 $0x3380  }
0x184: {  	[tilespmem:s6], [sflag:$0x1] =	stream.indirect.gather [hbm4b:s23+s21], $0x1, s29, s21, $0xb8;
	[tilespmem:$0x3A00] =	vst v63  }
0x185: {  	s7 =	simm.s32 $0x3400;
	s24 =	rddreg [dreg:$0x17]  }
0x186: {  	[tilespmem:s7], [sflag:$0x1] =	stream.indirect.gather [hbm4b:s24+s21], $0x1, s26, s21, $0xb8;
	[tilespmem:$0x3A00] =	vst v63  }
0x187: {  	s8 =	simm.s32 $0x3480  }
0x188: {  	[tilespmem:s8], [sflag:$0x1] =	stream.indirect.gather [hbm4b:s24+s21], $0x1, s29, s21, $0xb8;
	[tilespmem:$0x3A00] =	vst v63  }
0x189: {  	s9 =	simm.s32 $0x3500;
	s28 =	rddreg [dreg:$0x18]  }
0x18a: {  	[tilespmem:s9], [sflag:$0x1] =	stream.indirect.gather [hbm4b:s28+s21], $0x1, s26, s21, $0xb8;
	[tilespmem:$0x3A00] =	vst v63  }
0x18b: {  	s14 =	simm.s32 $0x3580  }
0x18c: {  	[tilespmem:s14], [sflag:$0x1] =	stream.indirect.gather [hbm4b:s28+s21], $0x1, s29, s21, $0xb8;
	[tilespmem:$0x3A00] =	vst v63  }
0x18d: {  	s15 =	simm.s32 $0x3600;
	s30 =	rddreg [dreg:$0x19]  }
0x18e: {  	[tilespmem:s15], [sflag:$0x1] =	stream.indirect.gather [hbm4b:s30+s21], $0x1, s26, s21, $0xb8;
	[tilespmem:$0x3A00] =	vst v63  }
0x18f: {  	s22 =	simm.s32 $0x3680  }
0x190: {  	[tilespmem:s22], [sflag:$0x1] =	stream.indirect.gather [hbm4b:s30+s21], $0x1, s29, s21, $0xb8;
	[tilespmem:$0x3A00] =	vst v63  }
0x191: {  	s31 =	rddreg [dreg:$0x1a];
	s24 =	simm.s32 $0x3700  }
0x192: {  	[tilespmem:s24], [sflag:$0x1] =	stream.indirect.gather [hbm4b:s31+s21], $0x1, s26, s21, $0xb8;
	[tilespmem:$0x3A00] =	vst v63  }
0x193: {  	s28 =	simm.s32 $0x3780  }
0x194: {  	[tilespmem:s28], [sflag:$0x1] =	stream.indirect.gather [hbm4b:s31+s21], $0x1, s29, s21, $0xb8;
	[tilespmem:$0x3A00] =	vst v63  }
0x195: {  	s23 =	rddreg [dreg:$0x1b];
	s30 =	simm.s32 $0x3800  }
0x196: {  	[tilespmem:s30], [sflag:$0x1] =	stream.indirect.gather [hbm4b:s23+s21], $0x1, s26, s21, $0xb8;
	[tilespmem:$0x3A00] =	vst v63  }
0x197: {  	s31 =	simm.s32 $0x3880  }
0x198: {  	[tilespmem:s31], [sflag:$0x1] =	stream.indirect.gather [hbm4b:s23+s21], $0x1, s29, s21, $0xb8;
	[tilespmem:$0x3A00] =	vst v63  }
0x199: {  	s5 =	rddreg [dreg:$0xa];
	s23 =	simm.s32 $0x1500  }
0x19a: {  	[tilespmem:s23], [sflag:$0x1] =	stream.indirect.gather [hbm4b:s5+s21], $0x1, s26, s21, $0xb8;
	[tilespmem:$0x3A00] =	vst v63  }
0x19b: {  	s23 =	simm.s32 $0x1580  }
0x19c: {  	[tilespmem:s23], [sflag:$0x1] =	stream.indirect.gather [hbm4b:s5+s21], $0x1, s29, s21, $0xb8;
	[tilespmem:$0x3A00] =	vst v63  }
0x19d: {  	s5 =	rddreg [dreg:$0xb];
	s23 =	simm.s32 $0x1600  }
0x19e: {  	[tilespmem:s23], [sflag:$0x1] =	stream.indirect.gather [hbm4b:s5+s21], $0x1, s26, s21, $0xb8;
	[tilespmem:$0x3A00] =	vst v63  }
0x19f: {  	s23 =	simm.s32 $0x1680  }
0x1a0: {  	[tilespmem:s23], [sflag:$0x1] =	stream.indirect.gather [hbm4b:s5+s21], $0x1, s29, s21, $0xb8;
	[tilespmem:$0x3A00] =	vst v63  }
0x1a1: {  	s5 =	rddreg [dreg:$0x1];
	s23 =	simm.s32 $0x1700  }
0x1a2: {  	[tilespmem:s23], [sflag:$0x1] =	stream.indirect.gather [hbm4b:s5+s21], $0x1, s26, s21, $0xb8;
	[tilespmem:$0x3A00] =	vst v63  }
0x1a3: {  	s23 =	simm.s32 $0x1780  }
0x1a4: {  	[tilespmem:s23], [sflag:$0x1] =	stream.indirect.gather [hbm4b:s5+s21], $0x1, s29, s21, $0xb8;
	[tilespmem:$0x3A00] =	vst v63  }
0x1a5: {  	_ =	swait.ge [sflag:s20], $0x80  }
0x1a6: {  	[sflag:s20] =	ssyncset.done $0x0  }
0x1a7: {  	[sflag:s20] =	ssyncadd.s32 $0xFFFFFF80  }
0x1a8: {  	_ =	swait.ge [sflag:s20], $0x80  }
0x1a9: {  	[sflag:s20] =	ssyncset.done $0x0  }
0x1aa: {  	[sflag:s20] =	ssyncadd.s32 $0xFFFFFF80  }
0x1ab: {  	_ =	swait.ge [sflag:s20], $0x80  }
0x1ac: {  	[sflag:s20] =	ssyncset.done $0x0  }
0x1ad: {  	[sflag:s20] =	ssyncadd.s32 $0xFFFFFF80  }
0x1ae: {  	_ =	swait.ge [sflag:s20], $0x80  }
0x1af: {  	[sflag:s20] =	ssyncset.done $0x0  }
0x1b0: {  	[sflag:s20] =	ssyncadd.s32 $0xFFFFFF80  }
0x1b1: {  	_ =	swait.ge [sflag:s20], $0x80  }
0x1b2: {  	[sflag:s20] =	ssyncset.done $0x0  }
0x1b3: {  	[sflag:s20] =	ssyncadd.s32 $0xFFFFFF80  }
0x1b4: {  	_ =	swait.ge [sflag:s20], $0x80  }
0x1b5: {  	[sflag:s20] =	ssyncset.done $0x0  }
0x1b6: {  	[sflag:s20] =	ssyncadd.s32 $0xFFFFFF80  }
0x1b7: {  	_ =	swait.ge [sflag:s20], $0x80  }
0x1b8: {  	[sflag:s20] =	ssyncset.done $0x0  }
0x1b9: {  	[sflag:s20] =	ssyncadd.s32 $0xFFFFFF80  }
0x1ba: {  	_ =	swait.ge [sflag:s20], $0x80  }
0x1bb: {  	[sflag:s20] =	ssyncset.done $0x0  }
0x1bc: {  	[sflag:s20] =	ssyncadd.s32 $0xFFFFFF80  }
0x1bd: {  	_ =	swait.ge [sflag:s20], $0x80  }
0x1be: {  	[sflag:s20] =	ssyncset.done $0x0  }
0x1bf: {  	[sflag:s20] =	ssyncadd.s32 $0xFFFFFF80  }
0x1c0: {  	_ =	swait.ge [sflag:s20], $0x80  }
0x1c1: {  	[sflag:s20] =	ssyncset.done $0x0  }
0x1c2: {  	[sflag:s20] =	ssyncadd.s32 $0xFFFFFF80  }
0x1c3: {  	_ =	swait.ge [sflag:s20], $0x80  }
0x1c4: {  	[sflag:s20] =	ssyncset.done $0x0  }
0x1c5: {  	[sflag:s20] =	ssyncadd.s32 $0xFFFFFF80  }
0x1c6: {  	_ =	swait.ge [sflag:s20], $0x80  }
0x1c7: {  	[sflag:s20] =	ssyncset.done $0x0  }
0x1c8: {  	[sflag:s20] =	ssyncadd.s32 $0xFFFFFF80  }
0x1c9: {  	_ =	swait.ge [sflag:s20], $0x80  }
0x1ca: {  	[sflag:s20] =	ssyncset.done $0x0  }
0x1cb: {  	[sflag:s20] =	ssyncadd.s32 $0xFFFFFF80  }
0x1cc: {  	_ =	swait.ge [sflag:s20], $0x80  }
0x1cd: {  	[sflag:s20] =	ssyncset.done $0x0  }
0x1ce: {  	[sflag:s20] =	ssyncadd.s32 $0xFFFFFF80  }
0x1cf: {  	_ =	swait.ge [sflag:s20], $0x80  }
0x1d0: {  	[sflag:s20] =	ssyncset.done $0x0  }
0x1d1: {  	[sflag:s20] =	ssyncadd.s32 $0xFFFFFF80  }
0x1d2: {  	_ =	swait.ge [sflag:s20], $0x80  }
0x1d3: {  	[sflag:s20] =	ssyncset.done $0x0  }
0x1d4: {  	[sflag:s20] =	ssyncadd.s32 $0xFFFFFF80  }
0x1d5: {  	_ =	swait.ge [sflag:s20], $0x80  }
0x1d6: {  	[sflag:s20] =	ssyncset.done $0x0  }
0x1d7: {  	[sflag:s20] =	ssyncadd.s32 $0xFFFFFF80  }
0x1d8: {  	_ =	swait.ge [sflag:s20], $0x80  }
0x1d9: {  	[sflag:s20] =	ssyncset.done $0x0  }
0x1da: {  	s23 =	simm.s32 $0x1800;
	[sflag:s20] =	ssyncadd.s32 $0xFFFFFF80  }
0x1db: {  	[tilespmem:s23], [sflag:$0x1] =	stream.indirect.gather [hbm4b:s10+s21], $0x1, s0, s21, $0xb8;
	[tilespmem:$0x3A00] =	vst v63  }
0x1dc: {  	s23 =	simm.s32 $0x1880  }
0x1dd: {  	[tilespmem:s23], [sflag:$0x1] =	stream.indirect.gather [hbm4b:s10+s21], $0x1, s6, s21, $0xb8;
	[tilespmem:$0x3A00] =	vst v63  }
0x1de: {  	s23 =	simm.s32 $0x1900  }
0x1df: {  	[tilespmem:s23], [sflag:$0x1] =	stream.indirect.gather [hbm4b:s2+s21], $0x1, s0, s21, $0xb8;
	[tilespmem:$0x3A00] =	vst v63  }
0x1e0: {  	s23 =	simm.s32 $0x1980  }
0x1e1: {  	[tilespmem:s23], [sflag:$0x1] =	stream.indirect.gather [hbm4b:s2+s21], $0x1, s6, s21, $0xb8;
	[tilespmem:$0x3A00] =	vst v63  }
0x1e2: {  	s23 =	simm.s32 $0x1A00  }
0x1e3: {  	[tilespmem:s23], [sflag:$0x1] =	stream.indirect.gather [hbm4b:s1+s21], $0x1, s0, s21, $0xb8;
	[tilespmem:$0x3A00] =	vst v63  }
0x1e4: {  	s5 =	simm.s32 $0x1A80  }
0x1e5: {  	[tilespmem:s5], [sflag:$0x1] =	stream.indirect.gather [hbm4b:s1+s21], $0x1, s6, s21, $0xb8;
	[tilespmem:$0x3A00] =	vst v63  }
0x1e6: {  	s6 =	simm.s32 $0x2100  }
0x1e7: {  	[tilespmem:s6], [sflag:$0x1] =	stream.indirect.gather [hbm4b:s16+s21], $0x1, s15, s21, $0xb8;
	[tilespmem:$0x3A00] =	vst v63  }
0x1e8: {  	s23 =	simm.s32 $0x2180  }
0x1e9: {  	[tilespmem:s23], [sflag:$0x1] =	stream.indirect.gather [hbm4b:s16+s21], $0x1, s22, s21, $0xb8;
	[tilespmem:$0x3A00] =	vst v63  }
0x1ea: {  	s5 =	simm.s32 $0x2200  }
0x1eb: {  	[tilespmem:s5], [sflag:$0x1] =	stream.indirect.gather [hbm4b:s17+s21], $0x1, s15, s21, $0xb8;
	[tilespmem:$0x3A00] =	vst v63  }
0x1ec: {  	s6 =	simm.s32 $0x2280  }
0x1ed: {  	[tilespmem:s6], [sflag:$0x1] =	stream.indirect.gather [hbm4b:s17+s21], $0x1, s22, s21, $0xb8;
	[tilespmem:$0x3A00] =	vst v63  }
0x1ee: {  	s15 =	simm.s32 $0x1B00  }
0x1ef: {  	[tilespmem:s15], [sflag:$0x1] =	stream.indirect.gather [hbm4b:s10+s21], $0x1, s7, s21, $0xb8;
	[tilespmem:$0x3A00] =	vst v63  }
0x1f0: {  	s22 =	simm.s32 $0x1B80  }
0x1f1: {  	[tilespmem:s22], [sflag:$0x1] =	stream.indirect.gather [hbm4b:s10+s21], $0x1, s8, s21, $0xb8;
	[tilespmem:$0x3A00] =	vst v63  }
0x1f2: {  	s23 =	simm.s32 $0x1C00  }
0x1f3: {  	[tilespmem:s23], [sflag:$0x1] =	stream.indirect.gather [hbm4b:s2+s21], $0x1, s7, s21, $0xb8;
	[tilespmem:$0x3A00] =	vst v63  }
0x1f4: {  	s5 =	simm.s32 $0x1C80  }
0x1f5: {  	[tilespmem:s5], [sflag:$0x1] =	stream.indirect.gather [hbm4b:s2+s21], $0x1, s8, s21, $0xb8;
	[tilespmem:$0x3A00] =	vst v63  }
0x1f6: {  	s6 =	simm.s32 $0x1D00  }
0x1f7: {  	[tilespmem:s6], [sflag:$0x1] =	stream.indirect.gather [hbm4b:s1+s21], $0x1, s7, s21, $0xb8;
	[tilespmem:$0x3A00] =	vst v63  }
0x1f8: {  	s7 =	simm.s32 $0x1D80  }
0x1f9: {  	[tilespmem:s7], [sflag:$0x1] =	stream.indirect.gather [hbm4b:s1+s21], $0x1, s8, s21, $0xb8;
	[tilespmem:$0x3A00] =	vst v63  }
0x1fa: {  	s15 =	simm.s32 $0x2300  }
0x1fb: {  	[tilespmem:s15], [sflag:$0x1] =	stream.indirect.gather [hbm4b:s16+s21], $0x1, s24, s21, $0xb8;
	[tilespmem:$0x3A00] =	vst v63  }
0x1fc: {  	s22 =	simm.s32 $0x2380  }
0x1fd: {  	[tilespmem:s22], [sflag:$0x1] =	stream.indirect.gather [hbm4b:s16+s21], $0x1, s28, s21, $0xb8;
	[tilespmem:$0x3A00] =	vst v63  }
0x1fe: {  	s23 =	simm.s32 $0x2400  }
0x1ff: {  	[tilespmem:s23], [sflag:$0x1] =	stream.indirect.gather [hbm4b:s17+s21], $0x1, s24, s21, $0xb8;
	[tilespmem:$0x3A00] =	vst v63  }
0x200: {  	s24 =	simm.s32 $0x2480  }
0x201: {  	[tilespmem:s24], [sflag:$0x1] =	stream.indirect.gather [hbm4b:s17+s21], $0x1, s28, s21, $0xb8;
	[tilespmem:$0x3A00] =	vst v63  }
0x202: {  	s5 =	simm.s32 $0x1E00  }
0x203: {  	[tilespmem:s5], [sflag:$0x1] =	stream.indirect.gather [hbm4b:s10+s21], $0x1, s9, s21, $0xb8;
	[tilespmem:$0x3A00] =	vst v63  }
0x204: {  	s6 =	simm.s32 $0x1E80  }
0x205: {  	[tilespmem:s6], [sflag:$0x1] =	stream.indirect.gather [hbm4b:s10+s21], $0x1, s14, s21, $0xb8;
	[tilespmem:$0x3A00] =	vst v63  }
0x206: {  	s7 =	simm.s32 $0x1F00  }
0x207: {  	[tilespmem:s7], [sflag:$0x1] =	stream.indirect.gather [hbm4b:s2+s21], $0x1, s9, s21, $0xb8;
	[tilespmem:$0x3A00] =	vst v63  }
0x208: {  	s8 =	simm.s32 $0x1F80  }
0x209: {  	[tilespmem:s8], [sflag:$0x1] =	stream.indirect.gather [hbm4b:s2+s21], $0x1, s14, s21, $0xb8;
	[tilespmem:$0x3A00] =	vst v63  }
0x20a: {  	s15 =	simm.s32 $0x2000  }
0x20b: {  	[tilespmem:s15], [sflag:$0x1] =	stream.indirect.gather [hbm4b:s1+s21], $0x1, s9, s21, $0xb8;
	[tilespmem:$0x3A00] =	vst v63  }
0x20c: {  	s22 =	simm.s32 $0x2080  }
0x20d: {  	[tilespmem:s22], [sflag:$0x1] =	stream.indirect.gather [hbm4b:s1+s21], $0x1, s14, s21, $0xb8;
	[tilespmem:$0x3A00] =	vst v63  }
0x20e: {  	s23 =	simm.s32 $0x2500  }
0x20f: {  	[tilespmem:s23], [sflag:$0x1] =	stream.indirect.gather [hbm4b:s16+s21], $0x1, s30, s21, $0xb8;
	[tilespmem:$0x3A00] =	vst v63  }
0x210: {  	s24 =	simm.s32 $0x2580  }
0x211: {  	[tilespmem:s24], [sflag:$0x1] =	stream.indirect.gather [hbm4b:s16+s21], $0x1, s31, s21, $0xb8;
	[tilespmem:$0x3A00] =	vst v63  }
0x212: {  	s28 =	simm.s32 $0x2600  }
0x213: {  	[tilespmem:s28], [sflag:$0x1] =	stream.indirect.gather [hbm4b:s17+s21], $0x1, s30, s21, $0xb8;
	[tilespmem:$0x3A00] =	vst v63  }
0x214: {  	s30 =	simm.s32 $0x2680  }
0x215: {  	[tilespmem:s30], [sflag:$0x1] =	stream.indirect.gather [hbm4b:s17+s21], $0x1, s31, s21, $0xb8;
	[tilespmem:$0x3A00] =	vst v63  }
0x216: {  	_ =	swait.ge [sflag:s20], $0x80  }
0x217: {  	[sflag:s20] =	ssyncset.done $0x0  }
0x218: {  	[sflag:s20] =	ssyncadd.s32 $0xFFFFFF80  }
0x219: {  	_ =	swait.ge [sflag:s20], $0x80  }
0x21a: {  	[sflag:s20] =	ssyncset.done $0x0  }
0x21b: {  	[sflag:s20] =	ssyncadd.s32 $0xFFFFFF80  }
0x21c: {  	_ =	swait.ge [sflag:s20], $0x80  }
0x21d: {  	[sflag:s20] =	ssyncset.done $0x0  }
0x21e: {  	[sflag:s20] =	ssyncadd.s32 $0xFFFFFF80  }
0x21f: {  	_ =	swait.ge [sflag:s20], $0x80  }
0x220: {  	[sflag:s20] =	ssyncset.done $0x0  }
0x221: {  	[sflag:s20] =	ssyncadd.s32 $0xFFFFFF80  }
0x222: {  	_ =	swait.ge [sflag:s20], $0x80  }
0x223: {  	[sflag:s20] =	ssyncset.done $0x0  }
0x224: {  	[sflag:s20] =	ssyncadd.s32 $0xFFFFFF80  }
0x225: {  	_ =	swait.ge [sflag:s20], $0x80  }
0x226: {  	[sflag:s20] =	ssyncset.done $0x0  }
0x227: {  	[sflag:s20] =	ssyncadd.s32 $0xFFFFFF80  }
0x228: {  	_ =	swait.ge [sflag:s20], $0x80  }
0x229: {  	[sflag:s20] =	ssyncset.done $0x0  }
0x22a: {  	[sflag:s20] =	ssyncadd.s32 $0xFFFFFF80  }
0x22b: {  	_ =	swait.ge [sflag:s20], $0x80  }
0x22c: {  	[sflag:s20] =	ssyncset.done $0x0  }
0x22d: {  	[sflag:s20] =	ssyncadd.s32 $0xFFFFFF80  }
0x22e: {  	_ =	swait.ge [sflag:s20], $0x80  }
0x22f: {  	[sflag:s20] =	ssyncset.done $0x0  }
0x230: {  	[sflag:s20] =	ssyncadd.s32 $0xFFFFFF80  }
0x231: {  	_ =	swait.ge [sflag:s20], $0x80  }
0x232: {  	[sflag:s20] =	ssyncset.done $0x0  }
0x233: {  	[sflag:s20] =	ssyncadd.s32 $0xFFFFFF80  }
0x234: {  	_ =	swait.ge [sflag:s20], $0x80  }
0x235: {  	[sflag:s20] =	ssyncset.done $0x0  }
0x236: {  	[sflag:s20] =	ssyncadd.s32 $0xFFFFFF80  }
0x237: {  	_ =	swait.ge [sflag:s20], $0x80  }
0x238: {  	[sflag:s20] =	ssyncset.done $0x0  }
0x239: {  	[sflag:s20] =	ssyncadd.s32 $0xFFFFFF80  }
0x23a: {  	_ =	swait.ge [sflag:s20], $0x80  }
0x23b: {  	[sflag:s20] =	ssyncset.done $0x0  }
0x23c: {  	[sflag:s20] =	ssyncadd.s32 $0xFFFFFF80  }
0x23d: {  	_ =	swait.ge [sflag:s20], $0x80  }
0x23e: {  	[sflag:s20] =	ssyncset.done $0x0  }
0x23f: {  	[sflag:s20] =	ssyncadd.s32 $0xFFFFFF80  }
0x240: {  	_ =	swait.ge [sflag:s20], $0x80  }
0x241: {  	[sflag:s20] =	ssyncset.done $0x0  }
0x242: {  	[sflag:s20] =	ssyncadd.s32 $0xFFFFFF80  }
0x243: {  	_ =	swait.ge [sflag:s20], $0x80  }
0x244: {  	[sflag:s20] =	ssyncset.done $0x0  }
0x245: {  	[sflag:s20] =	ssyncadd.s32 $0xFFFFFF80  }
0x246: {  	_ =	swait.ge [sflag:s20], $0x80  }
0x247: {  	[sflag:s20] =	ssyncset.done $0x0  }
0x248: {  	[sflag:s20] =	ssyncadd.s32 $0xFFFFFF80  }
0x249: {  	_ =	swait.ge [sflag:s20], $0x80  }
0x24a: {  	[sflag:s20] =	ssyncset.done $0x0  }
0x24b: {  	[sflag:s20] =	ssyncadd.s32 $0xFFFFFF80  }
0x24c: {  	_ =	swait.ge [sflag:s20], $0x80  }
0x24d: {  	[sflag:s20] =	ssyncset.done $0x0  }
0x24e: {  	[sflag:s20] =	ssyncadd.s32 $0xFFFFFF80  }
0x24f: {  	_ =	swait.ge [sflag:s20], $0x80  }
0x250: {  	[sflag:s20] =	ssyncset.done $0x0  }
0x251: {  	[sflag:s20] =	ssyncadd.s32 $0xFFFFFF80  }
0x252: {  	_ =	swait.ge [sflag:s20], $0x80  }
0x253: {  	[sflag:s20] =	ssyncset.done $0x0  }
0x254: {  	[sflag:s20] =	ssyncadd.s32 $0xFFFFFF80  }
0x255: {  	_ =	swait.ge [sflag:s20], $0x80  }
0x256: {  	[sflag:s20] =	ssyncset.done $0x0  }
0x257: {  	[sflag:s20] =	ssyncadd.s32 $0xFFFFFF80  }
0x258: {  	_ =	swait.ge [sflag:s20], $0x80  }
0x259: {  	[sflag:s20] =	ssyncset.done $0x0  }
0x25a: {  	[sflag:s20] =	ssyncadd.s32 $0xFFFFFF80  }
0x25b: {  	_ =	swait.ge [sflag:s20], $0x80  }
0x25c: {  	[sflag:s20] =	ssyncset.done $0x0  }
0x25d: {  	[sflag:s20] =	ssyncadd.s32 $0xFFFFFF80  }
0x25e: {  	_ =	swait.ge [sflag:s20], $0x80  }
0x25f: {  	[sflag:s20] =	ssyncset.done $0x0  }
0x260: {  	[sflag:s20] =	ssyncadd.s32 $0xFFFFFF80  }
0x261: {  	_ =	swait.ge [sflag:s20], $0x80  }
0x262: {  	[sflag:s20] =	ssyncset.done $0x0  }
0x263: {  	[sflag:s20] =	ssyncadd.s32 $0xFFFFFF80  }
0x264: {  	_ =	swait.ge [sflag:s20], $0x80  }
0x265: {  	[sflag:s20] =	ssyncset.done $0x0  }
0x266: {  	[sflag:s20] =	ssyncadd.s32 $0xFFFFFF80  }
0x267: {  	_ =	swait.ge [sflag:s20], $0x80  }
0x268: {  	[sflag:s20] =	ssyncset.done $0x0  }
0x269: {  	[sflag:s20] =	ssyncadd.s32 $0xFFFFFF80  }
0x26a: {  	_ =	swait.ge [sflag:s20], $0x80  }
0x26b: {  	[sflag:s20] =	ssyncset.done $0x0  }
0x26c: {  	[sflag:s20] =	ssyncadd.s32 $0xFFFFFF80  }
0x26d: {  	_ =	swait.ge [sflag:s20], $0x80  }
0x26e: {  	[sflag:s20] =	ssyncset.done $0x0  }
0x26f: {  	s5 =	sand.u32 $0xF0, s4;
	[sflag:s20] =	ssyncadd.s32 $0xFFFFFF80  }
0x270: {  	v8 =	vld [tilespmem:s5+$0x1900]  }
0x271: {  	v7 =	vld [tilespmem:s5+$0x1F00]  }
0x272: {  	v9 =	vld [tilespmem:s5+$0x1C00]  }
0x273: {  	v13 =	vld [tilespmem:s5+$0x1B00]  }
0x274: {  	v12 =	vld [tilespmem:s5+$0x1E00]  }
0x275: {  	v3 =	vld [tilespmem:s5+$0x100]  }
0x276: {  	v14 =	vld [tilespmem:s5+$0x1800]  }
0x277: {  	v6 =	vld [tilespmem:s5+$0x1D00]  }
0x278: {  	v11 =	vld [tilespmem:s5+$0x1A00]  }
0x279: {  	v4 =	vld [tilespmem:s5+$0x200]  }
0x27a: {  	v10 =	vld [tilespmem:s5+$0x2000];
	v15 =	vsub.f32 v7, v8;
	v16 =	vsub.f32 v9, v8  }
0x27b: {  	v5 =	vld [tilespmem:s4+$0x0];
	v17 =	vsub.f32 v3, v8;
	v18 =	vsub.f32 v3, v7  }
0x27c: {  	v19 =	vsub.f32 v3, v9;
	v20 =	vsub.f32 v13, v14  }
0x27d: {  	v21 =	vsub.f32 v12, v14;
	v25 =	vsub.f32 v6, v11  }
0x27e: {  	v26 =	vsub.f32 v4, v6;
	v27 =	vsub.f32 v4, v11  }
0x27f: {  	v28 =	vsub.f32 v4, v10;
	v22 =	vmul.f32 v16, v17;
	v23 =	vmul.f32 v19, v16  }
0x280: {  	v29 =	vsub.f32 v5, v14;
	v24 =	vmul.f32 v18, v15;
	v18 =	vmul.f32 v18, v16  }
0x281: {  	v31 =	vsub.f32 v10, v11;
	v19 =	vmul.f32 v15, v19;
	v17 =	vmul.f32 v15, v17  }
0x282: {  	v33 =	vsub.f32 v5, v13;
	v30 =	vmul.f32 v26, v25;
	v32 =	vmul.f32 v28, v25  }
0x283: {  	v36 =	vsub.f32 v5, v12;
	v34 =	vmul.f32 v21, v29;
	v35 =	vmul.f32 v25, v27  }
0x284: {  	v29 =	vmul.f32 v20, v29;
	v27 =	vmul.f32 v31, v27  }
0x285: {  	v37 =	vmul.f32 v21, v33;
	v63 =	vmul.f32 v36, v20  }
0x286: {  	v33 =	vmul.f32 v33, v20;
	v17 =	vadd.f32 v17, v34;
	v22 =	vadd.f32 v22, v29  }
0x287: {  	v19 =	vadd.f32 v19, v37;
	v37 =	vmul.f32 v36, v21;
	v18 =	vadd.f32 v18, v63  }
0x288: {  	v26 =	vmul.f32 v31, v26;
	v23 =	vadd.f32 v23, v33;
	v17 =	vadd.f32 v27, v17  }
0x289: {  	v38 =	vmul.f32 v28, v31;
	v24 =	vadd.f32 v24, v37;
	v18 =	vadd.f32 v32, v18  }
0x28a: {  	v22 =	vadd.f32 v35, v22;
	v19 =	vadd.f32 v26, v19  }
0x28b: {  	v23 =	vadd.f32 v30, v23;
	v24 =	vadd.f32 v38, v24;
	v39 =	vmul.f32 v17, v18  }
0x28c: {  	v40 =	vmul.f32 v19, v18;
	v43 =	vmul.f32 v19, v22  }
0x28d: {  	v30 =	vsub.f32 v22, v23;
	v41 =	vmul.f32 v24, v22;
	v42 =	vmul.f32 v24, v23  }
0x28e: {  	v44 =	vsub.f32 v19, v23;
	v46 =	vmul.f32 v17, v23;
	v45 =	vsub.f32 v18, v24  }
0x28f: {  	v26 =	vsub.f32 v39, v41;
	v27 =	vsub.f32 v42, v40  }
0x290: {  	v49 =	vsub.f32 v43, v46  }
0x291: {  	vm9 =	veq.f32 v30, $0.0e+00;
	v47 =	vadd.f32 v45, v44;
	v50 =	vadd.f32 v26, v27  }
0x292: {  	v51 =	vsub.f32 v17, v24;
	v48 =	vsel vm9, $0x3F800000, v30  }
0x293: {  	(erf) = vrcp.f32 v48;
	vm10 =	veq.f32 v47, $0.0e+00;
	v32 =	vadd.f32 v50, v49  }
0x294: {  	vm11 =	veq.f32 v51, $0.0e+00;
	v28 =	vsel vm10, $0x3F800000, v47  }
0x295: {  	v52 =	vsel vm11, $0x3F800000, v51;
	(erf) = vrcp.f32 v28;
	vm12 =	veq.f32 v32, $0.0e+00  }
0x296: {  	v53 =	vsub.f32 v7, v9;
	(erf) = vrcp.f32 v52;
	v32 =	vsel vm12, $0x3F800000, v32  }
0x297: {  	v54 =	vsub.f32 v12, v13;
	v55 =	vsub.f32 v10, v6;
	(erf) = vrcp.f32 v32  }
0x298: {  	vm4 =	vle.f32 v17, $0.0e+00;
	vm5 =	vge.f32 v23, $0.0e+00;
	vm8 =	vle.f32 v19, v23  }
0x299: {  	vm1 =	vge.f32 v19, v23;
	vm6 =	vle.f32 v22, $0.0e+00;
	vm3 =	vge.f32 v22, $0.0e+00  }
0x29a: {  	vm5 =	vmand vm5, vm8;
	vm4 =	vmand vm6, vm4;
	vm14 =	vle.f32 v24, v18  }
0x29b: {  	vm7 =	vge.f32 v24, $0.0e+00;
	vm11 =	vlt.f32 v18, v24;
	vm13 =	vle.f32 v27, $0.0e+00  }
0x29c: {  	vm9 =	vle.f32 v26, $0.0e+00;
	vm2 =	vmand vm7, vm11;
	vm0 =	vmand vm13, vm14;
	v56 =	vpop (erf)  }
0x29d: {  	vm13 =	vle.f32 v49, $0.0e+00;
	vm14 =	vle.f32 v23, $0.0e+00;
	v18 =	vmul.f32 v56, v22  }
0x29e: {  	vm10 =	vge.f32 v17, $0.0e+00;
	vm15 =	vmand vm13, vm14;
	vm0 =	vmand vm0, vm1;
	v58 =	vpop (erf)  }
0x29f: {  	vm3 =	vmand vm15, vm3;
	vm12 =	vle.f32 v24, $0.0e+00;
	v57 =	vmul.f32 v18, v20;
	v60 =	vpop (erf)  }
0x2a0: {  	vm9 =	vmand vm9, vm12;
	v59 =	vmul.f32 v18, v16;
	v22 =	vmul.f32 v58, v44;
	v32 =	vpop (erf)  }
0x2a1: {  	vm11 =	vmand vm9, vm10;
	v61 =	vmul.f32 v18, v25;
	v26 =	vmul.f32 v32, v26  }
0x2a2: {  	v19 =	vadd.f32 v57, v14;
	v17 =	vmul.f32 v60, v17;
	v28 =	vmul.f32 v22, v54  }
0x2a3: {  	v23 =	vadd.f32 v59, v8;
	v62 =	vmul.f32 v32, v49;
	v20 =	vmul.f32 v26, v20  }
0x2a4: {  	v27 =	vadd.f32 v61, v11;
	v29 =	vmul.f32 v22, v53;
	v34 =	vmul.f32 v22, v55  }
0x2a5: {  	v32 =	vmul.f32 v62, v21;
	v16 =	vmul.f32 v26, v16;
	v20 =	vadd.f32 v20, v14  }
0x2a6: {  	v63 =	vmul.f32 v17, v31;
	v28 =	vadd.f32 v28, v13;
	v25 =	vmul.f32 v26, v25  }
0x2a7: {  	v36 =	vmul.f32 v62, v15;
	v16 =	vadd.f32 v16, v8;
	v20 =	vadd.f32 v20, v32  }
0x2a8: {  	v29 =	vadd.f32 v29, v9;
	v37 =	vadd.f32 v63, v11;
	v31 =	vmul.f32 v62, v31  }
0x2a9: {  	v25 =	vadd.f32 v25, v11;
	v16 =	vadd.f32 v16, v36;
	v20 =	vsel vm4, v14, v20  }
0x2aa: {  	v21 =	vmul.f32 v17, v21;
	v15 =	vmul.f32 v17, v15;
	v13 =	vsel vm5, v13, v20  }
0x2ab: {  	v25 =	vadd.f32 v25, v31;
	v12 =	vsel vm2, v12, v13;
	v13 =	vsel vm4, v8, v16  }
0x2ac: {  	v14 =	vadd.f32 v21, v14;
	v8 =	vadd.f32 v15, v8;
	v9 =	vsel vm5, v9, v13  }
0x2ad: {  	v12 =	vsel vm3, v19, v12;
	v13 =	vsel vm4, v11, v25;
	v7 =	vsel vm2, v7, v9  }
0x2ae: {  	v12 =	vsel vm11, v14, v12;
	v38 =	vsel vm5, v6, v13;
	v7 =	vsel vm3, v23, v7  }
0x2af: {  	v6 =	vadd.f32 v34, v6;
	v10 =	vsel vm2, v10, v38;
	v7 =	vsel vm11, v8, v7  }
0x2b0: {  	v12 =	vsel vm0, v28, v12;
	v39 =	vsel vm3, v27, v10;
	v7 =	vsel vm0, v29, v7  }
0x2b1: {  	v40 =	vsub.f32 v12, v5;
	v8 =	vsel vm11, v37, v39;
	v41 =	vsub.f32 v7, v3  }
0x2b2: {  	v6 =	vsel vm0, v6, v8  }
0x2b3: {  	v10 =	vmul.f32 v40, v40;
	v8 =	vsub.f32 v6, v4;
	v9 =	vmul.f32 v41, v41;
	_ =	sdelay $0x1  }
0x2b4: {  	v8 =	vmul.f32 v8, v8;
	v9 =	vadd.f32 v9, v10;
	_ =	sdelay $0x1  }
0x2b5: {  	v8 =	vadd.f32 v9, v8;
	_ =	sdelay $0x1  }
0x2b6: {  	v9 =	vshra.s32 v8, $0x1;
	v42 =	vmul.f32 $5.000000000e-01, v8  }
0x2b7: {  	v9 =	vsub.s32 $0x5F3759DF, v9  }
0x2b8: {  	v43 =	vmul.f32 v9, v42;
	_ =	sdelay $0x1  }
0x2b9: {  	v11 =	vmul.f32 v9, v43;
	_ =	sdelay $0x1  }
0x2ba: {  	v11 =	vsub.f32 $1.500000000e+00, v11;
	_ =	sdelay $0x1  }
0x2bb: {  	v48 =	vsel vm2, $0x3F800000, v1;
	v50 =	vsel vm4, $0x3F800000, v1;
	v9 =	vmul.f32 v9, v11  }
0x2bc: {  	v45 =	vld [tilespmem:s5+$0x1500];
	v44 =	vsub.f32 $1.000000000e+00, v17;
	v15 =	vsub.f32 $1.000000000e+00, v26;
	v16 =	vsel vm5, $0x3F800000, v1  }
0x2bd: {  	v51 =	vld [tilespmem:s5+$0x2200];
	v16 =	vsel vm3, v18, v16;
	vm5 =	vmor vm4, vm5;
	v46 =	vmul.f32 v9, v42  }
0x2be: {  	v47 =	vld [tilespmem:s5+$0x1700];
	v13 =	vsub.f32 $1.000000000e+00, v18;
	v14 =	vsub.f32 $1.000000000e+00, v22;
	vm5 =	vmor vm2, vm5  }
0x2bf: {  	v49 =	vld [tilespmem:s5+$0x1600];
	v15 =	vsub.f32 v15, v62;
	vm5 =	vmor vm5, vm3;
	v20 =	vmul.f32 v46, v9  }
0x2c0: {  	v52 =	vld [tilespmem:s5+$0x2400];
	v5 =	vsub.f32 v5, v12;
	v53 =	vsel vm3, v13, v50;
	v21 =	vsel vm5, v48, v62  }
0x2c1: {  	v54 =	vld [tilespmem:s5+$0x2600];
	vm12 =	vmor vm11, vm5;
	v17 =	vsel vm11, v17, v21;
	v20 =	vsub.f32 $1.500000000e+00, v20  }
0x2c2: {  	v13 =	vld [tilespmem:s5+$0x2100];
	v16 =	vsel vm12, v16, v26;
	v5 =	vmul.f32 v5, v45;
	v3 =	vsub.f32 v3, v7  }
0x2c3: {  	v12 =	vld [tilespmem:s5+$0x2300];
	vm2 =	vmor vm0, vm12;
	v4 =	vsub.f32 v4, v6;
	v9 =	vmul.f32 v20, v9  }
0x2c4: {  	v6 =	vsel vm11, v44, v53;
	v55 =	vsel vm0, v14, v16;
	v3 =	vmul.f32 v3, v49  }
0x2c5: {  	v14 =	vld [tilespmem:s5+$0x2500];
	v6 =	vsel vm2, v6, v15;
	v7 =	vmul.f32 v55, v52;
	v10 =	vmul.f32 v9, v42  }
0x2c6: {  	v15 =	vsel vm0, v22, v17;
	v4 =	vmul.f32 v4, v47;
	v56 =	vmul.f32 v6, v51  }
0x2c7: {  	v57 =	vmul.f32 v6, v13;
	v3 =	vadd.f32 v3, v5;
	v10 =	vmul.f32 v10, v9  }
0x2c8: {  	v58 =	vmul.f32 v15, v54;
	v5 =	vadd.f32 v56, v7;
	v11 =	vmul.f32 v55, v12  }
0x2c9: {  	v3 =	vadd.f32 v3, v4;
	v59 =	vsub.f32 $1.500000000e+00, v10  }
0x2ca: {  	v60 =	vmul.f32 v15, v14;
	v5 =	vadd.f32 v5, v58;
	v4 =	vadd.f32 v57, v11  }
0x2cb: {  	vm13 =	vlt.f32 v3, $0.0e+00;
	vm14 =	vgt.f32 v3, $0.0e+00;
	v61 =	vmul.f32 v59, v9  }
0x2cc: {  	vm15 =	vle.f32 v8, $0.0e+00;
	vm0 =	vmor vm14, vm13;
	v4 =	vadd.f32 v4, v60  }
0x2cd: {  	v5 =	vmax.f32 v5, $0.0e+00;
	v12 =	vand.u32 $0x80000000, v3;
	v6 =	vmul.f32 v61, v8  }
0x2ce: {  	v5 =	vmin.f32 v5, $1.000000000e+00;
	v62 =	vor.u32 v12, v2;
	v4 =	vmax.f32 v4, $0.0e+00  }
0x2cf: {  	[tilespmem:s5+$0x2800] =	vst v5;
	v3 =	vsel vm0, v62, v3;
	v4 =	vmin.f32 v4, $1.000000000e+00;
	v63 =	vsel vm15, $0x0, v6  }
0x2d0: {  	s6 =	simm.s32 $0x10;
	[tilespmem:s5+$0x2700] =	vst v4;
	v15 =	vmul.f32 v63, v3  }
.LBB2_4:
0x2d1: {  	p0 =	sne.s32 s6, $0xF0  }
0x2d2: {  	s4 =	sadd.s32 $0x10, s4;
	s7 =	smov.u32 s6;
	s6 =	sadd.s32 $0x10, s6;
	v3 =	vmul.f32 $-1.000000000e+01, v15  }
0x2d3: {  	_ = 	snop  }
0x2d4: {  	v3 =	vmul.f32 $1.442695020e+00, v3;
	_ =	sdelay $0x1  }
0x2d5: {  	(erf) = vpow2.f32 v3;
	_ =	sdelay $0x4  }
0x2d6: {  	s7 =	sand.u32 $0xF0, s7  }
0x2d7: {  	v6 =	vld [tilespmem:s7+$0x1900]  }
0x2d8: {  	v5 =	vld [tilespmem:s7+$0x1F00]  }
0x2d9: {  	v7 =	vld [tilespmem:s7+$0x1C00]  }
0x2da: {  	v12 =	vld [tilespmem:s7+$0x1B00];
	v3 =	vpop (erf)  }
0x2db: {  	v10 =	vld [tilespmem:s7+$0x1E00];
	v4 =	vadd.f32 $1.000000000e+00, v3  }
0x2dc: {  	v3 =	vld [tilespmem:s7+$0x100]  }
0x2dd: {  	v14 =	vld [tilespmem:s7+$0x1800];
	v13 =	vsub.f32 v5, v6;
	(erf) = vrcp.f32 v4  }
0x2de: {  	v8 =	vld [tilespmem:s7+$0x1D00];
	v18 =	vsub.f32 v5, v7  }
0x2df: {  	v9 =	vld [tilespmem:s7+$0x1A00]  }
0x2e0: {  	v16 =	vsub.f32 v7, v6;
	v21 =	vsub.f32 v10, v12  }
0x2e1: {  	v4 =	vld [tilespmem:s7+$0x200];
	v22 =	vsub.f32 v3, v6;
	v23 =	vsub.f32 v3, v5  }
0x2e2: {  	v24 =	vsub.f32 v3, v7;
	v11 =	vld [tilespmem:s7+$0x2000];
	v19 =	vsub.f32 v12, v14  }
0x2e3: {  	v17 =	vsub.f32 v10, v14;
	v25 =	vmul.f32 v16, v22  }
0x2e4: {  	v26 =	vmul.f32 v24, v16;
	v27 =	vmul.f32 v23, v13  }
0x2e5: {  	v23 =	vmul.f32 v23, v16;
	v20 =	vsub.f32 v8, v9  }
0x2e6: {  	v24 =	vmul.f32 v13, v24;
	v28 =	vsub.f32 v4, v8;
	v29 =	vpop (erf)  }
0x2e7: {  	v31 =	vmul.f32 v13, v22;
	v30 =	vsub.f32 v4, v9;
	v22 =	vmax.f32 v29, $0.0e+00  }
0x2e8: {  	v29 =	vsub.f32 v4, v11;
	v22 =	vmin.f32 v22, $1.000000000e+00;
	[tilespmem:s5+$0x2A00] =	vst v15  }
0x2e9: {  	v32 =	vmul.f32 v28, v20;
	[tilespmem:s5+$0x2900] =	vst v22;
	s5 =	smov.u32 s7  }
0x2ea: {  	v22 =	vsub.f32 v11, v9;
	v15 =	vld [tilespmem:s4+$0x0]  }
0x2eb: {  	v33 =	vmul.f32 v29, v20  }
0x2ec: {  	v34 =	vmul.f32 v20, v30;
	v29 =	vmul.f32 v29, v22  }
0x2ed: {  	v28 =	vmul.f32 v22, v28  }
0x2ee: {  	v30 =	vmul.f32 v22, v30  }
0x2ef: {  	v35 =	vsub.f32 v15, v14;
	v36 =	vsub.f32 v15, v12  }
0x2f0: {  	v37 =	vsub.f32 v15, v10  }
0x2f1: {  	v38 =	vmul.f32 v17, v35;
	v39 =	vmul.f32 v17, v36  }
0x2f2: {  	v35 =	vmul.f32 v19, v35;
	v36 =	vmul.f32 v36, v19  }
0x2f3: {  	v31 =	vadd.f32 v31, v38;
	v24 =	vadd.f32 v24, v39;
	v38 =	vmul.f32 v37, v19  }
0x2f4: {  	v25 =	vadd.f32 v25, v35;
	v35 =	vmul.f32 v37, v17  }
0x2f5: {  	v30 =	vadd.f32 v30, v31;
	v23 =	vadd.f32 v23, v38  }
0x2f6: {  	v25 =	vadd.f32 v34, v25;
	v24 =	vadd.f32 v28, v24  }
0x2f7: {  	v26 =	vadd.f32 v26, v36;
	v27 =	vadd.f32 v27, v35  }
0x2f8: {  	v23 =	vadd.f32 v33, v23;
	v28 =	vmul.f32 v24, v25  }
0x2f9: {  	v26 =	vadd.f32 v32, v26;
	v27 =	vadd.f32 v29, v27  }
0x2fa: {  	v29 =	vmul.f32 v30, v23;
	v31 =	vmul.f32 v24, v23  }
0x2fb: {  	v34 =	vsub.f32 v25, v26;
	v32 =	vmul.f32 v27, v25;
	v33 =	vmul.f32 v27, v26  }
0x2fc: {  	v35 =	vmul.f32 v30, v26;
	v36 =	vsub.f32 v24, v26;
	v37 =	vsub.f32 v23, v27  }
0x2fd: {  	vm0 =	veq.f32 v34, $0.0e+00;
	v29 =	vsub.f32 v29, v32;
	v31 =	vsub.f32 v33, v31  }
0x2fe: {  	v32 =	vsel vm0, $0x3F800000, v34;
	v33 =	vadd.f32 v37, v36;
	v34 =	vsub.f32 v11, v8  }
0x2ff: {  	v28 =	vsub.f32 v28, v35;
	v35 =	vadd.f32 v29, v31;
	(erf) = vrcp.f32 v32  }
0x300: {  	vm3 =	vle.f32 v30, $0.0e+00;
	vm0 =	veq.f32 v33, $0.0e+00;
	v32 =	vsub.f32 v30, v27  }
0x301: {  	vm1 =	vle.f32 v31, $0.0e+00;
	v31 =	vsel vm0, $0x3F800000, v33;
	v33 =	vadd.f32 v35, v28  }
0x302: {  	vm5 =	vge.f32 v26, $0.0e+00;
	vm0 =	veq.f32 v32, $0.0e+00;
	(erf) = vrcp.f32 v31  }
0x303: {  	vm7 =	vle.f32 v24, v26;
	v31 =	vsel vm0, $0x3F800000, v32;
	vm0 =	veq.f32 v33, $0.0e+00  }
0x304: {  	vm9 =	vge.f32 v24, v26;
	v24 =	vsel vm0, $0x3F800000, v33;
	(erf) = vrcp.f32 v31  }
0x305: {  	vm10 =	vge.f32 v30, $0.0e+00;
	vm0 =	vle.f32 v29, $0.0e+00;
	(erf) = vrcp.f32 v24  }
0x306: {  	vm6 =	vle.f32 v25, $0.0e+00;
	vm4 =	vge.f32 v25, $0.0e+00;
	vm2 =	vle.f32 v27, v23  }
0x307: {  	vm8 =	vge.f32 v27, $0.0e+00;
	vm11 =	vlt.f32 v23, v27;
	vm1 =	vmand vm1, vm2  }
0x308: {  	vm12 =	vle.f32 v27, $0.0e+00;
	v23 =	vpop (erf)  }
0x309: {  	vm14 =	vle.f32 v26, $0.0e+00;
	vm13 =	vle.f32 v28, $0.0e+00;
	v23 =	vmul.f32 v23, v25  }
0x30a: {  	vm2 =	vmand vm8, vm11;
	vm8 =	vmand vm13, vm14;
	vm0 =	vmand vm0, vm12  }
0x30b: {  	v24 =	vmul.f32 v23, v19;
	v25 =	vmul.f32 v23, v16;
	v26 =	vsub.f32 $1.000000000e+00, v23;
	v27 =	vpop (erf)  }
0x30c: {  	vm1 =	vmand vm1, vm9;
	v31 =	vmul.f32 v23, v20;
	v27 =	vmul.f32 v27, v36  }
0x30d: {  	vm0 =	vmand vm0, vm10;
	v24 =	vadd.f32 v24, v14;
	v25 =	vadd.f32 v25, v6;
	v32 =	vpop (erf)  }
0x30e: {  	v31 =	vadd.f32 v31, v9;
	v21 =	vmul.f32 v27, v21;
	v33 =	vsub.f32 $1.000000000e+00, v27;
	v35 =	vpop (erf)  }
0x30f: {  	vm5 =	vmand vm5, vm7;
	v30 =	vmul.f32 v32, v30;
	v29 =	vmul.f32 v35, v29  }
0x310: {  	v18 =	vmul.f32 v27, v18;
	v28 =	vmul.f32 v35, v28;
	v21 =	vadd.f32 v21, v12  }
0x311: {  	v32 =	vmul.f32 v30, v22;
	v35 =	vsub.f32 $1.000000000e+00, v30;
	v19 =	vmul.f32 v29, v19  }
0x312: {  	vm6 =	vmand vm6, vm3;
	v36 =	vmul.f32 v28, v17;
	v20 =	vmul.f32 v29, v20  }
0x313: {  	v18 =	vadd.f32 v18, v7;
	v37 =	vmul.f32 v28, v13;
	v19 =	vadd.f32 v19, v14  }
0x314: {  	v34 =	vmul.f32 v27, v34;
	v22 =	vmul.f32 v28, v22;
	v20 =	vadd.f32 v20, v9  }
0x315: {  	vm3 =	vmand vm8, vm4;
	v19 =	vadd.f32 v19, v36;
	v36 =	vsel vm5, $0x3F800000, v1  }
0x316: {  	v17 =	vmul.f32 v30, v17;
	v16 =	vmul.f32 v29, v16;
	v20 =	vadd.f32 v20, v22  }
0x317: {  	v22 =	vsel vm3, v23, v36;
	v23 =	vsub.f32 $1.000000000e+00, v29;
	v19 =	vsel vm6, v14, v19;
	v36 =	vld [tilespmem:s5+$0x1500]  }
0x318: {  	v16 =	vadd.f32 v16, v6;
	v14 =	vadd.f32 v17, v14;
	v12 =	vsel vm5, v12, v19  }
0x319: {  	v13 =	vmul.f32 v30, v13;
	v10 =	vsel vm2, v10, v12;
	v12 =	vsub.f32 v23, v28;
	v17 =	vld [tilespmem:s5+$0x1700]  }
0x31a: {  	vm4 =	vmor vm6, vm5;
	v16 =	vadd.f32 v16, v37;
	v10 =	vsel vm3, v24, v10  }
0x31b: {  	v13 =	vadd.f32 v13, v6;
	v10 =	vsel vm0, v14, v10;
	v14 =	vsel vm6, $0x3F800000, v1  }
0x31c: {  	v6 =	vsel vm6, v6, v16;
	v19 =	vadd.f32 v32, v9;
	v9 =	vsel vm6, v9, v20  }
0x31d: {  	v6 =	vsel vm5, v7, v6;
	v7 =	vsel vm5, v8, v9;
	v10 =	vsel vm1, v21, v10  }
0x31e: {  	v5 =	vsel vm2, v5, v6;
	v6 =	vsel vm2, v11, v7;
	v7 =	vsub.f32 v10, v15  }
0x31f: {  	v8 =	vadd.f32 v34, v8;
	v5 =	vsel vm3, v25, v5;
	v6 =	vsel vm3, v31, v6  }
0x320: {  	vm4 =	vmor vm2, vm4;
	v5 =	vsel vm0, v13, v5;
	v6 =	vsel vm0, v19, v6  }
0x321: {  	vm4 =	vmor vm4, vm3;
	v5 =	vsel vm1, v18, v5;
	v9 =	vsub.f32 v15, v10  }
0x322: {  	v6 =	vsel vm1, v8, v6;
	v8 =	vsel vm2, $0x3F800000, v1;
	v10 =	vsub.f32 v5, v3;
	v11 =	vld [tilespmem:s5+$0x2300]  }
0x323: {  	vm2 =	vmor vm0, vm4;
	v8 =	vsel vm4, v8, v28;
	v13 =	vsub.f32 v6, v4;
	v15 =	vld [tilespmem:s5+$0x1600]  }
0x324: {  	v8 =	vsel vm0, v30, v8;
	v7 =	vmul.f32 v7, v7;
	v10 =	vmul.f32 v10, v10  }
0x325: {  	v16 =	vsel vm2, v22, v29;
	v4 =	vsub.f32 v4, v6;
	v9 =	vmul.f32 v9, v36  }
0x326: {  	v3 =	vsub.f32 v3, v5;
	v6 =	vadd.f32 v10, v7;
	v7 =	vmul.f32 v13, v13  }
0x327: {  	v5 =	vsel vm1, v33, v16;
	v8 =	vsel vm1, v27, v8;
	v4 =	vmul.f32 v4, v17;
	v10 =	vld [tilespmem:s5+$0x2600]  }
0x328: {  	v6 =	vadd.f32 v6, v7;
	v11 =	vmul.f32 v5, v11;
	v3 =	vmul.f32 v3, v15;
	v7 =	vld [tilespmem:s5+$0x2500]  }
0x329: {  	vm1 =	vmor vm1, vm2;
	v13 =	vsel vm3, v26, v14;
	v14 =	vld [tilespmem:s5+$0x2400]  }
0x32a: {  	v16 =	vmul.f32 $5.000000000e-01, v6;
	v15 =	vshra.s32 v6, $0x1;
	v3 =	vadd.f32 v3, v9;
	v9 =	vld [tilespmem:s5+$0x2200]  }
0x32b: {  	v13 =	vsel vm0, v35, v13;
	v15 =	vsub.s32 $0x5F3759DF, v15  }
0x32c: {  	v12 =	vsel vm1, v13, v12;
	v13 =	vmul.f32 v15, v16;
	v3 =	vadd.f32 v3, v4;
	v4 =	vld [tilespmem:s5+$0x2100]  }
0x32d: {  	v7 =	vmul.f32 v8, v7;
	v8 =	vmul.f32 v8, v10  }
0x32e: {  	v10 =	vmul.f32 v15, v13;
	v13 =	vand.u32 $0x80000000, v3;
	vm0 =	vlt.f32 v3, $0.0e+00  }
0x32f: {  	vm1 =	vgt.f32 v3, $0.0e+00;
	v5 =	vmul.f32 v5, v14;
	v9 =	vmul.f32 v12, v9  }
0x330: {  	v10 =	vsub.f32 $1.500000000e+00, v10;
	v13 =	vor.u32 v13, v2;
	vm0 =	vmor vm1, vm0  }
0x331: {  	v3 =	vsel vm0, v13, v3;
	v4 =	vmul.f32 v12, v4;
	v5 =	vadd.f32 v9, v5  }
0x332: {  	v9 =	vmul.f32 v15, v10  }
0x333: {  	v4 =	vadd.f32 v4, v11;
	v5 =	vadd.f32 v5, v8  }
0x334: {  	v8 =	vmul.f32 v9, v16  }
0x335: {  	v4 =	vadd.f32 v4, v7;
	v5 =	vmax.f32 v5, $0.0e+00  }
0x336: {  	v7 =	vmul.f32 v8, v9;
	v5 =	vmin.f32 v5, $1.000000000e+00  }
0x337: {  	v4 =	vmax.f32 v4, $0.0e+00;
	[tilespmem:s5+$0x2800] =	vst v5  }
0x338: {  	v5 =	vsub.f32 $1.500000000e+00, v7;
	v4 =	vmin.f32 v4, $1.000000000e+00  }
0x339: {  	[tilespmem:s5+$0x2700] =	vst v4  }
0x33a: {  	v4 =	vmul.f32 v5, v9;
	_ =	sdelay $0x1  }
0x33b: {  	v5 =	vmul.f32 v4, v16;
	_ =	sdelay $0x1  }
0x33c: {  	v5 =	vmul.f32 v5, v4;
	_ =	sdelay $0x1  }
0x33d: {  	v5 =	vsub.f32 $1.500000000e+00, v5;
	_ =	sdelay $0x1  }
0x33e: {  	v4 =	vmul.f32 v5, v4  }
.Ltmp1:
0x33f: {  	(pc) =	sbr.rel @p0 .LBB2_4-.Ltmp1, $4  }
0x340: {  	v4 =	vmul.f32 v4, v6  }
0x341: {  	vm0 =	vle.f32 v6, $0.0e+00  }
0x342: {  	v4 =	vsel vm0, $0x0, v4  }
0x343: {  	v15 =	vmul.f32 v4, v3  }
0x344: {  	_ = 	snop  }
0x345: {  	v3 =	vmul.f32 $-1.000000000e+01, v15;
	_ =	sdelay $0x1  }
0x346: {  	v3 =	vmul.f32 $1.442695020e+00, v3;
	_ =	sdelay $0x1  }
0x347: {  	(erf) = vpow2.f32 v3;
	_ =	sdelay $0x8  }
0x348: {  	v3 =	vpop (erf)  }
0x349: {  	v3 =	vadd.f32 $1.000000000e+00, v3;
	_ =	sdelay $0x1  }
0x34a: {  	(erf) = vrcp.f32 v3;
	_ =	sdelay $0x8  }
0x34b: {  	v3 =	vpop (erf)  }
0x34c: {  	v3 =	vmax.f32 v3, $0.0e+00  }
0x34d: {  	[tilespmem:s5+$0x2A00] =	vst v15;
	v3 =	vmin.f32 v3, $1.000000000e+00  }
0x34e: {  	s4 =	rddreg [dreg:$0x11];
	s0 =	simm.s32 $0x2700;
	[tilespmem:s5+$0x2900] =	vst v3  }
0x34f: {  	[hbm4b:s4+s3] =	stream.linear.scatter [tilespmem:s0], [sflag:$0x2], $0x100, $0x38;
	[tilespmem:$0x3A00] =	vst v63  }
0x350: {  	_ =	swait.ge [sflag:s19], $0x100  }
0x351: {  	[sflag:s19] =	ssyncset.done $0x0  }
0x352: {  	s22 =	simm.s32 $0x2800;
	s15 =	rddreg [dreg:$0x13];
	[sflag:s19] =	ssyncadd.s32 $0xFFFFFF00  }
0x353: {  	[hbm4b:s15+s3] =	stream.linear.scatter [tilespmem:s22], [sflag:$0x2], $0x100, $0x38;
	[tilespmem:$0x3A00] =	vst v63  }
0x354: {  	_ =	swait.ge [sflag:s19], $0x100  }
0x355: {  	[sflag:s19] =	ssyncset.done $0x0  }
0x356: {  	s24 =	simm.s32 $0x2900;
	s23 =	rddreg [dreg:$0x14];
	[sflag:s19] =	ssyncadd.s32 $0xFFFFFF00  }
0x357: {  	[hbm4b:s23+s3] =	stream.linear.scatter [tilespmem:s24], [sflag:$0x2], $0x100, $0x38;
	[tilespmem:$0x3A00] =	vst v63  }
0x358: {  	_ =	swait.ge [sflag:s19], $0x100  }
0x359: {  	[sflag:s19] =	ssyncset.done $0x0  }
0x35a: {  	s30 =	simm.s32 $0x2A00;
	s28 =	rddreg [dreg:$0x12];
	[sflag:s19] =	ssyncadd.s32 $0xFFFFFF00  }
0x35b: {  	[hbm4b:s28+s3] =	stream.linear.scatter [tilespmem:s30], [sflag:$0x2], $0x100, $0x38;
	[tilespmem:$0x3A00] =	vst v63  }
0x35c: {  	_ =	swait.ge [sflag:s19], $0x100  }
0x35d: {  	s25 =	sadd.s32 $0x1, s25;
	s31 =	rddreg [dreg:$0x15]  }
0x35e: {  	p0 =	sne.s32 s25, s31  }
.Ltmp2:
0x35f: {  	_ = 	snop;
	(pc) =	sbr.rel @p0 .LBB2_1-.Ltmp2, $3  }
0x360: {  	_ =	sdelay $0x1  }
0x361: {  	[sflag:s19] =	ssyncset.done $0x0  }
0x362: {  	[sflag:s19] =	ssyncadd.s32 $0xFFFFFF00  }
0x363: {  	_ =	sfence.sel $0x180000  }
0x364: {  	[bflag:$0x0] =	sbarrier.arrive $0xFFFF  }
0x365: {  	_ =	strace $0x90000047  }
0x366: {  	s0 =	stileid.u32;
	[bflag:$0x2] =	sbarrier.arrive $0xFFFF  }
0x367: {  	p0 =	sne.s32 s0, $0x0;
	s0 =	rddreg [dreg:$0x3]  }
0x368: {  	s0 =	sadd.s32 @!p0 $0x100000, s0  }
0x369: {  	[sflag:s0] =	ssyncadd.tile.s32 @!p0 $0x1;
	_ =	shalt  }
.Lfunc_end2:
_tile_overlayer_lowered:
.L_overlay_start_2:
0x36a: {  	(tag) =	ssettag $0x2  }
0x36b: {  	s0 =	rddreg [dreg:$0x0];
	s2 =	stileid.u32  }
0x36c: {  	s1 =	rddreg [dreg:$0x1];
	p0 =	sne.s32 s2, $0x0  }
0x36d: {  	s3 =	rddreg [dreg:$0x2];
	[bflag:$0x3] =	sbarrier.arrive $0xFFFF;
	s2 =	simm.s32 @!p0 $0x1C02  }
0x36e: {  	[timem:s3], [sflag:s2] =	dma.local @!p0 [hbm:s0], s1  }
0x36f: {  	s0 =	simm.s32 @!p0 $0x2  }
0x370: {  	_ =	swait.ge @!p0 [sflag:s0], s1  }
0x371: {  	s1 =	ssub.s32 @!p0 $0x0, s1;
	[sflag:s0] =	ssyncset.done @!p0 $0x0  }
0x372: {  	[sflag:s0] =	ssyncadd.s32 @!p0 s1  }
0x373: {  	[bflag:$0x3] =	sbarrier.arrive $0xFFFF  }
0x374: {  	_ =	shalt  }

</sc_bundles>
